<compile_context>
chip_gen: v7x
topology: tpu7x:2x2x1
jax: 0.10.2.dev20260603
libtpu: 0.0.44.dev20260713+nightly
codegen_flags: <defaults>
</compile_context>

<pallas_src>
import jax
import jax.numpy as jnp
from jax import lax
from jax.experimental import pallas as pl
from jax.experimental.pallas import tpu as pltpu
from jax.experimental.pallas import tpu_sc as plsc

N = 10000
E = 160000
D_IN = 256
D_HID = 128
D_OUT = 256

NC = 2
NS = 16
NW = NC * NS
E_PER = E // NW
CH = 100
ITERS = E_PER // CH
N_PAD = 10240
ROWS_PER_TILE = N_PAD // NS
CP = 40
NCP = ROWS_PER_TILE // CP
DP = 128
NDP = ROWS_PER_TILE // DP


def _sc_segsum():
    out_type = [jax.ShapeDtypeStruct((N_PAD, D_HID), jnp.float32),
                jax.ShapeDtypeStruct((N_PAD, D_HID), jnp.float32)]

    scratch = [
        pltpu.VMEM_SHARED((N_PAD, D_HID), jnp.float32),
        pltpu.VMEM((CP, D_HID), jnp.float32),
        pltpu.VMEM((CP, D_HID), jnp.float32),
        pltpu.VMEM((CH, D_HID), jnp.float32),
        pltpu.VMEM((CH, D_HID), jnp.float32),
        pltpu.VMEM((ITERS, CH), jnp.int32),
        pltpu.VMEM((ITERS, CH), jnp.int32),
        pltpu.SemaphoreType.DMA,
        pltpu.SemaphoreType.DMA,
        pltpu.SemaphoreType.DMA,
    ]

    mesh = plsc.VectorSubcoreMesh(core_axis_name="c", subcore_axis_name="s",
                                  num_cores=NC, num_subcores=NS)

    def body(tab, eidx, zrows, acc0, acc1, acc_sh, vbuf0, vbuf1,
             rows0, rows1, sbuf, dstbuf, gsem, ssem, osem):
        cid = lax.axis_index("c")
        sid = lax.axis_index("s")
        wid = cid * NS + sid
        rows = (rows0, rows1)
        vbufs = (vbuf0, vbuf1)
        row0 = sid * ROWS_PER_TILE

        ih1 = pltpu.async_copy(eidx.at[0, wid], sbuf, osem)
        ih2 = pltpu.async_copy(eidx.at[1, wid], dstbuf, osem)

        pltpu.sync_copy(zrows, vbuf0)
        zh = [pltpu.async_copy(vbuf0, acc_sh.at[pl.ds(row0 + k * CP, CP)],
                               gsem)
              for k in range(NCP)]
        for h in zh:
            h.wait()
        ih1.wait()
        ih2.wait()
        plsc.subcore_barrier()

        def gather_start(i, b):
            pltpu.async_copy(tab.at[sbuf.at[i]], rows[b], gsem)

        def gather_wait(i, b):
            pltpu.make_async_copy(tab.at[sbuf.at[i]], rows[b], gsem).wait()

        def process(i, b):
            gather_wait(i, b)

            @pl.when(i >= 1)
            def _():
                pltpu.make_async_copy(rows[1 - b],
                                      acc_sh.at[dstbuf.at[i - 1]],
                                      ssem).wait()

            @pl.when(i < ITERS - 1)
            def _():
                gather_start(i + 1, 1 - b)

            pltpu.make_async_copy(rows[b], acc_sh.at[dstbuf.at[i]],
                                  ssem).start(add=True)

        gather_start(0, 0)

        def body2(k, _):
            process(2 * k, 0)
            process(2 * k + 1, 1)
            return 0

        lax.fori_loop(0, ITERS // 2, body2, 0)
        for i in range(ITERS - ITERS % 2, ITERS):
            process(i, i % 2)
        pltpu.make_async_copy(rows[(ITERS - 1) % 2],
                              acc_sh.at[dstbuf.at[ITERS - 1]], ssem).wait()
        plsc.subcore_barrier()

        def out_desc(k, p):
            return pltpu.make_async_copy(
                vbufs[p], acc0.at[pl.ds(row0 + k * CP, CP)], osem)

        for k in range(NCP):
            p = k % 2
            if k >= 2:
                out_desc(k - 2, p).wait()
            pltpu.sync_copy(acc_sh.at[pl.ds(row0 + k * CP, CP)], vbufs[p])

            @pl.when(cid == 0)
            def _():
                pltpu.make_async_copy(
                    vbufs[p], acc0.at[pl.ds(row0 + k * CP, CP)],
                    osem).start()

            @pl.when(cid == 1)
            def _():
                pltpu.make_async_copy(
                    vbufs[p], acc1.at[pl.ds(row0 + k * CP, CP)],
                    osem).start()
        for k in (NCP - 2, NCP - 1):
            out_desc(k, k % 2).wait()

    return pl.kernel(body, out_type=out_type, mesh=mesh,
                     scratch_types=scratch,
                     compiler_params=pltpu.CompilerParams(
                         use_tc_tiling_on_sc=False),
                     name="sc_segsum")


def _sc_deg():
    out_type = [jax.ShapeDtypeStruct((N_PAD, 16), jnp.float32),
                jax.ShapeDtypeStruct((N_PAD, 16), jnp.float32)]
    scratch = [
        pltpu.VMEM_SHARED((N_PAD, 16), jnp.float32),
        pltpu.VMEM((ITERS, CH), jnp.int32),
        pltpu.VMEM((CH, 16), jnp.float32),
        pltpu.VMEM((DP, 16), jnp.float32),
        pltpu.SemaphoreType.DMA,
        pltpu.SemaphoreType.DMA,
    ]
    mesh = plsc.VectorSubcoreMesh(core_axis_name="c", subcore_axis_name="s",
                                  num_cores=NC, num_subcores=NS)

    def body(eidx, zdeg, ones, deg0, deg1, deg_sh, dstbuf, ones_v, dbuf,
             gsem, dsem):
        cid = lax.axis_index("c")
        sid = lax.axis_index("s")
        wid = cid * NS + sid
        row0 = sid * ROWS_PER_TILE

        ih = pltpu.async_copy(eidx.at[1, wid], dstbuf, gsem)
        pltpu.sync_copy(zdeg, dbuf)
        zh = [pltpu.async_copy(dbuf, deg_sh.at[pl.ds(row0 + k * DP, DP)],
                               dsem)
              for k in range(NDP)]
        pltpu.sync_copy(ones, ones_v)
        for h in zh:
            h.wait()
        ih.wait()
        plsc.subcore_barrier()

        def d_desc(i):
            return pltpu.make_async_copy(ones_v, deg_sh.at[dstbuf.at[i]],
                                         dsem)

        def step(i, _):
            d_desc(i).start(add=True)

            @pl.when(i >= 4)
            def _():
                d_desc(i - 4).wait()
            return 0

        lax.fori_loop(0, ITERS, step, 0)
        for i in range(ITERS - 4, ITERS):
            d_desc(i).wait()
        plsc.subcore_barrier()

        for k in range(NDP):
            r0 = row0 + k * DP
            pltpu.sync_copy(deg_sh.at[pl.ds(r0, DP)], dbuf)

            @pl.when(cid == 0)
            def _():
                pltpu.sync_copy(dbuf, deg0.at[pl.ds(r0, DP)])

            @pl.when(cid == 1)
            def _():
                pltpu.sync_copy(dbuf, deg1.at[pl.ds(r0, DP)])

    return pl.kernel(body, out_type=out_type, mesh=mesh,
                     scratch_types=scratch,
                     compiler_params=pltpu.CompilerParams(
                         use_tc_tiling_on_sc=False),
                     name="sc_deg")


_sc_segsum_k = _sc_segsum()
_sc_deg_k = _sc_deg()


BR = 400
GRID = N // BR


def _k1_body(x_ref, ws_ref, wn_ref, s_ref, p_ref):
    xb = x_ref[...]
    s_ref[...] = jnp.dot(xb, ws_ref[...], preferred_element_type=jnp.float32)
    p_ref[...] = jnp.dot(xb, wn_ref[...], preferred_element_type=jnp.float32)


def _tc_project(x, w_self, w_neigh):
    return pl.pallas_call(
        _k1_body,
        grid=(GRID,),
        in_specs=[
            pl.BlockSpec((BR, D_IN), lambda i: (i, 0)),
            pl.BlockSpec((D_IN, D_HID), lambda i: (0, 0)),
            pl.BlockSpec((D_IN, D_HID), lambda i: (0, 0)),
        ],
        out_specs=[
            pl.BlockSpec((BR, D_HID), lambda i: (i, 0)),
            pl.BlockSpec((BR, D_HID), lambda i: (i, 0)),
        ],
        out_shape=[
            jax.ShapeDtypeStruct((N, D_HID), jnp.float32),
            jax.ShapeDtypeStruct((N, D_HID), jnp.float32),
        ],
    )(x, w_self, w_neigh)


def _k2_body(s_ref, a0_ref, a1_ref, d0_ref, d1_ref, b_ref, h_ref):
    deg = d0_ref[...][:, :1] + d1_ref[...][:, :1]
    inv = 1.0 / jnp.maximum(deg, 1.0)
    mean = (a0_ref[...] + a1_ref[...]) * inv
    h_ref[...] = jnp.maximum(s_ref[...] + mean + b_ref[...], 0.0)


def _tc_combine(s1, a0, a1, d0, d1, b1):
    return pl.pallas_call(
        _k2_body,
        grid=(GRID,),
        in_specs=[
            pl.BlockSpec((BR, D_HID), lambda i: (i, 0)),
            pl.BlockSpec((BR, D_HID), lambda i: (i, 0)),
            pl.BlockSpec((BR, D_HID), lambda i: (i, 0)),
            pl.BlockSpec((BR, 16), lambda i: (i, 0)),
            pl.BlockSpec((BR, 16), lambda i: (i, 0)),
            pl.BlockSpec((1, D_HID), lambda i: (0, 0)),
        ],
        out_specs=pl.BlockSpec((BR, D_HID), lambda i: (i, 0)),
        out_shape=jax.ShapeDtypeStruct((N, D_HID), jnp.float32),
    )(s1, a0, a1, d0, d1, b1)


def _k3_body(h_ref, a0_ref, a1_ref, d0_ref, d1_ref, ws_ref, wn_ref, b_ref,
             o_ref):
    deg = d0_ref[...][:, :1] + d1_ref[...][:, :1]
    inv = 1.0 / jnp.maximum(deg, 1.0)
    mean = (a0_ref[...] + a1_ref[...]) * inv
    o_ref[...] = (
        jnp.dot(h_ref[...], ws_ref[...], preferred_element_type=jnp.float32)
        + jnp.dot(mean, wn_ref[...], preferred_element_type=jnp.float32)
        + b_ref[...]
    )


def _tc_final(h, a0, a1, d0, d1, w_self, w_neigh, b2):
    return pl.pallas_call(
        _k3_body,
        grid=(GRID,),
        in_specs=[
            pl.BlockSpec((BR, D_HID), lambda i: (i, 0)),
            pl.BlockSpec((BR, D_HID), lambda i: (i, 0)),
            pl.BlockSpec((BR, D_HID), lambda i: (i, 0)),
            pl.BlockSpec((BR, 16), lambda i: (i, 0)),
            pl.BlockSpec((BR, 16), lambda i: (i, 0)),
            pl.BlockSpec((D_HID, D_OUT), lambda i: (0, 0)),
            pl.BlockSpec((D_HID, D_OUT), lambda i: (0, 0)),
            pl.BlockSpec((1, D_OUT), lambda i: (0, 0)),
        ],
        out_specs=pl.BlockSpec((BR, D_OUT), lambda i: (i, 0)),
        out_shape=jax.ShapeDtypeStruct((N, D_OUT), jnp.float32),
    )(h, a0, a1, d0, d1, w_self, w_neigh, b2)


@jax.jit
def kernel(x, edge_index, W1_self, W1_neigh, b1, W2_self, W2_neigh, b2):
    eidx = edge_index.reshape(2, NW, ITERS, CH)
    zrows = jnp.zeros((CP, D_HID), jnp.float32)
    zdeg = jnp.zeros((DP, 16), jnp.float32)
    ones = jnp.ones((CH, 16), jnp.float32)

    s1, p1 = _tc_project(x, W1_self, W1_neigh)
    d0, d1 = _sc_deg_k(eidx, zdeg, ones)
    a0, a1 = _sc_segsum_k(p1, eidx, zrows)
    h = _tc_combine(s1, a0, a1, d0, d1, b1.reshape(1, D_HID))
    ah0, ah1 = _sc_segsum_k(h, eidx, zrows)
    out = _tc_final(h, ah0, ah1, d0, d1, W2_self, W2_neigh,
                    b2.reshape(1, D_OUT))
    return out

# --- scband reference (transcript-rebuilt; emitter-appended) ---
"""Pipeline reference for scband-graph-encoder-76020921139986 (READ-ONLY COPY).

The authoritative reference and input builder live on the scoring server;
editing this copy changes nothing except your own understanding.
"""

import jax, jax.numpy as jnp
import numpy as np

N = 10000
E = 160000
D_IN = 256
D_HID = 128
D_OUT = 256


def _sage_conv(x, src, dst, W_self, W_neigh, b, num_nodes):
    # gather source-node features along edges
    msgs = jnp.take(x, src, axis=0)
    # scatter-add into destination nodes (mean aggregation)
    agg = jax.ops.segment_sum(msgs, dst, num_segments=num_nodes)
    deg = jax.ops.segment_sum(jnp.ones((src.shape[0],), dtype=jnp.float32), dst, num_segments=num_nodes)
    mean = agg / jnp.maximum(deg, 1.0)[:, None]
    return x @ W_self + mean @ W_neigh + b


def setup_inputs(seed: int = 0) -> dict:
    key = jax.random.key(seed)
    ks = jax.random.split(key, 8)
    x = jax.random.normal(ks[0], (N, D_IN), dtype=jnp.float32)
    edge_index = jax.random.randint(ks[1], (2, E), 0, N, dtype=jnp.int32)
    W1_self = jax.random.normal(ks[2], (D_IN, D_HID), dtype=jnp.float32) * (1.0 / np.sqrt(D_IN))
    W1_neigh = jax.random.normal(ks[3], (D_IN, D_HID), dtype=jnp.float32) * (1.0 / np.sqrt(D_IN))
    b1 = jnp.zeros((D_HID,), dtype=jnp.float32)
    W2_self = jax.random.normal(ks[4], (D_HID, D_OUT), dtype=jnp.float32) * (1.0 / np.sqrt(D_HID))
    W2_neigh = jax.random.normal(ks[5], (D_HID, D_OUT), dtype=jnp.float32) * (1.0 / np.sqrt(D_HID))
    b2 = jnp.zeros((D_OUT,), dtype=jnp.float32)
    return {
        "x": x,
        "edge_index": edge_index,
        "W1_self": W1_self,
        "W1_neigh": W1_neigh,
        "b1": b1,
        "W2_self": W2_self,
        "W2_neigh": W2_neigh,
        "b2": b2,
    }


def reference(x, edge_index, W1_self, W1_neigh, b1, W2_self, W2_neigh, b2):
    src = edge_index[0]
    dst = edge_index[1]
    h = jax.nn.relu(_sage_conv(x, src, dst, W1_self, W1_neigh, b1, N))
    out = _sage_conv(h, src, dst, W2_self, W2_neigh, b2, N)
    return out

if __name__ == "__main__":
    import jax
    _d = setup_inputs()
    print(jax.jit(kernel)(*tuple(_d.values())))

</pallas_src>

<mosaic_0001>
#map = affine_map<(d0, d1) -> (0, 0, 0, 0)>
#map1 = affine_map<(d0, d1) -> (0, 0)>
module attributes {stable_mosaic.version = 14 : i64} {
  func.func @sc_deg(%arg0: i32, %arg1: i32, %arg2: memref<2x32x50x100xi32, #tpu.memory_space<hbm>>, %arg3: memref<128x16xf32, #tpu.memory_space<hbm>>, %arg4: memref<100x16xf32, #tpu.memory_space<hbm>>, %arg5: memref<10240x16xf32, #tpu.memory_space<hbm>>, %arg6: memref<10240x16xf32, #tpu.memory_space<hbm>>, %arg7: memref<10240x16xf32, #tpu.memory_space<vmem_shared>>, %arg8: memref<50x100xi32, #tpu.memory_space<vmem>>, %arg9: memref<100x16xf32, #tpu.memory_space<vmem>>, %arg10: memref<128x16xf32, #tpu.memory_space<vmem>>, %arg11: memref<!tpu.dma_semaphore, #tpu.memory_space<semaphore_mem>>, %arg12: memref<!tpu.dma_semaphore, #tpu.memory_space<semaphore_mem>>) attributes {dimension_semantics = [#tpu.dimension_semantics<core_parallel>, #tpu.dimension_semantics<subcore_parallel>], iteration_bounds = array<i64: 2, 16>, scalar_prefetch = 0 : i64, scratch_operands = 6 : i64, tpu.core_type = #tpu.core_type<sc_vector_subcore>, window_params = [{transform_indices = #map}, {transform_indices = #map1}, {transform_indices = #map1}, {transform_indices = #map1}, {transform_indices = #map1}]} {
    %mul3A = arith.constant 16 : i32
    %mul3A_0 = arith.muli %arg0, %mul3A : i32
    %add3A = arith.addi %mul3A_0, %arg1 : i32
    %mul3A_1 = arith.constant 640 : i32
    %mul3A_2 = arith.muli %arg1, %mul3A_1 : i32
    %dma_start3A = arith.constant 1 : i32
    %dma_start3A_3 = arith.constant 0 : i32
    %dma_start3A_4 = arith.constant 0 : i32
    %dma_start3A_5 = tpu.memref_slice %arg2[%dma_start3A, %add3A, %dma_start3A_3, %dma_start3A_4] : memref<2x32x50x100xi32, #tpu.memory_space<hbm>> -> memref<1x1x50x100xi32, #tpu.memory_space<hbm>>
    %dma_start3A_6 = tpu.memref_squeeze %dma_start3A_5 : memref<1x1x50x100xi32, #tpu.memory_space<hbm>> -> memref<50x100xi32, #tpu.memory_space<hbm>>
    %dma_start3A_7 = arith.constant 0 : i32
    %dma_start3A_8 = arith.constant 0 : i32
    %dma_start3A_9 = tpu.memref_slice %arg2[%dma_start3A, %add3A, %dma_start3A_7, %dma_start3A_8] : memref<2x32x50x100xi32, #tpu.memory_space<hbm>> -> memref<1x1x50x100xi32, #tpu.memory_space<hbm>>
    %dma_start3A_10 = tpu.memref_squeeze %dma_start3A_9 : memref<1x1x50x100xi32, #tpu.memory_space<hbm>> -> memref<50x100xi32, #tpu.memory_space<hbm>>
    tpu.enqueue_dma source(%dma_start3A_10 : memref<50x100xi32, #tpu.memory_space<hbm>>) target(%arg8 : memref<50x100xi32, #tpu.memory_space<vmem>>) target_semaphore(%arg11 : memref<!tpu.dma_semaphore, #tpu.memory_space<semaphore_mem>>)
    "tpu.region"() ({
      %run_scoped3A = tpu.sem_alloc : memref<!tpu.dma_semaphore, #tpu.memory_space<semaphore_mem>>
      tpu.enqueue_dma source(%arg3 : memref<128x16xf32, #tpu.memory_space<hbm>>) target(%arg10 : memref<128x16xf32, #tpu.memory_space<vmem>>) target_semaphore(%run_scoped3A : memref<!tpu.dma_semaphore, #tpu.memory_space<semaphore_mem>>)
      tpu.wait_dma2 semaphore(%run_scoped3A : memref<!tpu.dma_semaphore, #tpu.memory_space<semaphore_mem>>) src(%arg3 : memref<128x16xf32, #tpu.memory_space<hbm>>) dst(%arg10 : memref<128x16xf32, #tpu.memory_space<vmem>>)
      tpu.yield
    }) : () -> ()
    %add3A_11 = arith.constant 0 : i32
    %add3A_12 = arith.addi %mul3A_2, %add3A_11 : i32
    %dma_start3A_13 = arith.constant 0 : i32
    %dma_start3A_14 = tpu.memref_slice %arg7[%add3A_12, %dma_start3A_13] : memref<10240x16xf32, #tpu.memory_space<vmem_shared>> -> memref<128x16xf32, #tpu.memory_space<vmem_shared>>
    %dma_start3A_15 = arith.constant 0 : i32
    %dma_start3A_16 = tpu.memref_slice %arg7[%add3A_12, %dma_start3A_15] : memref<10240x16xf32, #tpu.memory_space<vmem_shared>> -> memref<128x16xf32, #tpu.memory_space<vmem_shared>>
    tpu.enqueue_dma source(%arg10 : memref<128x16xf32, #tpu.memory_space<vmem>>) target(%dma_start3A_16 : memref<128x16xf32, #tpu.memory_space<vmem_shared>>) target_semaphore(%arg12 : memref<!tpu.dma_semaphore, #tpu.memory_space<semaphore_mem>>)
    %add3A_17 = arith.constant 128 : i32
    %add3A_18 = arith.addi %mul3A_2, %add3A_17 : i32
    %dma_start3A_19 = arith.constant 0 : i32
    %dma_start3A_20 = tpu.memref_slice %arg7[%add3A_18, %dma_start3A_19] : memref<10240x16xf32, #tpu.memory_space<vmem_shared>> -> memref<128x16xf32, #tpu.memory_space<vmem_shared>>
    %dma_start3A_21 = arith.constant 0 : i32
    %dma_start3A_22 = tpu.memref_slice %arg7[%add3A_18, %dma_start3A_21] : memref<10240x16xf32, #tpu.memory_space<vmem_shared>> -> memref<128x16xf32, #tpu.memory_space<vmem_shared>>
    tpu.enqueue_dma source(%arg10 : memref<128x16xf32, #tpu.memory_space<vmem>>) target(%dma_start3A_22 : memref<128x16xf32, #tpu.memory_space<vmem_shared>>) target_semaphore(%arg12 : memref<!tpu.dma_semaphore, #tpu.memory_space<semaphore_mem>>)
    %add3A_23 = arith.constant 256 : i32
    %add3A_24 = arith.addi %mul3A_2, %add3A_23 : i32
    %dma_start3A_25 = arith.constant 0 : i32
    %dma_start3A_26 = tpu.memref_slice %arg7[%add3A_24, %dma_start3A_25] : memref<10240x16xf32, #tpu.memory_space<vmem_shared>> -> memref<128x16xf32, #tpu.memory_space<vmem_shared>>
    %dma_start3A_27 = arith.constant 0 : i32
    %dma_start3A_28 = tpu.memref_slice %arg7[%add3A_24, %dma_start3A_27] : memref<10240x16xf32, #tpu.memory_space<vmem_shared>> -> memref<128x16xf32, #tpu.memory_space<vmem_shared>>
    tpu.enqueue_dma source(%arg10 : memref<128x16xf32, #tpu.memory_space<vmem>>) target(%dma_start3A_28 : memref<128x16xf32, #tpu.memory_space<vmem_shared>>) target_semaphore(%arg12 : memref<!tpu.dma_semaphore, #tpu.memory_space<semaphore_mem>>)
    %add3A_29 = arith.constant 384 : i32
    %add3A_30 = arith.addi %mul3A_2, %add3A_29 : i32
    %dma_start3A_31 = arith.constant 0 : i32
    %dma_start3A_32 = tpu.memref_slice %arg7[%add3A_30, %dma_start3A_31] : memref<10240x16xf32, #tpu.memory_space<vmem_shared>> -> memref<128x16xf32, #tpu.memory_space<vmem_shared>>
    %dma_start3A_33 = arith.constant 0 : i32
    %dma_start3A_34 = tpu.memref_slice %arg7[%add3A_30, %dma_start3A_33] : memref<10240x16xf32, #tpu.memory_space<vmem_shared>> -> memref<128x16xf32, #tpu.memory_space<vmem_shared>>
    tpu.enqueue_dma source(%arg10 : memref<128x16xf32, #tpu.memory_space<vmem>>) target(%dma_start3A_34 : memref<128x16xf32, #tpu.memory_space<vmem_shared>>) target_semaphore(%arg12 : memref<!tpu.dma_semaphore, #tpu.memory_space<semaphore_mem>>)
    %add3A_35 = arith.constant 512 : i32
    %add3A_36 = arith.addi %mul3A_2, %add3A_35 : i32
    %dma_start3A_37 = arith.constant 0 : i32
    %dma_start3A_38 = tpu.memref_slice %arg7[%add3A_36, %dma_start3A_37] : memref<10240x16xf32, #tpu.memory_space<vmem_shared>> -> memref<128x16xf32, #tpu.memory_space<vmem_shared>>
    %dma_start3A_39 = arith.constant 0 : i32
    %dma_start3A_40 = tpu.memref_slice %arg7[%add3A_36, %dma_start3A_39] : memref<10240x16xf32, #tpu.memory_space<vmem_shared>> -> memref<128x16xf32, #tpu.memory_space<vmem_shared>>
    tpu.enqueue_dma source(%arg10 : memref<128x16xf32, #tpu.memory_space<vmem>>) target(%dma_start3A_40 : memref<128x16xf32, #tpu.memory_space<vmem_shared>>) target_semaphore(%arg12 : memref<!tpu.dma_semaphore, #tpu.memory_space<semaphore_mem>>)
    "tpu.region"() ({
      %run_scoped3A = tpu.sem_alloc : memref<!tpu.dma_semaphore, #tpu.memory_space<semaphore_mem>>
      tpu.enqueue_dma source(%arg4 : memref<100x16xf32, #tpu.memory_space<hbm>>) target(%arg9 : memref<100x16xf32, #tpu.memory_space<vmem>>) target_semaphore(%run_scoped3A : memref<!tpu.dma_semaphore, #tpu.memory_space<semaphore_mem>>)
      tpu.wait_dma2 semaphore(%run_scoped3A : memref<!tpu.dma_semaphore, #tpu.memory_space<semaphore_mem>>) src(%arg4 : memref<100x16xf32, #tpu.memory_space<hbm>>) dst(%arg9 : memref<100x16xf32, #tpu.memory_space<vmem>>)
      tpu.yield
    }) : () -> ()
    %dma_wait3A = arith.constant 0 : i32
    %dma_wait3A_41 = tpu.memref_slice %arg7[%add3A_12, %dma_wait3A] : memref<10240x16xf32, #tpu.memory_space<vmem_shared>> -> memref<128x16xf32, #tpu.memory_space<vmem_shared>>
    %dma_wait3A_42 = arith.constant 0 : i32
    %dma_wait3A_43 = tpu.memref_slice %arg7[%add3A_12, %dma_wait3A_42] : memref<10240x16xf32, #tpu.memory_space<vmem_shared>> -> memref<128x16xf32, #tpu.memory_space<vmem_shared>>
    tpu.wait_dma2 semaphore(%arg12 : memref<!tpu.dma_semaphore, #tpu.memory_space<semaphore_mem>>) src(%arg10 : memref<128x16xf32, #tpu.memory_space<vmem>>) dst(%dma_wait3A_43 : memref<128x16xf32, #tpu.memory_space<vmem_shared>>)
    %dma_wait3A_44 = arith.constant 0 : i32
    %dma_wait3A_45 = tpu.memref_slice %arg7[%add3A_18, %dma_wait3A_44] : memref<10240x16xf32, #tpu.memory_space<vmem_shared>> -> memref<128x16xf32, #tpu.memory_space<vmem_shared>>
    %dma_wait3A_46 = arith.constant 0 : i32
    %dma_wait3A_47 = tpu.memref_slice %arg7[%add3A_18, %dma_wait3A_46] : memref<10240x16xf32, #tpu.memory_space<vmem_shared>> -> memref<128x16xf32, #tpu.memory_space<vmem_shared>>
    tpu.wait_dma2 semaphore(%arg12 : memref<!tpu.dma_semaphore, #tpu.memory_space<semaphore_mem>>) src(%arg10 : memref<128x16xf32, #tpu.memory_space<vmem>>) dst(%dma_wait3A_47 : memref<128x16xf32, #tpu.memory_space<vmem_shared>>)
    %dma_wait3A_48 = arith.constant 0 : i32
    %dma_wait3A_49 = tpu.memref_slice %arg7[%add3A_24, %dma_wait3A_48] : memref<10240x16xf32, #tpu.memory_space<vmem_shared>> -> memref<128x16xf32, #tpu.memory_space<vmem_shared>>
    %dma_wait3A_50 = arith.constant 0 : i32
    %dma_wait3A_51 = tpu.memref_slice %arg7[%add3A_24, %dma_wait3A_50] : memref<10240x16xf32, #tpu.memory_space<vmem_shared>> -> memref<128x16xf32, #tpu.memory_space<vmem_shared>>
    tpu.wait_dma2 semaphore(%arg12 : memref<!tpu.dma_semaphore, #tpu.memory_space<semaphore_mem>>) src(%arg10 : memref<128x16xf32, #tpu.memory_space<vmem>>) dst(%dma_wait3A_51 : memref<128x16xf32, #tpu.memory_space<vmem_shared>>)
    %dma_wait3A_52 = arith.constant 0 : i32
    %dma_wait3A_53 = tpu.memref_slice %arg7[%add3A_30, %dma_wait3A_52] : memref<10240x16xf32, #tpu.memory_space<vmem_shared>> -> memref<128x16xf32, #tpu.memory_space<vmem_shared>>
    %dma_wait3A_54 = arith.constant 0 : i32
    %dma_wait3A_55 = tpu.memref_slice %arg7[%add3A_30, %dma_wait3A_54] : memref<10240x16xf32, #tpu.memory_space<vmem_shared>> -> memref<128x16xf32, #tpu.memory_space<vmem_shared>>
    tpu.wait_dma2 semaphore(%arg12 : memref<!tpu.dma_semaphore, #tpu.memory_space<semaphore_mem>>) src(%arg10 : memref<128x16xf32, #tpu.memory_space<vmem>>) dst(%dma_wait3A_55 : memref<128x16xf32, #tpu.memory_space<vmem_shared>>)
    %dma_wait3A_56 = arith.constant 0 : i32
    %dma_wait3A_57 = tpu.memref_slice %arg7[%add3A_36, %dma_wait3A_56] : memref<10240x16xf32, #tpu.memory_space<vmem_shared>> -> memref<128x16xf32, #tpu.memory_space<vmem_shared>>
    %dma_wait3A_58 = arith.constant 0 : i32
    %dma_wait3A_59 = tpu.memref_slice %arg7[%add3A_36, %dma_wait3A_58] : memref<10240x16xf32, #tpu.memory_space<vmem_shared>> -> memref<128x16xf32, #tpu.memory_space<vmem_shared>>
    tpu.wait_dma2 semaphore(%arg12 : memref<!tpu.dma_semaphore, #tpu.memory_space<semaphore_mem>>) src(%arg10 : memref<128x16xf32, #tpu.memory_space<vmem>>) dst(%dma_wait3A_59 : memref<128x16xf32, #tpu.memory_space<vmem_shared>>)
    %dma_wait3A_60 = arith.constant 1 : i32
    %dma_wait3A_61 = arith.constant 0 : i32
    %dma_wait3A_62 = arith.constant 0 : i32
    %dma_wait3A_63 = tpu.memref_slice %arg2[%dma_wait3A_60, %add3A, %dma_wait3A_61, %dma_wait3A_62] : memref<2x32x50x100xi32, #tpu.memory_space<hbm>> -> memref<1x1x50x100xi32, #tpu.memory_space<hbm>>
    %dma_wait3A_64 = tpu.memref_squeeze %dma_wait3A_63 : memref<1x1x50x100xi32, #tpu.memory_space<hbm>> -> memref<50x100xi32, #tpu.memory_space<hbm>>
    %dma_wait3A_65 = arith.constant 0 : i32
    %dma_wait3A_66 = arith.constant 0 : i32
    %dma_wait3A_67 = tpu.memref_slice %arg2[%dma_wait3A_60, %add3A, %dma_wait3A_65, %dma_wait3A_66] : memref<2x32x50x100xi32, #tpu.memory_space<hbm>> -> memref<1x1x50x100xi32, #tpu.memory_space<hbm>>
    %dma_wait3A_68 = tpu.memref_squeeze %dma_wait3A_67 : memref<1x1x50x100xi32, #tpu.memory_space<hbm>> -> memref<50x100xi32, #tpu.memory_space<hbm>>
    tpu.wait_dma2 semaphore(%arg11 : memref<!tpu.dma_semaphore, #tpu.memory_space<semaphore_mem>>) src(%dma_wait3A_68 : memref<50x100xi32, #tpu.memory_space<hbm>>) dst(%arg8 : memref<50x100xi32, #tpu.memory_space<vmem>>)
    %barrier3A = arith.constant 0 : index
    tpu.barrier barrier_id(%barrier3A)
    %scan3A = arith.constant 0 : i32
    %scan3A_69 = arith.constant 0 : i32
    %scan3A_70 = arith.constant 50 : i32
    %scan3A_71 = arith.addi %scan3A_69, %scan3A_70 : i32
    %scan3A_72 = arith.constant 1 : i32
    %scan3A_73 = scf.for %scan3A_161 = %scan3A_69 to %scan3A_71 step %scan3A_72 iter_args(%scan3A_162 = %scan3A) -> (i32)  : i32 {
      %dma_start3A_163 = arith.constant 0 : i32
      %dma_start3A_164 = tpu.memref_slice %arg8[%scan3A_161, %dma_start3A_163] : memref<50x100xi32, #tpu.memory_space<vmem>> -> memref<1x100xi32, #tpu.memory_space<vmem>>
      %dma_start3A_165 = tpu.memref_squeeze %dma_start3A_164 : memref<1x100xi32, #tpu.memory_space<vmem>> -> memref<100xi32, #tpu.memory_space<vmem>>
      %dma_start3A_166 = arith.constant 0 : i32
      %dma_start3A_167 = arith.constant 0 : i32
      %dma_start3A_168 = tpu.memref_slice %arg7[%dma_start3A_166, %dma_start3A_167] : memref<10240x16xf32, #tpu.memory_space<vmem_shared>> -> memref<10240x16xf32, #tpu.memory_space<vmem_shared>>
      tpu.enqueue_indirect_dma source(%arg9 : memref<100x16xf32, #tpu.memory_space<vmem>>) target(%dma_start3A_168 : memref<10240x16xf32, #tpu.memory_space<vmem_shared>>) offsets(%dma_start3A_165 : memref<100xi32, #tpu.memory_space<vmem>>) semaphore(%arg12 : memref<!tpu.dma_semaphore, #tpu.memory_space<semaphore_mem>>) {add = true}
      %ge3A = arith.constant 4 : i32
      %ge3A_169 = arith.cmpi sge, %scan3A_161, %ge3A : i32
      %convert_element_type3A_170 = arith.extui %ge3A_169 : i1 to i32
      %cond3A_171 = arith.constant 0 : i32
      %cond3A_172 = arith.cmpi ne, %convert_element_type3A_170, %cond3A_171 : i32
      scf.if %cond3A_172 {
        %sub3A = arith.constant 4 : i32
        %sub3A_174 = arith.subi %scan3A_161, %sub3A : i32
        %dma_wait3A_175 = arith.constant 0 : i32
        %dma_wait3A_176 = tpu.memref_slice %arg8[%sub3A_174, %dma_wait3A_175] : memref<50x100xi32, #tpu.memory_space<vmem>> -> memref<1x100xi32, #tpu.memory_space<vmem>>
        %dma_wait3A_177 = tpu.memref_squeeze %dma_wait3A_176 : memref<1x100xi32, #tpu.memory_space<vmem>> -> memref<100xi32, #tpu.memory_space<vmem>>
        %dma_wait3A_178 = arith.constant 0 : i32
        %dma_wait3A_179 = arith.constant 0 : i32
        %dma_wait3A_180 = tpu.memref_slice %arg7[%dma_wait3A_178, %dma_wait3A_179] : memref<10240x16xf32, #tpu.memory_space<vmem_shared>> -> memref<10240x16xf32, #tpu.memory_space<vmem_shared>>
        tpu.wait_indirect_dma semaphore(%arg12 : memref<!tpu.dma_semaphore, #tpu.memory_space<semaphore_mem>>) src(%arg9 : memref<100x16xf32, #tpu.memory_space<vmem>>) dst(%dma_wait3A_180 : memref<10240x16xf32, #tpu.memory_space<vmem_shared>>)
      } else {
      }
      %scan3A_173 = arith.constant 0 : i32
      scf.yield %scan3A_173 : i32
    }
    %scan3A_74 = arith.constant 50 : i32
    %dma_wait3A_75 = arith.constant 46 : i32
    %dma_wait3A_76 = arith.constant 0 : i32
    %dma_wait3A_77 = tpu.memref_slice %arg8[%dma_wait3A_75, %dma_wait3A_76] : memref<50x100xi32, #tpu.memory_space<vmem>> -> memref<1x100xi32, #tpu.memory_space<vmem>>
    %dma_wait3A_78 = tpu.memref_squeeze %dma_wait3A_77 : memref<1x100xi32, #tpu.memory_space<vmem>> -> memref<100xi32, #tpu.memory_space<vmem>>
    %dma_wait3A_79 = arith.constant 0 : i32
    %dma_wait3A_80 = arith.constant 0 : i32
    %dma_wait3A_81 = tpu.memref_slice %arg7[%dma_wait3A_79, %dma_wait3A_80] : memref<10240x16xf32, #tpu.memory_space<vmem_shared>> -> memref<10240x16xf32, #tpu.memory_space<vmem_shared>>
    tpu.wait_indirect_dma semaphore(%arg12 : memref<!tpu.dma_semaphore, #tpu.memory_space<semaphore_mem>>) src(%arg9 : memref<100x16xf32, #tpu.memory_space<vmem>>) dst(%dma_wait3A_81 : memref<10240x16xf32, #tpu.memory_space<vmem_shared>>)
    %dma_wait3A_82 = arith.constant 47 : i32
    %dma_wait3A_83 = arith.constant 0 : i32
    %dma_wait3A_84 = tpu.memref_slice %arg8[%dma_wait3A_82, %dma_wait3A_83] : memref<50x100xi32, #tpu.memory_space<vmem>> -> memref<1x100xi32, #tpu.memory_space<vmem>>
    %dma_wait3A_85 = tpu.memref_squeeze %dma_wait3A_84 : memref<1x100xi32, #tpu.memory_space<vmem>> -> memref<100xi32, #tpu.memory_space<vmem>>
    %dma_wait3A_86 = arith.constant 0 : i32
    %dma_wait3A_87 = arith.constant 0 : i32
    %dma_wait3A_88 = tpu.memref_slice %arg7[%dma_wait3A_86, %dma_wait3A_87] : memref<10240x16xf32, #tpu.memory_space<vmem_shared>> -> memref<10240x16xf32, #tpu.memory_space<vmem_shared>>
    tpu.wait_indirect_dma semaphore(%arg12 : memref<!tpu.dma_semaphore, #tpu.memory_space<semaphore_mem>>) src(%arg9 : memref<100x16xf32, #tpu.memory_space<vmem>>) dst(%dma_wait3A_88 : memref<10240x16xf32, #tpu.memory_space<vmem_shared>>)
    %dma_wait3A_89 = arith.constant 48 : i32
    %dma_wait3A_90 = arith.constant 0 : i32
    %dma_wait3A_91 = tpu.memref_slice %arg8[%dma_wait3A_89, %dma_wait3A_90] : memref<50x100xi32, #tpu.memory_space<vmem>> -> memref<1x100xi32, #tpu.memory_space<vmem>>
    %dma_wait3A_92 = tpu.memref_squeeze %dma_wait3A_91 : memref<1x100xi32, #tpu.memory_space<vmem>> -> memref<100xi32, #tpu.memory_space<vmem>>
    %dma_wait3A_93 = arith.constant 0 : i32
    %dma_wait3A_94 = arith.constant 0 : i32
    %dma_wait3A_95 = tpu.memref_slice %arg7[%dma_wait3A_93, %dma_wait3A_94] : memref<10240x16xf32, #tpu.memory_space<vmem_shared>> -> memref<10240x16xf32, #tpu.memory_space<vmem_shared>>
    tpu.wait_indirect_dma semaphore(%arg12 : memref<!tpu.dma_semaphore, #tpu.memory_space<semaphore_mem>>) src(%arg9 : memref<100x16xf32, #tpu.memory_space<vmem>>) dst(%dma_wait3A_95 : memref<10240x16xf32, #tpu.memory_space<vmem_shared>>)
    %dma_wait3A_96 = arith.constant 49 : i32
    %dma_wait3A_97 = arith.constant 0 : i32
    %dma_wait3A_98 = tpu.memref_slice %arg8[%dma_wait3A_96, %dma_wait3A_97] : memref<50x100xi32, #tpu.memory_space<vmem>> -> memref<1x100xi32, #tpu.memory_space<vmem>>
    %dma_wait3A_99 = tpu.memref_squeeze %dma_wait3A_98 : memref<1x100xi32, #tpu.memory_space<vmem>> -> memref<100xi32, #tpu.memory_space<vmem>>
    %dma_wait3A_100 = arith.constant 0 : i32
    %dma_wait3A_101 = arith.constant 0 : i32
    %dma_wait3A_102 = tpu.memref_slice %arg7[%dma_wait3A_100, %dma_wait3A_101] : memref<10240x16xf32, #tpu.memory_space<vmem_shared>> -> memref<10240x16xf32, #tpu.memory_space<vmem_shared>>
    tpu.wait_indirect_dma semaphore(%arg12 : memref<!tpu.dma_semaphore, #tpu.memory_space<semaphore_mem>>) src(%arg9 : memref<100x16xf32, #tpu.memory_space<vmem>>) dst(%dma_wait3A_102 : memref<10240x16xf32, #tpu.memory_space<vmem_shared>>)
    %barrier3A_103 = arith.constant 0 : index
    tpu.barrier barrier_id(%barrier3A_103)
    %add3A_104 = arith.constant 0 : i32
    %add3A_105 = arith.addi %mul3A_2, %add3A_104 : i32
    "tpu.region"() ({
      %run_scoped3A = tpu.sem_alloc : memref<!tpu.dma_semaphore, #tpu.memory_space<semaphore_mem>>
      %dma_start3A_161 = arith.constant 0 : i32
      %dma_start3A_162 = tpu.memref_slice %arg7[%add3A_105, %dma_start3A_161] : memref<10240x16xf32, #tpu.memory_space<vmem_shared>> -> memref<128x16xf32, #tpu.memory_space<vmem_shared>>
      %dma_start3A_163 = arith.constant 0 : i32
      %dma_start3A_164 = tpu.memref_slice %arg7[%add3A_105, %dma_start3A_163] : memref<10240x16xf32, #tpu.memory_space<vmem_shared>> -> memref<128x16xf32, #tpu.memory_space<vmem_shared>>
      tpu.enqueue_dma source(%dma_start3A_164 : memref<128x16xf32, #tpu.memory_space<vmem_shared>>) target(%arg10 : memref<128x16xf32, #tpu.memory_space<vmem>>) target_semaphore(%run_scoped3A : memref<!tpu.dma_semaphore, #tpu.memory_space<semaphore_mem>>)
      %dma_wait3A_165 = arith.constant 0 : i32
      %dma_wait3A_166 = tpu.memref_slice %arg7[%add3A_105, %dma_wait3A_165] : memref<10240x16xf32, #tpu.memory_space<vmem_shared>> -> memref<128x16xf32, #tpu.memory_space<vmem_shared>>
      %dma_wait3A_167 = arith.constant 0 : i32
      %dma_wait3A_168 = tpu.memref_slice %arg7[%add3A_105, %dma_wait3A_167] : memref<10240x16xf32, #tpu.memory_space<vmem_shared>> -> memref<128x16xf32, #tpu.memory_space<vmem_shared>>
      tpu.wait_dma2 semaphore(%run_scoped3A : memref<!tpu.dma_semaphore, #tpu.memory_space<semaphore_mem>>) src(%dma_wait3A_168 : memref<128x16xf32, #tpu.memory_space<vmem_shared>>) dst(%arg10 : memref<128x16xf32, #tpu.memory_space<vmem>>)
      tpu.yield
    }) : () -> ()
    %eq3A = arith.constant 0 : i32
    %eq3A_106 = arith.cmpi eq, %arg0, %eq3A : i32
    %convert_element_type3A = arith.extui %eq3A_106 : i1 to i32
    %cond3A = arith.constant 0 : i32
    %cond3A_107 = arith.cmpi ne, %convert_element_type3A, %cond3A : i32
    scf.if %cond3A_107 {
      "tpu.region"() ({
        %run_scoped3A = tpu.sem_alloc : memref<!tpu.dma_semaphore, #tpu.memory_space<semaphore_mem>>
        %dma_start3A_161 = arith.constant 0 : i32
        %dma_start3A_162 = tpu.memref_slice %arg5[%add3A_105, %dma_start3A_161] : memref<10240x16xf32, #tpu.memory_space<hbm>> -> memref<128x16xf32, #tpu.memory_space<hbm>>
        %dma_start3A_163 = arith.constant 0 : i32
        %dma_start3A_164 = tpu.memref_slice %arg5[%add3A_105, %dma_start3A_163] : memref<10240x16xf32, #tpu.memory_space<hbm>> -> memref<128x16xf32, #tpu.memory_space<hbm>>
        tpu.enqueue_dma source(%arg10 : memref<128x16xf32, #tpu.memory_space<vmem>>) target(%dma_start3A_164 : memref<128x16xf32, #tpu.memory_space<hbm>>) target_semaphore(%run_scoped3A : memref<!tpu.dma_semaphore, #tpu.memory_space<semaphore_mem>>)
        %dma_wait3A_165 = arith.constant 0 : i32
        %dma_wait3A_166 = tpu.memref_slice %arg5[%add3A_105, %dma_wait3A_165] : memref<10240x16xf32, #tpu.memory_space<hbm>> -> memref<128x16xf32, #tpu.memory_space<hbm>>
        %dma_wait3A_167 = arith.constant 0 : i32
        %dma_wait3A_168 = tpu.memref_slice %arg5[%add3A_105, %dma_wait3A_167] : memref<10240x16xf32, #tpu.memory_space<hbm>> -> memref<128x16xf32, #tpu.memory_space<hbm>>
        tpu.wait_dma2 semaphore(%run_scoped3A : memref<!tpu.dma_semaphore, #tpu.memory_space<semaphore_mem>>) src(%arg10 : memref<128x16xf32, #tpu.memory_space<vmem>>) dst(%dma_wait3A_168 : memref<128x16xf32, #tpu.memory_space<hbm>>)
        tpu.yield
      }) : () -> ()
    } else {
    }
    %eq3A_108 = arith.constant 1 : i32
    %eq3A_109 = arith.cmpi eq, %arg0, %eq3A_108 : i32
    %convert_element_type3A_110 = arith.extui %eq3A_109 : i1 to i32
    %cond3A_111 = arith.constant 0 : i32
    %cond3A_112 = arith.cmpi ne, %convert_element_type3A_110, %cond3A_111 : i32
    scf.if %cond3A_112 {
      "tpu.region"() ({
        %run_scoped3A = tpu.sem_alloc : memref<!tpu.dma_semaphore, #tpu.memory_space<semaphore_mem>>
        %dma_start3A_161 = arith.constant 0 : i32
        %dma_start3A_162 = tpu.memref_slice %arg6[%add3A_105, %dma_start3A_161] : memref<10240x16xf32, #tpu.memory_space<hbm>> -> memref<128x16xf32, #tpu.memory_space<hbm>>
        %dma_start3A_163 = arith.constant 0 : i32
        %dma_start3A_164 = tpu.memref_slice %arg6[%add3A_105, %dma_start3A_163] : memref<10240x16xf32, #tpu.memory_space<hbm>> -> memref<128x16xf32, #tpu.memory_space<hbm>>
        tpu.enqueue_dma source(%arg10 : memref<128x16xf32, #tpu.memory_space<vmem>>) target(%dma_start3A_164 : memref<128x16xf32, #tpu.memory_space<hbm>>) target_semaphore(%run_scoped3A : memref<!tpu.dma_semaphore, #tpu.memory_space<semaphore_mem>>)
        %dma_wait3A_165 = arith.constant 0 : i32
        %dma_wait3A_166 = tpu.memref_slice %arg6[%add3A_105, %dma_wait3A_165] : memref<10240x16xf32, #tpu.memory_space<hbm>> -> memref<128x16xf32, #tpu.memory_space<hbm>>
        %dma_wait3A_167 = arith.constant 0 : i32
        %dma_wait3A_168 = tpu.memref_slice %arg6[%add3A_105, %dma_wait3A_167] : memref<10240x16xf32, #tpu.memory_space<hbm>> -> memref<128x16xf32, #tpu.memory_space<hbm>>
        tpu.wait_dma2 semaphore(%run_scoped3A : memref<!tpu.dma_semaphore, #tpu.memory_space<semaphore_mem>>) src(%arg10 : memref<128x16xf32, #tpu.memory_space<vmem>>) dst(%dma_wait3A_168 : memref<128x16xf32, #tpu.memory_space<hbm>>)
        tpu.yield
      }) : () -> ()
    } else {
    }
    %add3A_113 = arith.constant 128 : i32
    %add3A_114 = arith.addi %mul3A_2, %add3A_113 : i32
    "tpu.region"() ({
      %run_scoped3A = tpu.sem_alloc : memref<!tpu.dma_semaphore, #tpu.memory_space<semaphore_mem>>
      %dma_start3A_161 = arith.constant 0 : i32
      %dma_start3A_162 = tpu.memref_slice %arg7[%add3A_114, %dma_start3A_161] : memref<10240x16xf32, #tpu.memory_space<vmem_shared>> -> memref<128x16xf32, #tpu.memory_space<vmem_shared>>
      %dma_start3A_163 = arith.constant 0 : i32
      %dma_start3A_164 = tpu.memref_slice %arg7[%add3A_114, %dma_start3A_163] : memref<10240x16xf32, #tpu.memory_space<vmem_shared>> -> memref<128x16xf32, #tpu.memory_space<vmem_shared>>
      tpu.enqueue_dma source(%dma_start3A_164 : memref<128x16xf32, #tpu.memory_space<vmem_shared>>) target(%arg10 : memref<128x16xf32, #tpu.memory_space<vmem>>) target_semaphore(%run_scoped3A : memref<!tpu.dma_semaphore, #tpu.memory_space<semaphore_mem>>)
      %dma_wait3A_165 = arith.constant 0 : i32
      %dma_wait3A_166 = tpu.memref_slice %arg7[%add3A_114, %dma_wait3A_165] : memref<10240x16xf32, #tpu.memory_space<vmem_shared>> -> memref<128x16xf32, #tpu.memory_space<vmem_shared>>
      %dma_wait3A_167 = arith.constant 0 : i32
      %dma_wait3A_168 = tpu.memref_slice %arg7[%add3A_114, %dma_wait3A_167] : memref<10240x16xf32, #tpu.memory_space<vmem_shared>> -> memref<128x16xf32, #tpu.memory_space<vmem_shared>>
      tpu.wait_dma2 semaphore(%run_scoped3A : memref<!tpu.dma_semaphore, #tpu.memory_space<semaphore_mem>>) src(%dma_wait3A_168 : memref<128x16xf32, #tpu.memory_space<vmem_shared>>) dst(%arg10 : memref<128x16xf32, #tpu.memory_space<vmem>>)
      tpu.yield
    }) : () -> ()
    %eq3A_115 = arith.constant 0 : i32
    %eq3A_116 = arith.cmpi eq, %arg0, %eq3A_115 : i32
    %convert_element_type3A_117 = arith.extui %eq3A_116 : i1 to i32
    %cond3A_118 = arith.constant 0 : i32
    %cond3A_119 = arith.cmpi ne, %convert_element_type3A_117, %cond3A_118 : i32
    scf.if %cond3A_119 {
      "tpu.region"() ({
        %run_scoped3A = tpu.sem_alloc : memref<!tpu.dma_semaphore, #tpu.memory_space<semaphore_mem>>
        %dma_start3A_161 = arith.constant 0 : i32
        %dma_start3A_162 = tpu.memref_slice %arg5[%add3A_114, %dma_start3A_161] : memref<10240x16xf32, #tpu.memory_space<hbm>> -> memref<128x16xf32, #tpu.memory_space<hbm>>
        %dma_start3A_163 = arith.constant 0 : i32
        %dma_start3A_164 = tpu.memref_slice %arg5[%add3A_114, %dma_start3A_163] : memref<10240x16xf32, #tpu.memory_space<hbm>> -> memref<128x16xf32, #tpu.memory_space<hbm>>
        tpu.enqueue_dma source(%arg10 : memref<128x16xf32, #tpu.memory_space<vmem>>) target(%dma_start3A_164 : memref<128x16xf32, #tpu.memory_space<hbm>>) target_semaphore(%run_scoped3A : memref<!tpu.dma_semaphore, #tpu.memory_space<semaphore_mem>>)
        %dma_wait3A_165 = arith.constant 0 : i32
        %dma_wait3A_166 = tpu.memref_slice %arg5[%add3A_114, %dma_wait3A_165] : memref<10240x16xf32, #tpu.memory_space<hbm>> -> memref<128x16xf32, #tpu.memory_space<hbm>>
        %dma_wait3A_167 = arith.constant 0 : i32
        %dma_wait3A_168 = tpu.memref_slice %arg5[%add3A_114, %dma_wait3A_167] : memref<10240x16xf32, #tpu.memory_space<hbm>> -> memref<128x16xf32, #tpu.memory_space<hbm>>
        tpu.wait_dma2 semaphore(%run_scoped3A : memref<!tpu.dma_semaphore, #tpu.memory_space<semaphore_mem>>) src(%arg10 : memref<128x16xf32, #tpu.memory_space<vmem>>) dst(%dma_wait3A_168 : memref<128x16xf32, #tpu.memory_space<hbm>>)
        tpu.yield
      }) : () -> ()
    } else {
    }
    %eq3A_120 = arith.constant 1 : i32
    %eq3A_121 = arith.cmpi eq, %arg0, %eq3A_120 : i32
    %convert_element_type3A_122 = arith.extui %eq3A_121 : i1 to i32
    %cond3A_123 = arith.constant 0 : i32
    %cond3A_124 = arith.cmpi ne, %convert_element_type3A_122, %cond3A_123 : i32
    scf.if %cond3A_124 {
      "tpu.region"() ({
        %run_scoped3A = tpu.sem_alloc : memref<!tpu.dma_semaphore, #tpu.memory_space<semaphore_mem>>
        %dma_start3A_161 = arith.constant 0 : i32
        %dma_start3A_162 = tpu.memref_slice %arg6[%add3A_114, %dma_start3A_161] : memref<10240x16xf32, #tpu.memory_space<hbm>> -> memref<128x16xf32, #tpu.memory_space<hbm>>
        %dma_start3A_163 = arith.constant 0 : i32
        %dma_start3A_164 = tpu.memref_slice %arg6[%add3A_114, %dma_start3A_163] : memref<10240x16xf32, #tpu.memory_space<hbm>> -> memref<128x16xf32, #tpu.memory_space<hbm>>
        tpu.enqueue_dma source(%arg10 : memref<128x16xf32, #tpu.memory_space<vmem>>) target(%dma_start3A_164 : memref<128x16xf32, #tpu.memory_space<hbm>>) target_semaphore(%run_scoped3A : memref<!tpu.dma_semaphore, #tpu.memory_space<semaphore_mem>>)
        %dma_wait3A_165 = arith.constant 0 : i32
        %dma_wait3A_166 = tpu.memref_slice %arg6[%add3A_114, %dma_wait3A_165] : memref<10240x16xf32, #tpu.memory_space<hbm>> -> memref<128x16xf32, #tpu.memory_space<hbm>>
        %dma_wait3A_167 = arith.constant 0 : i32
        %dma_wait3A_168 = tpu.memref_slice %arg6[%add3A_114, %dma_wait3A_167] : memref<10240x16xf32, #tpu.memory_space<hbm>> -> memref<128x16xf32, #tpu.memory_space<hbm>>
        tpu.wait_dma2 semaphore(%run_scoped3A : memref<!tpu.dma_semaphore, #tpu.memory_space<semaphore_mem>>) src(%arg10 : memref<128x16xf32, #tpu.memory_space<vmem>>) dst(%dma_wait3A_168 : memref<128x16xf32, #tpu.memory_space<hbm>>)
        tpu.yield
      }) : () -> ()
    } else {
    }
    %add3A_125 = arith.constant 256 : i32
    %add3A_126 = arith.addi %mul3A_2, %add3A_125 : i32
    "tpu.region"() ({
      %run_scoped3A = tpu.sem_alloc : memref<!tpu.dma_semaphore, #tpu.memory_space<semaphore_mem>>
      %dma_start3A_161 = arith.constant 0 : i32
      %dma_start3A_162 = tpu.memref_slice %arg7[%add3A_126, %dma_start3A_161] : memref<10240x16xf32, #tpu.memory_space<vmem_shared>> -> memref<128x16xf32, #tpu.memory_space<vmem_shared>>
      %dma_start3A_163 = arith.constant 0 : i32
      %dma_start3A_164 = tpu.memref_slice %arg7[%add3A_126, %dma_start3A_163] : memref<10240x16xf32, #tpu.memory_space<vmem_shared>> -> memref<128x16xf32, #tpu.memory_space<vmem_shared>>
      tpu.enqueue_dma source(%dma_start3A_164 : memref<128x16xf32, #tpu.memory_space<vmem_shared>>) target(%arg10 : memref<128x16xf32, #tpu.memory_space<vmem>>) target_semaphore(%run_scoped3A : memref<!tpu.dma_semaphore, #tpu.memory_space<semaphore_mem>>)
      %dma_wait3A_165 = arith.constant 0 : i32
      %dma_wait3A_166 = tpu.memref_slice %arg7[%add3A_126, %dma_wait3A_165] : memref<10240x16xf32, #tpu.memory_space<vmem_shared>> -> memref<128x16xf32, #tpu.memory_space<vmem_shared>>
      %dma_wait3A_167 = arith.constant 0 : i32
      %dma_wait3A_168 = tpu.memref_slice %arg7[%add3A_126, %dma_wait3A_167] : memref<10240x16xf32, #tpu.memory_space<vmem_shared>> -> memref<128x16xf32, #tpu.memory_space<vmem_shared>>
      tpu.wait_dma2 semaphore(%run_scoped3A : memref<!tpu.dma_semaphore, #tpu.memory_space<semaphore_mem>>) src(%dma_wait3A_168 : memref<128x16xf32, #tpu.memory_space<vmem_shared>>) dst(%arg10 : memref<128x16xf32, #tpu.memory_space<vmem>>)
      tpu.yield
    }) : () -> ()
    %eq3A_127 = arith.constant 0 : i32
    %eq3A_128 = arith.cmpi eq, %arg0, %eq3A_127 : i32
    %convert_element_type3A_129 = arith.extui %eq3A_128 : i1 to i32
    %cond3A_130 = arith.constant 0 : i32
    %cond3A_131 = arith.cmpi ne, %convert_element_type3A_129, %cond3A_130 : i32
    scf.if %cond3A_131 {
      "tpu.region"() ({
        %run_scoped3A = tpu.sem_alloc : memref<!tpu.dma_semaphore, #tpu.memory_space<semaphore_mem>>
        %dma_start3A_161 = arith.constant 0 : i32
        %dma_start3A_162 = tpu.memref_slice %arg5[%add3A_126, %dma_start3A_161] : memref<10240x16xf32, #tpu.memory_space<hbm>> -> memref<128x16xf32, #tpu.memory_space<hbm>>
        %dma_start3A_163 = arith.constant 0 : i32
        %dma_start3A_164 = tpu.memref_slice %arg5[%add3A_126, %dma_start3A_163] : memref<10240x16xf32, #tpu.memory_space<hbm>> -> memref<128x16xf32, #tpu.memory_space<hbm>>
        tpu.enqueue_dma source(%arg10 : memref<128x16xf32, #tpu.memory_space<vmem>>) target(%dma_start3A_164 : memref<128x16xf32, #tpu.memory_space<hbm>>) target_semaphore(%run_scoped3A : memref<!tpu.dma_semaphore, #tpu.memory_space<semaphore_mem>>)
        %dma_wait3A_165 = arith.constant 0 : i32
        %dma_wait3A_166 = tpu.memref_slice %arg5[%add3A_126, %dma_wait3A_165] : memref<10240x16xf32, #tpu.memory_space<hbm>> -> memref<128x16xf32, #tpu.memory_space<hbm>>
        %dma_wait3A_167 = arith.constant 0 : i32
        %dma_wait3A_168 = tpu.memref_slice %arg5[%add3A_126, %dma_wait3A_167] : memref<10240x16xf32, #tpu.memory_space<hbm>> -> memref<128x16xf32, #tpu.memory_space<hbm>>
        tpu.wait_dma2 semaphore(%run_scoped3A : memref<!tpu.dma_semaphore, #tpu.memory_space<semaphore_mem>>) src(%arg10 : memref<128x16xf32, #tpu.memory_space<vmem>>) dst(%dma_wait3A_168 : memref<128x16xf32, #tpu.memory_space<hbm>>)
        tpu.yield
      }) : () -> ()
    } else {
    }
    %eq3A_132 = arith.constant 1 : i32
    %eq3A_133 = arith.cmpi eq, %arg0, %eq3A_132 : i32
    %convert_element_type3A_134 = arith.extui %eq3A_133 : i1 to i32
    %cond3A_135 = arith.constant 0 : i32
    %cond3A_136 = arith.cmpi ne, %convert_element_type3A_134, %cond3A_135 : i32
    scf.if %cond3A_136 {
      "tpu.region"() ({
        %run_scoped3A = tpu.sem_alloc : memref<!tpu.dma_semaphore, #tpu.memory_space<semaphore_mem>>
        %dma_start3A_161 = arith.constant 0 : i32
        %dma_start3A_162 = tpu.memref_slice %arg6[%add3A_126, %dma_start3A_161] : memref<10240x16xf32, #tpu.memory_space<hbm>> -> memref<128x16xf32, #tpu.memory_space<hbm>>
        %dma_start3A_163 = arith.constant 0 : i32
        %dma_start3A_164 = tpu.memref_slice %arg6[%add3A_126, %dma_start3A_163] : memref<10240x16xf32, #tpu.memory_space<hbm>> -> memref<128x16xf32, #tpu.memory_space<hbm>>
        tpu.enqueue_dma source(%arg10 : memref<128x16xf32, #tpu.memory_space<vmem>>) target(%dma_start3A_164 : memref<128x16xf32, #tpu.memory_space<hbm>>) target_semaphore(%run_scoped3A : memref<!tpu.dma_semaphore, #tpu.memory_space<semaphore_mem>>)
        %dma_wait3A_165 = arith.constant 0 : i32
        %dma_wait3A_166 = tpu.memref_slice %arg6[%add3A_126, %dma_wait3A_165] : memref<10240x16xf32, #tpu.memory_space<hbm>> -> memref<128x16xf32, #tpu.memory_space<hbm>>
        %dma_wait3A_167 = arith.constant 0 : i32
        %dma_wait3A_168 = tpu.memref_slice %arg6[%add3A_126, %dma_wait3A_167] : memref<10240x16xf32, #tpu.memory_space<hbm>> -> memref<128x16xf32, #tpu.memory_space<hbm>>
        tpu.wait_dma2 semaphore(%run_scoped3A : memref<!tpu.dma_semaphore, #tpu.memory_space<semaphore_mem>>) src(%arg10 : memref<128x16xf32, #tpu.memory_space<vmem>>) dst(%dma_wait3A_168 : memref<128x16xf32, #tpu.memory_space<hbm>>)
        tpu.yield
      }) : () -> ()
    } else {
    }
    %add3A_137 = arith.constant 384 : i32
    %add3A_138 = arith.addi %mul3A_2, %add3A_137 : i32
    "tpu.region"() ({
      %run_scoped3A = tpu.sem_alloc : memref<!tpu.dma_semaphore, #tpu.memory_space<semaphore_mem>>
      %dma_start3A_161 = arith.constant 0 : i32
      %dma_start3A_162 = tpu.memref_slice %arg7[%add3A_138, %dma_start3A_161] : memref<10240x16xf32, #tpu.memory_space<vmem_shared>> -> memref<128x16xf32, #tpu.memory_space<vmem_shared>>
      %dma_start3A_163 = arith.constant 0 : i32
      %dma_start3A_164 = tpu.memref_slice %arg7[%add3A_138, %dma_start3A_163] : memref<10240x16xf32, #tpu.memory_space<vmem_shared>> -> memref<128x16xf32, #tpu.memory_space<vmem_shared>>
      tpu.enqueue_dma source(%dma_start3A_164 : memref<128x16xf32, #tpu.memory_space<vmem_shared>>) target(%arg10 : memref<128x16xf32, #tpu.memory_space<vmem>>) target_semaphore(%run_scoped3A : memref<!tpu.dma_semaphore, #tpu.memory_space<semaphore_mem>>)
      %dma_wait3A_165 = arith.constant 0 : i32
      %dma_wait3A_166 = tpu.memref_slice %arg7[%add3A_138, %dma_wait3A_165] : memref<10240x16xf32, #tpu.memory_space<vmem_shared>> -> memref<128x16xf32, #tpu.memory_space<vmem_shared>>
      %dma_wait3A_167 = arith.constant 0 : i32
      %dma_wait3A_168 = tpu.memref_slice %arg7[%add3A_138, %dma_wait3A_167] : memref<10240x16xf32, #tpu.memory_space<vmem_shared>> -> memref<128x16xf32, #tpu.memory_space<vmem_shared>>
      tpu.wait_dma2 semaphore(%run_scoped3A : memref<!tpu.dma_semaphore, #tpu.memory_space<semaphore_mem>>) src(%dma_wait3A_168 : memref<128x16xf32, #tpu.memory_space<vmem_shared>>) dst(%arg10 : memref<128x16xf32, #tpu.memory_space<vmem>>)
      tpu.yield
    }) : () -> ()
    %eq3A_139 = arith.constant 0 : i32
    %eq3A_140 = arith.cmpi eq, %arg0, %eq3A_139 : i32
    %convert_element_type3A_141 = arith.extui %eq3A_140 : i1 to i32
    %cond3A_142 = arith.constant 0 : i32
    %cond3A_143 = arith.cmpi ne, %convert_element_type3A_141, %cond3A_142 : i32
    scf.if %cond3A_143 {
      "tpu.region"() ({
        %run_scoped3A = tpu.sem_alloc : memref<!tpu.dma_semaphore, #tpu.memory_space<semaphore_mem>>
        %dma_start3A_161 = arith.constant 0 : i32
        %dma_start3A_162 = tpu.memref_slice %arg5[%add3A_138, %dma_start3A_161] : memref<10240x16xf32, #tpu.memory_space<hbm>> -> memref<128x16xf32, #tpu.memory_space<hbm>>
        %dma_start3A_163 = arith.constant 0 : i32
        %dma_start3A_164 = tpu.memref_slice %arg5[%add3A_138, %dma_start3A_163] : memref<10240x16xf32, #tpu.memory_space<hbm>> -> memref<128x16xf32, #tpu.memory_space<hbm>>
        tpu.enqueue_dma source(%arg10 : memref<128x16xf32, #tpu.memory_space<vmem>>) target(%dma_start3A_164 : memref<128x16xf32, #tpu.memory_space<hbm>>) target_semaphore(%run_scoped3A : memref<!tpu.dma_semaphore, #tpu.memory_space<semaphore_mem>>)
        %dma_wait3A_165 = arith.constant 0 : i32
        %dma_wait3A_166 = tpu.memref_slice %arg5[%add3A_138, %dma_wait3A_165] : memref<10240x16xf32, #tpu.memory_space<hbm>> -> memref<128x16xf32, #tpu.memory_space<hbm>>
        %dma_wait3A_167 = arith.constant 0 : i32
        %dma_wait3A_168 = tpu.memref_slice %arg5[%add3A_138, %dma_wait3A_167] : memref<10240x16xf32, #tpu.memory_space<hbm>> -> memref<128x16xf32, #tpu.memory_space<hbm>>
        tpu.wait_dma2 semaphore(%run_scoped3A : memref<!tpu.dma_semaphore, #tpu.memory_space<semaphore_mem>>) src(%arg10 : memref<128x16xf32, #tpu.memory_space<vmem>>) dst(%dma_wait3A_168 : memref<128x16xf32, #tpu.memory_space<hbm>>)
        tpu.yield
      }) : () -> ()
    } else {
    }
    %eq3A_144 = arith.constant 1 : i32
    %eq3A_145 = arith.cmpi eq, %arg0, %eq3A_144 : i32
    %convert_element_type3A_146 = arith.extui %eq3A_145 : i1 to i32
    %cond3A_147 = arith.constant 0 : i32
    %cond3A_148 = arith.cmpi ne, %convert_element_type3A_146, %cond3A_147 : i32
    scf.if %cond3A_148 {
      "tpu.region"() ({
        %run_scoped3A = tpu.sem_alloc : memref<!tpu.dma_semaphore, #tpu.memory_space<semaphore_mem>>
        %dma_start3A_161 = arith.constant 0 : i32
        %dma_start3A_162 = tpu.memref_slice %arg6[%add3A_138, %dma_start3A_161] : memref<10240x16xf32, #tpu.memory_space<hbm>> -> memref<128x16xf32, #tpu.memory_space<hbm>>
        %dma_start3A_163 = arith.constant 0 : i32
        %dma_start3A_164 = tpu.memref_slice %arg6[%add3A_138, %dma_start3A_163] : memref<10240x16xf32, #tpu.memory_space<hbm>> -> memref<128x16xf32, #tpu.memory_space<hbm>>
        tpu.enqueue_dma source(%arg10 : memref<128x16xf32, #tpu.memory_space<vmem>>) target(%dma_start3A_164 : memref<128x16xf32, #tpu.memory_space<hbm>>) target_semaphore(%run_scoped3A : memref<!tpu.dma_semaphore, #tpu.memory_space<semaphore_mem>>)
        %dma_wait3A_165 = arith.constant 0 : i32
        %dma_wait3A_166 = tpu.memref_slice %arg6[%add3A_138, %dma_wait3A_165] : memref<10240x16xf32, #tpu.memory_space<hbm>> -> memref<128x16xf32, #tpu.memory_space<hbm>>
        %dma_wait3A_167 = arith.constant 0 : i32
        %dma_wait3A_168 = tpu.memref_slice %arg6[%add3A_138, %dma_wait3A_167] : memref<10240x16xf32, #tpu.memory_space<hbm>> -> memref<128x16xf32, #tpu.memory_space<hbm>>
        tpu.wait_dma2 semaphore(%run_scoped3A : memref<!tpu.dma_semaphore, #tpu.memory_space<semaphore_mem>>) src(%arg10 : memref<128x16xf32, #tpu.memory_space<vmem>>) dst(%dma_wait3A_168 : memref<128x16xf32, #tpu.memory_space<hbm>>)
        tpu.yield
      }) : () -> ()
    } else {
    }
    %add3A_149 = arith.constant 512 : i32
    %add3A_150 = arith.addi %mul3A_2, %add3A_149 : i32
    "tpu.region"() ({
      %run_scoped3A = tpu.sem_alloc : memref<!tpu.dma_semaphore, #tpu.memory_space<semaphore_mem>>
      %dma_start3A_161 = arith.constant 0 : i32
      %dma_start3A_162 = tpu.memref_slice %arg7[%add3A_150, %dma_start3A_161] : memref<10240x16xf32, #tpu.memory_space<vmem_shared>> -> memref<128x16xf32, #tpu.memory_space<vmem_shared>>
      %dma_start3A_163 = arith.constant 0 : i32
      %dma_start3A_164 = tpu.memref_slice %arg7[%add3A_150, %dma_start3A_163] : memref<10240x16xf32, #tpu.memory_space<vmem_shared>> -> memref<128x16xf32, #tpu.memory_space<vmem_shared>>
      tpu.enqueue_dma source(%dma_start3A_164 : memref<128x16xf32, #tpu.memory_space<vmem_shared>>) target(%arg10 : memref<128x16xf32, #tpu.memory_space<vmem>>) target_semaphore(%run_scoped3A : memref<!tpu.dma_semaphore, #tpu.memory_space<semaphore_mem>>)
      %dma_wait3A_165 = arith.constant 0 : i32
      %dma_wait3A_166 = tpu.memref_slice %arg7[%add3A_150, %dma_wait3A_165] : memref<10240x16xf32, #tpu.memory_space<vmem_shared>> -> memref<128x16xf32, #tpu.memory_space<vmem_shared>>
      %dma_wait3A_167 = arith.constant 0 : i32
      %dma_wait3A_168 = tpu.memref_slice %arg7[%add3A_150, %dma_wait3A_167] : memref<10240x16xf32, #tpu.memory_space<vmem_shared>> -> memref<128x16xf32, #tpu.memory_space<vmem_shared>>
      tpu.wait_dma2 semaphore(%run_scoped3A : memref<!tpu.dma_semaphore, #tpu.memory_space<semaphore_mem>>) src(%dma_wait3A_168 : memref<128x16xf32, #tpu.memory_space<vmem_shared>>) dst(%arg10 : memref<128x16xf32, #tpu.memory_space<vmem>>)
      tpu.yield
    }) : () -> ()
    %eq3A_151 = arith.constant 0 : i32
    %eq3A_152 = arith.cmpi eq, %arg0, %eq3A_151 : i32
    %convert_element_type3A_153 = arith.extui %eq3A_152 : i1 to i32
    %cond3A_154 = arith.constant 0 : i32
    %cond3A_155 = arith.cmpi ne, %convert_element_type3A_153, %cond3A_154 : i32
    scf.if %cond3A_155 {
      "tpu.region"() ({
        %run_scoped3A = tpu.sem_alloc : memref<!tpu.dma_semaphore, #tpu.memory_space<semaphore_mem>>
        %dma_start3A_161 = arith.constant 0 : i32
        %dma_start3A_162 = tpu.memref_slice %arg5[%add3A_150, %dma_start3A_161] : memref<10240x16xf32, #tpu.memory_space<hbm>> -> memref<128x16xf32, #tpu.memory_space<hbm>>
        %dma_start3A_163 = arith.constant 0 : i32
        %dma_start3A_164 = tpu.memref_slice %arg5[%add3A_150, %dma_start3A_163] : memref<10240x16xf32, #tpu.memory_space<hbm>> -> memref<128x16xf32, #tpu.memory_space<hbm>>
        tpu.enqueue_dma source(%arg10 : memref<128x16xf32, #tpu.memory_space<vmem>>) target(%dma_start3A_164 : memref<128x16xf32, #tpu.memory_space<hbm>>) target_semaphore(%run_scoped3A : memref<!tpu.dma_semaphore, #tpu.memory_space<semaphore_mem>>)
        %dma_wait3A_165 = arith.constant 0 : i32
        %dma_wait3A_166 = tpu.memref_slice %arg5[%add3A_150, %dma_wait3A_165] : memref<10240x16xf32, #tpu.memory_space<hbm>> -> memref<128x16xf32, #tpu.memory_space<hbm>>
        %dma_wait3A_167 = arith.constant 0 : i32
        %dma_wait3A_168 = tpu.memref_slice %arg5[%add3A_150, %dma_wait3A_167] : memref<10240x16xf32, #tpu.memory_space<hbm>> -> memref<128x16xf32, #tpu.memory_space<hbm>>
        tpu.wait_dma2 semaphore(%run_scoped3A : memref<!tpu.dma_semaphore, #tpu.memory_space<semaphore_mem>>) src(%arg10 : memref<128x16xf32, #tpu.memory_space<vmem>>) dst(%dma_wait3A_168 : memref<128x16xf32, #tpu.memory_space<hbm>>)
        tpu.yield
      }) : () -> ()
    } else {
    }
    %eq3A_156 = arith.constant 1 : i32
    %eq3A_157 = arith.cmpi eq, %arg0, %eq3A_156 : i32
    %convert_element_type3A_158 = arith.extui %eq3A_157 : i1 to i32
    %cond3A_159 = arith.constant 0 : i32
    %cond3A_160 = arith.cmpi ne, %convert_element_type3A_158, %cond3A_159 : i32
    scf.if %cond3A_160 {
      "tpu.region"() ({
        %run_scoped3A = tpu.sem_alloc : memref<!tpu.dma_semaphore, #tpu.memory_space<semaphore_mem>>
        %dma_start3A_161 = arith.constant 0 : i32
        %dma_start3A_162 = tpu.memref_slice %arg6[%add3A_150, %dma_start3A_161] : memref<10240x16xf32, #tpu.memory_space<hbm>> -> memref<128x16xf32, #tpu.memory_space<hbm>>
        %dma_start3A_163 = arith.constant 0 : i32
        %dma_start3A_164 = tpu.memref_slice %arg6[%add3A_150, %dma_start3A_163] : memref<10240x16xf32, #tpu.memory_space<hbm>> -> memref<128x16xf32, #tpu.memory_space<hbm>>
        tpu.enqueue_dma source(%arg10 : memref<128x16xf32, #tpu.memory_space<vmem>>) target(%dma_start3A_164 : memref<128x16xf32, #tpu.memory_space<hbm>>) target_semaphore(%run_scoped3A : memref<!tpu.dma_semaphore, #tpu.memory_space<semaphore_mem>>)
        %dma_wait3A_165 = arith.constant 0 : i32
        %dma_wait3A_166 = tpu.memref_slice %arg6[%add3A_150, %dma_wait3A_165] : memref<10240x16xf32, #tpu.memory_space<hbm>> -> memref<128x16xf32, #tpu.memory_space<hbm>>
        %dma_wait3A_167 = arith.constant 0 : i32
        %dma_wait3A_168 = tpu.memref_slice %arg6[%add3A_150, %dma_wait3A_167] : memref<10240x16xf32, #tpu.memory_space<hbm>> -> memref<128x16xf32, #tpu.memory_space<hbm>>
        tpu.wait_dma2 semaphore(%run_scoped3A : memref<!tpu.dma_semaphore, #tpu.memory_space<semaphore_mem>>) src(%arg10 : memref<128x16xf32, #tpu.memory_space<vmem>>) dst(%dma_wait3A_168 : memref<128x16xf32, #tpu.memory_space<hbm>>)
        tpu.yield
      }) : () -> ()
    } else {
    }
    return
  }
}

#map = affine_map<(d0, d1) -> (0, 0)>
#map1 = affine_map<(d0, d1) -> (0, 0, 0, 0)>
module attributes {stable_mosaic.version = 14 : i64} {
  func.func @sc_segsum(%arg0: i32, %arg1: i32, %arg2: memref<10000x128xf32, #tpu.memory_space<hbm>>, %arg3: memref<2x32x50x100xi32, #tpu.memory_space<hbm>>, %arg4: memref<40x128xf32, #tpu.memory_space<hbm>>, %arg5: memref<10240x128xf32, #tpu.memory_space<hbm>>, %arg6: memref<10240x128xf32, #tpu.memory_space<hbm>>, %arg7: memref<10240x128xf32, #tpu.memory_space<vmem_shared>>, %arg8: memref<40x128xf32, #tpu.memory_space<vmem>>, %arg9: memref<40x128xf32, #tpu.memory_space<vmem>>, %arg10: memref<100x128xf32, #tpu.memory_space<vmem>>, %arg11: memref<100x128xf32, #tpu.memory_space<vmem>>, %arg12: memref<50x100xi32, #tpu.memory_space<vmem>>, %arg13: memref<50x100xi32, #tpu.memory_space<vmem>>, %arg14: memref<!tpu.dma_semaphore, #tpu.memory_space<semaphore_mem>>, %arg15: memref<!tpu.dma_semaphore, #tpu.memory_space<semaphore_mem>>, %arg16: memref<!tpu.dma_semaphore, #tpu.memory_space<semaphore_mem>>) attributes {dimension_semantics = [#tpu.dimension_semantics<core_parallel>, #tpu.dimension_semantics<subcore_parallel>], iteration_bounds = array<i64: 2, 16>, scalar_prefetch = 0 : i64, scratch_operands = 10 : i64, tpu.core_type = #tpu.core_type<sc_vector_subcore>, window_params = [{transform_indices = #map}, {transform_indices = #map1}, {transform_indices = #map}, {transform_indices = #map}, {transform_indices = #map}]} {
    %mul3A = arith.constant 16 : i32
    %mul3A_0 = arith.muli %arg0, %mul3A : i32
    %add3A = arith.addi %mul3A_0, %arg1 : i32
    %mul3A_1 = arith.constant 640 : i32
    %mul3A_2 = arith.muli %arg1, %mul3A_1 : i32
    %dma_start3A = arith.constant 0 : i32
    %dma_start3A_3 = arith.constant 0 : i32
    %dma_start3A_4 = arith.constant 0 : i32
    %dma_start3A_5 = tpu.memref_slice %arg3[%dma_start3A, %add3A, %dma_start3A_3, %dma_start3A_4] : memref<2x32x50x100xi32, #tpu.memory_space<hbm>> -> memref<1x1x50x100xi32, #tpu.memory_space<hbm>>
    %dma_start3A_6 = tpu.memref_squeeze %dma_start3A_5 : memref<1x1x50x100xi32, #tpu.memory_space<hbm>> -> memref<50x100xi32, #tpu.memory_space<hbm>>
    %dma_start3A_7 = arith.constant 0 : i32
    %dma_start3A_8 = arith.constant 0 : i32
    %dma_start3A_9 = tpu.memref_slice %arg3[%dma_start3A, %add3A, %dma_start3A_7, %dma_start3A_8] : memref<2x32x50x100xi32, #tpu.memory_space<hbm>> -> memref<1x1x50x100xi32, #tpu.memory_space<hbm>>
    %dma_start3A_10 = tpu.memref_squeeze %dma_start3A_9 : memref<1x1x50x100xi32, #tpu.memory_space<hbm>> -> memref<50x100xi32, #tpu.memory_space<hbm>>
    tpu.enqueue_dma source(%dma_start3A_10 : memref<50x100xi32, #tpu.memory_space<hbm>>) target(%arg12 : memref<50x100xi32, #tpu.memory_space<vmem>>) target_semaphore(%arg16 : memref<!tpu.dma_semaphore, #tpu.memory_space<semaphore_mem>>)
    %dma_start3A_11 = arith.constant 1 : i32
    %dma_start3A_12 = arith.constant 0 : i32
    %dma_start3A_13 = arith.constant 0 : i32
    %dma_start3A_14 = tpu.memref_slice %arg3[%dma_start3A_11, %add3A, %dma_start3A_12, %dma_start3A_13] : memref<2x32x50x100xi32, #tpu.memory_space<hbm>> -> memref<1x1x50x100xi32, #tpu.memory_space<hbm>>
    %dma_start3A_15 = tpu.memref_squeeze %dma_start3A_14 : memref<1x1x50x100xi32, #tpu.memory_space<hbm>> -> memref<50x100xi32, #tpu.memory_space<hbm>>
    %dma_start3A_16 = arith.constant 0 : i32
    %dma_start3A_17 = arith.constant 0 : i32
    %dma_start3A_18 = tpu.memref_slice %arg3[%dma_start3A_11, %add3A, %dma_start3A_16, %dma_start3A_17] : memref<2x32x50x100xi32, #tpu.memory_space<hbm>> -> memref<1x1x50x100xi32, #tpu.memory_space<hbm>>
    %dma_start3A_19 = tpu.memref_squeeze %dma_start3A_18 : memref<1x1x50x100xi32, #tpu.memory_space<hbm>> -> memref<50x100xi32, #tpu.memory_space<hbm>>
    tpu.enqueue_dma source(%dma_start3A_19 : memref<50x100xi32, #tpu.memory_space<hbm>>) target(%arg13 : memref<50x100xi32, #tpu.memory_space<vmem>>) target_semaphore(%arg16 : memref<!tpu.dma_semaphore, #tpu.memory_space<semaphore_mem>>)
    "tpu.region"() ({
      %run_scoped3A = tpu.sem_alloc : memref<!tpu.dma_semaphore, #tpu.memory_space<semaphore_mem>>
      tpu.enqueue_dma source(%arg4 : memref<40x128xf32, #tpu.memory_space<hbm>>) target(%arg8 : memref<40x128xf32, #tpu.memory_space<vmem>>) target_semaphore(%run_scoped3A : memref<!tpu.dma_semaphore, #tpu.memory_space<semaphore_mem>>)
      tpu.wait_dma2 semaphore(%run_scoped3A : memref<!tpu.dma_semaphore, #tpu.memory_space<semaphore_mem>>) src(%arg4 : memref<40x128xf32, #tpu.memory_space<hbm>>) dst(%arg8 : memref<40x128xf32, #tpu.memory_space<vmem>>)
      tpu.yield
    }) : () -> ()
    %add3A_20 = arith.constant 0 : i32
    %add3A_21 = arith.addi %mul3A_2, %add3A_20 : i32
    %dma_start3A_22 = arith.constant 0 : i32
    %dma_start3A_23 = tpu.memref_slice %arg7[%add3A_21, %dma_start3A_22] : memref<10240x128xf32, #tpu.memory_space<vmem_shared>> -> memref<40x128xf32, #tpu.memory_space<vmem_shared>>
    %dma_start3A_24 = arith.constant 0 : i32
    %dma_start3A_25 = tpu.memref_slice %arg7[%add3A_21, %dma_start3A_24] : memref<10240x128xf32, #tpu.memory_space<vmem_shared>> -> memref<40x128xf32, #tpu.memory_space<vmem_shared>>
    tpu.enqueue_dma source(%arg8 : memref<40x128xf32, #tpu.memory_space<vmem>>) target(%dma_start3A_25 : memref<40x128xf32, #tpu.memory_space<vmem_shared>>) target_semaphore(%arg14 : memref<!tpu.dma_semaphore, #tpu.memory_space<semaphore_mem>>)
    %add3A_26 = arith.constant 40 : i32
    %add3A_27 = arith.addi %mul3A_2, %add3A_26 : i32
    %dma_start3A_28 = arith.constant 0 : i32
    %dma_start3A_29 = tpu.memref_slice %arg7[%add3A_27, %dma_start3A_28] : memref<10240x128xf32, #tpu.memory_space<vmem_shared>> -> memref<40x128xf32, #tpu.memory_space<vmem_shared>>
    %dma_start3A_30 = arith.constant 0 : i32
    %dma_start3A_31 = tpu.memref_slice %arg7[%add3A_27, %dma_start3A_30] : memref<10240x128xf32, #tpu.memory_space<vmem_shared>> -> memref<40x128xf32, #tpu.memory_space<vmem_shared>>
    tpu.enqueue_dma source(%arg8 : memref<40x128xf32, #tpu.memory_space<vmem>>) target(%dma_start3A_31 : memref<40x128xf32, #tpu.memory_space<vmem_shared>>) target_semaphore(%arg14 : memref<!tpu.dma_semaphore, #tpu.memory_space<semaphore_mem>>)
    %add3A_32 = arith.constant 80 : i32
    %add3A_33 = arith.addi %mul3A_2, %add3A_32 : i32
    %dma_start3A_34 = arith.constant 0 : i32
    %dma_start3A_35 = tpu.memref_slice %arg7[%add3A_33, %dma_start3A_34] : memref<10240x128xf32, #tpu.memory_space<vmem_shared>> -> memref<40x128xf32, #tpu.memory_space<vmem_shared>>
    %dma_start3A_36 = arith.constant 0 : i32
    %dma_start3A_37 = tpu.memref_slice %arg7[%add3A_33, %dma_start3A_36] : memref<10240x128xf32, #tpu.memory_space<vmem_shared>> -> memref<40x128xf32, #tpu.memory_space<vmem_shared>>
    tpu.enqueue_dma source(%arg8 : memref<40x128xf32, #tpu.memory_space<vmem>>) target(%dma_start3A_37 : memref<40x128xf32, #tpu.memory_space<vmem_shared>>) target_semaphore(%arg14 : memref<!tpu.dma_semaphore, #tpu.memory_space<semaphore_mem>>)
    %add3A_38 = arith.constant 120 : i32
    %add3A_39 = arith.addi %mul3A_2, %add3A_38 : i32
    %dma_start3A_40 = arith.constant 0 : i32
    %dma_start3A_41 = tpu.memref_slice %arg7[%add3A_39, %dma_start3A_40] : memref<10240x128xf32, #tpu.memory_space<vmem_shared>> -> memref<40x128xf32, #tpu.memory_space<vmem_shared>>
    %dma_start3A_42 = arith.constant 0 : i32
    %dma_start3A_43 = tpu.memref_slice %arg7[%add3A_39, %dma_start3A_42] : memref<10240x128xf32, #tpu.memory_space<vmem_shared>> -> memref<40x128xf32, #tpu.memory_space<vmem_shared>>
    tpu.enqueue_dma source(%arg8 : memref<40x128xf32, #tpu.memory_space<vmem>>) target(%dma_start3A_43 : memref<40x128xf32, #tpu.memory_space<vmem_shared>>) target_semaphore(%arg14 : memref<!tpu.dma_semaphore, #tpu.memory_space<semaphore_mem>>)
    %add3A_44 = arith.constant 160 : i32
    %add3A_45 = arith.addi %mul3A_2, %add3A_44 : i32
    %dma_start3A_46 = arith.constant 0 : i32
    %dma_start3A_47 = tpu.memref_slice %arg7[%add3A_45, %dma_start3A_46] : memref<10240x128xf32, #tpu.memory_space<vmem_shared>> -> memref<40x128xf32, #tpu.memory_space<vmem_shared>>
    %dma_start3A_48 = arith.constant 0 : i32
    %dma_start3A_49 = tpu.memref_slice %arg7[%add3A_45, %dma_start3A_48] : memref<10240x128xf32, #tpu.memory_space<vmem_shared>> -> memref<40x128xf32, #tpu.memory_space<vmem_shared>>
    tpu.enqueue_dma source(%arg8 : memref<40x128xf32, #tpu.memory_space<vmem>>) target(%dma_start3A_49 : memref<40x128xf32, #tpu.memory_space<vmem_shared>>) target_semaphore(%arg14 : memref<!tpu.dma_semaphore, #tpu.memory_space<semaphore_mem>>)
    %add3A_50 = arith.constant 200 : i32
    %add3A_51 = arith.addi %mul3A_2, %add3A_50 : i32
    %dma_start3A_52 = arith.constant 0 : i32
    %dma_start3A_53 = tpu.memref_slice %arg7[%add3A_51, %dma_start3A_52] : memref<10240x128xf32, #tpu.memory_space<vmem_shared>> -> memref<40x128xf32, #tpu.memory_space<vmem_shared>>
    %dma_start3A_54 = arith.constant 0 : i32
    %dma_start3A_55 = tpu.memref_slice %arg7[%add3A_51, %dma_start3A_54] : memref<10240x128xf32, #tpu.memory_space<vmem_shared>> -> memref<40x128xf32, #tpu.memory_space<vmem_shared>>
    tpu.enqueue_dma source(%arg8 : memref<40x128xf32, #tpu.memory_space<vmem>>) target(%dma_start3A_55 : memref<40x128xf32, #tpu.memory_space<vmem_shared>>) target_semaphore(%arg14 : memref<!tpu.dma_semaphore, #tpu.memory_space<semaphore_mem>>)
    %add3A_56 = arith.constant 240 : i32
    %add3A_57 = arith.addi %mul3A_2, %add3A_56 : i32
    %dma_start3A_58 = arith.constant 0 : i32
    %dma_start3A_59 = tpu.memref_slice %arg7[%add3A_57, %dma_start3A_58] : memref<10240x128xf32, #tpu.memory_space<vmem_shared>> -> memref<40x128xf32, #tpu.memory_space<vmem_shared>>
    %dma_start3A_60 = arith.constant 0 : i32
    %dma_start3A_61 = tpu.memref_slice %arg7[%add3A_57, %dma_start3A_60] : memref<10240x128xf32, #tpu.memory_space<vmem_shared>> -> memref<40x128xf32, #tpu.memory_space<vmem_shared>>
    tpu.enqueue_dma source(%arg8 : memref<40x128xf32, #tpu.memory_space<vmem>>) target(%dma_start3A_61 : memref<40x128xf32, #tpu.memory_space<vmem_shared>>) target_semaphore(%arg14 : memref<!tpu.dma_semaphore, #tpu.memory_space<semaphore_mem>>)
    %add3A_62 = arith.constant 280 : i32
    %add3A_63 = arith.addi %mul3A_2, %add3A_62 : i32
    %dma_start3A_64 = arith.constant 0 : i32
    %dma_start3A_65 = tpu.memref_slice %arg7[%add3A_63, %dma_start3A_64] : memref<10240x128xf32, #tpu.memory_space<vmem_shared>> -> memref<40x128xf32, #tpu.memory_space<vmem_shared>>
    %dma_start3A_66 = arith.constant 0 : i32
    %dma_start3A_67 = tpu.memref_slice %arg7[%add3A_63, %dma_start3A_66] : memref<10240x128xf32, #tpu.memory_space<vmem_shared>> -> memref<40x128xf32, #tpu.memory_space<vmem_shared>>
    tpu.enqueue_dma source(%arg8 : memref<40x128xf32, #tpu.memory_space<vmem>>) target(%dma_start3A_67 : memref<40x128xf32, #tpu.memory_space<vmem_shared>>) target_semaphore(%arg14 : memref<!tpu.dma_semaphore, #tpu.memory_space<semaphore_mem>>)
    %add3A_68 = arith.constant 320 : i32
    %add3A_69 = arith.addi %mul3A_2, %add3A_68 : i32
    %dma_start3A_70 = arith.constant 0 : i32
    %dma_start3A_71 = tpu.memref_slice %arg7[%add3A_69, %dma_start3A_70] : memref<10240x128xf32, #tpu.memory_space<vmem_shared>> -> memref<40x128xf32, #tpu.memory_space<vmem_shared>>
    %dma_start3A_72 = arith.constant 0 : i32
    %dma_start3A_73 = tpu.memref_slice %arg7[%add3A_69, %dma_start3A_72] : memref<10240x128xf32, #tpu.memory_space<vmem_shared>> -> memref<40x128xf32, #tpu.memory_space<vmem_shared>>
    tpu.enqueue_dma source(%arg8 : memref<40x128xf32, #tpu.memory_space<vmem>>) target(%dma_start3A_73 : memref<40x128xf32, #tpu.memory_space<vmem_shared>>) target_semaphore(%arg14 : memref<!tpu.dma_semaphore, #tpu.memory_space<semaphore_mem>>)
    %add3A_74 = arith.constant 360 : i32
    %add3A_75 = arith.addi %mul3A_2, %add3A_74 : i32
    %dma_start3A_76 = arith.constant 0 : i32
    %dma_start3A_77 = tpu.memref_slice %arg7[%add3A_75, %dma_start3A_76] : memref<10240x128xf32, #tpu.memory_space<vmem_shared>> -> memref<40x128xf32, #tpu.memory_space<vmem_shared>>
    %dma_start3A_78 = arith.constant 0 : i32
    %dma_start3A_79 = tpu.memref_slice %arg7[%add3A_75, %dma_start3A_78] : memref<10240x128xf32, #tpu.memory_space<vmem_shared>> -> memref<40x128xf32, #tpu.memory_space<vmem_shared>>
    tpu.enqueue_dma source(%arg8 : memref<40x128xf32, #tpu.memory_space<vmem>>) target(%dma_start3A_79 : memref<40x128xf32, #tpu.memory_space<vmem_shared>>) target_semaphore(%arg14 : memref<!tpu.dma_semaphore, #tpu.memory_space<semaphore_mem>>)
    %add3A_80 = arith.constant 400 : i32
    %add3A_81 = arith.addi %mul3A_2, %add3A_80 : i32
    %dma_start3A_82 = arith.constant 0 : i32
    %dma_start3A_83 = tpu.memref_slice %arg7[%add3A_81, %dma_start3A_82] : memref<10240x128xf32, #tpu.memory_space<vmem_shared>> -> memref<40x128xf32, #tpu.memory_space<vmem_shared>>
    %dma_start3A_84 = arith.constant 0 : i32
    %dma_start3A_85 = tpu.memref_slice %arg7[%add3A_81, %dma_start3A_84] : memref<10240x128xf32, #tpu.memory_space<vmem_shared>> -> memref<40x128xf32, #tpu.memory_space<vmem_shared>>
    tpu.enqueue_dma source(%arg8 : memref<40x128xf32, #tpu.memory_space<vmem>>) target(%dma_start3A_85 : memref<40x128xf32, #tpu.memory_space<vmem_shared>>) target_semaphore(%arg14 : memref<!tpu.dma_semaphore, #tpu.memory_space<semaphore_mem>>)
    %add3A_86 = arith.constant 440 : i32
    %add3A_87 = arith.addi %mul3A_2, %add3A_86 : i32
    %dma_start3A_88 = arith.constant 0 : i32
    %dma_start3A_89 = tpu.memref_slice %arg7[%add3A_87, %dma_start3A_88] : memref<10240x128xf32, #tpu.memory_space<vmem_shared>> -> memref<40x128xf32, #tpu.memory_space<vmem_shared>>
    %dma_start3A_90 = arith.constant 0 : i32
    %dma_start3A_91 = tpu.memref_slice %arg7[%add3A_87, %dma_start3A_90] : memref<10240x128xf32, #tpu.memory_space<vmem_shared>> -> memref<40x128xf32, #tpu.memory_space<vmem_shared>>
    tpu.enqueue_dma source(%arg8 : memref<40x128xf32, #tpu.memory_space<vmem>>) target(%dma_start3A_91 : memref<40x128xf32, #tpu.memory_space<vmem_shared>>) target_semaphore(%arg14 : memref<!tpu.dma_semaphore, #tpu.memory_space<semaphore_mem>>)
    %add3A_92 = arith.constant 480 : i32
    %add3A_93 = arith.addi %mul3A_2, %add3A_92 : i32
    %dma_start3A_94 = arith.constant 0 : i32
    %dma_start3A_95 = tpu.memref_slice %arg7[%add3A_93, %dma_start3A_94] : memref<10240x128xf32, #tpu.memory_space<vmem_shared>> -> memref<40x128xf32, #tpu.memory_space<vmem_shared>>
    %dma_start3A_96 = arith.constant 0 : i32
    %dma_start3A_97 = tpu.memref_slice %arg7[%add3A_93, %dma_start3A_96] : memref<10240x128xf32, #tpu.memory_space<vmem_shared>> -> memref<40x128xf32, #tpu.memory_space<vmem_shared>>
    tpu.enqueue_dma source(%arg8 : memref<40x128xf32, #tpu.memory_space<vmem>>) target(%dma_start3A_97 : memref<40x128xf32, #tpu.memory_space<vmem_shared>>) target_semaphore(%arg14 : memref<!tpu.dma_semaphore, #tpu.memory_space<semaphore_mem>>)
    %add3A_98 = arith.constant 520 : i32
    %add3A_99 = arith.addi %mul3A_2, %add3A_98 : i32
    %dma_start3A_100 = arith.constant 0 : i32
    %dma_start3A_101 = tpu.memref_slice %arg7[%add3A_99, %dma_start3A_100] : memref<10240x128xf32, #tpu.memory_space<vmem_shared>> -> memref<40x128xf32, #tpu.memory_space<vmem_shared>>
    %dma_start3A_102 = arith.constant 0 : i32
    %dma_start3A_103 = tpu.memref_slice %arg7[%add3A_99, %dma_start3A_102] : memref<10240x128xf32, #tpu.memory_space<vmem_shared>> -> memref<40x128xf32, #tpu.memory_space<vmem_shared>>
    tpu.enqueue_dma source(%arg8 : memref<40x128xf32, #tpu.memory_space<vmem>>) target(%dma_start3A_103 : memref<40x128xf32, #tpu.memory_space<vmem_shared>>) target_semaphore(%arg14 : memref<!tpu.dma_semaphore, #tpu.memory_space<semaphore_mem>>)
    %add3A_104 = arith.constant 560 : i32
    %add3A_105 = arith.addi %mul3A_2, %add3A_104 : i32
    %dma_start3A_106 = arith.constant 0 : i32
    %dma_start3A_107 = tpu.memref_slice %arg7[%add3A_105, %dma_start3A_106] : memref<10240x128xf32, #tpu.memory_space<vmem_shared>> -> memref<40x128xf32, #tpu.memory_space<vmem_shared>>
    %dma_start3A_108 = arith.constant 0 : i32
    %dma_start3A_109 = tpu.memref_slice %arg7[%add3A_105, %dma_start3A_108] : memref<10240x128xf32, #tpu.memory_space<vmem_shared>> -> memref<40x128xf32, #tpu.memory_space<vmem_shared>>
    tpu.enqueue_dma source(%arg8 : memref<40x128xf32, #tpu.memory_space<vmem>>) target(%dma_start3A_109 : memref<40x128xf32, #tpu.memory_space<vmem_shared>>) target_semaphore(%arg14 : memref<!tpu.dma_semaphore, #tpu.memory_space<semaphore_mem>>)
    %add3A_110 = arith.constant 600 : i32
    %add3A_111 = arith.addi %mul3A_2, %add3A_110 : i32
    %dma_start3A_112 = arith.constant 0 : i32
    %dma_start3A_113 = tpu.memref_slice %arg7[%add3A_111, %dma_start3A_112] : memref<10240x128xf32, #tpu.memory_space<vmem_shared>> -> memref<40x128xf32, #tpu.memory_space<vmem_shared>>
    %dma_start3A_114 = arith.constant 0 : i32
    %dma_start3A_115 = tpu.memref_slice %arg7[%add3A_111, %dma_start3A_114] : memref<10240x128xf32, #tpu.memory_space<vmem_shared>> -> memref<40x128xf32, #tpu.memory_space<vmem_shared>>
    tpu.enqueue_dma source(%arg8 : memref<40x128xf32, #tpu.memory_space<vmem>>) target(%dma_start3A_115 : memref<40x128xf32, #tpu.memory_space<vmem_shared>>) target_semaphore(%arg14 : memref<!tpu.dma_semaphore, #tpu.memory_space<semaphore_mem>>)
    %dma_wait3A = arith.constant 0 : i32
    %dma_wait3A_116 = tpu.memref_slice %arg7[%add3A_21, %dma_wait3A] : memref<10240x128xf32, #tpu.memory_space<vmem_shared>> -> memref<40x128xf32, #tpu.memory_space<vmem_shared>>
    %dma_wait3A_117 = arith.constant 0 : i32
    %dma_wait3A_118 = tpu.memref_slice %arg7[%add3A_21, %dma_wait3A_117] : memref<10240x128xf32, #tpu.memory_space<vmem_shared>> -> memref<40x128xf32, #tpu.memory_space<vmem_shared>>
    tpu.wait_dma2 semaphore(%arg14 : memref<!tpu.dma_semaphore, #tpu.memory_space<semaphore_mem>>) src(%arg8 : memref<40x128xf32, #tpu.memory_space<vmem>>) dst(%dma_wait3A_118 : memref<40x128xf32, #tpu.memory_space<vmem_shared>>)
    %dma_wait3A_119 = arith.constant 0 : i32
    %dma_wait3A_120 = tpu.memref_slice %arg7[%add3A_27, %dma_wait3A_119] : memref<10240x128xf32, #tpu.memory_space<vmem_shared>> -> memref<40x128xf32, #tpu.memory_space<vmem_shared>>
    %dma_wait3A_121 = arith.constant 0 : i32
    %dma_wait3A_122 = tpu.memref_slice %arg7[%add3A_27, %dma_wait3A_121] : memref<10240x128xf32, #tpu.memory_space<vmem_shared>> -> memref<40x128xf32, #tpu.memory_space<vmem_shared>>
    tpu.wait_dma2 semaphore(%arg14 : memref<!tpu.dma_semaphore, #tpu.memory_space<semaphore_mem>>) src(%arg8 : memref<40x128xf32, #tpu.memory_space<vmem>>) dst(%dma_wait3A_122 : memref<40x128xf32, #tpu.memory_space<vmem_shared>>)
    %dma_wait3A_123 = arith.constant 0 : i32
    %dma_wait3A_124 = tpu.memref_slice %arg7[%add3A_33, %dma_wait3A_123] : memref<10240x128xf32, #tpu.memory_space<vmem_shared>> -> memref<40x128xf32, #tpu.memory_space<vmem_shared>>
    %dma_wait3A_125 = arith.constant 0 : i32
    %dma_wait3A_126 = tpu.memref_slice %arg7[%add3A_33, %dma_wait3A_125] : memref<10240x128xf32, #tpu.memory_space<vmem_shared>> -> memref<40x128xf32, #tpu.memory_space<vmem_shared>>
    tpu.wait_dma2 semaphore(%arg14 : memref<!tpu.dma_semaphore, #tpu.memory_space<semaphore_mem>>) src(%arg8 : memref<40x128xf32, #tpu.memory_space<vmem>>) dst(%dma_wait3A_126 : memref<40x128xf32, #tpu.memory_space<vmem_shared>>)
    %dma_wait3A_127 = arith.constant 0 : i32
    %dma_wait3A_128 = tpu.memref_slice %arg7[%add3A_39, %dma_wait3A_127] : memref<10240x128xf32, #tpu.memory_space<vmem_shared>> -> memref<40x128xf32, #tpu.memory_space<vmem_shared>>
    %dma_wait3A_129 = arith.constant 0 : i32
    %dma_wait3A_130 = tpu.memref_slice %arg7[%add3A_39, %dma_wait3A_129] : memref<10240x128xf32, #tpu.memory_space<vmem_shared>> -> memref<40x128xf32, #tpu.memory_space<vmem_shared>>
    tpu.wait_dma2 semaphore(%arg14 : memref<!tpu.dma_semaphore, #tpu.memory_space<semaphore_mem>>) src(%arg8 : memref<40x128xf32, #tpu.memory_space<vmem>>) dst(%dma_wait3A_130 : memref<40x128xf32, #tpu.memory_space<vmem_shared>>)
    %dma_wait3A_131 = arith.constant 0 : i32
    %dma_wait3A_132 = tpu.memref_slice %arg7[%add3A_45, %dma_wait3A_131] : memref<10240x128xf32, #tpu.memory_space<vmem_shared>> -> memref<40x128xf32, #tpu.memory_space<vmem_shared>>
    %dma_wait3A_133 = arith.constant 0 : i32
    %dma_wait3A_134 = tpu.memref_slice %arg7[%add3A_45, %dma_wait3A_133] : memref<10240x128xf32, #tpu.memory_space<vmem_shared>> -> memref<40x128xf32, #tpu.memory_space<vmem_shared>>
    tpu.wait_dma2 semaphore(%arg14 : memref<!tpu.dma_semaphore, #tpu.memory_space<semaphore_mem>>) src(%arg8 : memref<40x128xf32, #tpu.memory_space<vmem>>) dst(%dma_wait3A_134 : memref<40x128xf32, #tpu.memory_space<vmem_shared>>)
    %dma_wait3A_135 = arith.constant 0 : i32
    %dma_wait3A_136 = tpu.memref_slice %arg7[%add3A_51, %dma_wait3A_135] : memref<10240x128xf32, #tpu.memory_space<vmem_shared>> -> memref<40x128xf32, #tpu.memory_space<vmem_shared>>
    %dma_wait3A_137 = arith.constant 0 : i32
    %dma_wait3A_138 = tpu.memref_slice %arg7[%add3A_51, %dma_wait3A_137] : memref<10240x128xf32, #tpu.memory_space<vmem_shared>> -> memref<40x128xf32, #tpu.memory_space<vmem_shared>>
    tpu.wait_dma2 semaphore(%arg14 : memref<!tpu.dma_semaphore, #tpu.memory_space<semaphore_mem>>) src(%arg8 : memref<40x128xf32, #tpu.memory_space<vmem>>) dst(%dma_wait3A_138 : memref<40x128xf32, #tpu.memory_space<vmem_shared>>)
    %dma_wait3A_139 = arith.constant 0 : i32
    %dma_wait3A_140 = tpu.memref_slice %arg7[%add3A_57, %dma_wait3A_139] : memref<10240x128xf32, #tpu.memory_space<vmem_shared>> -> memref<40x128xf32, #tpu.memory_space<vmem_shared>>
    %dma_wait3A_141 = arith.constant 0 : i32
    %dma_wait3A_142 = tpu.memref_slice %arg7[%add3A_57, %dma_wait3A_141] : memref<10240x128xf32, #tpu.memory_space<vmem_shared>> -> memref<40x128xf32, #tpu.memory_space<vmem_shared>>
    tpu.wait_dma2 semaphore(%arg14 : memref<!tpu.dma_semaphore, #tpu.memory_space<semaphore_mem>>) src(%arg8 : memref<40x128xf32, #tpu.memory_space<vmem>>) dst(%dma_wait3A_142 : memref<40x128xf32, #tpu.memory_space<vmem_shared>>)
    %dma_wait3A_143 = arith.constant 0 : i32
    %dma_wait3A_144 = tpu.memref_slice %arg7[%add3A_63, %dma_wait3A_143] : memref<10240x128xf32, #tpu.memory_space<vmem_shared>> -> memref<40x128xf32, #tpu.memory_space<vmem_shared>>
    %dma_wait3A_145 = arith.constant 0 : i32
    %dma_wait3A_146 = tpu.memref_slice %arg7[%add3A_63, %dma_wait3A_145] : memref<10240x128xf32, #tpu.memory_space<vmem_shared>> -> memref<40x128xf32, #tpu.memory_space<vmem_shared>>
    tpu.wait_dma2 semaphore(%arg14 : memref<!tpu.dma_semaphore, #tpu.memory_space<semaphore_mem>>) src(%arg8 : memref<40x128xf32, #tpu.memory_space<vmem>>) dst(%dma_wait3A_146 : memref<40x128xf32, #tpu.memory_space<vmem_shared>>)
    %dma_wait3A_147 = arith.constant 0 : i32
    %dma_wait3A_148 = tpu.memref_slice %arg7[%add3A_69, %dma_wait3A_147] : memref<10240x128xf32, #tpu.memory_space<vmem_shared>> -> memref<40x128xf32, #tpu.memory_space<vmem_shared>>
    %dma_wait3A_149 = arith.constant 0 : i32
    %dma_wait3A_150 = tpu.memref_slice %arg7[%add3A_69, %dma_wait3A_149] : memref<10240x128xf32, #tpu.memory_space<vmem_shared>> -> memref<40x128xf32, #tpu.memory_space<vmem_shared>>
    tpu.wait_dma2 semaphore(%arg14 : memref<!tpu.dma_semaphore, #tpu.memory_space<semaphore_mem>>) src(%arg8 : memref<40x128xf32, #tpu.memory_space<vmem>>) dst(%dma_wait3A_150 : memref<40x128xf32, #tpu.memory_space<vmem_shared>>)
    %dma_wait3A_151 = arith.constant 0 : i32
    %dma_wait3A_152 = tpu.memref_slice %arg7[%add3A_75, %dma_wait3A_151] : memref<10240x128xf32, #tpu.memory_space<vmem_shared>> -> memref<40x128xf32, #tpu.memory_space<vmem_shared>>
    %dma_wait3A_153 = arith.constant 0 : i32
    %dma_wait3A_154 = tpu.memref_slice %arg7[%add3A_75, %dma_wait3A_153] : memref<10240x128xf32, #tpu.memory_space<vmem_shared>> -> memref<40x128xf32, #tpu.memory_space<vmem_shared>>
    tpu.wait_dma2 semaphore(%arg14 : memref<!tpu.dma_semaphore, #tpu.memory_space<semaphore_mem>>) src(%arg8 : memref<40x128xf32, #tpu.memory_space<vmem>>) dst(%dma_wait3A_154 : memref<40x128xf32, #tpu.memory_space<vmem_shared>>)
    %dma_wait3A_155 = arith.constant 0 : i32
    %dma_wait3A_156 = tpu.memref_slice %arg7[%add3A_81, %dma_wait3A_155] : memref<10240x128xf32, #tpu.memory_space<vmem_shared>> -> memref<40x128xf32, #tpu.memory_space<vmem_shared>>
    %dma_wait3A_157 = arith.constant 0 : i32
    %dma_wait3A_158 = tpu.memref_slice %arg7[%add3A_81, %dma_wait3A_157] : memref<10240x128xf32, #tpu.memory_space<vmem_shared>> -> memref<40x128xf32, #tpu.memory_space<vmem_shared>>
    tpu.wait_dma2 semaphore(%arg14 : memref<!tpu.dma_semaphore, #tpu.memory_space<semaphore_mem>>) src(%arg8 : memref<40x128xf32, #tpu.memory_space<vmem>>) dst(%dma_wait3A_158 : memref<40x128xf32, #tpu.memory_space<vmem_shared>>)
    %dma_wait3A_159 = arith.constant 0 : i32
    %dma_wait3A_160 = tpu.memref_slice %arg7[%add3A_87, %dma_wait3A_159] : memref<10240x128xf32, #tpu.memory_space<vmem_shared>> -> memref<40x128xf32, #tpu.memory_space<vmem_shared>>
    %dma_wait3A_161 = arith.constant 0 : i32
    %dma_wait3A_162 = tpu.memref_slice %arg7[%add3A_87, %dma_wait3A_161] : memref<10240x128xf32, #tpu.memory_space<vmem_shared>> -> memref<40x128xf32, #tpu.memory_space<vmem_shared>>
    tpu.wait_dma2 semaphore(%arg14 : memref<!tpu.dma_semaphore, #tpu.memory_space<semaphore_mem>>) src(%arg8 : memref<40x128xf32, #tpu.memory_space<vmem>>) dst(%dma_wait3A_162 : memref<40x128xf32, #tpu.memory_space<vmem_shared>>)
    %dma_wait3A_163 = arith.constant 0 : i32
    %dma_wait3A_164 = tpu.memref_slice %arg7[%add3A_93, %dma_wait3A_163] : memref<10240x128xf32, #tpu.memory_space<vmem_shared>> -> memref<40x128xf32, #tpu.memory_space<vmem_shared>>
    %dma_wait3A_165 = arith.constant 0 : i32
    %dma_wait3A_166 = tpu.memref_slice %arg7[%add3A_93, %dma_wait3A_165] : memref<10240x128xf32, #tpu.memory_space<vmem_shared>> -> memref<40x128xf32, #tpu.memory_space<vmem_shared>>
    tpu.wait_dma2 semaphore(%arg14 : memref<!tpu.dma_semaphore, #tpu.memory_space<semaphore_mem>>) src(%arg8 : memref<40x128xf32, #tpu.memory_space<vmem>>) dst(%dma_wait3A_166 : memref<40x128xf32, #tpu.memory_space<vmem_shared>>)
    %dma_wait3A_167 = arith.constant 0 : i32
    %dma_wait3A_168 = tpu.memref_slice %arg7[%add3A_99, %dma_wait3A_167] : memref<10240x128xf32, #tpu.memory_space<vmem_shared>> -> memref<40x128xf32, #tpu.memory_space<vmem_shared>>
    %dma_wait3A_169 = arith.constant 0 : i32
    %dma_wait3A_170 = tpu.memref_slice %arg7[%add3A_99, %dma_wait3A_169] : memref<10240x128xf32, #tpu.memory_space<vmem_shared>> -> memref<40x128xf32, #tpu.memory_space<vmem_shared>>
    tpu.wait_dma2 semaphore(%arg14 : memref<!tpu.dma_semaphore, #tpu.memory_space<semaphore_mem>>) src(%arg8 : memref<40x128xf32, #tpu.memory_space<vmem>>) dst(%dma_wait3A_170 : memref<40x128xf32, #tpu.memory_space<vmem_shared>>)
    %dma_wait3A_171 = arith.constant 0 : i32
    %dma_wait3A_172 = tpu.memref_slice %arg7[%add3A_105, %dma_wait3A_171] : memref<10240x128xf32, #tpu.memory_space<vmem_shared>> -> memref<40x128xf32, #tpu.memory_space<vmem_shared>>
    %dma_wait3A_173 = arith.constant 0 : i32
    %dma_wait3A_174 = tpu.memref_slice %arg7[%add3A_105, %dma_wait3A_173] : memref<10240x128xf32, #tpu.memory_space<vmem_shared>> -> memref<40x128xf32, #tpu.memory_space<vmem_shared>>
    tpu.wait_dma2 semaphore(%arg14 : memref<!tpu.dma_semaphore, #tpu.memory_space<semaphore_mem>>) src(%arg8 : memref<40x128xf32, #tpu.memory_space<vmem>>) dst(%dma_wait3A_174 : memref<40x128xf32, #tpu.memory_space<vmem_shared>>)
    %dma_wait3A_175 = arith.constant 0 : i32
    %dma_wait3A_176 = tpu.memref_slice %arg7[%add3A_111, %dma_wait3A_175] : memref<10240x128xf32, #tpu.memory_space<vmem_shared>> -> memref<40x128xf32, #tpu.memory_space<vmem_shared>>
    %dma_wait3A_177 = arith.constant 0 : i32
    %dma_wait3A_178 = tpu.memref_slice %arg7[%add3A_111, %dma_wait3A_177] : memref<10240x128xf32, #tpu.memory_space<vmem_shared>> -> memref<40x128xf32, #tpu.memory_space<vmem_shared>>
    tpu.wait_dma2 semaphore(%arg14 : memref<!tpu.dma_semaphore, #tpu.memory_space<semaphore_mem>>) src(%arg8 : memref<40x128xf32, #tpu.memory_space<vmem>>) dst(%dma_wait3A_178 : memref<40x128xf32, #tpu.memory_space<vmem_shared>>)
    %dma_wait3A_179 = arith.constant 0 : i32
    %dma_wait3A_180 = arith.constant 0 : i32
    %dma_wait3A_181 = arith.constant 0 : i32
    %dma_wait3A_182 = tpu.memref_slice %arg3[%dma_wait3A_179, %add3A, %dma_wait3A_180, %dma_wait3A_181] : memref<2x32x50x100xi32, #tpu.memory_space<hbm>> -> memref<1x1x50x100xi32, #tpu.memory_space<hbm>>
    %dma_wait3A_183 = tpu.memref_squeeze %dma_wait3A_182 : memref<1x1x50x100xi32, #tpu.memory_space<hbm>> -> memref<50x100xi32, #tpu.memory_space<hbm>>
    %dma_wait3A_184 = arith.constant 0 : i32
    %dma_wait3A_185 = arith.constant 0 : i32
    %dma_wait3A_186 = tpu.memref_slice %arg3[%dma_wait3A_179, %add3A, %dma_wait3A_184, %dma_wait3A_185] : memref<2x32x50x100xi32, #tpu.memory_space<hbm>> -> memref<1x1x50x100xi32, #tpu.memory_space<hbm>>
    %dma_wait3A_187 = tpu.memref_squeeze %dma_wait3A_186 : memref<1x1x50x100xi32, #tpu.memory_space<hbm>> -> memref<50x100xi32, #tpu.memory_space<hbm>>
    tpu.wait_dma2 semaphore(%arg16 : memref<!tpu.dma_semaphore, #tpu.memory_space<semaphore_mem>>) src(%dma_wait3A_187 : memref<50x100xi32, #tpu.memory_space<hbm>>) dst(%arg12 : memref<50x100xi32, #tpu.memory_space<vmem>>)
    %dma_wait3A_188 = arith.constant 1 : i32
    %dma_wait3A_189 = arith.constant 0 : i32
    %dma_wait3A_190 = arith.constant 0 : i32
    %dma_wait3A_191 = tpu.memref_slice %arg3[%dma_wait3A_188, %add3A, %dma_wait3A_189, %dma_wait3A_190] : memref<2x32x50x100xi32, #tpu.memory_space<hbm>> -> memref<1x1x50x100xi32, #tpu.memory_space<hbm>>
    %dma_wait3A_192 = tpu.memref_squeeze %dma_wait3A_191 : memref<1x1x50x100xi32, #tpu.memory_space<hbm>> -> memref<50x100xi32, #tpu.memory_space<hbm>>
    %dma_wait3A_193 = arith.constant 0 : i32
    %dma_wait3A_194 = arith.constant 0 : i32
    %dma_wait3A_195 = tpu.memref_slice %arg3[%dma_wait3A_188, %add3A, %dma_wait3A_193, %dma_wait3A_194] : memref<2x32x50x100xi32, #tpu.memory_space<hbm>> -> memref<1x1x50x100xi32, #tpu.memory_space<hbm>>
    %dma_wait3A_196 = tpu.memref_squeeze %dma_wait3A_195 : memref<1x1x50x100xi32, #tpu.memory_space<hbm>> -> memref<50x100xi32, #tpu.memory_space<hbm>>
    tpu.wait_dma2 semaphore(%arg16 : memref<!tpu.dma_semaphore, #tpu.memory_space<semaphore_mem>>) src(%dma_wait3A_196 : memref<50x100xi32, #tpu.memory_space<hbm>>) dst(%arg13 : memref<50x100xi32, #tpu.memory_space<vmem>>)
    %barrier3A = arith.constant 0 : index
    tpu.barrier barrier_id(%barrier3A)
    %dma_start3A_197 = arith.constant 0 : i32
    %dma_start3A_198 = arith.constant 0 : i32
    %dma_start3A_199 = tpu.memref_slice %arg12[%dma_start3A_197, %dma_start3A_198] : memref<50x100xi32, #tpu.memory_space<vmem>> -> memref<1x100xi32, #tpu.memory_space<vmem>>
    %dma_start3A_200 = tpu.memref_squeeze %dma_start3A_199 : memref<1x100xi32, #tpu.memory_space<vmem>> -> memref<100xi32, #tpu.memory_space<vmem>>
    %dma_start3A_201 = arith.constant 0 : i32
    %dma_start3A_202 = arith.constant 0 : i32
    %dma_start3A_203 = tpu.memref_slice %arg2[%dma_start3A_201, %dma_start3A_202] : memref<10000x128xf32, #tpu.memory_space<hbm>> -> memref<10000x128xf32, #tpu.memory_space<hbm>>
    tpu.enqueue_indirect_dma source(%dma_start3A_203 : memref<10000x128xf32, #tpu.memory_space<hbm>>) target(%arg10 : memref<100x128xf32, #tpu.memory_space<vmem>>) offsets(%dma_start3A_200 : memref<100xi32, #tpu.memory_space<vmem>>) semaphore(%arg14 : memref<!tpu.dma_semaphore, #tpu.memory_space<semaphore_mem>>)
    %scan3A = arith.constant 0 : i32
    %scan3A_204 = arith.constant 0 : i32
    %scan3A_205 = arith.constant 25 : i32
    %scan3A_206 = arith.addi %scan3A_204, %scan3A_205 : i32
    %scan3A_207 = arith.constant 1 : i32
    %scan3A_208 = scf.for %scan3A_503 = %scan3A_204 to %scan3A_206 step %scan3A_207 iter_args(%scan3A_504 = %scan3A) -> (i32)  : i32 {
      %mul3A_505 = arith.constant 2 : i32
      %mul3A_506 = arith.muli %mul3A_505, %scan3A_503 : i32
      %dma_wait3A_507 = arith.constant 0 : i32
      %dma_wait3A_508 = tpu.memref_slice %arg12[%mul3A_506, %dma_wait3A_507] : memref<50x100xi32, #tpu.memory_space<vmem>> -> memref<1x100xi32, #tpu.memory_space<vmem>>
      %dma_wait3A_509 = tpu.memref_squeeze %dma_wait3A_508 : memref<1x100xi32, #tpu.memory_space<vmem>> -> memref<100xi32, #tpu.memory_space<vmem>>
      %dma_wait3A_510 = arith.constant 0 : i32
      %dma_wait3A_511 = arith.constant 0 : i32
      %dma_wait3A_512 = tpu.memref_slice %arg2[%dma_wait3A_510, %dma_wait3A_511] : memref<10000x128xf32, #tpu.memory_space<hbm>> -> memref<10000x128xf32, #tpu.memory_space<hbm>>
      tpu.wait_indirect_dma semaphore(%arg14 : memref<!tpu.dma_semaphore, #tpu.memory_space<semaphore_mem>>) src(%dma_wait3A_512 : memref<10000x128xf32, #tpu.memory_space<hbm>>) dst(%arg10 : memref<100x128xf32, #tpu.memory_space<vmem>>)
      %ge3A = arith.constant 1 : i32
      %ge3A_513 = arith.cmpi sge, %mul3A_506, %ge3A : i32
      %convert_element_type3A_514 = arith.extui %ge3A_513 : i1 to i32
      %cond3A_515 = arith.constant 0 : i32
      %cond3A_516 = arith.cmpi ne, %convert_element_type3A_514, %cond3A_515 : i32
      scf.if %cond3A_516 {
        %sub3A = arith.constant 1 : i32
        %sub3A_554 = arith.subi %mul3A_506, %sub3A : i32
        %dma_wait3A_555 = arith.constant 0 : i32
        %dma_wait3A_556 = tpu.memref_slice %arg13[%sub3A_554, %dma_wait3A_555] : memref<50x100xi32, #tpu.memory_space<vmem>> -> memref<1x100xi32, #tpu.memory_space<vmem>>
        %dma_wait3A_557 = tpu.memref_squeeze %dma_wait3A_556 : memref<1x100xi32, #tpu.memory_space<vmem>> -> memref<100xi32, #tpu.memory_space<vmem>>
        %dma_wait3A_558 = arith.constant 0 : i32
        %dma_wait3A_559 = arith.constant 0 : i32
        %dma_wait3A_560 = tpu.memref_slice %arg7[%dma_wait3A_558, %dma_wait3A_559] : memref<10240x128xf32, #tpu.memory_space<vmem_shared>> -> memref<10240x128xf32, #tpu.memory_space<vmem_shared>>
        tpu.wait_indirect_dma semaphore(%arg15 : memref<!tpu.dma_semaphore, #tpu.memory_space<semaphore_mem>>) src(%arg11 : memref<100x128xf32, #tpu.memory_space<vmem>>) dst(%dma_wait3A_560 : memref<10240x128xf32, #tpu.memory_space<vmem_shared>>)
      } else {
      }
      %lt3A = arith.constant 49 : i32
      %lt3A_517 = arith.cmpi slt, %mul3A_506, %lt3A : i32
      %convert_element_type3A_518 = arith.extui %lt3A_517 : i1 to i32
      %cond3A_519 = arith.constant 0 : i32
      %cond3A_520 = arith.cmpi ne, %convert_element_type3A_518, %cond3A_519 : i32
      scf.if %cond3A_520 {
        %add3A_554 = arith.constant 1 : i32
        %add3A_555 = arith.addi %mul3A_506, %add3A_554 : i32
        %dma_start3A_556 = arith.constant 0 : i32
        %dma_start3A_557 = tpu.memref_slice %arg12[%add3A_555, %dma_start3A_556] : memref<50x100xi32, #tpu.memory_space<vmem>> -> memref<1x100xi32, #tpu.memory_space<vmem>>
        %dma_start3A_558 = tpu.memref_squeeze %dma_start3A_557 : memref<1x100xi32, #tpu.memory_space<vmem>> -> memref<100xi32, #tpu.memory_space<vmem>>
        %dma_start3A_559 = arith.constant 0 : i32
        %dma_start3A_560 = arith.constant 0 : i32
        %dma_start3A_561 = tpu.memref_slice %arg2[%dma_start3A_559, %dma_start3A_560] : memref<10000x128xf32, #tpu.memory_space<hbm>> -> memref<10000x128xf32, #tpu.memory_space<hbm>>
        tpu.enqueue_indirect_dma source(%dma_start3A_561 : memref<10000x128xf32, #tpu.memory_space<hbm>>) target(%arg11 : memref<100x128xf32, #tpu.memory_space<vmem>>) offsets(%dma_start3A_558 : memref<100xi32, #tpu.memory_space<vmem>>) semaphore(%arg14 : memref<!tpu.dma_semaphore, #tpu.memory_space<semaphore_mem>>)
      } else {
      }
      %dma_start3A_521 = arith.constant 0 : i32
      %dma_start3A_522 = tpu.memref_slice %arg13[%mul3A_506, %dma_start3A_521] : memref<50x100xi32, #tpu.memory_space<vmem>> -> memref<1x100xi32, #tpu.memory_space<vmem>>
      %dma_start3A_523 = tpu.memref_squeeze %dma_start3A_522 : memref<1x100xi32, #tpu.memory_space<vmem>> -> memref<100xi32, #tpu.memory_space<vmem>>
      %dma_start3A_524 = arith.constant 0 : i32
      %dma_start3A_525 = arith.constant 0 : i32
      %dma_start3A_526 = tpu.memref_slice %arg7[%dma_start3A_524, %dma_start3A_525] : memref<10240x128xf32, #tpu.memory_space<vmem_shared>> -> memref<10240x128xf32, #tpu.memory_space<vmem_shared>>
      tpu.enqueue_indirect_dma source(%arg10 : memref<100x128xf32, #tpu.memory_space<vmem>>) target(%dma_start3A_526 : memref<10240x128xf32, #tpu.memory_space<vmem_shared>>) offsets(%dma_start3A_523 : memref<100xi32, #tpu.memory_space<vmem>>) semaphore(%arg15 : memref<!tpu.dma_semaphore, #tpu.memory_space<semaphore_mem>>) {add = true}
      %mul3A_527 = arith.constant 2 : i32
      %mul3A_528 = arith.muli %mul3A_527, %scan3A_503 : i32
      %add3A_529 = arith.constant 1 : i32
      %add3A_530 = arith.addi %mul3A_528, %add3A_529 : i32
      %dma_wait3A_531 = arith.constant 0 : i32
      %dma_wait3A_532 = tpu.memref_slice %arg12[%add3A_530, %dma_wait3A_531] : memref<50x100xi32, #tpu.memory_space<vmem>> -> memref<1x100xi32, #tpu.memory_space<vmem>>
      %dma_wait3A_533 = tpu.memref_squeeze %dma_wait3A_532 : memref<1x100xi32, #tpu.memory_space<vmem>> -> memref<100xi32, #tpu.memory_space<vmem>>
      %dma_wait3A_534 = arith.constant 0 : i32
      %dma_wait3A_535 = arith.constant 0 : i32
      %dma_wait3A_536 = tpu.memref_slice %arg2[%dma_wait3A_534, %dma_wait3A_535] : memref<10000x128xf32, #tpu.memory_space<hbm>> -> memref<10000x128xf32, #tpu.memory_space<hbm>>
      tpu.wait_indirect_dma semaphore(%arg14 : memref<!tpu.dma_semaphore, #tpu.memory_space<semaphore_mem>>) src(%dma_wait3A_536 : memref<10000x128xf32, #tpu.memory_space<hbm>>) dst(%arg11 : memref<100x128xf32, #tpu.memory_space<vmem>>)
      %ge3A_537 = arith.constant 1 : i32
      %ge3A_538 = arith.cmpi sge, %add3A_530, %ge3A_537 : i32
      %convert_element_type3A_539 = arith.extui %ge3A_538 : i1 to i32
      %cond3A_540 = arith.constant 0 : i32
      %cond3A_541 = arith.cmpi ne, %convert_element_type3A_539, %cond3A_540 : i32
      scf.if %cond3A_541 {
        %sub3A = arith.constant 1 : i32
        %sub3A_554 = arith.subi %add3A_530, %sub3A : i32
        %dma_wait3A_555 = arith.constant 0 : i32
        %dma_wait3A_556 = tpu.memref_slice %arg13[%sub3A_554, %dma_wait3A_555] : memref<50x100xi32, #tpu.memory_space<vmem>> -> memref<1x100xi32, #tpu.memory_space<vmem>>
        %dma_wait3A_557 = tpu.memref_squeeze %dma_wait3A_556 : memref<1x100xi32, #tpu.memory_space<vmem>> -> memref<100xi32, #tpu.memory_space<vmem>>
        %dma_wait3A_558 = arith.constant 0 : i32
        %dma_wait3A_559 = arith.constant 0 : i32
        %dma_wait3A_560 = tpu.memref_slice %arg7[%dma_wait3A_558, %dma_wait3A_559] : memref<10240x128xf32, #tpu.memory_space<vmem_shared>> -> memref<10240x128xf32, #tpu.memory_space<vmem_shared>>
        tpu.wait_indirect_dma semaphore(%arg15 : memref<!tpu.dma_semaphore, #tpu.memory_space<semaphore_mem>>) src(%arg10 : memref<100x128xf32, #tpu.memory_space<vmem>>) dst(%dma_wait3A_560 : memref<10240x128xf32, #tpu.memory_space<vmem_shared>>)
      } else {
      }
      %lt3A_542 = arith.constant 49 : i32
      %lt3A_543 = arith.cmpi slt, %add3A_530, %lt3A_542 : i32
      %convert_element_type3A_544 = arith.extui %lt3A_543 : i1 to i32
      %cond3A_545 = arith.constant 0 : i32
      %cond3A_546 = arith.cmpi ne, %convert_element_type3A_544, %cond3A_545 : i32
      scf.if %cond3A_546 {
        %add3A_554 = arith.constant 1 : i32
        %add3A_555 = arith.addi %add3A_530, %add3A_554 : i32
        %dma_start3A_556 = arith.constant 0 : i32
        %dma_start3A_557 = tpu.memref_slice %arg12[%add3A_555, %dma_start3A_556] : memref<50x100xi32, #tpu.memory_space<vmem>> -> memref<1x100xi32, #tpu.memory_space<vmem>>
        %dma_start3A_558 = tpu.memref_squeeze %dma_start3A_557 : memref<1x100xi32, #tpu.memory_space<vmem>> -> memref<100xi32, #tpu.memory_space<vmem>>
        %dma_start3A_559 = arith.constant 0 : i32
        %dma_start3A_560 = arith.constant 0 : i32
        %dma_start3A_561 = tpu.memref_slice %arg2[%dma_start3A_559, %dma_start3A_560] : memref<10000x128xf32, #tpu.memory_space<hbm>> -> memref<10000x128xf32, #tpu.memory_space<hbm>>
        tpu.enqueue_indirect_dma source(%dma_start3A_561 : memref<10000x128xf32, #tpu.memory_space<hbm>>) target(%arg10 : memref<100x128xf32, #tpu.memory_space<vmem>>) offsets(%dma_start3A_558 : memref<100xi32, #tpu.memory_space<vmem>>) semaphore(%arg14 : memref<!tpu.dma_semaphore, #tpu.memory_space<semaphore_mem>>)
      } else {
      }
      %dma_start3A_547 = arith.constant 0 : i32
      %dma_start3A_548 = tpu.memref_slice %arg13[%add3A_530, %dma_start3A_547] : memref<50x100xi32, #tpu.memory_space<vmem>> -> memref<1x100xi32, #tpu.memory_space<vmem>>
      %dma_start3A_549 = tpu.memref_squeeze %dma_start3A_548 : memref<1x100xi32, #tpu.memory_space<vmem>> -> memref<100xi32, #tpu.memory_space<vmem>>
      %dma_start3A_550 = arith.constant 0 : i32
      %dma_start3A_551 = arith.constant 0 : i32
      %dma_start3A_552 = tpu.memref_slice %arg7[%dma_start3A_550, %dma_start3A_551] : memref<10240x128xf32, #tpu.memory_space<vmem_shared>> -> memref<10240x128xf32, #tpu.memory_space<vmem_shared>>
      tpu.enqueue_indirect_dma source(%arg11 : memref<100x128xf32, #tpu.memory_space<vmem>>) target(%dma_start3A_552 : memref<10240x128xf32, #tpu.memory_space<vmem_shared>>) offsets(%dma_start3A_549 : memref<100xi32, #tpu.memory_space<vmem>>) semaphore(%arg15 : memref<!tpu.dma_semaphore, #tpu.memory_space<semaphore_mem>>) {add = true}
      %scan3A_553 = arith.constant 0 : i32
      scf.yield %scan3A_553 : i32
    }
    %scan3A_209 = arith.constant 25 : i32
    %dma_wait3A_210 = arith.constant 49 : i32
    %dma_wait3A_211 = arith.constant 0 : i32
    %dma_wait3A_212 = tpu.memref_slice %arg13[%dma_wait3A_210, %dma_wait3A_211] : memref<50x100xi32, #tpu.memory_space<vmem>> -> memref<1x100xi32, #tpu.memory_space<vmem>>
    %dma_wait3A_213 = tpu.memref_squeeze %dma_wait3A_212 : memref<1x100xi32, #tpu.memory_space<vmem>> -> memref<100xi32, #tpu.memory_space<vmem>>
    %dma_wait3A_214 = arith.constant 0 : i32
    %dma_wait3A_215 = arith.constant 0 : i32
    %dma_wait3A_216 = tpu.memref_slice %arg7[%dma_wait3A_214, %dma_wait3A_215] : memref<10240x128xf32, #tpu.memory_space<vmem_shared>> -> memref<10240x128xf32, #tpu.memory_space<vmem_shared>>
    tpu.wait_indirect_dma semaphore(%arg15 : memref<!tpu.dma_semaphore, #tpu.memory_space<semaphore_mem>>) src(%arg11 : memref<100x128xf32, #tpu.memory_space<vmem>>) dst(%dma_wait3A_216 : memref<10240x128xf32, #tpu.memory_space<vmem_shared>>)
    %barrier3A_217 = arith.constant 0 : index
    tpu.barrier barrier_id(%barrier3A_217)
    %add3A_218 = arith.constant 0 : i32
    %add3A_219 = arith.addi %mul3A_2, %add3A_218 : i32
    "tpu.region"() ({
      %run_scoped3A = tpu.sem_alloc : memref<!tpu.dma_semaphore, #tpu.memory_space<semaphore_mem>>
      %dma_start3A_503 = arith.constant 0 : i32
      %dma_start3A_504 = tpu.memref_slice %arg7[%add3A_219, %dma_start3A_503] : memref<10240x128xf32, #tpu.memory_space<vmem_shared>> -> memref<40x128xf32, #tpu.memory_space<vmem_shared>>
      %dma_start3A_505 = arith.constant 0 : i32
      %dma_start3A_506 = tpu.memref_slice %arg7[%add3A_219, %dma_start3A_505] : memref<10240x128xf32, #tpu.memory_space<vmem_shared>> -> memref<40x128xf32, #tpu.memory_space<vmem_shared>>
      tpu.enqueue_dma source(%dma_start3A_506 : memref<40x128xf32, #tpu.memory_space<vmem_shared>>) target(%arg8 : memref<40x128xf32, #tpu.memory_space<vmem>>) target_semaphore(%run_scoped3A : memref<!tpu.dma_semaphore, #tpu.memory_space<semaphore_mem>>)
      %dma_wait3A_507 = arith.constant 0 : i32
      %dma_wait3A_508 = tpu.memref_slice %arg7[%add3A_219, %dma_wait3A_507] : memref<10240x128xf32, #tpu.memory_space<vmem_shared>> -> memref<40x128xf32, #tpu.memory_space<vmem_shared>>
      %dma_wait3A_509 = arith.constant 0 : i32
      %dma_wait3A_510 = tpu.memref_slice %arg7[%add3A_219, %dma_wait3A_509] : memref<10240x128xf32, #tpu.memory_space<vmem_shared>> -> memref<40x128xf32, #tpu.memory_space<vmem_shared>>
      tpu.wait_dma2 semaphore(%run_scoped3A : memref<!tpu.dma_semaphore, #tpu.memory_space<semaphore_mem>>) src(%dma_wait3A_510 : memref<40x128xf32, #tpu.memory_space<vmem_shared>>) dst(%arg8 : memref<40x128xf32, #tpu.memory_space<vmem>>)
      tpu.yield
    }) : () -> ()
    %eq3A = arith.constant 0 : i32
    %eq3A_220 = arith.cmpi eq, %arg0, %eq3A : i32
    %convert_element_type3A = arith.extui %eq3A_220 : i1 to i32
    %cond3A = arith.constant 0 : i32
    %cond3A_221 = arith.cmpi ne, %convert_element_type3A, %cond3A : i32
    scf.if %cond3A_221 {
      %add3A_503 = arith.constant 0 : i32
      %add3A_504 = arith.addi %mul3A_2, %add3A_503 : i32
      %dma_start3A_505 = arith.constant 0 : i32
      %dma_start3A_506 = tpu.memref_slice %arg5[%add3A_504, %dma_start3A_505] : memref<10240x128xf32, #tpu.memory_space<hbm>> -> memref<40x128xf32, #tpu.memory_space<hbm>>
      %dma_start3A_507 = arith.constant 0 : i32
      %dma_start3A_508 = tpu.memref_slice %arg5[%add3A_504, %dma_start3A_507] : memref<10240x128xf32, #tpu.memory_space<hbm>> -> memref<40x128xf32, #tpu.memory_space<hbm>>
      tpu.enqueue_dma source(%arg8 : memref<40x128xf32, #tpu.memory_space<vmem>>) target(%dma_start3A_508 : memref<40x128xf32, #tpu.memory_space<hbm>>) target_semaphore(%arg16 : memref<!tpu.dma_semaphore, #tpu.memory_space<semaphore_mem>>)
    } else {
    }
    %eq3A_222 = arith.constant 1 : i32
    %eq3A_223 = arith.cmpi eq, %arg0, %eq3A_222 : i32
    %convert_element_type3A_224 = arith.extui %eq3A_223 : i1 to i32
    %cond3A_225 = arith.constant 0 : i32
    %cond3A_226 = arith.cmpi ne, %convert_element_type3A_224, %cond3A_225 : i32
    scf.if %cond3A_226 {
      %add3A_503 = arith.constant 0 : i32
      %add3A_504 = arith.addi %mul3A_2, %add3A_503 : i32
      %dma_start3A_505 = arith.constant 0 : i32
      %dma_start3A_506 = tpu.memref_slice %arg6[%add3A_504, %dma_start3A_505] : memref<10240x128xf32, #tpu.memory_space<hbm>> -> memref<40x128xf32, #tpu.memory_space<hbm>>
      %dma_start3A_507 = arith.constant 0 : i32
      %dma_start3A_508 = tpu.memref_slice %arg6[%add3A_504, %dma_start3A_507] : memref<10240x128xf32, #tpu.memory_space<hbm>> -> memref<40x128xf32, #tpu.memory_space<hbm>>
      tpu.enqueue_dma source(%arg8 : memref<40x128xf32, #tpu.memory_space<vmem>>) target(%dma_start3A_508 : memref<40x128xf32, #tpu.memory_space<hbm>>) target_semaphore(%arg16 : memref<!tpu.dma_semaphore, #tpu.memory_space<semaphore_mem>>)
    } else {
    }
    %add3A_227 = arith.constant 40 : i32
    %add3A_228 = arith.addi %mul3A_2, %add3A_227 : i32
    "tpu.region"() ({
      %run_scoped3A = tpu.sem_alloc : memref<!tpu.dma_semaphore, #tpu.memory_space<semaphore_mem>>
      %dma_start3A_503 = arith.constant 0 : i32
      %dma_start3A_504 = tpu.memref_slice %arg7[%add3A_228, %dma_start3A_503] : memref<10240x128xf32, #tpu.memory_space<vmem_shared>> -> memref<40x128xf32, #tpu.memory_space<vmem_shared>>
      %dma_start3A_505 = arith.constant 0 : i32
      %dma_start3A_506 = tpu.memref_slice %arg7[%add3A_228, %dma_start3A_505] : memref<10240x128xf32, #tpu.memory_space<vmem_shared>> -> memref<40x128xf32, #tpu.memory_space<vmem_shared>>
      tpu.enqueue_dma source(%dma_start3A_506 : memref<40x128xf32, #tpu.memory_space<vmem_shared>>) target(%arg9 : memref<40x128xf32, #tpu.memory_space<vmem>>) target_semaphore(%run_scoped3A : memref<!tpu.dma_semaphore, #tpu.memory_space<semaphore_mem>>)
      %dma_wait3A_507 = arith.constant 0 : i32
      %dma_wait3A_508 = tpu.memref_slice %arg7[%add3A_228, %dma_wait3A_507] : memref<10240x128xf32, #tpu.memory_space<vmem_shared>> -> memref<40x128xf32, #tpu.memory_space<vmem_shared>>
      %dma_wait3A_509 = arith.constant 0 : i32
      %dma_wait3A_510 = tpu.memref_slice %arg7[%add3A_228, %dma_wait3A_509] : memref<10240x128xf32, #tpu.memory_space<vmem_shared>> -> memref<40x128xf32, #tpu.memory_space<vmem_shared>>
      tpu.wait_dma2 semaphore(%run_scoped3A : memref<!tpu.dma_semaphore, #tpu.memory_space<semaphore_mem>>) src(%dma_wait3A_510 : memref<40x128xf32, #tpu.memory_space<vmem_shared>>) dst(%arg9 : memref<40x128xf32, #tpu.memory_space<vmem>>)
      tpu.yield
    }) : () -> ()
    %eq3A_229 = arith.constant 0 : i32
    %eq3A_230 = arith.cmpi eq, %arg0, %eq3A_229 : i32
    %convert_element_type3A_231 = arith.extui %eq3A_230 : i1 to i32
    %cond3A_232 = arith.constant 0 : i32
    %cond3A_233 = arith.cmpi ne, %convert_element_type3A_231, %cond3A_232 : i32
    scf.if %cond3A_233 {
      %add3A_503 = arith.constant 40 : i32
      %add3A_504 = arith.addi %mul3A_2, %add3A_503 : i32
      %dma_start3A_505 = arith.constant 0 : i32
      %dma_start3A_506 = tpu.memref_slice %arg5[%add3A_504, %dma_start3A_505] : memref<10240x128xf32, #tpu.memory_space<hbm>> -> memref<40x128xf32, #tpu.memory_space<hbm>>
      %dma_start3A_507 = arith.constant 0 : i32
      %dma_start3A_508 = tpu.memref_slice %arg5[%add3A_504, %dma_start3A_507] : memref<10240x128xf32, #tpu.memory_space<hbm>> -> memref<40x128xf32, #tpu.memory_space<hbm>>
      tpu.enqueue_dma source(%arg9 : memref<40x128xf32, #tpu.memory_space<vmem>>) target(%dma_start3A_508 : memref<40x128xf32, #tpu.memory_space<hbm>>) target_semaphore(%arg16 : memref<!tpu.dma_semaphore, #tpu.memory_space<semaphore_mem>>)
    } else {
    }
    %eq3A_234 = arith.constant 1 : i32
    %eq3A_235 = arith.cmpi eq, %arg0, %eq3A_234 : i32
    %convert_element_type3A_236 = arith.extui %eq3A_235 : i1 to i32
    %cond3A_237 = arith.constant 0 : i32
    %cond3A_238 = arith.cmpi ne, %convert_element_type3A_236, %cond3A_237 : i32
    scf.if %cond3A_238 {
      %add3A_503 = arith.constant 40 : i32
      %add3A_504 = arith.addi %mul3A_2, %add3A_503 : i32
      %dma_start3A_505 = arith.constant 0 : i32
      %dma_start3A_506 = tpu.memref_slice %arg6[%add3A_504, %dma_start3A_505] : memref<10240x128xf32, #tpu.memory_space<hbm>> -> memref<40x128xf32, #tpu.memory_space<hbm>>
      %dma_start3A_507 = arith.constant 0 : i32
      %dma_start3A_508 = tpu.memref_slice %arg6[%add3A_504, %dma_start3A_507] : memref<10240x128xf32, #tpu.memory_space<hbm>> -> memref<40x128xf32, #tpu.memory_space<hbm>>
      tpu.enqueue_dma source(%arg9 : memref<40x128xf32, #tpu.memory_space<vmem>>) target(%dma_start3A_508 : memref<40x128xf32, #tpu.memory_space<hbm>>) target_semaphore(%arg16 : memref<!tpu.dma_semaphore, #tpu.memory_space<semaphore_mem>>)
    } else {
    }
    %add3A_239 = arith.constant 0 : i32
    %add3A_240 = arith.addi %mul3A_2, %add3A_239 : i32
    %dma_wait3A_241 = arith.constant 0 : i32
    %dma_wait3A_242 = tpu.memref_slice %arg5[%add3A_240, %dma_wait3A_241] : memref<10240x128xf32, #tpu.memory_space<hbm>> -> memref<40x128xf32, #tpu.memory_space<hbm>>
    %dma_wait3A_243 = arith.constant 0 : i32
    %dma_wait3A_244 = tpu.memref_slice %arg5[%add3A_240, %dma_wait3A_243] : memref<10240x128xf32, #tpu.memory_space<hbm>> -> memref<40x128xf32, #tpu.memory_space<hbm>>
    tpu.wait_dma2 semaphore(%arg16 : memref<!tpu.dma_semaphore, #tpu.memory_space<semaphore_mem>>) src(%arg8 : memref<40x128xf32, #tpu.memory_space<vmem>>) dst(%dma_wait3A_244 : memref<40x128xf32, #tpu.memory_space<hbm>>)
    %add3A_245 = arith.constant 80 : i32
    %add3A_246 = arith.addi %mul3A_2, %add3A_245 : i32
    "tpu.region"() ({
      %run_scoped3A = tpu.sem_alloc : memref<!tpu.dma_semaphore, #tpu.memory_space<semaphore_mem>>
      %dma_start3A_503 = arith.constant 0 : i32
      %dma_start3A_504 = tpu.memref_slice %arg7[%add3A_246, %dma_start3A_503] : memref<10240x128xf32, #tpu.memory_space<vmem_shared>> -> memref<40x128xf32, #tpu.memory_space<vmem_shared>>
      %dma_start3A_505 = arith.constant 0 : i32
      %dma_start3A_506 = tpu.memref_slice %arg7[%add3A_246, %dma_start3A_505] : memref<10240x128xf32, #tpu.memory_space<vmem_shared>> -> memref<40x128xf32, #tpu.memory_space<vmem_shared>>
      tpu.enqueue_dma source(%dma_start3A_506 : memref<40x128xf32, #tpu.memory_space<vmem_shared>>) target(%arg8 : memref<40x128xf32, #tpu.memory_space<vmem>>) target_semaphore(%run_scoped3A : memref<!tpu.dma_semaphore, #tpu.memory_space<semaphore_mem>>)
      %dma_wait3A_507 = arith.constant 0 : i32
      %dma_wait3A_508 = tpu.memref_slice %arg7[%add3A_246, %dma_wait3A_507] : memref<10240x128xf32, #tpu.memory_space<vmem_shared>> -> memref<40x128xf32, #tpu.memory_space<vmem_shared>>
      %dma_wait3A_509 = arith.constant 0 : i32
      %dma_wait3A_510 = tpu.memref_slice %arg7[%add3A_246, %dma_wait3A_509] : memref<10240x128xf32, #tpu.memory_space<vmem_shared>> -> memref<40x128xf32, #tpu.memory_space<vmem_shared>>
      tpu.wait_dma2 semaphore(%run_scoped3A : memref<!tpu.dma_semaphore, #tpu.memory_space<semaphore_mem>>) src(%dma_wait3A_510 : memref<40x128xf32, #tpu.memory_space<vmem_shared>>) dst(%arg8 : memref<40x128xf32, #tpu.memory_space<vmem>>)
      tpu.yield
    }) : () -> ()
    %eq3A_247 = arith.constant 0 : i32
    %eq3A_248 = arith.cmpi eq, %arg0, %eq3A_247 : i32
    %convert_element_type3A_249 = arith.extui %eq3A_248 : i1 to i32
    %cond3A_250 = arith.constant 0 : i32
    %cond3A_251 = arith.cmpi ne, %convert_element_type3A_249, %cond3A_250 : i32
    scf.if %cond3A_251 {
      %add3A_503 = arith.constant 80 : i32
      %add3A_504 = arith.addi %mul3A_2, %add3A_503 : i32
      %dma_start3A_505 = arith.constant 0 : i32
      %dma_start3A_506 = tpu.memref_slice %arg5[%add3A_504, %dma_start3A_505] : memref<10240x128xf32, #tpu.memory_space<hbm>> -> memref<40x128xf32, #tpu.memory_space<hbm>>
      %dma_start3A_507 = arith.constant 0 : i32
      %dma_start3A_508 = tpu.memref_slice %arg5[%add3A_504, %dma_start3A_507] : memref<10240x128xf32, #tpu.memory_space<hbm>> -> memref<40x128xf32, #tpu.memory_space<hbm>>
      tpu.enqueue_dma source(%arg8 : memref<40x128xf32, #tpu.memory_space<vmem>>) target(%dma_start3A_508 : memref<40x128xf32, #tpu.memory_space<hbm>>) target_semaphore(%arg16 : memref<!tpu.dma_semaphore, #tpu.memory_space<semaphore_mem>>)
    } else {
    }
    %eq3A_252 = arith.constant 1 : i32
    %eq3A_253 = arith.cmpi eq, %arg0, %eq3A_252 : i32
    %convert_element_type3A_254 = arith.extui %eq3A_253 : i1 to i32
    %cond3A_255 = arith.constant 0 : i32
    %cond3A_256 = arith.cmpi ne, %convert_element_type3A_254, %cond3A_255 : i32
    scf.if %cond3A_256 {
      %add3A_503 = arith.constant 80 : i32
      %add3A_504 = arith.addi %mul3A_2, %add3A_503 : i32
      %dma_start3A_505 = arith.constant 0 : i32
      %dma_start3A_506 = tpu.memref_slice %arg6[%add3A_504, %dma_start3A_505] : memref<10240x128xf32, #tpu.memory_space<hbm>> -> memref<40x128xf32, #tpu.memory_space<hbm>>
      %dma_start3A_507 = arith.constant 0 : i32
      %dma_start3A_508 = tpu.memref_slice %arg6[%add3A_504, %dma_start3A_507] : memref<10240x128xf32, #tpu.memory_space<hbm>> -> memref<40x128xf32, #tpu.memory_space<hbm>>
      tpu.enqueue_dma source(%arg8 : memref<40x128xf32, #tpu.memory_space<vmem>>) target(%dma_start3A_508 : memref<40x128xf32, #tpu.memory_space<hbm>>) target_semaphore(%arg16 : memref<!tpu.dma_semaphore, #tpu.memory_space<semaphore_mem>>)
    } else {
    }
    %add3A_257 = arith.constant 40 : i32
    %add3A_258 = arith.addi %mul3A_2, %add3A_257 : i32
    %dma_wait3A_259 = arith.constant 0 : i32
    %dma_wait3A_260 = tpu.memref_slice %arg5[%add3A_258, %dma_wait3A_259] : memref<10240x128xf32, #tpu.memory_space<hbm>> -> memref<40x128xf32, #tpu.memory_space<hbm>>
    %dma_wait3A_261 = arith.constant 0 : i32
    %dma_wait3A_262 = tpu.memref_slice %arg5[%add3A_258, %dma_wait3A_261] : memref<10240x128xf32, #tpu.memory_space<hbm>> -> memref<40x128xf32, #tpu.memory_space<hbm>>
    tpu.wait_dma2 semaphore(%arg16 : memref<!tpu.dma_semaphore, #tpu.memory_space<semaphore_mem>>) src(%arg9 : memref<40x128xf32, #tpu.memory_space<vmem>>) dst(%dma_wait3A_262 : memref<40x128xf32, #tpu.memory_space<hbm>>)
    %add3A_263 = arith.constant 120 : i32
    %add3A_264 = arith.addi %mul3A_2, %add3A_263 : i32
    "tpu.region"() ({
      %run_scoped3A = tpu.sem_alloc : memref<!tpu.dma_semaphore, #tpu.memory_space<semaphore_mem>>
      %dma_start3A_503 = arith.constant 0 : i32
      %dma_start3A_504 = tpu.memref_slice %arg7[%add3A_264, %dma_start3A_503] : memref<10240x128xf32, #tpu.memory_space<vmem_shared>> -> memref<40x128xf32, #tpu.memory_space<vmem_shared>>
      %dma_start3A_505 = arith.constant 0 : i32
      %dma_start3A_506 = tpu.memref_slice %arg7[%add3A_264, %dma_start3A_505] : memref<10240x128xf32, #tpu.memory_space<vmem_shared>> -> memref<40x128xf32, #tpu.memory_space<vmem_shared>>
      tpu.enqueue_dma source(%dma_start3A_506 : memref<40x128xf32, #tpu.memory_space<vmem_shared>>) target(%arg9 : memref<40x128xf32, #tpu.memory_space<vmem>>) target_semaphore(%run_scoped3A : memref<!tpu.dma_semaphore, #tpu.memory_space<semaphore_mem>>)
      %dma_wait3A_507 = arith.constant 0 : i32
      %dma_wait3A_508 = tpu.memref_slice %arg7[%add3A_264, %dma_wait3A_507] : memref<10240x128xf32, #tpu.memory_space<vmem_shared>> -> memref<40x128xf32, #tpu.memory_space<vmem_shared>>
      %dma_wait3A_509 = arith.constant 0 : i32
      %dma_wait3A_510 = tpu.memref_slice %arg7[%add3A_264, %dma_wait3A_509] : memref<10240x128xf32, #tpu.memory_space<vmem_shared>> -> memref<40x128xf32, #tpu.memory_space<vmem_shared>>
      tpu.wait_dma2 semaphore(%run_scoped3A : memref<!tpu.dma_semaphore, #tpu.memory_space<semaphore_mem>>) src(%dma_wait3A_510 : memref<40x128xf32, #tpu.memory_space<vmem_shared>>) dst(%arg9 : memref<40x128xf32, #tpu.memory_space<vmem>>)
      tpu.yield
    }) : () -> ()
    %eq3A_265 = arith.constant 0 : i32
    %eq3A_266 = arith.cmpi eq, %arg0, %eq3A_265 : i32
    %convert_element_type3A_267 = arith.extui %eq3A_266 : i1 to i32
    %cond3A_268 = arith.constant 0 : i32
    %cond3A_269 = arith.cmpi ne, %convert_element_type3A_267, %cond3A_268 : i32
    scf.if %cond3A_269 {
      %add3A_503 = arith.constant 120 : i32
      %add3A_504 = arith.addi %mul3A_2, %add3A_503 : i32
      %dma_start3A_505 = arith.constant 0 : i32
      %dma_start3A_506 = tpu.memref_slice %arg5[%add3A_504, %dma_start3A_505] : memref<10240x128xf32, #tpu.memory_space<hbm>> -> memref<40x128xf32, #tpu.memory_space<hbm>>
      %dma_start3A_507 = arith.constant 0 : i32
      %dma_start3A_508 = tpu.memref_slice %arg5[%add3A_504, %dma_start3A_507] : memref<10240x128xf32, #tpu.memory_space<hbm>> -> memref<40x128xf32, #tpu.memory_space<hbm>>
      tpu.enqueue_dma source(%arg9 : memref<40x128xf32, #tpu.memory_space<vmem>>) target(%dma_start3A_508 : memref<40x128xf32, #tpu.memory_space<hbm>>) target_semaphore(%arg16 : memref<!tpu.dma_semaphore, #tpu.memory_space<semaphore_mem>>)
    } else {
    }
    %eq3A_270 = arith.constant 1 : i32
    %eq3A_271 = arith.cmpi eq, %arg0, %eq3A_270 : i32
    %convert_element_type3A_272 = arith.extui %eq3A_271 : i1 to i32
    %cond3A_273 = arith.constant 0 : i32
    %cond3A_274 = arith.cmpi ne, %convert_element_type3A_272, %cond3A_273 : i32
    scf.if %cond3A_274 {
      %add3A_503 = arith.constant 120 : i32
      %add3A_504 = arith.addi %mul3A_2, %add3A_503 : i32
      %dma_start3A_505 = arith.constant 0 : i32
      %dma_start3A_506 = tpu.memref_slice %arg6[%add3A_504, %dma_start3A_505] : memref<10240x128xf32, #tpu.memory_space<hbm>> -> memref<40x128xf32, #tpu.memory_space<hbm>>
      %dma_start3A_507 = arith.constant 0 : i32
      %dma_start3A_508 = tpu.memref_slice %arg6[%add3A_504, %dma_start3A_507] : memref<10240x128xf32, #tpu.memory_space<hbm>> -> memref<40x128xf32, #tpu.memory_space<hbm>>
      tpu.enqueue_dma source(%arg9 : memref<40x128xf32, #tpu.memory_space<vmem>>) target(%dma_start3A_508 : memref<40x128xf32, #tpu.memory_space<hbm>>) target_semaphore(%arg16 : memref<!tpu.dma_semaphore, #tpu.memory_space<semaphore_mem>>)
    } else {
    }
    %add3A_275 = arith.constant 80 : i32
    %add3A_276 = arith.addi %mul3A_2, %add3A_275 : i32
    %dma_wait3A_277 = arith.constant 0 : i32
    %dma_wait3A_278 = tpu.memref_slice %arg5[%add3A_276, %dma_wait3A_277] : memref<10240x128xf32, #tpu.memory_space<hbm>> -> memref<40x128xf32, #tpu.memory_space<hbm>>
    %dma_wait3A_279 = arith.constant 0 : i32
    %dma_wait3A_280 = tpu.memref_slice %arg5[%add3A_276, %dma_wait3A_279] : memref<10240x128xf32, #tpu.memory_space<hbm>> -> memref<40x128xf32, #tpu.memory_space<hbm>>
    tpu.wait_dma2 semaphore(%arg16 : memref<!tpu.dma_semaphore, #tpu.memory_space<semaphore_mem>>) src(%arg8 : memref<40x128xf32, #tpu.memory_space<vmem>>) dst(%dma_wait3A_280 : memref<40x128xf32, #tpu.memory_space<hbm>>)
    %add3A_281 = arith.constant 160 : i32
    %add3A_282 = arith.addi %mul3A_2, %add3A_281 : i32
    "tpu.region"() ({
      %run_scoped3A = tpu.sem_alloc : memref<!tpu.dma_semaphore, #tpu.memory_space<semaphore_mem>>
      %dma_start3A_503 = arith.constant 0 : i32
      %dma_start3A_504 = tpu.memref_slice %arg7[%add3A_282, %dma_start3A_503] : memref<10240x128xf32, #tpu.memory_space<vmem_shared>> -> memref<40x128xf32, #tpu.memory_space<vmem_shared>>
      %dma_start3A_505 = arith.constant 0 : i32
      %dma_start3A_506 = tpu.memref_slice %arg7[%add3A_282, %dma_start3A_505] : memref<10240x128xf32, #tpu.memory_space<vmem_shared>> -> memref<40x128xf32, #tpu.memory_space<vmem_shared>>
      tpu.enqueue_dma source(%dma_start3A_506 : memref<40x128xf32, #tpu.memory_space<vmem_shared>>) target(%arg8 : memref<40x128xf32, #tpu.memory_space<vmem>>) target_semaphore(%run_scoped3A : memref<!tpu.dma_semaphore, #tpu.memory_space<semaphore_mem>>)
      %dma_wait3A_507 = arith.constant 0 : i32
      %dma_wait3A_508 = tpu.memref_slice %arg7[%add3A_282, %dma_wait3A_507] : memref<10240x128xf32, #tpu.memory_space<vmem_shared>> -> memref<40x128xf32, #tpu.memory_space<vmem_shared>>
      %dma_wait3A_509 = arith.constant 0 : i32
      %dma_wait3A_510 = tpu.memref_slice %arg7[%add3A_282, %dma_wait3A_509] : memref<10240x128xf32, #tpu.memory_space<vmem_shared>> -> memref<40x128xf32, #tpu.memory_space<vmem_shared>>
      tpu.wait_dma2 semaphore(%run_scoped3A : memref<!tpu.dma_semaphore, #tpu.memory_space<semaphore_mem>>) src(%dma_wait3A_510 : memref<40x128xf32, #tpu.memory_space<vmem_shared>>) dst(%arg8 : memref<40x128xf32, #tpu.memory_space<vmem>>)
      tpu.yield
    }) : () -> ()
    %eq3A_283 = arith.constant 0 : i32
    %eq3A_284 = arith.cmpi eq, %arg0, %eq3A_283 : i32
    %convert_element_type3A_285 = arith.extui %eq3A_284 : i1 to i32
    %cond3A_286 = arith.constant 0 : i32
    %cond3A_287 = arith.cmpi ne, %convert_element_type3A_285, %cond3A_286 : i32
    scf.if %cond3A_287 {
      %add3A_503 = arith.constant 160 : i32
      %add3A_504 = arith.addi %mul3A_2, %add3A_503 : i32
      %dma_start3A_505 = arith.constant 0 : i32
      %dma_start3A_506 = tpu.memref_slice %arg5[%add3A_504, %dma_start3A_505] : memref<10240x128xf32, #tpu.memory_space<hbm>> -> memref<40x128xf32, #tpu.memory_space<hbm>>
      %dma_start3A_507 = arith.constant 0 : i32
      %dma_start3A_508 = tpu.memref_slice %arg5[%add3A_504, %dma_start3A_507] : memref<10240x128xf32, #tpu.memory_space<hbm>> -> memref<40x128xf32, #tpu.memory_space<hbm>>
      tpu.enqueue_dma source(%arg8 : memref<40x128xf32, #tpu.memory_space<vmem>>) target(%dma_start3A_508 : memref<40x128xf32, #tpu.memory_space<hbm>>) target_semaphore(%arg16 : memref<!tpu.dma_semaphore, #tpu.memory_space<semaphore_mem>>)
    } else {
    }
    %eq3A_288 = arith.constant 1 : i32
    %eq3A_289 = arith.cmpi eq, %arg0, %eq3A_288 : i32
    %convert_element_type3A_290 = arith.extui %eq3A_289 : i1 to i32
    %cond3A_291 = arith.constant 0 : i32
    %cond3A_292 = arith.cmpi ne, %convert_element_type3A_290, %cond3A_291 : i32
    scf.if %cond3A_292 {
      %add3A_503 = arith.constant 160 : i32
      %add3A_504 = arith.addi %mul3A_2, %add3A_503 : i32
      %dma_start3A_505 = arith.constant 0 : i32
      %dma_start3A_506 = tpu.memref_slice %arg6[%add3A_504, %dma_start3A_505] : memref<10240x128xf32, #tpu.memory_space<hbm>> -> memref<40x128xf32, #tpu.memory_space<hbm>>
      %dma_start3A_507 = arith.constant 0 : i32
      %dma_start3A_508 = tpu.memref_slice %arg6[%add3A_504, %dma_start3A_507] : memref<10240x128xf32, #tpu.memory_space<hbm>> -> memref<40x128xf32, #tpu.memory_space<hbm>>
      tpu.enqueue_dma source(%arg8 : memref<40x128xf32, #tpu.memory_space<vmem>>) target(%dma_start3A_508 : memref<40x128xf32, #tpu.memory_space<hbm>>) target_semaphore(%arg16 : memref<!tpu.dma_semaphore, #tpu.memory_space<semaphore_mem>>)
    } else {
    }
    %add3A_293 = arith.constant 120 : i32
    %add3A_294 = arith.addi %mul3A_2, %add3A_293 : i32
    %dma_wait3A_295 = arith.constant 0 : i32
    %dma_wait3A_296 = tpu.memref_slice %arg5[%add3A_294, %dma_wait3A_295] : memref<10240x128xf32, #tpu.memory_space<hbm>> -> memref<40x128xf32, #tpu.memory_space<hbm>>
    %dma_wait3A_297 = arith.constant 0 : i32
    %dma_wait3A_298 = tpu.memref_slice %arg5[%add3A_294, %dma_wait3A_297] : memref<10240x128xf32, #tpu.memory_space<hbm>> -> memref<40x128xf32, #tpu.memory_space<hbm>>
    tpu.wait_dma2 semaphore(%arg16 : memref<!tpu.dma_semaphore, #tpu.memory_space<semaphore_mem>>) src(%arg9 : memref<40x128xf32, #tpu.memory_space<vmem>>) dst(%dma_wait3A_298 : memref<40x128xf32, #tpu.memory_space<hbm>>)
    %add3A_299 = arith.constant 200 : i32
    %add3A_300 = arith.addi %mul3A_2, %add3A_299 : i32
    "tpu.region"() ({
      %run_scoped3A = tpu.sem_alloc : memref<!tpu.dma_semaphore, #tpu.memory_space<semaphore_mem>>
      %dma_start3A_503 = arith.constant 0 : i32
      %dma_start3A_504 = tpu.memref_slice %arg7[%add3A_300, %dma_start3A_503] : memref<10240x128xf32, #tpu.memory_space<vmem_shared>> -> memref<40x128xf32, #tpu.memory_space<vmem_shared>>
      %dma_start3A_505 = arith.constant 0 : i32
      %dma_start3A_506 = tpu.memref_slice %arg7[%add3A_300, %dma_start3A_505] : memref<10240x128xf32, #tpu.memory_space<vmem_shared>> -> memref<40x128xf32, #tpu.memory_space<vmem_shared>>
      tpu.enqueue_dma source(%dma_start3A_506 : memref<40x128xf32, #tpu.memory_space<vmem_shared>>) target(%arg9 : memref<40x128xf32, #tpu.memory_space<vmem>>) target_semaphore(%run_scoped3A : memref<!tpu.dma_semaphore, #tpu.memory_space<semaphore_mem>>)
      %dma_wait3A_507 = arith.constant 0 : i32
      %dma_wait3A_508 = tpu.memref_slice %arg7[%add3A_300, %dma_wait3A_507] : memref<10240x128xf32, #tpu.memory_space<vmem_shared>> -> memref<40x128xf32, #tpu.memory_space<vmem_shared>>
      %dma_wait3A_509 = arith.constant 0 : i32
      %dma_wait3A_510 = tpu.memref_slice %arg7[%add3A_300, %dma_wait3A_509] : memref<10240x128xf32, #tpu.memory_space<vmem_shared>> -> memref<40x128xf32, #tpu.memory_space<vmem_shared>>
      tpu.wait_dma2 semaphore(%run_scoped3A : memref<!tpu.dma_semaphore, #tpu.memory_space<semaphore_mem>>) src(%dma_wait3A_510 : memref<40x128xf32, #tpu.memory_space<vmem_shared>>) dst(%arg9 : memref<40x128xf32, #tpu.memory_space<vmem>>)
      tpu.yield
    }) : () -> ()
    %eq3A_301 = arith.constant 0 : i32
    %eq3A_302 = arith.cmpi eq, %arg0, %eq3A_301 : i32
    %convert_element_type3A_303 = arith.extui %eq3A_302 : i1 to i32
    %cond3A_304 = arith.constant 0 : i32
    %cond3A_305 = arith.cmpi ne, %convert_element_type3A_303, %cond3A_304 : i32
    scf.if %cond3A_305 {
      %add3A_503 = arith.constant 200 : i32
      %add3A_504 = arith.addi %mul3A_2, %add3A_503 : i32
      %dma_start3A_505 = arith.constant 0 : i32
      %dma_start3A_506 = tpu.memref_slice %arg5[%add3A_504, %dma_start3A_505] : memref<10240x128xf32, #tpu.memory_space<hbm>> -> memref<40x128xf32, #tpu.memory_space<hbm>>
      %dma_start3A_507 = arith.constant 0 : i32
      %dma_start3A_508 = tpu.memref_slice %arg5[%add3A_504, %dma_start3A_507] : memref<10240x128xf32, #tpu.memory_space<hbm>> -> memref<40x128xf32, #tpu.memory_space<hbm>>
      tpu.enqueue_dma source(%arg9 : memref<40x128xf32, #tpu.memory_space<vmem>>) target(%dma_start3A_508 : memref<40x128xf32, #tpu.memory_space<hbm>>) target_semaphore(%arg16 : memref<!tpu.dma_semaphore, #tpu.memory_space<semaphore_mem>>)
    } else {
    }
    %eq3A_306 = arith.constant 1 : i32
    %eq3A_307 = arith.cmpi eq, %arg0, %eq3A_306 : i32
    %convert_element_type3A_308 = arith.extui %eq3A_307 : i1 to i32
    %cond3A_309 = arith.constant 0 : i32
    %cond3A_310 = arith.cmpi ne, %convert_element_type3A_308, %cond3A_309 : i32
    scf.if %cond3A_310 {
      %add3A_503 = arith.constant 200 : i32
      %add3A_504 = arith.addi %mul3A_2, %add3A_503 : i32
      %dma_start3A_505 = arith.constant 0 : i32
      %dma_start3A_506 = tpu.memref_slice %arg6[%add3A_504, %dma_start3A_505] : memref<10240x128xf32, #tpu.memory_space<hbm>> -> memref<40x128xf32, #tpu.memory_space<hbm>>
      %dma_start3A_507 = arith.constant 0 : i32
      %dma_start3A_508 = tpu.memref_slice %arg6[%add3A_504, %dma_start3A_507] : memref<10240x128xf32, #tpu.memory_space<hbm>> -> memref<40x128xf32, #tpu.memory_space<hbm>>
      tpu.enqueue_dma source(%arg9 : memref<40x128xf32, #tpu.memory_space<vmem>>) target(%dma_start3A_508 : memref<40x128xf32, #tpu.memory_space<hbm>>) target_semaphore(%arg16 : memref<!tpu.dma_semaphore, #tpu.memory_space<semaphore_mem>>)
    } else {
    }
    %add3A_311 = arith.constant 160 : i32
    %add3A_312 = arith.addi %mul3A_2, %add3A_311 : i32
    %dma_wait3A_313 = arith.constant 0 : i32
    %dma_wait3A_314 = tpu.memref_slice %arg5[%add3A_312, %dma_wait3A_313] : memref<10240x128xf32, #tpu.memory_space<hbm>> -> memref<40x128xf32, #tpu.memory_space<hbm>>
    %dma_wait3A_315 = arith.constant 0 : i32
    %dma_wait3A_316 = tpu.memref_slice %arg5[%add3A_312, %dma_wait3A_315] : memref<10240x128xf32, #tpu.memory_space<hbm>> -> memref<40x128xf32, #tpu.memory_space<hbm>>
    tpu.wait_dma2 semaphore(%arg16 : memref<!tpu.dma_semaphore, #tpu.memory_space<semaphore_mem>>) src(%arg8 : memref<40x128xf32, #tpu.memory_space<vmem>>) dst(%dma_wait3A_316 : memref<40x128xf32, #tpu.memory_space<hbm>>)
    %add3A_317 = arith.constant 240 : i32
    %add3A_318 = arith.addi %mul3A_2, %add3A_317 : i32
    "tpu.region"() ({
      %run_scoped3A = tpu.sem_alloc : memref<!tpu.dma_semaphore, #tpu.memory_space<semaphore_mem>>
      %dma_start3A_503 = arith.constant 0 : i32
      %dma_start3A_504 = tpu.memref_slice %arg7[%add3A_318, %dma_start3A_503] : memref<10240x128xf32, #tpu.memory_space<vmem_shared>> -> memref<40x128xf32, #tpu.memory_space<vmem_shared>>
      %dma_start3A_505 = arith.constant 0 : i32
      %dma_start3A_506 = tpu.memref_slice %arg7[%add3A_318, %dma_start3A_505] : memref<10240x128xf32, #tpu.memory_space<vmem_shared>> -> memref<40x128xf32, #tpu.memory_space<vmem_shared>>
      tpu.enqueue_dma source(%dma_start3A_506 : memref<40x128xf32, #tpu.memory_space<vmem_shared>>) target(%arg8 : memref<40x128xf32, #tpu.memory_space<vmem>>) target_semaphore(%run_scoped3A : memref<!tpu.dma_semaphore, #tpu.memory_space<semaphore_mem>>)
      %dma_wait3A_507 = arith.constant 0 : i32
      %dma_wait3A_508 = tpu.memref_slice %arg7[%add3A_318, %dma_wait3A_507] : memref<10240x128xf32, #tpu.memory_space<vmem_shared>> -> memref<40x128xf32, #tpu.memory_space<vmem_shared>>
      %dma_wait3A_509 = arith.constant 0 : i32
      %dma_wait3A_510 = tpu.memref_slice %arg7[%add3A_318, %dma_wait3A_509] : memref<10240x128xf32, #tpu.memory_space<vmem_shared>> -> memref<40x128xf32, #tpu.memory_space<vmem_shared>>
      tpu.wait_dma2 semaphore(%run_scoped3A : memref<!tpu.dma_semaphore, #tpu.memory_space<semaphore_mem>>) src(%dma_wait3A_510 : memref<40x128xf32, #tpu.memory_space<vmem_shared>>) dst(%arg8 : memref<40x128xf32, #tpu.memory_space<vmem>>)
      tpu.yield
    }) : () -> ()
    %eq3A_319 = arith.constant 0 : i32
    %eq3A_320 = arith.cmpi eq, %arg0, %eq3A_319 : i32
    %convert_element_type3A_321 = arith.extui %eq3A_320 : i1 to i32
    %cond3A_322 = arith.constant 0 : i32
    %cond3A_323 = arith.cmpi ne, %convert_element_type3A_321, %cond3A_322 : i32
    scf.if %cond3A_323 {
      %add3A_503 = arith.constant 240 : i32
      %add3A_504 = arith.addi %mul3A_2, %add3A_503 : i32
      %dma_start3A_505 = arith.constant 0 : i32
      %dma_start3A_506 = tpu.memref_slice %arg5[%add3A_504, %dma_start3A_505] : memref<10240x128xf32, #tpu.memory_space<hbm>> -> memref<40x128xf32, #tpu.memory_space<hbm>>
      %dma_start3A_507 = arith.constant 0 : i32
      %dma_start3A_508 = tpu.memref_slice %arg5[%add3A_504, %dma_start3A_507] : memref<10240x128xf32, #tpu.memory_space<hbm>> -> memref<40x128xf32, #tpu.memory_space<hbm>>
      tpu.enqueue_dma source(%arg8 : memref<40x128xf32, #tpu.memory_space<vmem>>) target(%dma_start3A_508 : memref<40x128xf32, #tpu.memory_space<hbm>>) target_semaphore(%arg16 : memref<!tpu.dma_semaphore, #tpu.memory_space<semaphore_mem>>)
    } else {
    }
    %eq3A_324 = arith.constant 1 : i32
    %eq3A_325 = arith.cmpi eq, %arg0, %eq3A_324 : i32
    %convert_element_type3A_326 = arith.extui %eq3A_325 : i1 to i32
    %cond3A_327 = arith.constant 0 : i32
    %cond3A_328 = arith.cmpi ne, %convert_element_type3A_326, %cond3A_327 : i32
    scf.if %cond3A_328 {
      %add3A_503 = arith.constant 240 : i32
      %add3A_504 = arith.addi %mul3A_2, %add3A_503 : i32
      %dma_start3A_505 = arith.constant 0 : i32
      %dma_start3A_506 = tpu.memref_slice %arg6[%add3A_504, %dma_start3A_505] : memref<10240x128xf32, #tpu.memory_space<hbm>> -> memref<40x128xf32, #tpu.memory_space<hbm>>
      %dma_start3A_507 = arith.constant 0 : i32
      %dma_start3A_508 = tpu.memref_slice %arg6[%add3A_504, %dma_start3A_507] : memref<10240x128xf32, #tpu.memory_space<hbm>> -> memref<40x128xf32, #tpu.memory_space<hbm>>
      tpu.enqueue_dma source(%arg8 : memref<40x128xf32, #tpu.memory_space<vmem>>) target(%dma_start3A_508 : memref<40x128xf32, #tpu.memory_space<hbm>>) target_semaphore(%arg16 : memref<!tpu.dma_semaphore, #tpu.memory_space<semaphore_mem>>)
    } else {
    }
    %add3A_329 = arith.constant 200 : i32
    %add3A_330 = arith.addi %mul3A_2, %add3A_329 : i32
    %dma_wait3A_331 = arith.constant 0 : i32
    %dma_wait3A_332 = tpu.memref_slice %arg5[%add3A_330, %dma_wait3A_331] : memref<10240x128xf32, #tpu.memory_space<hbm>> -> memref<40x128xf32, #tpu.memory_space<hbm>>
    %dma_wait3A_333 = arith.constant 0 : i32
    %dma_wait3A_334 = tpu.memref_slice %arg5[%add3A_330, %dma_wait3A_333] : memref<10240x128xf32, #tpu.memory_space<hbm>> -> memref<40x128xf32, #tpu.memory_space<hbm>>
    tpu.wait_dma2 semaphore(%arg16 : memref<!tpu.dma_semaphore, #tpu.memory_space<semaphore_mem>>) src(%arg9 : memref<40x128xf32, #tpu.memory_space<vmem>>) dst(%dma_wait3A_334 : memref<40x128xf32, #tpu.memory_space<hbm>>)
    %add3A_335 = arith.constant 280 : i32
    %add3A_336 = arith.addi %mul3A_2, %add3A_335 : i32
    "tpu.region"() ({
      %run_scoped3A = tpu.sem_alloc : memref<!tpu.dma_semaphore, #tpu.memory_space<semaphore_mem>>
      %dma_start3A_503 = arith.constant 0 : i32
      %dma_start3A_504 = tpu.memref_slice %arg7[%add3A_336, %dma_start3A_503] : memref<10240x128xf32, #tpu.memory_space<vmem_shared>> -> memref<40x128xf32, #tpu.memory_space<vmem_shared>>
      %dma_start3A_505 = arith.constant 0 : i32
      %dma_start3A_506 = tpu.memref_slice %arg7[%add3A_336, %dma_start3A_505] : memref<10240x128xf32, #tpu.memory_space<vmem_shared>> -> memref<40x128xf32, #tpu.memory_space<vmem_shared>>
      tpu.enqueue_dma source(%dma_start3A_506 : memref<40x128xf32, #tpu.memory_space<vmem_shared>>) target(%arg9 : memref<40x128xf32, #tpu.memory_space<vmem>>) target_semaphore(%run_scoped3A : memref<!tpu.dma_semaphore, #tpu.memory_space<semaphore_mem>>)
      %dma_wait3A_507 = arith.constant 0 : i32
      %dma_wait3A_508 = tpu.memref_slice %arg7[%add3A_336, %dma_wait3A_507] : memref<10240x128xf32, #tpu.memory_space<vmem_shared>> -> memref<40x128xf32, #tpu.memory_space<vmem_shared>>
      %dma_wait3A_509 = arith.constant 0 : i32
      %dma_wait3A_510 = tpu.memref_slice %arg7[%add3A_336, %dma_wait3A_509] : memref<10240x128xf32, #tpu.memory_space<vmem_shared>> -> memref<40x128xf32, #tpu.memory_space<vmem_shared>>
      tpu.wait_dma2 semaphore(%run_scoped3A : memref<!tpu.dma_semaphore, #tpu.memory_space<semaphore_mem>>) src(%dma_wait3A_510 : memref<40x128xf32, #tpu.memory_space<vmem_shared>>) dst(%arg9 : memref<40x128xf32, #tpu.memory_space<vmem>>)
      tpu.yield
    }) : () -> ()
    %eq3A_337 = arith.constant 0 : i32
    %eq3A_338 = arith.cmpi eq, %arg0, %eq3A_337 : i32
    %convert_element_type3A_339 = arith.extui %eq3A_338 : i1 to i32
    %cond3A_340 = arith.constant 0 : i32
    %cond3A_341 = arith.cmpi ne, %convert_element_type3A_339, %cond3A_340 : i32
    scf.if %cond3A_341 {
      %add3A_503 = arith.constant 280 : i32
      %add3A_504 = arith.addi %mul3A_2, %add3A_503 : i32
      %dma_start3A_505 = arith.constant 0 : i32
      %dma_start3A_506 = tpu.memref_slice %arg5[%add3A_504, %dma_start3A_505] : memref<10240x128xf32, #tpu.memory_space<hbm>> -> memref<40x128xf32, #tpu.memory_space<hbm>>
      %dma_start3A_507 = arith.constant 0 : i32
      %dma_start3A_508 = tpu.memref_slice %arg5[%add3A_504, %dma_start3A_507] : memref<10240x128xf32, #tpu.memory_space<hbm>> -> memref<40x128xf32, #tpu.memory_space<hbm>>
      tpu.enqueue_dma source(%arg9 : memref<40x128xf32, #tpu.memory_space<vmem>>) target(%dma_start3A_508 : memref<40x128xf32, #tpu.memory_space<hbm>>) target_semaphore(%arg16 : memref<!tpu.dma_semaphore, #tpu.memory_space<semaphore_mem>>)
    } else {
    }
    %eq3A_342 = arith.constant 1 : i32
    %eq3A_343 = arith.cmpi eq, %arg0, %eq3A_342 : i32
    %convert_element_type3A_344 = arith.extui %eq3A_343 : i1 to i32
    %cond3A_345 = arith.constant 0 : i32
    %cond3A_346 = arith.cmpi ne, %convert_element_type3A_344, %cond3A_345 : i32
    scf.if %cond3A_346 {
      %add3A_503 = arith.constant 280 : i32
      %add3A_504 = arith.addi %mul3A_2, %add3A_503 : i32
      %dma_start3A_505 = arith.constant 0 : i32
      %dma_start3A_506 = tpu.memref_slice %arg6[%add3A_504, %dma_start3A_505] : memref<10240x128xf32, #tpu.memory_space<hbm>> -> memref<40x128xf32, #tpu.memory_space<hbm>>
      %dma_start3A_507 = arith.constant 0 : i32
      %dma_start3A_508 = tpu.memref_slice %arg6[%add3A_504, %dma_start3A_507] : memref<10240x128xf32, #tpu.memory_space<hbm>> -> memref<40x128xf32, #tpu.memory_space<hbm>>
      tpu.enqueue_dma source(%arg9 : memref<40x128xf32, #tpu.memory_space<vmem>>) target(%dma_start3A_508 : memref<40x128xf32, #tpu.memory_space<hbm>>) target_semaphore(%arg16 : memref<!tpu.dma_semaphore, #tpu.memory_space<semaphore_mem>>)
    } else {
    }
    %add3A_347 = arith.constant 240 : i32
    %add3A_348 = arith.addi %mul3A_2, %add3A_347 : i32
    %dma_wait3A_349 = arith.constant 0 : i32
    %dma_wait3A_350 = tpu.memref_slice %arg5[%add3A_348, %dma_wait3A_349] : memref<10240x128xf32, #tpu.memory_space<hbm>> -> memref<40x128xf32, #tpu.memory_space<hbm>>
    %dma_wait3A_351 = arith.constant 0 : i32
    %dma_wait3A_352 = tpu.memref_slice %arg5[%add3A_348, %dma_wait3A_351] : memref<10240x128xf32, #tpu.memory_space<hbm>> -> memref<40x128xf32, #tpu.memory_space<hbm>>
    tpu.wait_dma2 semaphore(%arg16 : memref<!tpu.dma_semaphore, #tpu.memory_space<semaphore_mem>>) src(%arg8 : memref<40x128xf32, #tpu.memory_space<vmem>>) dst(%dma_wait3A_352 : memref<40x128xf32, #tpu.memory_space<hbm>>)
    %add3A_353 = arith.constant 320 : i32
    %add3A_354 = arith.addi %mul3A_2, %add3A_353 : i32
    "tpu.region"() ({
      %run_scoped3A = tpu.sem_alloc : memref<!tpu.dma_semaphore, #tpu.memory_space<semaphore_mem>>
      %dma_start3A_503 = arith.constant 0 : i32
      %dma_start3A_504 = tpu.memref_slice %arg7[%add3A_354, %dma_start3A_503] : memref<10240x128xf32, #tpu.memory_space<vmem_shared>> -> memref<40x128xf32, #tpu.memory_space<vmem_shared>>
      %dma_start3A_505 = arith.constant 0 : i32
      %dma_start3A_506 = tpu.memref_slice %arg7[%add3A_354, %dma_start3A_505] : memref<10240x128xf32, #tpu.memory_space<vmem_shared>> -> memref<40x128xf32, #tpu.memory_space<vmem_shared>>
      tpu.enqueue_dma source(%dma_start3A_506 : memref<40x128xf32, #tpu.memory_space<vmem_shared>>) target(%arg8 : memref<40x128xf32, #tpu.memory_space<vmem>>) target_semaphore(%run_scoped3A : memref<!tpu.dma_semaphore, #tpu.memory_space<semaphore_mem>>)
      %dma_wait3A_507 = arith.constant 0 : i32
      %dma_wait3A_508 = tpu.memref_slice %arg7[%add3A_354, %dma_wait3A_507] : memref<10240x128xf32, #tpu.memory_space<vmem_shared>> -> memref<40x128xf32, #tpu.memory_space<vmem_shared>>
      %dma_wait3A_509 = arith.constant 0 : i32
      %dma_wait3A_510 = tpu.memref_slice %arg7[%add3A_354, %dma_wait3A_509] : memref<10240x128xf32, #tpu.memory_space<vmem_shared>> -> memref<40x128xf32, #tpu.memory_space<vmem_shared>>
      tpu.wait_dma2 semaphore(%run_scoped3A : memref<!tpu.dma_semaphore, #tpu.memory_space<semaphore_mem>>) src(%dma_wait3A_510 : memref<40x128xf32, #tpu.memory_space<vmem_shared>>) dst(%arg8 : memref<40x128xf32, #tpu.memory_space<vmem>>)
      tpu.yield
    }) : () -> ()
    %eq3A_355 = arith.constant 0 : i32
    %eq3A_356 = arith.cmpi eq, %arg0, %eq3A_355 : i32
    %convert_element_type3A_357 = arith.extui %eq3A_356 : i1 to i32
    %cond3A_358 = arith.constant 0 : i32
    %cond3A_359 = arith.cmpi ne, %convert_element_type3A_357, %cond3A_358 : i32
    scf.if %cond3A_359 {
      %add3A_503 = arith.constant 320 : i32
      %add3A_504 = arith.addi %mul3A_2, %add3A_503 : i32
      %dma_start3A_505 = arith.constant 0 : i32
      %dma_start3A_506 = tpu.memref_slice %arg5[%add3A_504, %dma_start3A_505] : memref<10240x128xf32, #tpu.memory_space<hbm>> -> memref<40x128xf32, #tpu.memory_space<hbm>>
      %dma_start3A_507 = arith.constant 0 : i32
      %dma_start3A_508 = tpu.memref_slice %arg5[%add3A_504, %dma_start3A_507] : memref<10240x128xf32, #tpu.memory_space<hbm>> -> memref<40x128xf32, #tpu.memory_space<hbm>>
      tpu.enqueue_dma source(%arg8 : memref<40x128xf32, #tpu.memory_space<vmem>>) target(%dma_start3A_508 : memref<40x128xf32, #tpu.memory_space<hbm>>) target_semaphore(%arg16 : memref<!tpu.dma_semaphore, #tpu.memory_space<semaphore_mem>>)
    } else {
    }
    %eq3A_360 = arith.constant 1 : i32
    %eq3A_361 = arith.cmpi eq, %arg0, %eq3A_360 : i32
    %convert_element_type3A_362 = arith.extui %eq3A_361 : i1 to i32
    %cond3A_363 = arith.constant 0 : i32
    %cond3A_364 = arith.cmpi ne, %convert_element_type3A_362, %cond3A_363 : i32
    scf.if %cond3A_364 {
      %add3A_503 = arith.constant 320 : i32
      %add3A_504 = arith.addi %mul3A_2, %add3A_503 : i32
      %dma_start3A_505 = arith.constant 0 : i32
      %dma_start3A_506 = tpu.memref_slice %arg6[%add3A_504, %dma_start3A_505] : memref<10240x128xf32, #tpu.memory_space<hbm>> -> memref<40x128xf32, #tpu.memory_space<hbm>>
      %dma_start3A_507 = arith.constant 0 : i32
      %dma_start3A_508 = tpu.memref_slice %arg6[%add3A_504, %dma_start3A_507] : memref<10240x128xf32, #tpu.memory_space<hbm>> -> memref<40x128xf32, #tpu.memory_space<hbm>>
      tpu.enqueue_dma source(%arg8 : memref<40x128xf32, #tpu.memory_space<vmem>>) target(%dma_start3A_508 : memref<40x128xf32, #tpu.memory_space<hbm>>) target_semaphore(%arg16 : memref<!tpu.dma_semaphore, #tpu.memory_space<semaphore_mem>>)
    } else {
    }
    %add3A_365 = arith.constant 280 : i32
    %add3A_366 = arith.addi %mul3A_2, %add3A_365 : i32
    %dma_wait3A_367 = arith.constant 0 : i32
    %dma_wait3A_368 = tpu.memref_slice %arg5[%add3A_366, %dma_wait3A_367] : memref<10240x128xf32, #tpu.memory_space<hbm>> -> memref<40x128xf32, #tpu.memory_space<hbm>>
    %dma_wait3A_369 = arith.constant 0 : i32
    %dma_wait3A_370 = tpu.memref_slice %arg5[%add3A_366, %dma_wait3A_369] : memref<10240x128xf32, #tpu.memory_space<hbm>> -> memref<40x128xf32, #tpu.memory_space<hbm>>
    tpu.wait_dma2 semaphore(%arg16 : memref<!tpu.dma_semaphore, #tpu.memory_space<semaphore_mem>>) src(%arg9 : memref<40x128xf32, #tpu.memory_space<vmem>>) dst(%dma_wait3A_370 : memref<40x128xf32, #tpu.memory_space<hbm>>)
    %add3A_371 = arith.constant 360 : i32
    %add3A_372 = arith.addi %mul3A_2, %add3A_371 : i32
    "tpu.region"() ({
      %run_scoped3A = tpu.sem_alloc : memref<!tpu.dma_semaphore, #tpu.memory_space<semaphore_mem>>
      %dma_start3A_503 = arith.constant 0 : i32
      %dma_start3A_504 = tpu.memref_slice %arg7[%add3A_372, %dma_start3A_503] : memref<10240x128xf32, #tpu.memory_space<vmem_shared>> -> memref<40x128xf32, #tpu.memory_space<vmem_shared>>
      %dma_start3A_505 = arith.constant 0 : i32
      %dma_start3A_506 = tpu.memref_slice %arg7[%add3A_372, %dma_start3A_505] : memref<10240x128xf32, #tpu.memory_space<vmem_shared>> -> memref<40x128xf32, #tpu.memory_space<vmem_shared>>
      tpu.enqueue_dma source(%dma_start3A_506 : memref<40x128xf32, #tpu.memory_space<vmem_shared>>) target(%arg9 : memref<40x128xf32, #tpu.memory_space<vmem>>) target_semaphore(%run_scoped3A : memref<!tpu.dma_semaphore, #tpu.memory_space<semaphore_mem>>)
      %dma_wait3A_507 = arith.constant 0 : i32
      %dma_wait3A_508 = tpu.memref_slice %arg7[%add3A_372, %dma_wait3A_507] : memref<10240x128xf32, #tpu.memory_space<vmem_shared>> -> memref<40x128xf32, #tpu.memory_space<vmem_shared>>
      %dma_wait3A_509 = arith.constant 0 : i32
      %dma_wait3A_510 = tpu.memref_slice %arg7[%add3A_372, %dma_wait3A_509] : memref<10240x128xf32, #tpu.memory_space<vmem_shared>> -> memref<40x128xf32, #tpu.memory_space<vmem_shared>>
      tpu.wait_dma2 semaphore(%run_scoped3A : memref<!tpu.dma_semaphore, #tpu.memory_space<semaphore_mem>>) src(%dma_wait3A_510 : memref<40x128xf32, #tpu.memory_space<vmem_shared>>) dst(%arg9 : memref<40x128xf32, #tpu.memory_space<vmem>>)
      tpu.yield
    }) : () -> ()
    %eq3A_373 = arith.constant 0 : i32
    %eq3A_374 = arith.cmpi eq, %arg0, %eq3A_373 : i32
    %convert_element_type3A_375 = arith.extui %eq3A_374 : i1 to i32
    %cond3A_376 = arith.constant 0 : i32
    %cond3A_377 = arith.cmpi ne, %convert_element_type3A_375, %cond3A_376 : i32
    scf.if %cond3A_377 {
      %add3A_503 = arith.constant 360 : i32
      %add3A_504 = arith.addi %mul3A_2, %add3A_503 : i32
      %dma_start3A_505 = arith.constant 0 : i32
      %dma_start3A_506 = tpu.memref_slice %arg5[%add3A_504, %dma_start3A_505] : memref<10240x128xf32, #tpu.memory_space<hbm>> -> memref<40x128xf32, #tpu.memory_space<hbm>>
      %dma_start3A_507 = arith.constant 0 : i32
      %dma_start3A_508 = tpu.memref_slice %arg5[%add3A_504, %dma_start3A_507] : memref<10240x128xf32, #tpu.memory_space<hbm>> -> memref<40x128xf32, #tpu.memory_space<hbm>>
      tpu.enqueue_dma source(%arg9 : memref<40x128xf32, #tpu.memory_space<vmem>>) target(%dma_start3A_508 : memref<40x128xf32, #tpu.memory_space<hbm>>) target_semaphore(%arg16 : memref<!tpu.dma_semaphore, #tpu.memory_space<semaphore_mem>>)
    } else {
    }
    %eq3A_378 = arith.constant 1 : i32
    %eq3A_379 = arith.cmpi eq, %arg0, %eq3A_378 : i32
    %convert_element_type3A_380 = arith.extui %eq3A_379 : i1 to i32
    %cond3A_381 = arith.constant 0 : i32
    %cond3A_382 = arith.cmpi ne, %convert_element_type3A_380, %cond3A_381 : i32
    scf.if %cond3A_382 {
      %add3A_503 = arith.constant 360 : i32
      %add3A_504 = arith.addi %mul3A_2, %add3A_503 : i32
      %dma_start3A_505 = arith.constant 0 : i32
      %dma_start3A_506 = tpu.memref_slice %arg6[%add3A_504, %dma_start3A_505] : memref<10240x128xf32, #tpu.memory_space<hbm>> -> memref<40x128xf32, #tpu.memory_space<hbm>>
      %dma_start3A_507 = arith.constant 0 : i32
      %dma_start3A_508 = tpu.memref_slice %arg6[%add3A_504, %dma_start3A_507] : memref<10240x128xf32, #tpu.memory_space<hbm>> -> memref<40x128xf32, #tpu.memory_space<hbm>>
      tpu.enqueue_dma source(%arg9 : memref<40x128xf32, #tpu.memory_space<vmem>>) target(%dma_start3A_508 : memref<40x128xf32, #tpu.memory_space<hbm>>) target_semaphore(%arg16 : memref<!tpu.dma_semaphore, #tpu.memory_space<semaphore_mem>>)
    } else {
    }
    %add3A_383 = arith.constant 320 : i32
    %add3A_384 = arith.addi %mul3A_2, %add3A_383 : i32
    %dma_wait3A_385 = arith.constant 0 : i32
    %dma_wait3A_386 = tpu.memref_slice %arg5[%add3A_384, %dma_wait3A_385] : memref<10240x128xf32, #tpu.memory_space<hbm>> -> memref<40x128xf32, #tpu.memory_space<hbm>>
    %dma_wait3A_387 = arith.constant 0 : i32
    %dma_wait3A_388 = tpu.memref_slice %arg5[%add3A_384, %dma_wait3A_387] : memref<10240x128xf32, #tpu.memory_space<hbm>> -> memref<40x128xf32, #tpu.memory_space<hbm>>
    tpu.wait_dma2 semaphore(%arg16 : memref<!tpu.dma_semaphore, #tpu.memory_space<semaphore_mem>>) src(%arg8 : memref<40x128xf32, #tpu.memory_space<vmem>>) dst(%dma_wait3A_388 : memref<40x128xf32, #tpu.memory_space<hbm>>)
    %add3A_389 = arith.constant 400 : i32
    %add3A_390 = arith.addi %mul3A_2, %add3A_389 : i32
    "tpu.region"() ({
      %run_scoped3A = tpu.sem_alloc : memref<!tpu.dma_semaphore, #tpu.memory_space<semaphore_mem>>
      %dma_start3A_503 = arith.constant 0 : i32
      %dma_start3A_504 = tpu.memref_slice %arg7[%add3A_390, %dma_start3A_503] : memref<10240x128xf32, #tpu.memory_space<vmem_shared>> -> memref<40x128xf32, #tpu.memory_space<vmem_shared>>
      %dma_start3A_505 = arith.constant 0 : i32
      %dma_start3A_506 = tpu.memref_slice %arg7[%add3A_390, %dma_start3A_505] : memref<10240x128xf32, #tpu.memory_space<vmem_shared>> -> memref<40x128xf32, #tpu.memory_space<vmem_shared>>
      tpu.enqueue_dma source(%dma_start3A_506 : memref<40x128xf32, #tpu.memory_space<vmem_shared>>) target(%arg8 : memref<40x128xf32, #tpu.memory_space<vmem>>) target_semaphore(%run_scoped3A : memref<!tpu.dma_semaphore, #tpu.memory_space<semaphore_mem>>)
      %dma_wait3A_507 = arith.constant 0 : i32
      %dma_wait3A_508 = tpu.memref_slice %arg7[%add3A_390, %dma_wait3A_507] : memref<10240x128xf32, #tpu.memory_space<vmem_shared>> -> memref<40x128xf32, #tpu.memory_space<vmem_shared>>
      %dma_wait3A_509 = arith.constant 0 : i32
      %dma_wait3A_510 = tpu.memref_slice %arg7[%add3A_390, %dma_wait3A_509] : memref<10240x128xf32, #tpu.memory_space<vmem_shared>> -> memref<40x128xf32, #tpu.memory_space<vmem_shared>>
      tpu.wait_dma2 semaphore(%run_scoped3A : memref<!tpu.dma_semaphore, #tpu.memory_space<semaphore_mem>>) src(%dma_wait3A_510 : memref<40x128xf32, #tpu.memory_space<vmem_shared>>) dst(%arg8 : memref<40x128xf32, #tpu.memory_space<vmem>>)
      tpu.yield
    }) : () -> ()
    %eq3A_391 = arith.constant 0 : i32
    %eq3A_392 = arith.cmpi eq, %arg0, %eq3A_391 : i32
    %convert_element_type3A_393 = arith.extui %eq3A_392 : i1 to i32
    %cond3A_394 = arith.constant 0 : i32
    %cond3A_395 = arith.cmpi ne, %convert_element_type3A_393, %cond3A_394 : i32
    scf.if %cond3A_395 {
      %add3A_503 = arith.constant 400 : i32
      %add3A_504 = arith.addi %mul3A_2, %add3A_503 : i32
      %dma_start3A_505 = arith.constant 0 : i32
      %dma_start3A_506 = tpu.memref_slice %arg5[%add3A_504, %dma_start3A_505] : memref<10240x128xf32, #tpu.memory_space<hbm>> -> memref<40x128xf32, #tpu.memory_space<hbm>>
      %dma_start3A_507 = arith.constant 0 : i32
      %dma_start3A_508 = tpu.memref_slice %arg5[%add3A_504, %dma_start3A_507] : memref<10240x128xf32, #tpu.memory_space<hbm>> -> memref<40x128xf32, #tpu.memory_space<hbm>>
      tpu.enqueue_dma source(%arg8 : memref<40x128xf32, #tpu.memory_space<vmem>>) target(%dma_start3A_508 : memref<40x128xf32, #tpu.memory_space<hbm>>) target_semaphore(%arg16 : memref<!tpu.dma_semaphore, #tpu.memory_space<semaphore_mem>>)
    } else {
    }
    %eq3A_396 = arith.constant 1 : i32
    %eq3A_397 = arith.cmpi eq, %arg0, %eq3A_396 : i32
    %convert_element_type3A_398 = arith.extui %eq3A_397 : i1 to i32
    %cond3A_399 = arith.constant 0 : i32
    %cond3A_400 = arith.cmpi ne, %convert_element_type3A_398, %cond3A_399 : i32
    scf.if %cond3A_400 {
      %add3A_503 = arith.constant 400 : i32
      %add3A_504 = arith.addi %mul3A_2, %add3A_503 : i32
      %dma_start3A_505 = arith.constant 0 : i32
      %dma_start3A_506 = tpu.memref_slice %arg6[%add3A_504, %dma_start3A_505] : memref<10240x128xf32, #tpu.memory_space<hbm>> -> memref<40x128xf32, #tpu.memory_space<hbm>>
      %dma_start3A_507 = arith.constant 0 : i32
      %dma_start3A_508 = tpu.memref_slice %arg6[%add3A_504, %dma_start3A_507] : memref<10240x128xf32, #tpu.memory_space<hbm>> -> memref<40x128xf32, #tpu.memory_space<hbm>>
      tpu.enqueue_dma source(%arg8 : memref<40x128xf32, #tpu.memory_space<vmem>>) target(%dma_start3A_508 : memref<40x128xf32, #tpu.memory_space<hbm>>) target_semaphore(%arg16 : memref<!tpu.dma_semaphore, #tpu.memory_space<semaphore_mem>>)
    } else {
    }
    %add3A_401 = arith.constant 360 : i32
    %add3A_402 = arith.addi %mul3A_2, %add3A_401 : i32
    %dma_wait3A_403 = arith.constant 0 : i32
    %dma_wait3A_404 = tpu.memref_slice %arg5[%add3A_402, %dma_wait3A_403] : memref<10240x128xf32, #tpu.memory_space<hbm>> -> memref<40x128xf32, #tpu.memory_space<hbm>>
    %dma_wait3A_405 = arith.constant 0 : i32
    %dma_wait3A_406 = tpu.memref_slice %arg5[%add3A_402, %dma_wait3A_405] : memref<10240x128xf32, #tpu.memory_space<hbm>> -> memref<40x128xf32, #tpu.memory_space<hbm>>
    tpu.wait_dma2 semaphore(%arg16 : memref<!tpu.dma_semaphore, #tpu.memory_space<semaphore_mem>>) src(%arg9 : memref<40x128xf32, #tpu.memory_space<vmem>>) dst(%dma_wait3A_406 : memref<40x128xf32, #tpu.memory_space<hbm>>)
    %add3A_407 = arith.constant 440 : i32
    %add3A_408 = arith.addi %mul3A_2, %add3A_407 : i32
    "tpu.region"() ({
      %run_scoped3A = tpu.sem_alloc : memref<!tpu.dma_semaphore, #tpu.memory_space<semaphore_mem>>
      %dma_start3A_503 = arith.constant 0 : i32
      %dma_start3A_504 = tpu.memref_slice %arg7[%add3A_408, %dma_start3A_503] : memref<10240x128xf32, #tpu.memory_space<vmem_shared>> -> memref<40x128xf32, #tpu.memory_space<vmem_shared>>
      %dma_start3A_505 = arith.constant 0 : i32
      %dma_start3A_506 = tpu.memref_slice %arg7[%add3A_408, %dma_start3A_505] : memref<10240x128xf32, #tpu.memory_space<vmem_shared>> -> memref<40x128xf32, #tpu.memory_space<vmem_shared>>
      tpu.enqueue_dma source(%dma_start3A_506 : memref<40x128xf32, #tpu.memory_space<vmem_shared>>) target(%arg9 : memref<40x128xf32, #tpu.memory_space<vmem>>) target_semaphore(%run_scoped3A : memref<!tpu.dma_semaphore, #tpu.memory_space<semaphore_mem>>)
      %dma_wait3A_507 = arith.constant 0 : i32
      %dma_wait3A_508 = tpu.memref_slice %arg7[%add3A_408, %dma_wait3A_507] : memref<10240x128xf32, #tpu.memory_space<vmem_shared>> -> memref<40x128xf32, #tpu.memory_space<vmem_shared>>
      %dma_wait3A_509 = arith.constant 0 : i32
      %dma_wait3A_510 = tpu.memref_slice %arg7[%add3A_408, %dma_wait3A_509] : memref<10240x128xf32, #tpu.memory_space<vmem_shared>> -> memref<40x128xf32, #tpu.memory_space<vmem_shared>>
      tpu.wait_dma2 semaphore(%run_scoped3A : memref<!tpu.dma_semaphore, #tpu.memory_space<semaphore_mem>>) src(%dma_wait3A_510 : memref<40x128xf32, #tpu.memory_space<vmem_shared>>) dst(%arg9 : memref<40x128xf32, #tpu.memory_space<vmem>>)
      tpu.yield
    }) : () -> ()
    %eq3A_409 = arith.constant 0 : i32
    %eq3A_410 = arith.cmpi eq, %arg0, %eq3A_409 : i32
    %convert_element_type3A_411 = arith.extui %eq3A_410 : i1 to i32
    %cond3A_412 = arith.constant 0 : i32
    %cond3A_413 = arith.cmpi ne, %convert_element_type3A_411, %cond3A_412 : i32
    scf.if %cond3A_413 {
      %add3A_503 = arith.constant 440 : i32
      %add3A_504 = arith.addi %mul3A_2, %add3A_503 : i32
      %dma_start3A_505 = arith.constant 0 : i32
      %dma_start3A_506 = tpu.memref_slice %arg5[%add3A_504, %dma_start3A_505] : memref<10240x128xf32, #tpu.memory_space<hbm>> -> memref<40x128xf32, #tpu.memory_space<hbm>>
      %dma_start3A_507 = arith.constant 0 : i32
      %dma_start3A_508 = tpu.memref_slice %arg5[%add3A_504, %dma_start3A_507] : memref<10240x128xf32, #tpu.memory_space<hbm>> -> memref<40x128xf32, #tpu.memory_space<hbm>>
      tpu.enqueue_dma source(%arg9 : memref<40x128xf32, #tpu.memory_space<vmem>>) target(%dma_start3A_508 : memref<40x128xf32, #tpu.memory_space<hbm>>) target_semaphore(%arg16 : memref<!tpu.dma_semaphore, #tpu.memory_space<semaphore_mem>>)
    } else {
    }
    %eq3A_414 = arith.constant 1 : i32
    %eq3A_415 = arith.cmpi eq, %arg0, %eq3A_414 : i32
    %convert_element_type3A_416 = arith.extui %eq3A_415 : i1 to i32
    %cond3A_417 = arith.constant 0 : i32
    %cond3A_418 = arith.cmpi ne, %convert_element_type3A_416, %cond3A_417 : i32
    scf.if %cond3A_418 {
      %add3A_503 = arith.constant 440 : i32
      %add3A_504 = arith.addi %mul3A_2, %add3A_503 : i32
      %dma_start3A_505 = arith.constant 0 : i32
      %dma_start3A_506 = tpu.memref_slice %arg6[%add3A_504, %dma_start3A_505] : memref<10240x128xf32, #tpu.memory_space<hbm>> -> memref<40x128xf32, #tpu.memory_space<hbm>>
      %dma_start3A_507 = arith.constant 0 : i32
      %dma_start3A_508 = tpu.memref_slice %arg6[%add3A_504, %dma_start3A_507] : memref<10240x128xf32, #tpu.memory_space<hbm>> -> memref<40x128xf32, #tpu.memory_space<hbm>>
      tpu.enqueue_dma source(%arg9 : memref<40x128xf32, #tpu.memory_space<vmem>>) target(%dma_start3A_508 : memref<40x128xf32, #tpu.memory_space<hbm>>) target_semaphore(%arg16 : memref<!tpu.dma_semaphore, #tpu.memory_space<semaphore_mem>>)
    } else {
    }
    %add3A_419 = arith.constant 400 : i32
    %add3A_420 = arith.addi %mul3A_2, %add3A_419 : i32
    %dma_wait3A_421 = arith.constant 0 : i32
    %dma_wait3A_422 = tpu.memref_slice %arg5[%add3A_420, %dma_wait3A_421] : memref<10240x128xf32, #tpu.memory_space<hbm>> -> memref<40x128xf32, #tpu.memory_space<hbm>>
    %dma_wait3A_423 = arith.constant 0 : i32
    %dma_wait3A_424 = tpu.memref_slice %arg5[%add3A_420, %dma_wait3A_423] : memref<10240x128xf32, #tpu.memory_space<hbm>> -> memref<40x128xf32, #tpu.memory_space<hbm>>
    tpu.wait_dma2 semaphore(%arg16 : memref<!tpu.dma_semaphore, #tpu.memory_space<semaphore_mem>>) src(%arg8 : memref<40x128xf32, #tpu.memory_space<vmem>>) dst(%dma_wait3A_424 : memref<40x128xf32, #tpu.memory_space<hbm>>)
    %add3A_425 = arith.constant 480 : i32
    %add3A_426 = arith.addi %mul3A_2, %add3A_425 : i32
    "tpu.region"() ({
      %run_scoped3A = tpu.sem_alloc : memref<!tpu.dma_semaphore, #tpu.memory_space<semaphore_mem>>
      %dma_start3A_503 = arith.constant 0 : i32
      %dma_start3A_504 = tpu.memref_slice %arg7[%add3A_426, %dma_start3A_503] : memref<10240x128xf32, #tpu.memory_space<vmem_shared>> -> memref<40x128xf32, #tpu.memory_space<vmem_shared>>
      %dma_start3A_505 = arith.constant 0 : i32
      %dma_start3A_506 = tpu.memref_slice %arg7[%add3A_426, %dma_start3A_505] : memref<10240x128xf32, #tpu.memory_space<vmem_shared>> -> memref<40x128xf32, #tpu.memory_space<vmem_shared>>
      tpu.enqueue_dma source(%dma_start3A_506 : memref<40x128xf32, #tpu.memory_space<vmem_shared>>) target(%arg8 : memref<40x128xf32, #tpu.memory_space<vmem>>) target_semaphore(%run_scoped3A : memref<!tpu.dma_semaphore, #tpu.memory_space<semaphore_mem>>)
      %dma_wait3A_507 = arith.constant 0 : i32
      %dma_wait3A_508 = tpu.memref_slice %arg7[%add3A_426, %dma_wait3A_507] : memref<10240x128xf32, #tpu.memory_space<vmem_shared>> -> memref<40x128xf32, #tpu.memory_space<vmem_shared>>
      %dma_wait3A_509 = arith.constant 0 : i32
      %dma_wait3A_510 = tpu.memref_slice %arg7[%add3A_426, %dma_wait3A_509] : memref<10240x128xf32, #tpu.memory_space<vmem_shared>> -> memref<40x128xf32, #tpu.memory_space<vmem_shared>>
      tpu.wait_dma2 semaphore(%run_scoped3A : memref<!tpu.dma_semaphore, #tpu.memory_space<semaphore_mem>>) src(%dma_wait3A_510 : memref<40x128xf32, #tpu.memory_space<vmem_shared>>) dst(%arg8 : memref<40x128xf32, #tpu.memory_space<vmem>>)
      tpu.yield
    }) : () -> ()
    %eq3A_427 = arith.constant 0 : i32
    %eq3A_428 = arith.cmpi eq, %arg0, %eq3A_427 : i32
    %convert_element_type3A_429 = arith.extui %eq3A_428 : i1 to i32
    %cond3A_430 = arith.constant 0 : i32
    %cond3A_431 = arith.cmpi ne, %convert_element_type3A_429, %cond3A_430 : i32
    scf.if %cond3A_431 {
      %add3A_503 = arith.constant 480 : i32
      %add3A_504 = arith.addi %mul3A_2, %add3A_503 : i32
      %dma_start3A_505 = arith.constant 0 : i32
      %dma_start3A_506 = tpu.memref_slice %arg5[%add3A_504, %dma_start3A_505] : memref<10240x128xf32, #tpu.memory_space<hbm>> -> memref<40x128xf32, #tpu.memory_space<hbm>>
      %dma_start3A_507 = arith.constant 0 : i32
      %dma_start3A_508 = tpu.memref_slice %arg5[%add3A_504, %dma_start3A_507] : memref<10240x128xf32, #tpu.memory_space<hbm>> -> memref<40x128xf32, #tpu.memory_space<hbm>>
      tpu.enqueue_dma source(%arg8 : memref<40x128xf32, #tpu.memory_space<vmem>>) target(%dma_start3A_508 : memref<40x128xf32, #tpu.memory_space<hbm>>) target_semaphore(%arg16 : memref<!tpu.dma_semaphore, #tpu.memory_space<semaphore_mem>>)
    } else {
    }
    %eq3A_432 = arith.constant 1 : i32
    %eq3A_433 = arith.cmpi eq, %arg0, %eq3A_432 : i32
    %convert_element_type3A_434 = arith.extui %eq3A_433 : i1 to i32
    %cond3A_435 = arith.constant 0 : i32
    %cond3A_436 = arith.cmpi ne, %convert_element_type3A_434, %cond3A_435 : i32
    scf.if %cond3A_436 {
      %add3A_503 = arith.constant 480 : i32
      %add3A_504 = arith.addi %mul3A_2, %add3A_503 : i32
      %dma_start3A_505 = arith.constant 0 : i32
      %dma_start3A_506 = tpu.memref_slice %arg6[%add3A_504, %dma_start3A_505] : memref<10240x128xf32, #tpu.memory_space<hbm>> -> memref<40x128xf32, #tpu.memory_space<hbm>>
      %dma_start3A_507 = arith.constant 0 : i32
      %dma_start3A_508 = tpu.memref_slice %arg6[%add3A_504, %dma_start3A_507] : memref<10240x128xf32, #tpu.memory_space<hbm>> -> memref<40x128xf32, #tpu.memory_space<hbm>>
      tpu.enqueue_dma source(%arg8 : memref<40x128xf32, #tpu.memory_space<vmem>>) target(%dma_start3A_508 : memref<40x128xf32, #tpu.memory_space<hbm>>) target_semaphore(%arg16 : memref<!tpu.dma_semaphore, #tpu.memory_space<semaphore_mem>>)
    } else {
    }
    %add3A_437 = arith.constant 440 : i32
    %add3A_438 = arith.addi %mul3A_2, %add3A_437 : i32
    %dma_wait3A_439 = arith.constant 0 : i32
    %dma_wait3A_440 = tpu.memref_slice %arg5[%add3A_438, %dma_wait3A_439] : memref<10240x128xf32, #tpu.memory_space<hbm>> -> memref<40x128xf32, #tpu.memory_space<hbm>>
    %dma_wait3A_441 = arith.constant 0 : i32
    %dma_wait3A_442 = tpu.memref_slice %arg5[%add3A_438, %dma_wait3A_441] : memref<10240x128xf32, #tpu.memory_space<hbm>> -> memref<40x128xf32, #tpu.memory_space<hbm>>
    tpu.wait_dma2 semaphore(%arg16 : memref<!tpu.dma_semaphore, #tpu.memory_space<semaphore_mem>>) src(%arg9 : memref<40x128xf32, #tpu.memory_space<vmem>>) dst(%dma_wait3A_442 : memref<40x128xf32, #tpu.memory_space<hbm>>)
    %add3A_443 = arith.constant 520 : i32
    %add3A_444 = arith.addi %mul3A_2, %add3A_443 : i32
    "tpu.region"() ({
      %run_scoped3A = tpu.sem_alloc : memref<!tpu.dma_semaphore, #tpu.memory_space<semaphore_mem>>
      %dma_start3A_503 = arith.constant 0 : i32
      %dma_start3A_504 = tpu.memref_slice %arg7[%add3A_444, %dma_start3A_503] : memref<10240x128xf32, #tpu.memory_space<vmem_shared>> -> memref<40x128xf32, #tpu.memory_space<vmem_shared>>
      %dma_start3A_505 = arith.constant 0 : i32
      %dma_start3A_506 = tpu.memref_slice %arg7[%add3A_444, %dma_start3A_505] : memref<10240x128xf32, #tpu.memory_space<vmem_shared>> -> memref<40x128xf32, #tpu.memory_space<vmem_shared>>
      tpu.enqueue_dma source(%dma_start3A_506 : memref<40x128xf32, #tpu.memory_space<vmem_shared>>) target(%arg9 : memref<40x128xf32, #tpu.memory_space<vmem>>) target_semaphore(%run_scoped3A : memref<!tpu.dma_semaphore, #tpu.memory_space<semaphore_mem>>)
      %dma_wait3A_507 = arith.constant 0 : i32
      %dma_wait3A_508 = tpu.memref_slice %arg7[%add3A_444, %dma_wait3A_507] : memref<10240x128xf32, #tpu.memory_space<vmem_shared>> -> memref<40x128xf32, #tpu.memory_space<vmem_shared>>
      %dma_wait3A_509 = arith.constant 0 : i32
      %dma_wait3A_510 = tpu.memref_slice %arg7[%add3A_444, %dma_wait3A_509] : memref<10240x128xf32, #tpu.memory_space<vmem_shared>> -> memref<40x128xf32, #tpu.memory_space<vmem_shared>>
      tpu.wait_dma2 semaphore(%run_scoped3A : memref<!tpu.dma_semaphore, #tpu.memory_space<semaphore_mem>>) src(%dma_wait3A_510 : memref<40x128xf32, #tpu.memory_space<vmem_shared>>) dst(%arg9 : memref<40x128xf32, #tpu.memory_space<vmem>>)
      tpu.yield
    }) : () -> ()
    %eq3A_445 = arith.constant 0 : i32
    %eq3A_446 = arith.cmpi eq, %arg0, %eq3A_445 : i32
    %convert_element_type3A_447 = arith.extui %eq3A_446 : i1 to i32
    %cond3A_448 = arith.constant 0 : i32
    %cond3A_449 = arith.cmpi ne, %convert_element_type3A_447, %cond3A_448 : i32
    scf.if %cond3A_449 {
      %add3A_503 = arith.constant 520 : i32
      %add3A_504 = arith.addi %mul3A_2, %add3A_503 : i32
      %dma_start3A_505 = arith.constant 0 : i32
      %dma_start3A_506 = tpu.memref_slice %arg5[%add3A_504, %dma_start3A_505] : memref<10240x128xf32, #tpu.memory_space<hbm>> -> memref<40x128xf32, #tpu.memory_space<hbm>>
      %dma_start3A_507 = arith.constant 0 : i32
      %dma_start3A_508 = tpu.memref_slice %arg5[%add3A_504, %dma_start3A_507] : memref<10240x128xf32, #tpu.memory_space<hbm>> -> memref<40x128xf32, #tpu.memory_space<hbm>>
      tpu.enqueue_dma source(%arg9 : memref<40x128xf32, #tpu.memory_space<vmem>>) target(%dma_start3A_508 : memref<40x128xf32, #tpu.memory_space<hbm>>) target_semaphore(%arg16 : memref<!tpu.dma_semaphore, #tpu.memory_space<semaphore_mem>>)
    } else {
    }
    %eq3A_450 = arith.constant 1 : i32
    %eq3A_451 = arith.cmpi eq, %arg0, %eq3A_450 : i32
    %convert_element_type3A_452 = arith.extui %eq3A_451 : i1 to i32
    %cond3A_453 = arith.constant 0 : i32
    %cond3A_454 = arith.cmpi ne, %convert_element_type3A_452, %cond3A_453 : i32
    scf.if %cond3A_454 {
      %add3A_503 = arith.constant 520 : i32
      %add3A_504 = arith.addi %mul3A_2, %add3A_503 : i32
      %dma_start3A_505 = arith.constant 0 : i32
      %dma_start3A_506 = tpu.memref_slice %arg6[%add3A_504, %dma_start3A_505] : memref<10240x128xf32, #tpu.memory_space<hbm>> -> memref<40x128xf32, #tpu.memory_space<hbm>>
      %dma_start3A_507 = arith.constant 0 : i32
      %dma_start3A_508 = tpu.memref_slice %arg6[%add3A_504, %dma_start3A_507] : memref<10240x128xf32, #tpu.memory_space<hbm>> -> memref<40x128xf32, #tpu.memory_space<hbm>>
      tpu.enqueue_dma source(%arg9 : memref<40x128xf32, #tpu.memory_space<vmem>>) target(%dma_start3A_508 : memref<40x128xf32, #tpu.memory_space<hbm>>) target_semaphore(%arg16 : memref<!tpu.dma_semaphore, #tpu.memory_space<semaphore_mem>>)
    } else {
    }
    %add3A_455 = arith.constant 480 : i32
    %add3A_456 = arith.addi %mul3A_2, %add3A_455 : i32
    %dma_wait3A_457 = arith.constant 0 : i32
    %dma_wait3A_458 = tpu.memref_slice %arg5[%add3A_456, %dma_wait3A_457] : memref<10240x128xf32, #tpu.memory_space<hbm>> -> memref<40x128xf32, #tpu.memory_space<hbm>>
    %dma_wait3A_459 = arith.constant 0 : i32
    %dma_wait3A_460 = tpu.memref_slice %arg5[%add3A_456, %dma_wait3A_459] : memref<10240x128xf32, #tpu.memory_space<hbm>> -> memref<40x128xf32, #tpu.memory_space<hbm>>
    tpu.wait_dma2 semaphore(%arg16 : memref<!tpu.dma_semaphore, #tpu.memory_space<semaphore_mem>>) src(%arg8 : memref<40x128xf32, #tpu.memory_space<vmem>>) dst(%dma_wait3A_460 : memref<40x128xf32, #tpu.memory_space<hbm>>)
    %add3A_461 = arith.constant 560 : i32
    %add3A_462 = arith.addi %mul3A_2, %add3A_461 : i32
    "tpu.region"() ({
      %run_scoped3A = tpu.sem_alloc : memref<!tpu.dma_semaphore, #tpu.memory_space<semaphore_mem>>
      %dma_start3A_503 = arith.constant 0 : i32
      %dma_start3A_504 = tpu.memref_slice %arg7[%add3A_462, %dma_start3A_503] : memref<10240x128xf32, #tpu.memory_space<vmem_shared>> -> memref<40x128xf32, #tpu.memory_space<vmem_shared>>
      %dma_start3A_505 = arith.constant 0 : i32
      %dma_start3A_506 = tpu.memref_slice %arg7[%add3A_462, %dma_start3A_505] : memref<10240x128xf32, #tpu.memory_space<vmem_shared>> -> memref<40x128xf32, #tpu.memory_space<vmem_shared>>
      tpu.enqueue_dma source(%dma_start3A_506 : memref<40x128xf32, #tpu.memory_space<vmem_shared>>) target(%arg8 : memref<40x128xf32, #tpu.memory_space<vmem>>) target_semaphore(%run_scoped3A : memref<!tpu.dma_semaphore, #tpu.memory_space<semaphore_mem>>)
      %dma_wait3A_507 = arith.constant 0 : i32
      %dma_wait3A_508 = tpu.memref_slice %arg7[%add3A_462, %dma_wait3A_507] : memref<10240x128xf32, #tpu.memory_space<vmem_shared>> -> memref<40x128xf32, #tpu.memory_space<vmem_shared>>
      %dma_wait3A_509 = arith.constant 0 : i32
      %dma_wait3A_510 = tpu.memref_slice %arg7[%add3A_462, %dma_wait3A_509] : memref<10240x128xf32, #tpu.memory_space<vmem_shared>> -> memref<40x128xf32, #tpu.memory_space<vmem_shared>>
      tpu.wait_dma2 semaphore(%run_scoped3A : memref<!tpu.dma_semaphore, #tpu.memory_space<semaphore_mem>>) src(%dma_wait3A_510 : memref<40x128xf32, #tpu.memory_space<vmem_shared>>) dst(%arg8 : memref<40x128xf32, #tpu.memory_space<vmem>>)
      tpu.yield
    }) : () -> ()
    %eq3A_463 = arith.constant 0 : i32
    %eq3A_464 = arith.cmpi eq, %arg0, %eq3A_463 : i32
    %convert_element_type3A_465 = arith.extui %eq3A_464 : i1 to i32
    %cond3A_466 = arith.constant 0 : i32
    %cond3A_467 = arith.cmpi ne, %convert_element_type3A_465, %cond3A_466 : i32
    scf.if %cond3A_467 {
      %add3A_503 = arith.constant 560 : i32
      %add3A_504 = arith.addi %mul3A_2, %add3A_503 : i32
      %dma_start3A_505 = arith.constant 0 : i32
      %dma_start3A_506 = tpu.memref_slice %arg5[%add3A_504, %dma_start3A_505] : memref<10240x128xf32, #tpu.memory_space<hbm>> -> memref<40x128xf32, #tpu.memory_space<hbm>>
      %dma_start3A_507 = arith.constant 0 : i32
      %dma_start3A_508 = tpu.memref_slice %arg5[%add3A_504, %dma_start3A_507] : memref<10240x128xf32, #tpu.memory_space<hbm>> -> memref<40x128xf32, #tpu.memory_space<hbm>>
      tpu.enqueue_dma source(%arg8 : memref<40x128xf32, #tpu.memory_space<vmem>>) target(%dma_start3A_508 : memref<40x128xf32, #tpu.memory_space<hbm>>) target_semaphore(%arg16 : memref<!tpu.dma_semaphore, #tpu.memory_space<semaphore_mem>>)
    } else {
    }
    %eq3A_468 = arith.constant 1 : i32
    %eq3A_469 = arith.cmpi eq, %arg0, %eq3A_468 : i32
    %convert_element_type3A_470 = arith.extui %eq3A_469 : i1 to i32
    %cond3A_471 = arith.constant 0 : i32
    %cond3A_472 = arith.cmpi ne, %convert_element_type3A_470, %cond3A_471 : i32
    scf.if %cond3A_472 {
      %add3A_503 = arith.constant 560 : i32
      %add3A_504 = arith.addi %mul3A_2, %add3A_503 : i32
      %dma_start3A_505 = arith.constant 0 : i32
      %dma_start3A_506 = tpu.memref_slice %arg6[%add3A_504, %dma_start3A_505] : memref<10240x128xf32, #tpu.memory_space<hbm>> -> memref<40x128xf32, #tpu.memory_space<hbm>>
      %dma_start3A_507 = arith.constant 0 : i32
      %dma_start3A_508 = tpu.memref_slice %arg6[%add3A_504, %dma_start3A_507] : memref<10240x128xf32, #tpu.memory_space<hbm>> -> memref<40x128xf32, #tpu.memory_space<hbm>>
      tpu.enqueue_dma source(%arg8 : memref<40x128xf32, #tpu.memory_space<vmem>>) target(%dma_start3A_508 : memref<40x128xf32, #tpu.memory_space<hbm>>) target_semaphore(%arg16 : memref<!tpu.dma_semaphore, #tpu.memory_space<semaphore_mem>>)
    } else {
    }
    %add3A_473 = arith.constant 520 : i32
    %add3A_474 = arith.addi %mul3A_2, %add3A_473 : i32
    %dma_wait3A_475 = arith.constant 0 : i32
    %dma_wait3A_476 = tpu.memref_slice %arg5[%add3A_474, %dma_wait3A_475] : memref<10240x128xf32, #tpu.memory_space<hbm>> -> memref<40x128xf32, #tpu.memory_space<hbm>>
    %dma_wait3A_477 = arith.constant 0 : i32
    %dma_wait3A_478 = tpu.memref_slice %arg5[%add3A_474, %dma_wait3A_477] : memref<10240x128xf32, #tpu.memory_space<hbm>> -> memref<40x128xf32, #tpu.memory_space<hbm>>
    tpu.wait_dma2 semaphore(%arg16 : memref<!tpu.dma_semaphore, #tpu.memory_space<semaphore_mem>>) src(%arg9 : memref<40x128xf32, #tpu.memory_space<vmem>>) dst(%dma_wait3A_478 : memref<40x128xf32, #tpu.memory_space<hbm>>)
    %add3A_479 = arith.constant 600 : i32
    %add3A_480 = arith.addi %mul3A_2, %add3A_479 : i32
    "tpu.region"() ({
      %run_scoped3A = tpu.sem_alloc : memref<!tpu.dma_semaphore, #tpu.memory_space<semaphore_mem>>
      %dma_start3A_503 = arith.constant 0 : i32
      %dma_start3A_504 = tpu.memref_slice %arg7[%add3A_480, %dma_start3A_503] : memref<10240x128xf32, #tpu.memory_space<vmem_shared>> -> memref<40x128xf32, #tpu.memory_space<vmem_shared>>
      %dma_start3A_505 = arith.constant 0 : i32
      %dma_start3A_506 = tpu.memref_slice %arg7[%add3A_480, %dma_start3A_505] : memref<10240x128xf32, #tpu.memory_space<vmem_shared>> -> memref<40x128xf32, #tpu.memory_space<vmem_shared>>
      tpu.enqueue_dma source(%dma_start3A_506 : memref<40x128xf32, #tpu.memory_space<vmem_shared>>) target(%arg9 : memref<40x128xf32, #tpu.memory_space<vmem>>) target_semaphore(%run_scoped3A : memref<!tpu.dma_semaphore, #tpu.memory_space<semaphore_mem>>)
      %dma_wait3A_507 = arith.constant 0 : i32
      %dma_wait3A_508 = tpu.memref_slice %arg7[%add3A_480, %dma_wait3A_507] : memref<10240x128xf32, #tpu.memory_space<vmem_shared>> -> memref<40x128xf32, #tpu.memory_space<vmem_shared>>
      %dma_wait3A_509 = arith.constant 0 : i32
      %dma_wait3A_510 = tpu.memref_slice %arg7[%add3A_480, %dma_wait3A_509] : memref<10240x128xf32, #tpu.memory_space<vmem_shared>> -> memref<40x128xf32, #tpu.memory_space<vmem_shared>>
      tpu.wait_dma2 semaphore(%run_scoped3A : memref<!tpu.dma_semaphore, #tpu.memory_space<semaphore_mem>>) src(%dma_wait3A_510 : memref<40x128xf32, #tpu.memory_space<vmem_shared>>) dst(%arg9 : memref<40x128xf32, #tpu.memory_space<vmem>>)
      tpu.yield
    }) : () -> ()
    %eq3A_481 = arith.constant 0 : i32
    %eq3A_482 = arith.cmpi eq, %arg0, %eq3A_481 : i32
    %convert_element_type3A_483 = arith.extui %eq3A_482 : i1 to i32
    %cond3A_484 = arith.constant 0 : i32
    %cond3A_485 = arith.cmpi ne, %convert_element_type3A_483, %cond3A_484 : i32
    scf.if %cond3A_485 {
      %add3A_503 = arith.constant 600 : i32
      %add3A_504 = arith.addi %mul3A_2, %add3A_503 : i32
      %dma_start3A_505 = arith.constant 0 : i32
      %dma_start3A_506 = tpu.memref_slice %arg5[%add3A_504, %dma_start3A_505] : memref<10240x128xf32, #tpu.memory_space<hbm>> -> memref<40x128xf32, #tpu.memory_space<hbm>>
      %dma_start3A_507 = arith.constant 0 : i32
      %dma_start3A_508 = tpu.memref_slice %arg5[%add3A_504, %dma_start3A_507] : memref<10240x128xf32, #tpu.memory_space<hbm>> -> memref<40x128xf32, #tpu.memory_space<hbm>>
      tpu.enqueue_dma source(%arg9 : memref<40x128xf32, #tpu.memory_space<vmem>>) target(%dma_start3A_508 : memref<40x128xf32, #tpu.memory_space<hbm>>) target_semaphore(%arg16 : memref<!tpu.dma_semaphore, #tpu.memory_space<semaphore_mem>>)
    } else {
    }
    %eq3A_486 = arith.constant 1 : i32
    %eq3A_487 = arith.cmpi eq, %arg0, %eq3A_486 : i32
    %convert_element_type3A_488 = arith.extui %eq3A_487 : i1 to i32
    %cond3A_489 = arith.constant 0 : i32
    %cond3A_490 = arith.cmpi ne, %convert_element_type3A_488, %cond3A_489 : i32
    scf.if %cond3A_490 {
      %add3A_503 = arith.constant 600 : i32
      %add3A_504 = arith.addi %mul3A_2, %add3A_503 : i32
      %dma_start3A_505 = arith.constant 0 : i32
      %dma_start3A_506 = tpu.memref_slice %arg6[%add3A_504, %dma_start3A_505] : memref<10240x128xf32, #tpu.memory_space<hbm>> -> memref<40x128xf32, #tpu.memory_space<hbm>>
      %dma_start3A_507 = arith.constant 0 : i32
      %dma_start3A_508 = tpu.memref_slice %arg6[%add3A_504, %dma_start3A_507] : memref<10240x128xf32, #tpu.memory_space<hbm>> -> memref<40x128xf32, #tpu.memory_space<hbm>>
      tpu.enqueue_dma source(%arg9 : memref<40x128xf32, #tpu.memory_space<vmem>>) target(%dma_start3A_508 : memref<40x128xf32, #tpu.memory_space<hbm>>) target_semaphore(%arg16 : memref<!tpu.dma_semaphore, #tpu.memory_space<semaphore_mem>>)
    } else {
    }
    %add3A_491 = arith.constant 560 : i32
    %add3A_492 = arith.addi %mul3A_2, %add3A_491 : i32
    %dma_wait3A_493 = arith.constant 0 : i32
    %dma_wait3A_494 = tpu.memref_slice %arg5[%add3A_492, %dma_wait3A_493] : memref<10240x128xf32, #tpu.memory_space<hbm>> -> memref<40x128xf32, #tpu.memory_space<hbm>>
    %dma_wait3A_495 = arith.constant 0 : i32
    %dma_wait3A_496 = tpu.memref_slice %arg5[%add3A_492, %dma_wait3A_495] : memref<10240x128xf32, #tpu.memory_space<hbm>> -> memref<40x128xf32, #tpu.memory_space<hbm>>
    tpu.wait_dma2 semaphore(%arg16 : memref<!tpu.dma_semaphore, #tpu.memory_space<semaphore_mem>>) src(%arg8 : memref<40x128xf32, #tpu.memory_space<vmem>>) dst(%dma_wait3A_496 : memref<40x128xf32, #tpu.memory_space<hbm>>)
    %add3A_497 = arith.constant 600 : i32
    %add3A_498 = arith.addi %mul3A_2, %add3A_497 : i32
    %dma_wait3A_499 = arith.constant 0 : i32
    %dma_wait3A_500 = tpu.memref_slice %arg5[%add3A_498, %dma_wait3A_499] : memref<10240x128xf32, #tpu.memory_space<hbm>> -> memref<40x128xf32, #tpu.memory_space<hbm>>
    %dma_wait3A_501 = arith.constant 0 : i32
    %dma_wait3A_502 = tpu.memref_slice %arg5[%add3A_498, %dma_wait3A_501] : memref<10240x128xf32, #tpu.memory_space<hbm>> -> memref<40x128xf32, #tpu.memory_space<hbm>>
    tpu.wait_dma2 semaphore(%arg16 : memref<!tpu.dma_semaphore, #tpu.memory_space<semaphore_mem>>) src(%arg9 : memref<40x128xf32, #tpu.memory_space<vmem>>) dst(%dma_wait3A_502 : memref<40x128xf32, #tpu.memory_space<hbm>>)
    return
  }
}

#map = affine_map<(d0, d1) -> (0, 0)>
#map1 = affine_map<(d0, d1) -> (0, 0, 0, 0)>
module attributes {stable_mosaic.version = 14 : i64} {
  func.func @sc_segsum(%arg0: i32, %arg1: i32, %arg2: memref<10000x128xf32, #tpu.memory_space<hbm>>, %arg3: memref<2x32x50x100xi32, #tpu.memory_space<hbm>>, %arg4: memref<40x128xf32, #tpu.memory_space<hbm>>, %arg5: memref<10240x128xf32, #tpu.memory_space<hbm>>, %arg6: memref<10240x128xf32, #tpu.memory_space<hbm>>, %arg7: memref<10240x128xf32, #tpu.memory_space<vmem_shared>>, %arg8: memref<40x128xf32, #tpu.memory_space<vmem>>, %arg9: memref<40x128xf32, #tpu.memory_space<vmem>>, %arg10: memref<100x128xf32, #tpu.memory_space<vmem>>, %arg11: memref<100x128xf32, #tpu.memory_space<vmem>>, %arg12: memref<50x100xi32, #tpu.memory_space<vmem>>, %arg13: memref<50x100xi32, #tpu.memory_space<vmem>>, %arg14: memref<!tpu.dma_semaphore, #tpu.memory_space<semaphore_mem>>, %arg15: memref<!tpu.dma_semaphore, #tpu.memory_space<semaphore_mem>>, %arg16: memref<!tpu.dma_semaphore, #tpu.memory_space<semaphore_mem>>) attributes {dimension_semantics = [#tpu.dimension_semantics<core_parallel>, #tpu.dimension_semantics<subcore_parallel>], iteration_bounds = array<i64: 2, 16>, scalar_prefetch = 0 : i64, scratch_operands = 10 : i64, tpu.core_type = #tpu.core_type<sc_vector_subcore>, window_params = [{transform_indices = #map}, {transform_indices = #map1}, {transform_indices = #map}, {transform_indices = #map}, {transform_indices = #map}]} {
    %mul3A = arith.constant 16 : i32
    %mul3A_0 = arith.muli %arg0, %mul3A : i32
    %add3A = arith.addi %mul3A_0, %arg1 : i32
    %mul3A_1 = arith.constant 640 : i32
    %mul3A_2 = arith.muli %arg1, %mul3A_1 : i32
    %dma_start3A = arith.constant 0 : i32
    %dma_start3A_3 = arith.constant 0 : i32
    %dma_start3A_4 = arith.constant 0 : i32
    %dma_start3A_5 = tpu.memref_slice %arg3[%dma_start3A, %add3A, %dma_start3A_3, %dma_start3A_4] : memref<2x32x50x100xi32, #tpu.memory_space<hbm>> -> memref<1x1x50x100xi32, #tpu.memory_space<hbm>>
    %dma_start3A_6 = tpu.memref_squeeze %dma_start3A_5 : memref<1x1x50x100xi32, #tpu.memory_space<hbm>> -> memref<50x100xi32, #tpu.memory_space<hbm>>
    %dma_start3A_7 = arith.constant 0 : i32
    %dma_start3A_8 = arith.constant 0 : i32
    %dma_start3A_9 = tpu.memref_slice %arg3[%dma_start3A, %add3A, %dma_start3A_7, %dma_start3A_8] : memref<2x32x50x100xi32, #tpu.memory_space<hbm>> -> memref<1x1x50x100xi32, #tpu.memory_space<hbm>>
    %dma_start3A_10 = tpu.memref_squeeze %dma_start3A_9 : memref<1x1x50x100xi32, #tpu.memory_space<hbm>> -> memref<50x100xi32, #tpu.memory_space<hbm>>
    tpu.enqueue_dma source(%dma_start3A_10 : memref<50x100xi32, #tpu.memory_space<hbm>>) target(%arg12 : memref<50x100xi32, #tpu.memory_space<vmem>>) target_semaphore(%arg16 : memref<!tpu.dma_semaphore, #tpu.memory_space<semaphore_mem>>)
    %dma_start3A_11 = arith.constant 1 : i32
    %dma_start3A_12 = arith.constant 0 : i32
    %dma_start3A_13 = arith.constant 0 : i32
    %dma_start3A_14 = tpu.memref_slice %arg3[%dma_start3A_11, %add3A, %dma_start3A_12, %dma_start3A_13] : memref<2x32x50x100xi32, #tpu.memory_space<hbm>> -> memref<1x1x50x100xi32, #tpu.memory_space<hbm>>
    %dma_start3A_15 = tpu.memref_squeeze %dma_start3A_14 : memref<1x1x50x100xi32, #tpu.memory_space<hbm>> -> memref<50x100xi32, #tpu.memory_space<hbm>>
    %dma_start3A_16 = arith.constant 0 : i32
    %dma_start3A_17 = arith.constant 0 : i32
    %dma_start3A_18 = tpu.memref_slice %arg3[%dma_start3A_11, %add3A, %dma_start3A_16, %dma_start3A_17] : memref<2x32x50x100xi32, #tpu.memory_space<hbm>> -> memref<1x1x50x100xi32, #tpu.memory_space<hbm>>
    %dma_start3A_19 = tpu.memref_squeeze %dma_start3A_18 : memref<1x1x50x100xi32, #tpu.memory_space<hbm>> -> memref<50x100xi32, #tpu.memory_space<hbm>>
    tpu.enqueue_dma source(%dma_start3A_19 : memref<50x100xi32, #tpu.memory_space<hbm>>) target(%arg13 : memref<50x100xi32, #tpu.memory_space<vmem>>) target_semaphore(%arg16 : memref<!tpu.dma_semaphore, #tpu.memory_space<semaphore_mem>>)
    "tpu.region"() ({
      %run_scoped3A = tpu.sem_alloc : memref<!tpu.dma_semaphore, #tpu.memory_space<semaphore_mem>>
      tpu.enqueue_dma source(%arg4 : memref<40x128xf32, #tpu.memory_space<hbm>>) target(%arg8 : memref<40x128xf32, #tpu.memory_space<vmem>>) target_semaphore(%run_scoped3A : memref<!tpu.dma_semaphore, #tpu.memory_space<semaphore_mem>>)
      tpu.wait_dma2 semaphore(%run_scoped3A : memref<!tpu.dma_semaphore, #tpu.memory_space<semaphore_mem>>) src(%arg4 : memref<40x128xf32, #tpu.memory_space<hbm>>) dst(%arg8 : memref<40x128xf32, #tpu.memory_space<vmem>>)
      tpu.yield
    }) : () -> ()
    %add3A_20 = arith.constant 0 : i32
    %add3A_21 = arith.addi %mul3A_2, %add3A_20 : i32
    %dma_start3A_22 = arith.constant 0 : i32
    %dma_start3A_23 = tpu.memref_slice %arg7[%add3A_21, %dma_start3A_22] : memref<10240x128xf32, #tpu.memory_space<vmem_shared>> -> memref<40x128xf32, #tpu.memory_space<vmem_shared>>
    %dma_start3A_24 = arith.constant 0 : i32
    %dma_start3A_25 = tpu.memref_slice %arg7[%add3A_21, %dma_start3A_24] : memref<10240x128xf32, #tpu.memory_space<vmem_shared>> -> memref<40x128xf32, #tpu.memory_space<vmem_shared>>
    tpu.enqueue_dma source(%arg8 : memref<40x128xf32, #tpu.memory_space<vmem>>) target(%dma_start3A_25 : memref<40x128xf32, #tpu.memory_space<vmem_shared>>) target_semaphore(%arg14 : memref<!tpu.dma_semaphore, #tpu.memory_space<semaphore_mem>>)
    %add3A_26 = arith.constant 40 : i32
    %add3A_27 = arith.addi %mul3A_2, %add3A_26 : i32
    %dma_start3A_28 = arith.constant 0 : i32
    %dma_start3A_29 = tpu.memref_slice %arg7[%add3A_27, %dma_start3A_28] : memref<10240x128xf32, #tpu.memory_space<vmem_shared>> -> memref<40x128xf32, #tpu.memory_space<vmem_shared>>
    %dma_start3A_30 = arith.constant 0 : i32
    %dma_start3A_31 = tpu.memref_slice %arg7[%add3A_27, %dma_start3A_30] : memref<10240x128xf32, #tpu.memory_space<vmem_shared>> -> memref<40x128xf32, #tpu.memory_space<vmem_shared>>
    tpu.enqueue_dma source(%arg8 : memref<40x128xf32, #tpu.memory_space<vmem>>) target(%dma_start3A_31 : memref<40x128xf32, #tpu.memory_space<vmem_shared>>) target_semaphore(%arg14 : memref<!tpu.dma_semaphore, #tpu.memory_space<semaphore_mem>>)
    %add3A_32 = arith.constant 80 : i32
    %add3A_33 = arith.addi %mul3A_2, %add3A_32 : i32
    %dma_start3A_34 = arith.constant 0 : i32
    %dma_start3A_35 = tpu.memref_slice %arg7[%add3A_33, %dma_start3A_34] : memref<10240x128xf32, #tpu.memory_space<vmem_shared>> -> memref<40x128xf32, #tpu.memory_space<vmem_shared>>
    %dma_start3A_36 = arith.constant 0 : i32
    %dma_start3A_37 = tpu.memref_slice %arg7[%add3A_33, %dma_start3A_36] : memref<10240x128xf32, #tpu.memory_space<vmem_shared>> -> memref<40x128xf32, #tpu.memory_space<vmem_shared>>
    tpu.enqueue_dma source(%arg8 : memref<40x128xf32, #tpu.memory_space<vmem>>) target(%dma_start3A_37 : memref<40x128xf32, #tpu.memory_space<vmem_shared>>) target_semaphore(%arg14 : memref<!tpu.dma_semaphore, #tpu.memory_space<semaphore_mem>>)
    %add3A_38 = arith.constant 120 : i32
    %add3A_39 = arith.addi %mul3A_2, %add3A_38 : i32
    %dma_start3A_40 = arith.constant 0 : i32
    %dma_start3A_41 = tpu.memref_slice %arg7[%add3A_39, %dma_start3A_40] : memref<10240x128xf32, #tpu.memory_space<vmem_shared>> -> memref<40x128xf32, #tpu.memory_space<vmem_shared>>
    %dma_start3A_42 = arith.constant 0 : i32
    %dma_start3A_43 = tpu.memref_slice %arg7[%add3A_39, %dma_start3A_42] : memref<10240x128xf32, #tpu.memory_space<vmem_shared>> -> memref<40x128xf32, #tpu.memory_space<vmem_shared>>
    tpu.enqueue_dma source(%arg8 : memref<40x128xf32, #tpu.memory_space<vmem>>) target(%dma_start3A_43 : memref<40x128xf32, #tpu.memory_space<vmem_shared>>) target_semaphore(%arg14 : memref<!tpu.dma_semaphore, #tpu.memory_space<semaphore_mem>>)
    %add3A_44 = arith.constant 160 : i32
    %add3A_45 = arith.addi %mul3A_2, %add3A_44 : i32
    %dma_start3A_46 = arith.constant 0 : i32
    %dma_start3A_47 = tpu.memref_slice %arg7[%add3A_45, %dma_start3A_46] : memref<10240x128xf32, #tpu.memory_space<vmem_shared>> -> memref<40x128xf32, #tpu.memory_space<vmem_shared>>
    %dma_start3A_48 = arith.constant 0 : i32
    %dma_start3A_49 = tpu.memref_slice %arg7[%add3A_45, %dma_start3A_48] : memref<10240x128xf32, #tpu.memory_space<vmem_shared>> -> memref<40x128xf32, #tpu.memory_space<vmem_shared>>
    tpu.enqueue_dma source(%arg8 : memref<40x128xf32, #tpu.memory_space<vmem>>) target(%dma_start3A_49 : memref<40x128xf32, #tpu.memory_space<vmem_shared>>) target_semaphore(%arg14 : memref<!tpu.dma_semaphore, #tpu.memory_space<semaphore_mem>>)
    %add3A_50 = arith.constant 200 : i32
    %add3A_51 = arith.addi %mul3A_2, %add3A_50 : i32
    %dma_start3A_52 = arith.constant 0 : i32
    %dma_start3A_53 = tpu.memref_slice %arg7[%add3A_51, %dma_start3A_52] : memref<10240x128xf32, #tpu.memory_space<vmem_shared>> -> memref<40x128xf32, #tpu.memory_space<vmem_shared>>
    %dma_start3A_54 = arith.constant 0 : i32
    %dma_start3A_55 = tpu.memref_slice %arg7[%add3A_51, %dma_start3A_54] : memref<10240x128xf32, #tpu.memory_space<vmem_shared>> -> memref<40x128xf32, #tpu.memory_space<vmem_shared>>
    tpu.enqueue_dma source(%arg8 : memref<40x128xf32, #tpu.memory_space<vmem>>) target(%dma_start3A_55 : memref<40x128xf32, #tpu.memory_space<vmem_shared>>) target_semaphore(%arg14 : memref<!tpu.dma_semaphore, #tpu.memory_space<semaphore_mem>>)
    %add3A_56 = arith.constant 240 : i32
    %add3A_57 = arith.addi %mul3A_2, %add3A_56 : i32
    %dma_start3A_58 = arith.constant 0 : i32
    %dma_start3A_59 = tpu.memref_slice %arg7[%add3A_57, %dma_start3A_58] : memref<10240x128xf32, #tpu.memory_space<vmem_shared>> -> memref<40x128xf32, #tpu.memory_space<vmem_shared>>
    %dma_start3A_60 = arith.constant 0 : i32
    %dma_start3A_61 = tpu.memref_slice %arg7[%add3A_57, %dma_start3A_60] : memref<10240x128xf32, #tpu.memory_space<vmem_shared>> -> memref<40x128xf32, #tpu.memory_space<vmem_shared>>
    tpu.enqueue_dma source(%arg8 : memref<40x128xf32, #tpu.memory_space<vmem>>) target(%dma_start3A_61 : memref<40x128xf32, #tpu.memory_space<vmem_shared>>) target_semaphore(%arg14 : memref<!tpu.dma_semaphore, #tpu.memory_space<semaphore_mem>>)
    %add3A_62 = arith.constant 280 : i32
    %add3A_63 = arith.addi %mul3A_2, %add3A_62 : i32
    %dma_start3A_64 = arith.constant 0 : i32
    %dma_start3A_65 = tpu.memref_slice %arg7[%add3A_63, %dma_start3A_64] : memref<10240x128xf32, #tpu.memory_space<vmem_shared>> -> memref<40x128xf32, #tpu.memory_space<vmem_shared>>
    %dma_start3A_66 = arith.constant 0 : i32
    %dma_start3A_67 = tpu.memref_slice %arg7[%add3A_63, %dma_start3A_66] : memref<10240x128xf32, #tpu.memory_space<vmem_shared>> -> memref<40x128xf32, #tpu.memory_space<vmem_shared>>
    tpu.enqueue_dma source(%arg8 : memref<40x128xf32, #tpu.memory_space<vmem>>) target(%dma_start3A_67 : memref<40x128xf32, #tpu.memory_space<vmem_shared>>) target_semaphore(%arg14 : memref<!tpu.dma_semaphore, #tpu.memory_space<semaphore_mem>>)
    %add3A_68 = arith.constant 320 : i32
    %add3A_69 = arith.addi %mul3A_2, %add3A_68 : i32
    %dma_start3A_70 = arith.constant 0 : i32
    %dma_start3A_71 = tpu.memref_slice %arg7[%add3A_69, %dma_start3A_70] : memref<10240x128xf32, #tpu.memory_space<vmem_shared>> -> memref<40x128xf32, #tpu.memory_space<vmem_shared>>
    %dma_start3A_72 = arith.constant 0 : i32
    %dma_start3A_73 = tpu.memref_slice %arg7[%add3A_69, %dma_start3A_72] : memref<10240x128xf32, #tpu.memory_space<vmem_shared>> -> memref<40x128xf32, #tpu.memory_space<vmem_shared>>
    tpu.enqueue_dma source(%arg8 : memref<40x128xf32, #tpu.memory_space<vmem>>) target(%dma_start3A_73 : memref<40x128xf32, #tpu.memory_space<vmem_shared>>) target_semaphore(%arg14 : memref<!tpu.dma_semaphore, #tpu.memory_space<semaphore_mem>>)
    %add3A_74 = arith.constant 360 : i32
    %add3A_75 = arith.addi %mul3A_2, %add3A_74 : i32
    %dma_start3A_76 = arith.constant 0 : i32
    %dma_start3A_77 = tpu.memref_slice %arg7[%add3A_75, %dma_start3A_76] : memref<10240x128xf32, #tpu.memory_space<vmem_shared>> -> memref<40x128xf32, #tpu.memory_space<vmem_shared>>
    %dma_start3A_78 = arith.constant 0 : i32
    %dma_start3A_79 = tpu.memref_slice %arg7[%add3A_75, %dma_start3A_78] : memref<10240x128xf32, #tpu.memory_space<vmem_shared>> -> memref<40x128xf32, #tpu.memory_space<vmem_shared>>
    tpu.enqueue_dma source(%arg8 : memref<40x128xf32, #tpu.memory_space<vmem>>) target(%dma_start3A_79 : memref<40x128xf32, #tpu.memory_space<vmem_shared>>) target_semaphore(%arg14 : memref<!tpu.dma_semaphore, #tpu.memory_space<semaphore_mem>>)
    %add3A_80 = arith.constant 400 : i32
    %add3A_81 = arith.addi %mul3A_2, %add3A_80 : i32
    %dma_start3A_82 = arith.constant 0 : i32
    %dma_start3A_83 = tpu.memref_slice %arg7[%add3A_81, %dma_start3A_82] : memref<10240x128xf32, #tpu.memory_space<vmem_shared>> -> memref<40x128xf32, #tpu.memory_space<vmem_shared>>
    %dma_start3A_84 = arith.constant 0 : i32
    %dma_start3A_85 = tpu.memref_slice %arg7[%add3A_81, %dma_start3A_84] : memref<10240x128xf32, #tpu.memory_space<vmem_shared>> -> memref<40x128xf32, #tpu.memory_space<vmem_shared>>
    tpu.enqueue_dma source(%arg8 : memref<40x128xf32, #tpu.memory_space<vmem>>) target(%dma_start3A_85 : memref<40x128xf32, #tpu.memory_space<vmem_shared>>) target_semaphore(%arg14 : memref<!tpu.dma_semaphore, #tpu.memory_space<semaphore_mem>>)
    %add3A_86 = arith.constant 440 : i32
    %add3A_87 = arith.addi %mul3A_2, %add3A_86 : i32
    %dma_start3A_88 = arith.constant 0 : i32
    %dma_start3A_89 = tpu.memref_slice %arg7[%add3A_87, %dma_start3A_88] : memref<10240x128xf32, #tpu.memory_space<vmem_shared>> -> memref<40x128xf32, #tpu.memory_space<vmem_shared>>
    %dma_start3A_90 = arith.constant 0 : i32
    %dma_start3A_91 = tpu.memref_slice %arg7[%add3A_87, %dma_start3A_90] : memref<10240x128xf32, #tpu.memory_space<vmem_shared>> -> memref<40x128xf32, #tpu.memory_space<vmem_shared>>
    tpu.enqueue_dma source(%arg8 : memref<40x128xf32, #tpu.memory_space<vmem>>) target(%dma_start3A_91 : memref<40x128xf32, #tpu.memory_space<vmem_shared>>) target_semaphore(%arg14 : memref<!tpu.dma_semaphore, #tpu.memory_space<semaphore_mem>>)
    %add3A_92 = arith.constant 480 : i32
    %add3A_93 = arith.addi %mul3A_2, %add3A_92 : i32
    %dma_start3A_94 = arith.constant 0 : i32
    %dma_start3A_95 = tpu.memref_slice %arg7[%add3A_93, %dma_start3A_94] : memref<10240x128xf32, #tpu.memory_space<vmem_shared>> -> memref<40x128xf32, #tpu.memory_space<vmem_shared>>
    %dma_start3A_96 = arith.constant 0 : i32
    %dma_start3A_97 = tpu.memref_slice %arg7[%add3A_93, %dma_start3A_96] : memref<10240x128xf32, #tpu.memory_space<vmem_shared>> -> memref<40x128xf32, #tpu.memory_space<vmem_shared>>
    tpu.enqueue_dma source(%arg8 : memref<40x128xf32, #tpu.memory_space<vmem>>) target(%dma_start3A_97 : memref<40x128xf32, #tpu.memory_space<vmem_shared>>) target_semaphore(%arg14 : memref<!tpu.dma_semaphore, #tpu.memory_space<semaphore_mem>>)
    %add3A_98 = arith.constant 520 : i32
    %add3A_99 = arith.addi %mul3A_2, %add3A_98 : i32
    %dma_start3A_100 = arith.constant 0 : i32
    %dma_start3A_101 = tpu.memref_slice %arg7[%add3A_99, %dma_start3A_100] : memref<10240x128xf32, #tpu.memory_space<vmem_shared>> -> memref<40x128xf32, #tpu.memory_space<vmem_shared>>
    %dma_start3A_102 = arith.constant 0 : i32
    %dma_start3A_103 = tpu.memref_slice %arg7[%add3A_99, %dma_start3A_102] : memref<10240x128xf32, #tpu.memory_space<vmem_shared>> -> memref<40x128xf32, #tpu.memory_space<vmem_shared>>
    tpu.enqueue_dma source(%arg8 : memref<40x128xf32, #tpu.memory_space<vmem>>) target(%dma_start3A_103 : memref<40x128xf32, #tpu.memory_space<vmem_shared>>) target_semaphore(%arg14 : memref<!tpu.dma_semaphore, #tpu.memory_space<semaphore_mem>>)
    %add3A_104 = arith.constant 560 : i32
    %add3A_105 = arith.addi %mul3A_2, %add3A_104 : i32
    %dma_start3A_106 = arith.constant 0 : i32
    %dma_start3A_107 = tpu.memref_slice %arg7[%add3A_105, %dma_start3A_106] : memref<10240x128xf32, #tpu.memory_space<vmem_shared>> -> memref<40x128xf32, #tpu.memory_space<vmem_shared>>
    %dma_start3A_108 = arith.constant 0 : i32
    %dma_start3A_109 = tpu.memref_slice %arg7[%add3A_105, %dma_start3A_108] : memref<10240x128xf32, #tpu.memory_space<vmem_shared>> -> memref<40x128xf32, #tpu.memory_space<vmem_shared>>
    tpu.enqueue_dma source(%arg8 : memref<40x128xf32, #tpu.memory_space<vmem>>) target(%dma_start3A_109 : memref<40x128xf32, #tpu.memory_space<vmem_shared>>) target_semaphore(%arg14 : memref<!tpu.dma_semaphore, #tpu.memory_space<semaphore_mem>>)
    %add3A_110 = arith.constant 600 : i32
    %add3A_111 = arith.addi %mul3A_2, %add3A_110 : i32
    %dma_start3A_112 = arith.constant 0 : i32
    %dma_start3A_113 = tpu.memref_slice %arg7[%add3A_111, %dma_start3A_112] : memref<10240x128xf32, #tpu.memory_space<vmem_shared>> -> memref<40x128xf32, #tpu.memory_space<vmem_shared>>
    %dma_start3A_114 = arith.constant 0 : i32
    %dma_start3A_115 = tpu.memref_slice %arg7[%add3A_111, %dma_start3A_114] : memref<10240x128xf32, #tpu.memory_space<vmem_shared>> -> memref<40x128xf32, #tpu.memory_space<vmem_shared>>
    tpu.enqueue_dma source(%arg8 : memref<40x128xf32, #tpu.memory_space<vmem>>) target(%dma_start3A_115 : memref<40x128xf32, #tpu.memory_space<vmem_shared>>) target_semaphore(%arg14 : memref<!tpu.dma_semaphore, #tpu.memory_space<semaphore_mem>>)
    %dma_wait3A = arith.constant 0 : i32
    %dma_wait3A_116 = tpu.memref_slice %arg7[%add3A_21, %dma_wait3A] : memref<10240x128xf32, #tpu.memory_space<vmem_shared>> -> memref<40x128xf32, #tpu.memory_space<vmem_shared>>
    %dma_wait3A_117 = arith.constant 0 : i32
    %dma_wait3A_118 = tpu.memref_slice %arg7[%add3A_21, %dma_wait3A_117] : memref<10240x128xf32, #tpu.memory_space<vmem_shared>> -> memref<40x128xf32, #tpu.memory_space<vmem_shared>>
    tpu.wait_dma2 semaphore(%arg14 : memref<!tpu.dma_semaphore, #tpu.memory_space<semaphore_mem>>) src(%arg8 : memref<40x128xf32, #tpu.memory_space<vmem>>) dst(%dma_wait3A_118 : memref<40x128xf32, #tpu.memory_space<vmem_shared>>)
    %dma_wait3A_119 = arith.constant 0 : i32
    %dma_wait3A_120 = tpu.memref_slice %arg7[%add3A_27, %dma_wait3A_119] : memref<10240x128xf32, #tpu.memory_space<vmem_shared>> -> memref<40x128xf32, #tpu.memory_space<vmem_shared>>
    %dma_wait3A_121 = arith.constant 0 : i32
    %dma_wait3A_122 = tpu.memref_slice %arg7[%add3A_27, %dma_wait3A_121] : memref<10240x128xf32, #tpu.memory_space<vmem_shared>> -> memref<40x128xf32, #tpu.memory_space<vmem_shared>>
    tpu.wait_dma2 semaphore(%arg14 : memref<!tpu.dma_semaphore, #tpu.memory_space<semaphore_mem>>) src(%arg8 : memref<40x128xf32, #tpu.memory_space<vmem>>) dst(%dma_wait3A_122 : memref<40x128xf32, #tpu.memory_space<vmem_shared>>)
    %dma_wait3A_123 = arith.constant 0 : i32
    %dma_wait3A_124 = tpu.memref_slice %arg7[%add3A_33, %dma_wait3A_123] : memref<10240x128xf32, #tpu.memory_space<vmem_shared>> -> memref<40x128xf32, #tpu.memory_space<vmem_shared>>
    %dma_wait3A_125 = arith.constant 0 : i32
    %dma_wait3A_126 = tpu.memref_slice %arg7[%add3A_33, %dma_wait3A_125] : memref<10240x128xf32, #tpu.memory_space<vmem_shared>> -> memref<40x128xf32, #tpu.memory_space<vmem_shared>>
    tpu.wait_dma2 semaphore(%arg14 : memref<!tpu.dma_semaphore, #tpu.memory_space<semaphore_mem>>) src(%arg8 : memref<40x128xf32, #tpu.memory_space<vmem>>) dst(%dma_wait3A_126 : memref<40x128xf32, #tpu.memory_space<vmem_shared>>)
    %dma_wait3A_127 = arith.constant 0 : i32
    %dma_wait3A_128 = tpu.memref_slice %arg7[%add3A_39, %dma_wait3A_127] : memref<10240x128xf32, #tpu.memory_space<vmem_shared>> -> memref<40x128xf32, #tpu.memory_space<vmem_shared>>
    %dma_wait3A_129 = arith.constant 0 : i32
    %dma_wait3A_130 = tpu.memref_slice %arg7[%add3A_39, %dma_wait3A_129] : memref<10240x128xf32, #tpu.memory_space<vmem_shared>> -> memref<40x128xf32, #tpu.memory_space<vmem_shared>>
    tpu.wait_dma2 semaphore(%arg14 : memref<!tpu.dma_semaphore, #tpu.memory_space<semaphore_mem>>) src(%arg8 : memref<40x128xf32, #tpu.memory_space<vmem>>) dst(%dma_wait3A_130 : memref<40x128xf32, #tpu.memory_space<vmem_shared>>)
    %dma_wait3A_131 = arith.constant 0 : i32
    %dma_wait3A_132 = tpu.memref_slice %arg7[%add3A_45, %dma_wait3A_131] : memref<10240x128xf32, #tpu.memory_space<vmem_shared>> -> memref<40x128xf32, #tpu.memory_space<vmem_shared>>
    %dma_wait3A_133 = arith.constant 0 : i32
    %dma_wait3A_134 = tpu.memref_slice %arg7[%add3A_45, %dma_wait3A_133] : memref<10240x128xf32, #tpu.memory_space<vmem_shared>> -> memref<40x128xf32, #tpu.memory_space<vmem_shared>>
    tpu.wait_dma2 semaphore(%arg14 : memref<!tpu.dma_semaphore, #tpu.memory_space<semaphore_mem>>) src(%arg8 : memref<40x128xf32, #tpu.memory_space<vmem>>) dst(%dma_wait3A_134 : memref<40x128xf32, #tpu.memory_space<vmem_shared>>)
    %dma_wait3A_135 = arith.constant 0 : i32
    %dma_wait3A_136 = tpu.memref_slice %arg7[%add3A_51, %dma_wait3A_135] : memref<10240x128xf32, #tpu.memory_space<vmem_shared>> -> memref<40x128xf32, #tpu.memory_space<vmem_shared>>
    %dma_wait3A_137 = arith.constant 0 : i32
    %dma_wait3A_138 = tpu.memref_slice %arg7[%add3A_51, %dma_wait3A_137] : memref<10240x128xf32, #tpu.memory_space<vmem_shared>> -> memref<40x128xf32, #tpu.memory_space<vmem_shared>>
    tpu.wait_dma2 semaphore(%arg14 : memref<!tpu.dma_semaphore, #tpu.memory_space<semaphore_mem>>) src(%arg8 : memref<40x128xf32, #tpu.memory_space<vmem>>) dst(%dma_wait3A_138 : memref<40x128xf32, #tpu.memory_space<vmem_shared>>)
    %dma_wait3A_139 = arith.constant 0 : i32
    %dma_wait3A_140 = tpu.memref_slice %arg7[%add3A_57, %dma_wait3A_139] : memref<10240x128xf32, #tpu.memory_space<vmem_shared>> -> memref<40x128xf32, #tpu.memory_space<vmem_shared>>
    %dma_wait3A_141 = arith.constant 0 : i32
    %dma_wait3A_142 = tpu.memref_slice %arg7[%add3A_57, %dma_wait3A_141] : memref<10240x128xf32, #tpu.memory_space<vmem_shared>> -> memref<40x128xf32, #tpu.memory_space<vmem_shared>>
    tpu.wait_dma2 semaphore(%arg14 : memref<!tpu.dma_semaphore, #tpu.memory_space<semaphore_mem>>) src(%arg8 : memref<40x128xf32, #tpu.memory_space<vmem>>) dst(%dma_wait3A_142 : memref<40x128xf32, #tpu.memory_space<vmem_shared>>)
    %dma_wait3A_143 = arith.constant 0 : i32
    %dma_wait3A_144 = tpu.memref_slice %arg7[%add3A_63, %dma_wait3A_143] : memref<10240x128xf32, #tpu.memory_space<vmem_shared>> -> memref<40x128xf32, #tpu.memory_space<vmem_shared>>
    %dma_wait3A_145 = arith.constant 0 : i32
    %dma_wait3A_146 = tpu.memref_slice %arg7[%add3A_63, %dma_wait3A_145] : memref<10240x128xf32, #tpu.memory_space<vmem_shared>> -> memref<40x128xf32, #tpu.memory_space<vmem_shared>>
    tpu.wait_dma2 semaphore(%arg14 : memref<!tpu.dma_semaphore, #tpu.memory_space<semaphore_mem>>) src(%arg8 : memref<40x128xf32, #tpu.memory_space<vmem>>) dst(%dma_wait3A_146 : memref<40x128xf32, #tpu.memory_space<vmem_shared>>)
    %dma_wait3A_147 = arith.constant 0 : i32
    %dma_wait3A_148 = tpu.memref_slice %arg7[%add3A_69, %dma_wait3A_147] : memref<10240x128xf32, #tpu.memory_space<vmem_shared>> -> memref<40x128xf32, #tpu.memory_space<vmem_shared>>
    %dma_wait3A_149 = arith.constant 0 : i32
    %dma_wait3A_150 = tpu.memref_slice %arg7[%add3A_69, %dma_wait3A_149] : memref<10240x128xf32, #tpu.memory_space<vmem_shared>> -> memref<40x128xf32, #tpu.memory_space<vmem_shared>>
    tpu.wait_dma2 semaphore(%arg14 : memref<!tpu.dma_semaphore, #tpu.memory_space<semaphore_mem>>) src(%arg8 : memref<40x128xf32, #tpu.memory_space<vmem>>) dst(%dma_wait3A_150 : memref<40x128xf32, #tpu.memory_space<vmem_shared>>)
    %dma_wait3A_151 = arith.constant 0 : i32
    %dma_wait3A_152 = tpu.memref_slice %arg7[%add3A_75, %dma_wait3A_151] : memref<10240x128xf32, #tpu.memory_space<vmem_shared>> -> memref<40x128xf32, #tpu.memory_space<vmem_shared>>
    %dma_wait3A_153 = arith.constant 0 : i32
    %dma_wait3A_154 = tpu.memref_slice %arg7[%add3A_75, %dma_wait3A_153] : memref<10240x128xf32, #tpu.memory_space<vmem_shared>> -> memref<40x128xf32, #tpu.memory_space<vmem_shared>>
    tpu.wait_dma2 semaphore(%arg14 : memref<!tpu.dma_semaphore, #tpu.memory_space<semaphore_mem>>) src(%arg8 : memref<40x128xf32, #tpu.memory_space<vmem>>) dst(%dma_wait3A_154 : memref<40x128xf32, #tpu.memory_space<vmem_shared>>)
    %dma_wait3A_155 = arith.constant 0 : i32
    %dma_wait3A_156 = tpu.memref_slice %arg7[%add3A_81, %dma_wait3A_155] : memref<10240x128xf32, #tpu.memory_space<vmem_shared>> -> memref<40x128xf32, #tpu.memory_space<vmem_shared>>
    %dma_wait3A_157 = arith.constant 0 : i32
    %dma_wait3A_158 = tpu.memref_slice %arg7[%add3A_81, %dma_wait3A_157] : memref<10240x128xf32, #tpu.memory_space<vmem_shared>> -> memref<40x128xf32, #tpu.memory_space<vmem_shared>>
    tpu.wait_dma2 semaphore(%arg14 : memref<!tpu.dma_semaphore, #tpu.memory_space<semaphore_mem>>) src(%arg8 : memref<40x128xf32, #tpu.memory_space<vmem>>) dst(%dma_wait3A_158 : memref<40x128xf32, #tpu.memory_space<vmem_shared>>)
    %dma_wait3A_159 = arith.constant 0 : i32
    %dma_wait3A_160 = tpu.memref_slice %arg7[%add3A_87, %dma_wait3A_159] : memref<10240x128xf32, #tpu.memory_space<vmem_shared>> -> memref<40x128xf32, #tpu.memory_space<vmem_shared>>
    %dma_wait3A_161 = arith.constant 0 : i32
    %dma_wait3A_162 = tpu.memref_slice %arg7[%add3A_87, %dma_wait3A_161] : memref<10240x128xf32, #tpu.memory_space<vmem_shared>> -> memref<40x128xf32, #tpu.memory_space<vmem_shared>>
    tpu.wait_dma2 semaphore(%arg14 : memref<!tpu.dma_semaphore, #tpu.memory_space<semaphore_mem>>) src(%arg8 : memref<40x128xf32, #tpu.memory_space<vmem>>) dst(%dma_wait3A_162 : memref<40x128xf32, #tpu.memory_space<vmem_shared>>)
    %dma_wait3A_163 = arith.constant 0 : i32
    %dma_wait3A_164 = tpu.memref_slice %arg7[%add3A_93, %dma_wait3A_163] : memref<10240x128xf32, #tpu.memory_space<vmem_shared>> -> memref<40x128xf32, #tpu.memory_space<vmem_shared>>
    %dma_wait3A_165 = arith.constant 0 : i32
    %dma_wait3A_166 = tpu.memref_slice %arg7[%add3A_93, %dma_wait3A_165] : memref<10240x128xf32, #tpu.memory_space<vmem_shared>> -> memref<40x128xf32, #tpu.memory_space<vmem_shared>>
    tpu.wait_dma2 semaphore(%arg14 : memref<!tpu.dma_semaphore, #tpu.memory_space<semaphore_mem>>) src(%arg8 : memref<40x128xf32, #tpu.memory_space<vmem>>) dst(%dma_wait3A_166 : memref<40x128xf32, #tpu.memory_space<vmem_shared>>)
    %dma_wait3A_167 = arith.constant 0 : i32
    %dma_wait3A_168 = tpu.memref_slice %arg7[%add3A_99, %dma_wait3A_167] : memref<10240x128xf32, #tpu.memory_space<vmem_shared>> -> memref<40x128xf32, #tpu.memory_space<vmem_shared>>
    %dma_wait3A_169 = arith.constant 0 : i32
    %dma_wait3A_170 = tpu.memref_slice %arg7[%add3A_99, %dma_wait3A_169] : memref<10240x128xf32, #tpu.memory_space<vmem_shared>> -> memref<40x128xf32, #tpu.memory_space<vmem_shared>>
    tpu.wait_dma2 semaphore(%arg14 : memref<!tpu.dma_semaphore, #tpu.memory_space<semaphore_mem>>) src(%arg8 : memref<40x128xf32, #tpu.memory_space<vmem>>) dst(%dma_wait3A_170 : memref<40x128xf32, #tpu.memory_space<vmem_shared>>)
    %dma_wait3A_171 = arith.constant 0 : i32
    %dma_wait3A_172 = tpu.memref_slice %arg7[%add3A_105, %dma_wait3A_171] : memref<10240x128xf32, #tpu.memory_space<vmem_shared>> -> memref<40x128xf32, #tpu.memory_space<vmem_shared>>
    %dma_wait3A_173 = arith.constant 0 : i32
    %dma_wait3A_174 = tpu.memref_slice %arg7[%add3A_105, %dma_wait3A_173] : memref<10240x128xf32, #tpu.memory_space<vmem_shared>> -> memref<40x128xf32, #tpu.memory_space<vmem_shared>>
    tpu.wait_dma2 semaphore(%arg14 : memref<!tpu.dma_semaphore, #tpu.memory_space<semaphore_mem>>) src(%arg8 : memref<40x128xf32, #tpu.memory_space<vmem>>) dst(%dma_wait3A_174 : memref<40x128xf32, #tpu.memory_space<vmem_shared>>)
    %dma_wait3A_175 = arith.constant 0 : i32
    %dma_wait3A_176 = tpu.memref_slice %arg7[%add3A_111, %dma_wait3A_175] : memref<10240x128xf32, #tpu.memory_space<vmem_shared>> -> memref<40x128xf32, #tpu.memory_space<vmem_shared>>
    %dma_wait3A_177 = arith.constant 0 : i32
    %dma_wait3A_178 = tpu.memref_slice %arg7[%add3A_111, %dma_wait3A_177] : memref<10240x128xf32, #tpu.memory_space<vmem_shared>> -> memref<40x128xf32, #tpu.memory_space<vmem_shared>>
    tpu.wait_dma2 semaphore(%arg14 : memref<!tpu.dma_semaphore, #tpu.memory_space<semaphore_mem>>) src(%arg8 : memref<40x128xf32, #tpu.memory_space<vmem>>) dst(%dma_wait3A_178 : memref<40x128xf32, #tpu.memory_space<vmem_shared>>)
    %dma_wait3A_179 = arith.constant 0 : i32
    %dma_wait3A_180 = arith.constant 0 : i32
    %dma_wait3A_181 = arith.constant 0 : i32
    %dma_wait3A_182 = tpu.memref_slice %arg3[%dma_wait3A_179, %add3A, %dma_wait3A_180, %dma_wait3A_181] : memref<2x32x50x100xi32, #tpu.memory_space<hbm>> -> memref<1x1x50x100xi32, #tpu.memory_space<hbm>>
    %dma_wait3A_183 = tpu.memref_squeeze %dma_wait3A_182 : memref<1x1x50x100xi32, #tpu.memory_space<hbm>> -> memref<50x100xi32, #tpu.memory_space<hbm>>
    %dma_wait3A_184 = arith.constant 0 : i32
    %dma_wait3A_185 = arith.constant 0 : i32
    %dma_wait3A_186 = tpu.memref_slice %arg3[%dma_wait3A_179, %add3A, %dma_wait3A_184, %dma_wait3A_185] : memref<2x32x50x100xi32, #tpu.memory_space<hbm>> -> memref<1x1x50x100xi32, #tpu.memory_space<hbm>>
    %dma_wait3A_187 = tpu.memref_squeeze %dma_wait3A_186 : memref<1x1x50x100xi32, #tpu.memory_space<hbm>> -> memref<50x100xi32, #tpu.memory_space<hbm>>
    tpu.wait_dma2 semaphore(%arg16 : memref<!tpu.dma_semaphore, #tpu.memory_space<semaphore_mem>>) src(%dma_wait3A_187 : memref<50x100xi32, #tpu.memory_space<hbm>>) dst(%arg12 : memref<50x100xi32, #tpu.memory_space<vmem>>)
    %dma_wait3A_188 = arith.constant 1 : i32
    %dma_wait3A_189 = arith.constant 0 : i32
    %dma_wait3A_190 = arith.constant 0 : i32
    %dma_wait3A_191 = tpu.memref_slice %arg3[%dma_wait3A_188, %add3A, %dma_wait3A_189, %dma_wait3A_190] : memref<2x32x50x100xi32, #tpu.memory_space<hbm>> -> memref<1x1x50x100xi32, #tpu.memory_space<hbm>>
    %dma_wait3A_192 = tpu.memref_squeeze %dma_wait3A_191 : memref<1x1x50x100xi32, #tpu.memory_space<hbm>> -> memref<50x100xi32, #tpu.memory_space<hbm>>
    %dma_wait3A_193 = arith.constant 0 : i32
    %dma_wait3A_194 = arith.constant 0 : i32
    %dma_wait3A_195 = tpu.memref_slice %arg3[%dma_wait3A_188, %add3A, %dma_wait3A_193, %dma_wait3A_194] : memref<2x32x50x100xi32, #tpu.memory_space<hbm>> -> memref<1x1x50x100xi32, #tpu.memory_space<hbm>>
    %dma_wait3A_196 = tpu.memref_squeeze %dma_wait3A_195 : memref<1x1x50x100xi32, #tpu.memory_space<hbm>> -> memref<50x100xi32, #tpu.memory_space<hbm>>
    tpu.wait_dma2 semaphore(%arg16 : memref<!tpu.dma_semaphore, #tpu.memory_space<semaphore_mem>>) src(%dma_wait3A_196 : memref<50x100xi32, #tpu.memory_space<hbm>>) dst(%arg13 : memref<50x100xi32, #tpu.memory_space<vmem>>)
    %barrier3A = arith.constant 0 : index
    tpu.barrier barrier_id(%barrier3A)
    %dma_start3A_197 = arith.constant 0 : i32
    %dma_start3A_198 = arith.constant 0 : i32
    %dma_start3A_199 = tpu.memref_slice %arg12[%dma_start3A_197, %dma_start3A_198] : memref<50x100xi32, #tpu.memory_space<vmem>> -> memref<1x100xi32, #tpu.memory_space<vmem>>
    %dma_start3A_200 = tpu.memref_squeeze %dma_start3A_199 : memref<1x100xi32, #tpu.memory_space<vmem>> -> memref<100xi32, #tpu.memory_space<vmem>>
    %dma_start3A_201 = arith.constant 0 : i32
    %dma_start3A_202 = arith.constant 0 : i32
    %dma_start3A_203 = tpu.memref_slice %arg2[%dma_start3A_201, %dma_start3A_202] : memref<10000x128xf32, #tpu.memory_space<hbm>> -> memref<10000x128xf32, #tpu.memory_space<hbm>>
    tpu.enqueue_indirect_dma source(%dma_start3A_203 : memref<10000x128xf32, #tpu.memory_space<hbm>>) target(%arg10 : memref<100x128xf32, #tpu.memory_space<vmem>>) offsets(%dma_start3A_200 : memref<100xi32, #tpu.memory_space<vmem>>) semaphore(%arg14 : memref<!tpu.dma_semaphore, #tpu.memory_space<semaphore_mem>>)
    %scan3A = arith.constant 0 : i32
    %scan3A_204 = arith.constant 0 : i32
    %scan3A_205 = arith.constant 25 : i32
    %scan3A_206 = arith.addi %scan3A_204, %scan3A_205 : i32
    %scan3A_207 = arith.constant 1 : i32
    %scan3A_208 = scf.for %scan3A_503 = %scan3A_204 to %scan3A_206 step %scan3A_207 iter_args(%scan3A_504 = %scan3A) -> (i32)  : i32 {
      %mul3A_505 = arith.constant 2 : i32
      %mul3A_506 = arith.muli %mul3A_505, %scan3A_503 : i32
      %dma_wait3A_507 = arith.constant 0 : i32
      %dma_wait3A_508 = tpu.memref_slice %arg12[%mul3A_506, %dma_wait3A_507] : memref<50x100xi32, #tpu.memory_space<vmem>> -> memref<1x100xi32, #tpu.memory_space<vmem>>
      %dma_wait3A_509 = tpu.memref_squeeze %dma_wait3A_508 : memref<1x100xi32, #tpu.memory_space<vmem>> -> memref<100xi32, #tpu.memory_space<vmem>>
      %dma_wait3A_510 = arith.constant 0 : i32
      %dma_wait3A_511 = arith.constant 0 : i32
      %dma_wait3A_512 = tpu.memref_slice %arg2[%dma_wait3A_510, %dma_wait3A_511] : memref<10000x128xf32, #tpu.memory_space<hbm>> -> memref<10000x128xf32, #tpu.memory_space<hbm>>
      tpu.wait_indirect_dma semaphore(%arg14 : memref<!tpu.dma_semaphore, #tpu.memory_space<semaphore_mem>>) src(%dma_wait3A_512 : memref<10000x128xf32, #tpu.memory_space<hbm>>) dst(%arg10 : memref<100x128xf32, #tpu.memory_space<vmem>>)
      %ge3A = arith.constant 1 : i32
      %ge3A_513 = arith.cmpi sge, %mul3A_506, %ge3A : i32
      %convert_element_type3A_514 = arith.extui %ge3A_513 : i1 to i32
      %cond3A_515 = arith.constant 0 : i32
      %cond3A_516 = arith.cmpi ne, %convert_element_type3A_514, %cond3A_515 : i32
      scf.if %cond3A_516 {
        %sub3A = arith.constant 1 : i32
        %sub3A_554 = arith.subi %mul3A_506, %sub3A : i32
        %dma_wait3A_555 = arith.constant 0 : i32
        %dma_wait3A_556 = tpu.memref_slice %arg13[%sub3A_554, %dma_wait3A_555] : memref<50x100xi32, #tpu.memory_space<vmem>> -> memref<1x100xi32, #tpu.memory_space<vmem>>
        %dma_wait3A_557 = tpu.memref_squeeze %dma_wait3A_556 : memref<1x100xi32, #tpu.memory_space<vmem>> -> memref<100xi32, #tpu.memory_space<vmem>>
        %dma_wait3A_558 = arith.constant 0 : i32
        %dma_wait3A_559 = arith.constant 0 : i32
        %dma_wait3A_560 = tpu.memref_slice %arg7[%dma_wait3A_558, %dma_wait3A_559] : memref<10240x128xf32, #tpu.memory_space<vmem_shared>> -> memref<10240x128xf32, #tpu.memory_space<vmem_shared>>
        tpu.wait_indirect_dma semaphore(%arg15 : memref<!tpu.dma_semaphore, #tpu.memory_space<semaphore_mem>>) src(%arg11 : memref<100x128xf32, #tpu.memory_space<vmem>>) dst(%dma_wait3A_560 : memref<10240x128xf32, #tpu.memory_space<vmem_shared>>)
      } else {
      }
      %lt3A = arith.constant 49 : i32
      %lt3A_517 = arith.cmpi slt, %mul3A_506, %lt3A : i32
      %convert_element_type3A_518 = arith.extui %lt3A_517 : i1 to i32
      %cond3A_519 = arith.constant 0 : i32
      %cond3A_520 = arith.cmpi ne, %convert_element_type3A_518, %cond3A_519 : i32
      scf.if %cond3A_520 {
        %add3A_554 = arith.constant 1 : i32
        %add3A_555 = arith.addi %mul3A_506, %add3A_554 : i32
        %dma_start3A_556 = arith.constant 0 : i32
        %dma_start3A_557 = tpu.memref_slice %arg12[%add3A_555, %dma_start3A_556] : memref<50x100xi32, #tpu.memory_space<vmem>> -> memref<1x100xi32, #tpu.memory_space<vmem>>
        %dma_start3A_558 = tpu.memref_squeeze %dma_start3A_557 : memref<1x100xi32, #tpu.memory_space<vmem>> -> memref<100xi32, #tpu.memory_space<vmem>>
        %dma_start3A_559 = arith.constant 0 : i32
        %dma_start3A_560 = arith.constant 0 : i32
        %dma_start3A_561 = tpu.memref_slice %arg2[%dma_start3A_559, %dma_start3A_560] : memref<10000x128xf32, #tpu.memory_space<hbm>> -> memref<10000x128xf32, #tpu.memory_space<hbm>>
        tpu.enqueue_indirect_dma source(%dma_start3A_561 : memref<10000x128xf32, #tpu.memory_space<hbm>>) target(%arg11 : memref<100x128xf32, #tpu.memory_space<vmem>>) offsets(%dma_start3A_558 : memref<100xi32, #tpu.memory_space<vmem>>) semaphore(%arg14 : memref<!tpu.dma_semaphore, #tpu.memory_space<semaphore_mem>>)
      } else {
      }
      %dma_start3A_521 = arith.constant 0 : i32
      %dma_start3A_522 = tpu.memref_slice %arg13[%mul3A_506, %dma_start3A_521] : memref<50x100xi32, #tpu.memory_space<vmem>> -> memref<1x100xi32, #tpu.memory_space<vmem>>
      %dma_start3A_523 = tpu.memref_squeeze %dma_start3A_522 : memref<1x100xi32, #tpu.memory_space<vmem>> -> memref<100xi32, #tpu.memory_space<vmem>>
      %dma_start3A_524 = arith.constant 0 : i32
      %dma_start3A_525 = arith.constant 0 : i32
      %dma_start3A_526 = tpu.memref_slice %arg7[%dma_start3A_524, %dma_start3A_525] : memref<10240x128xf32, #tpu.memory_space<vmem_shared>> -> memref<10240x128xf32, #tpu.memory_space<vmem_shared>>
      tpu.enqueue_indirect_dma source(%arg10 : memref<100x128xf32, #tpu.memory_space<vmem>>) target(%dma_start3A_526 : memref<10240x128xf32, #tpu.memory_space<vmem_shared>>) offsets(%dma_start3A_523 : memref<100xi32, #tpu.memory_space<vmem>>) semaphore(%arg15 : memref<!tpu.dma_semaphore, #tpu.memory_space<semaphore_mem>>) {add = true}
      %mul3A_527 = arith.constant 2 : i32
      %mul3A_528 = arith.muli %mul3A_527, %scan3A_503 : i32
      %add3A_529 = arith.constant 1 : i32
      %add3A_530 = arith.addi %mul3A_528, %add3A_529 : i32
      %dma_wait3A_531 = arith.constant 0 : i32
      %dma_wait3A_532 = tpu.memref_slice %arg12[%add3A_530, %dma_wait3A_531] : memref<50x100xi32, #tpu.memory_space<vmem>> -> memref<1x100xi32, #tpu.memory_space<vmem>>
      %dma_wait3A_533 = tpu.memref_squeeze %dma_wait3A_532 : memref<1x100xi32, #tpu.memory_space<vmem>> -> memref<100xi32, #tpu.memory_space<vmem>>
      %dma_wait3A_534 = arith.constant 0 : i32
      %dma_wait3A_535 = arith.constant 0 : i32
      %dma_wait3A_536 = tpu.memref_slice %arg2[%dma_wait3A_534, %dma_wait3A_535] : memref<10000x128xf32, #tpu.memory_space<hbm>> -> memref<10000x128xf32, #tpu.memory_space<hbm>>
      tpu.wait_indirect_dma semaphore(%arg14 : memref<!tpu.dma_semaphore, #tpu.memory_space<semaphore_mem>>) src(%dma_wait3A_536 : memref<10000x128xf32, #tpu.memory_space<hbm>>) dst(%arg11 : memref<100x128xf32, #tpu.memory_space<vmem>>)
      %ge3A_537 = arith.constant 1 : i32
      %ge3A_538 = arith.cmpi sge, %add3A_530, %ge3A_537 : i32
      %convert_element_type3A_539 = arith.extui %ge3A_538 : i1 to i32
      %cond3A_540 = arith.constant 0 : i32
      %cond3A_541 = arith.cmpi ne, %convert_element_type3A_539, %cond3A_540 : i32
      scf.if %cond3A_541 {
        %sub3A = arith.constant 1 : i32
        %sub3A_554 = arith.subi %add3A_530, %sub3A : i32
        %dma_wait3A_555 = arith.constant 0 : i32
        %dma_wait3A_556 = tpu.memref_slice %arg13[%sub3A_554, %dma_wait3A_555] : memref<50x100xi32, #tpu.memory_space<vmem>> -> memref<1x100xi32, #tpu.memory_space<vmem>>
        %dma_wait3A_557 = tpu.memref_squeeze %dma_wait3A_556 : memref<1x100xi32, #tpu.memory_space<vmem>> -> memref<100xi32, #tpu.memory_space<vmem>>
        %dma_wait3A_558 = arith.constant 0 : i32
        %dma_wait3A_559 = arith.constant 0 : i32
        %dma_wait3A_560 = tpu.memref_slice %arg7[%dma_wait3A_558, %dma_wait3A_559] : memref<10240x128xf32, #tpu.memory_space<vmem_shared>> -> memref<10240x128xf32, #tpu.memory_space<vmem_shared>>
        tpu.wait_indirect_dma semaphore(%arg15 : memref<!tpu.dma_semaphore, #tpu.memory_space<semaphore_mem>>) src(%arg10 : memref<100x128xf32, #tpu.memory_space<vmem>>) dst(%dma_wait3A_560 : memref<10240x128xf32, #tpu.memory_space<vmem_shared>>)
      } else {
      }
      %lt3A_542 = arith.constant 49 : i32
      %lt3A_543 = arith.cmpi slt, %add3A_530, %lt3A_542 : i32
      %convert_element_type3A_544 = arith.extui %lt3A_543 : i1 to i32
      %cond3A_545 = arith.constant 0 : i32
      %cond3A_546 = arith.cmpi ne, %convert_element_type3A_544, %cond3A_545 : i32
      scf.if %cond3A_546 {
        %add3A_554 = arith.constant 1 : i32
        %add3A_555 = arith.addi %add3A_530, %add3A_554 : i32
        %dma_start3A_556 = arith.constant 0 : i32
        %dma_start3A_557 = tpu.memref_slice %arg12[%add3A_555, %dma_start3A_556] : memref<50x100xi32, #tpu.memory_space<vmem>> -> memref<1x100xi32, #tpu.memory_space<vmem>>
        %dma_start3A_558 = tpu.memref_squeeze %dma_start3A_557 : memref<1x100xi32, #tpu.memory_space<vmem>> -> memref<100xi32, #tpu.memory_space<vmem>>
        %dma_start3A_559 = arith.constant 0 : i32
        %dma_start3A_560 = arith.constant 0 : i32
        %dma_start3A_561 = tpu.memref_slice %arg2[%dma_start3A_559, %dma_start3A_560] : memref<10000x128xf32, #tpu.memory_space<hbm>> -> memref<10000x128xf32, #tpu.memory_space<hbm>>
        tpu.enqueue_indirect_dma source(%dma_start3A_561 : memref<10000x128xf32, #tpu.memory_space<hbm>>) target(%arg10 : memref<100x128xf32, #tpu.memory_space<vmem>>) offsets(%dma_start3A_558 : memref<100xi32, #tpu.memory_space<vmem>>) semaphore(%arg14 : memref<!tpu.dma_semaphore, #tpu.memory_space<semaphore_mem>>)
      } else {
      }
      %dma_start3A_547 = arith.constant 0 : i32
      %dma_start3A_548 = tpu.memref_slice %arg13[%add3A_530, %dma_start3A_547] : memref<50x100xi32, #tpu.memory_space<vmem>> -> memref<1x100xi32, #tpu.memory_space<vmem>>
      %dma_start3A_549 = tpu.memref_squeeze %dma_start3A_548 : memref<1x100xi32, #tpu.memory_space<vmem>> -> memref<100xi32, #tpu.memory_space<vmem>>
      %dma_start3A_550 = arith.constant 0 : i32
      %dma_start3A_551 = arith.constant 0 : i32
      %dma_start3A_552 = tpu.memref_slice %arg7[%dma_start3A_550, %dma_start3A_551] : memref<10240x128xf32, #tpu.memory_space<vmem_shared>> -> memref<10240x128xf32, #tpu.memory_space<vmem_shared>>
      tpu.enqueue_indirect_dma source(%arg11 : memref<100x128xf32, #tpu.memory_space<vmem>>) target(%dma_start3A_552 : memref<10240x128xf32, #tpu.memory_space<vmem_shared>>) offsets(%dma_start3A_549 : memref<100xi32, #tpu.memory_space<vmem>>) semaphore(%arg15 : memref<!tpu.dma_semaphore, #tpu.memory_space<semaphore_mem>>) {add = true}
      %scan3A_553 = arith.constant 0 : i32
      scf.yield %scan3A_553 : i32
    }
    %scan3A_209 = arith.constant 25 : i32
    %dma_wait3A_210 = arith.constant 49 : i32
    %dma_wait3A_211 = arith.constant 0 : i32
    %dma_wait3A_212 = tpu.memref_slice %arg13[%dma_wait3A_210, %dma_wait3A_211] : memref<50x100xi32, #tpu.memory_space<vmem>> -> memref<1x100xi32, #tpu.memory_space<vmem>>
    %dma_wait3A_213 = tpu.memref_squeeze %dma_wait3A_212 : memref<1x100xi32, #tpu.memory_space<vmem>> -> memref<100xi32, #tpu.memory_space<vmem>>
    %dma_wait3A_214 = arith.constant 0 : i32
    %dma_wait3A_215 = arith.constant 0 : i32
    %dma_wait3A_216 = tpu.memref_slice %arg7[%dma_wait3A_214, %dma_wait3A_215] : memref<10240x128xf32, #tpu.memory_space<vmem_shared>> -> memref<10240x128xf32, #tpu.memory_space<vmem_shared>>
    tpu.wait_indirect_dma semaphore(%arg15 : memref<!tpu.dma_semaphore, #tpu.memory_space<semaphore_mem>>) src(%arg11 : memref<100x128xf32, #tpu.memory_space<vmem>>) dst(%dma_wait3A_216 : memref<10240x128xf32, #tpu.memory_space<vmem_shared>>)
    %barrier3A_217 = arith.constant 0 : index
    tpu.barrier barrier_id(%barrier3A_217)
    %add3A_218 = arith.constant 0 : i32
    %add3A_219 = arith.addi %mul3A_2, %add3A_218 : i32
    "tpu.region"() ({
      %run_scoped3A = tpu.sem_alloc : memref<!tpu.dma_semaphore, #tpu.memory_space<semaphore_mem>>
      %dma_start3A_503 = arith.constant 0 : i32
      %dma_start3A_504 = tpu.memref_slice %arg7[%add3A_219, %dma_start3A_503] : memref<10240x128xf32, #tpu.memory_space<vmem_shared>> -> memref<40x128xf32, #tpu.memory_space<vmem_shared>>
      %dma_start3A_505 = arith.constant 0 : i32
      %dma_start3A_506 = tpu.memref_slice %arg7[%add3A_219, %dma_start3A_505] : memref<10240x128xf32, #tpu.memory_space<vmem_shared>> -> memref<40x128xf32, #tpu.memory_space<vmem_shared>>
      tpu.enqueue_dma source(%dma_start3A_506 : memref<40x128xf32, #tpu.memory_space<vmem_shared>>) target(%arg8 : memref<40x128xf32, #tpu.memory_space<vmem>>) target_semaphore(%run_scoped3A : memref<!tpu.dma_semaphore, #tpu.memory_space<semaphore_mem>>)
      %dma_wait3A_507 = arith.constant 0 : i32
      %dma_wait3A_508 = tpu.memref_slice %arg7[%add3A_219, %dma_wait3A_507] : memref<10240x128xf32, #tpu.memory_space<vmem_shared>> -> memref<40x128xf32, #tpu.memory_space<vmem_shared>>
      %dma_wait3A_509 = arith.constant 0 : i32
      %dma_wait3A_510 = tpu.memref_slice %arg7[%add3A_219, %dma_wait3A_509] : memref<10240x128xf32, #tpu.memory_space<vmem_shared>> -> memref<40x128xf32, #tpu.memory_space<vmem_shared>>
      tpu.wait_dma2 semaphore(%run_scoped3A : memref<!tpu.dma_semaphore, #tpu.memory_space<semaphore_mem>>) src(%dma_wait3A_510 : memref<40x128xf32, #tpu.memory_space<vmem_shared>>) dst(%arg8 : memref<40x128xf32, #tpu.memory_space<vmem>>)
      tpu.yield
    }) : () -> ()
    %eq3A = arith.constant 0 : i32
    %eq3A_220 = arith.cmpi eq, %arg0, %eq3A : i32
    %convert_element_type3A = arith.extui %eq3A_220 : i1 to i32
    %cond3A = arith.constant 0 : i32
    %cond3A_221 = arith.cmpi ne, %convert_element_type3A, %cond3A : i32
    scf.if %cond3A_221 {
      %add3A_503 = arith.constant 0 : i32
      %add3A_504 = arith.addi %mul3A_2, %add3A_503 : i32
      %dma_start3A_505 = arith.constant 0 : i32
      %dma_start3A_506 = tpu.memref_slice %arg5[%add3A_504, %dma_start3A_505] : memref<10240x128xf32, #tpu.memory_space<hbm>> -> memref<40x128xf32, #tpu.memory_space<hbm>>
      %dma_start3A_507 = arith.constant 0 : i32
      %dma_start3A_508 = tpu.memref_slice %arg5[%add3A_504, %dma_start3A_507] : memref<10240x128xf32, #tpu.memory_space<hbm>> -> memref<40x128xf32, #tpu.memory_space<hbm>>
      tpu.enqueue_dma source(%arg8 : memref<40x128xf32, #tpu.memory_space<vmem>>) target(%dma_start3A_508 : memref<40x128xf32, #tpu.memory_space<hbm>>) target_semaphore(%arg16 : memref<!tpu.dma_semaphore, #tpu.memory_space<semaphore_mem>>)
    } else {
    }
    %eq3A_222 = arith.constant 1 : i32
    %eq3A_223 = arith.cmpi eq, %arg0, %eq3A_222 : i32
    %convert_element_type3A_224 = arith.extui %eq3A_223 : i1 to i32
    %cond3A_225 = arith.constant 0 : i32
    %cond3A_226 = arith.cmpi ne, %convert_element_type3A_224, %cond3A_225 : i32
    scf.if %cond3A_226 {
      %add3A_503 = arith.constant 0 : i32
      %add3A_504 = arith.addi %mul3A_2, %add3A_503 : i32
      %dma_start3A_505 = arith.constant 0 : i32
      %dma_start3A_506 = tpu.memref_slice %arg6[%add3A_504, %dma_start3A_505] : memref<10240x128xf32, #tpu.memory_space<hbm>> -> memref<40x128xf32, #tpu.memory_space<hbm>>
      %dma_start3A_507 = arith.constant 0 : i32
      %dma_start3A_508 = tpu.memref_slice %arg6[%add3A_504, %dma_start3A_507] : memref<10240x128xf32, #tpu.memory_space<hbm>> -> memref<40x128xf32, #tpu.memory_space<hbm>>
      tpu.enqueue_dma source(%arg8 : memref<40x128xf32, #tpu.memory_space<vmem>>) target(%dma_start3A_508 : memref<40x128xf32, #tpu.memory_space<hbm>>) target_semaphore(%arg16 : memref<!tpu.dma_semaphore, #tpu.memory_space<semaphore_mem>>)
    } else {
    }
    %add3A_227 = arith.constant 40 : i32
    %add3A_228 = arith.addi %mul3A_2, %add3A_227 : i32
    "tpu.region"() ({
      %run_scoped3A = tpu.sem_alloc : memref<!tpu.dma_semaphore, #tpu.memory_space<semaphore_mem>>
      %dma_start3A_503 = arith.constant 0 : i32
      %dma_start3A_504 = tpu.memref_slice %arg7[%add3A_228, %dma_start3A_503] : memref<10240x128xf32, #tpu.memory_space<vmem_shared>> -> memref<40x128xf32, #tpu.memory_space<vmem_shared>>
      %dma_start3A_505 = arith.constant 0 : i32
      %dma_start3A_506 = tpu.memref_slice %arg7[%add3A_228, %dma_start3A_505] : memref<10240x128xf32, #tpu.memory_space<vmem_shared>> -> memref<40x128xf32, #tpu.memory_space<vmem_shared>>
      tpu.enqueue_dma source(%dma_start3A_506 : memref<40x128xf32, #tpu.memory_space<vmem_shared>>) target(%arg9 : memref<40x128xf32, #tpu.memory_space<vmem>>) target_semaphore(%run_scoped3A : memref<!tpu.dma_semaphore, #tpu.memory_space<semaphore_mem>>)
      %dma_wait3A_507 = arith.constant 0 : i32
      %dma_wait3A_508 = tpu.memref_slice %arg7[%add3A_228, %dma_wait3A_507] : memref<10240x128xf32, #tpu.memory_space<vmem_shared>> -> memref<40x128xf32, #tpu.memory_space<vmem_shared>>
      %dma_wait3A_509 = arith.constant 0 : i32
      %dma_wait3A_510 = tpu.memref_slice %arg7[%add3A_228, %dma_wait3A_509] : memref<10240x128xf32, #tpu.memory_space<vmem_shared>> -> memref<40x128xf32, #tpu.memory_space<vmem_shared>>
      tpu.wait_dma2 semaphore(%run_scoped3A : memref<!tpu.dma_semaphore, #tpu.memory_space<semaphore_mem>>) src(%dma_wait3A_510 : memref<40x128xf32, #tpu.memory_space<vmem_shared>>) dst(%arg9 : memref<40x128xf32, #tpu.memory_space<vmem>>)
      tpu.yield
    }) : () -> ()
    %eq3A_229 = arith.constant 0 : i32
    %eq3A_230 = arith.cmpi eq, %arg0, %eq3A_229 : i32
    %convert_element_type3A_231 = arith.extui %eq3A_230 : i1 to i32
    %cond3A_232 = arith.constant 0 : i32
    %cond3A_233 = arith.cmpi ne, %convert_element_type3A_231, %cond3A_232 : i32
    scf.if %cond3A_233 {
      %add3A_503 = arith.constant 40 : i32
      %add3A_504 = arith.addi %mul3A_2, %add3A_503 : i32
      %dma_start3A_505 = arith.constant 0 : i32
      %dma_start3A_506 = tpu.memref_slice %arg5[%add3A_504, %dma_start3A_505] : memref<10240x128xf32, #tpu.memory_space<hbm>> -> memref<40x128xf32, #tpu.memory_space<hbm>>
      %dma_start3A_507 = arith.constant 0 : i32
      %dma_start3A_508 = tpu.memref_slice %arg5[%add3A_504, %dma_start3A_507] : memref<10240x128xf32, #tpu.memory_space<hbm>> -> memref<40x128xf32, #tpu.memory_space<hbm>>
      tpu.enqueue_dma source(%arg9 : memref<40x128xf32, #tpu.memory_space<vmem>>) target(%dma_start3A_508 : memref<40x128xf32, #tpu.memory_space<hbm>>) target_semaphore(%arg16 : memref<!tpu.dma_semaphore, #tpu.memory_space<semaphore_mem>>)
    } else {
    }
    %eq3A_234 = arith.constant 1 : i32
    %eq3A_235 = arith.cmpi eq, %arg0, %eq3A_234 : i32
    %convert_element_type3A_236 = arith.extui %eq3A_235 : i1 to i32
    %cond3A_237 = arith.constant 0 : i32
    %cond3A_238 = arith.cmpi ne, %convert_element_type3A_236, %cond3A_237 : i32
    scf.if %cond3A_238 {
      %add3A_503 = arith.constant 40 : i32
      %add3A_504 = arith.addi %mul3A_2, %add3A_503 : i32
      %dma_start3A_505 = arith.constant 0 : i32
      %dma_start3A_506 = tpu.memref_slice %arg6[%add3A_504, %dma_start3A_505] : memref<10240x128xf32, #tpu.memory_space<hbm>> -> memref<40x128xf32, #tpu.memory_space<hbm>>
      %dma_start3A_507 = arith.constant 0 : i32
      %dma_start3A_508 = tpu.memref_slice %arg6[%add3A_504, %dma_start3A_507] : memref<10240x128xf32, #tpu.memory_space<hbm>> -> memref<40x128xf32, #tpu.memory_space<hbm>>
      tpu.enqueue_dma source(%arg9 : memref<40x128xf32, #tpu.memory_space<vmem>>) target(%dma_start3A_508 : memref<40x128xf32, #tpu.memory_space<hbm>>) target_semaphore(%arg16 : memref<!tpu.dma_semaphore, #tpu.memory_space<semaphore_mem>>)
    } else {
    }
    %add3A_239 = arith.constant 0 : i32
    %add3A_240 = arith.addi %mul3A_2, %add3A_239 : i32
    %dma_wait3A_241 = arith.constant 0 : i32
    %dma_wait3A_242 = tpu.memref_slice %arg5[%add3A_240, %dma_wait3A_241] : memref<10240x128xf32, #tpu.memory_space<hbm>> -> memref<40x128xf32, #tpu.memory_space<hbm>>
    %dma_wait3A_243 = arith.constant 0 : i32
    %dma_wait3A_244 = tpu.memref_slice %arg5[%add3A_240, %dma_wait3A_243] : memref<10240x128xf32, #tpu.memory_space<hbm>> -> memref<40x128xf32, #tpu.memory_space<hbm>>
    tpu.wait_dma2 semaphore(%arg16 : memref<!tpu.dma_semaphore, #tpu.memory_space<semaphore_mem>>) src(%arg8 : memref<40x128xf32, #tpu.memory_space<vmem>>) dst(%dma_wait3A_244 : memref<40x128xf32, #tpu.memory_space<hbm>>)
    %add3A_245 = arith.constant 80 : i32
    %add3A_246 = arith.addi %mul3A_2, %add3A_245 : i32
    "tpu.region"() ({
      %run_scoped3A = tpu.sem_alloc : memref<!tpu.dma_semaphore, #tpu.memory_space<semaphore_mem>>
      %dma_start3A_503 = arith.constant 0 : i32
      %dma_start3A_504 = tpu.memref_slice %arg7[%add3A_246, %dma_start3A_503] : memref<10240x128xf32, #tpu.memory_space<vmem_shared>> -> memref<40x128xf32, #tpu.memory_space<vmem_shared>>
      %dma_start3A_505 = arith.constant 0 : i32
      %dma_start3A_506 = tpu.memref_slice %arg7[%add3A_246, %dma_start3A_505] : memref<10240x128xf32, #tpu.memory_space<vmem_shared>> -> memref<40x128xf32, #tpu.memory_space<vmem_shared>>
      tpu.enqueue_dma source(%dma_start3A_506 : memref<40x128xf32, #tpu.memory_space<vmem_shared>>) target(%arg8 : memref<40x128xf32, #tpu.memory_space<vmem>>) target_semaphore(%run_scoped3A : memref<!tpu.dma_semaphore, #tpu.memory_space<semaphore_mem>>)
      %dma_wait3A_507 = arith.constant 0 : i32
      %dma_wait3A_508 = tpu.memref_slice %arg7[%add3A_246, %dma_wait3A_507] : memref<10240x128xf32, #tpu.memory_space<vmem_shared>> -> memref<40x128xf32, #tpu.memory_space<vmem_shared>>
      %dma_wait3A_509 = arith.constant 0 : i32
      %dma_wait3A_510 = tpu.memref_slice %arg7[%add3A_246, %dma_wait3A_509] : memref<10240x128xf32, #tpu.memory_space<vmem_shared>> -> memref<40x128xf32, #tpu.memory_space<vmem_shared>>
      tpu.wait_dma2 semaphore(%run_scoped3A : memref<!tpu.dma_semaphore, #tpu.memory_space<semaphore_mem>>) src(%dma_wait3A_510 : memref<40x128xf32, #tpu.memory_space<vmem_shared>>) dst(%arg8 : memref<40x128xf32, #tpu.memory_space<vmem>>)
      tpu.yield
    }) : () -> ()
    %eq3A_247 = arith.constant 0 : i32
    %eq3A_248 = arith.cmpi eq, %arg0, %eq3A_247 : i32
    %convert_element_type3A_249 = arith.extui %eq3A_248 : i1 to i32
    %cond3A_250 = arith.constant 0 : i32
    %cond3A_251 = arith.cmpi ne, %convert_element_type3A_249, %cond3A_250 : i32
    scf.if %cond3A_251 {
      %add3A_503 = arith.constant 80 : i32
      %add3A_504 = arith.addi %mul3A_2, %add3A_503 : i32
      %dma_start3A_505 = arith.constant 0 : i32
      %dma_start3A_506 = tpu.memref_slice %arg5[%add3A_504, %dma_start3A_505] : memref<10240x128xf32, #tpu.memory_space<hbm>> -> memref<40x128xf32, #tpu.memory_space<hbm>>
      %dma_start3A_507 = arith.constant 0 : i32
      %dma_start3A_508 = tpu.memref_slice %arg5[%add3A_504, %dma_start3A_507] : memref<10240x128xf32, #tpu.memory_space<hbm>> -> memref<40x128xf32, #tpu.memory_space<hbm>>
      tpu.enqueue_dma source(%arg8 : memref<40x128xf32, #tpu.memory_space<vmem>>) target(%dma_start3A_508 : memref<40x128xf32, #tpu.memory_space<hbm>>) target_semaphore(%arg16 : memref<!tpu.dma_semaphore, #tpu.memory_space<semaphore_mem>>)
    } else {
    }
    %eq3A_252 = arith.constant 1 : i32
    %eq3A_253 = arith.cmpi eq, %arg0, %eq3A_252 : i32
    %convert_element_type3A_254 = arith.extui %eq3A_253 : i1 to i32
    %cond3A_255 = arith.constant 0 : i32
    %cond3A_256 = arith.cmpi ne, %convert_element_type3A_254, %cond3A_255 : i32
    scf.if %cond3A_256 {
      %add3A_503 = arith.constant 80 : i32
      %add3A_504 = arith.addi %mul3A_2, %add3A_503 : i32
      %dma_start3A_505 = arith.constant 0 : i32
      %dma_start3A_506 = tpu.memref_slice %arg6[%add3A_504, %dma_start3A_505] : memref<10240x128xf32, #tpu.memory_space<hbm>> -> memref<40x128xf32, #tpu.memory_space<hbm>>
      %dma_start3A_507 = arith.constant 0 : i32
      %dma_start3A_508 = tpu.memref_slice %arg6[%add3A_504, %dma_start3A_507] : memref<10240x128xf32, #tpu.memory_space<hbm>> -> memref<40x128xf32, #tpu.memory_space<hbm>>
      tpu.enqueue_dma source(%arg8 : memref<40x128xf32, #tpu.memory_space<vmem>>) target(%dma_start3A_508 : memref<40x128xf32, #tpu.memory_space<hbm>>) target_semaphore(%arg16 : memref<!tpu.dma_semaphore, #tpu.memory_space<semaphore_mem>>)
    } else {
    }
    %add3A_257 = arith.constant 40 : i32
    %add3A_258 = arith.addi %mul3A_2, %add3A_257 : i32
    %dma_wait3A_259 = arith.constant 0 : i32
    %dma_wait3A_260 = tpu.memref_slice %arg5[%add3A_258, %dma_wait3A_259] : memref<10240x128xf32, #tpu.memory_space<hbm>> -> memref<40x128xf32, #tpu.memory_space<hbm>>
    %dma_wait3A_261 = arith.constant 0 : i32
    %dma_wait3A_262 = tpu.memref_slice %arg5[%add3A_258, %dma_wait3A_261] : memref<10240x128xf32, #tpu.memory_space<hbm>> -> memref<40x128xf32, #tpu.memory_space<hbm>>
    tpu.wait_dma2 semaphore(%arg16 : memref<!tpu.dma_semaphore, #tpu.memory_space<semaphore_mem>>) src(%arg9 : memref<40x128xf32, #tpu.memory_space<vmem>>) dst(%dma_wait3A_262 : memref<40x128xf32, #tpu.memory_space<hbm>>)
    %add3A_263 = arith.constant 120 : i32
    %add3A_264 = arith.addi %mul3A_2, %add3A_263 : i32
    "tpu.region"() ({
      %run_scoped3A = tpu.sem_alloc : memref<!tpu.dma_semaphore, #tpu.memory_space<semaphore_mem>>
      %dma_start3A_503 = arith.constant 0 : i32
      %dma_start3A_504 = tpu.memref_slice %arg7[%add3A_264, %dma_start3A_503] : memref<10240x128xf32, #tpu.memory_space<vmem_shared>> -> memref<40x128xf32, #tpu.memory_space<vmem_shared>>
      %dma_start3A_505 = arith.constant 0 : i32
      %dma_start3A_506 = tpu.memref_slice %arg7[%add3A_264, %dma_start3A_505] : memref<10240x128xf32, #tpu.memory_space<vmem_shared>> -> memref<40x128xf32, #tpu.memory_space<vmem_shared>>
      tpu.enqueue_dma source(%dma_start3A_506 : memref<40x128xf32, #tpu.memory_space<vmem_shared>>) target(%arg9 : memref<40x128xf32, #tpu.memory_space<vmem>>) target_semaphore(%run_scoped3A : memref<!tpu.dma_semaphore, #tpu.memory_space<semaphore_mem>>)
      %dma_wait3A_507 = arith.constant 0 : i32
      %dma_wait3A_508 = tpu.memref_slice %arg7[%add3A_264, %dma_wait3A_507] : memref<10240x128xf32, #tpu.memory_space<vmem_shared>> -> memref<40x128xf32, #tpu.memory_space<vmem_shared>>
      %dma_wait3A_509 = arith.constant 0 : i32
      %dma_wait3A_510 = tpu.memref_slice %arg7[%add3A_264, %dma_wait3A_509] : memref<10240x128xf32, #tpu.memory_space<vmem_shared>> -> memref<40x128xf32, #tpu.memory_space<vmem_shared>>
      tpu.wait_dma2 semaphore(%run_scoped3A : memref<!tpu.dma_semaphore, #tpu.memory_space<semaphore_mem>>) src(%dma_wait3A_510 : memref<40x128xf32, #tpu.memory_space<vmem_shared>>) dst(%arg9 : memref<40x128xf32, #tpu.memory_space<vmem>>)
      tpu.yield
    }) : () -> ()
    %eq3A_265 = arith.constant 0 : i32
    %eq3A_266 = arith.cmpi eq, %arg0, %eq3A_265 : i32
    %convert_element_type3A_267 = arith.extui %eq3A_266 : i1 to i32
    %cond3A_268 = arith.constant 0 : i32
    %cond3A_269 = arith.cmpi ne, %convert_element_type3A_267, %cond3A_268 : i32
    scf.if %cond3A_269 {
      %add3A_503 = arith.constant 120 : i32
      %add3A_504 = arith.addi %mul3A_2, %add3A_503 : i32
      %dma_start3A_505 = arith.constant 0 : i32
      %dma_start3A_506 = tpu.memref_slice %arg5[%add3A_504, %dma_start3A_505] : memref<10240x128xf32, #tpu.memory_space<hbm>> -> memref<40x128xf32, #tpu.memory_space<hbm>>
      %dma_start3A_507 = arith.constant 0 : i32
      %dma_start3A_508 = tpu.memref_slice %arg5[%add3A_504, %dma_start3A_507] : memref<10240x128xf32, #tpu.memory_space<hbm>> -> memref<40x128xf32, #tpu.memory_space<hbm>>
      tpu.enqueue_dma source(%arg9 : memref<40x128xf32, #tpu.memory_space<vmem>>) target(%dma_start3A_508 : memref<40x128xf32, #tpu.memory_space<hbm>>) target_semaphore(%arg16 : memref<!tpu.dma_semaphore, #tpu.memory_space<semaphore_mem>>)
    } else {
    }
    %eq3A_270 = arith.constant 1 : i32
    %eq3A_271 = arith.cmpi eq, %arg0, %eq3A_270 : i32
    %convert_element_type3A_272 = arith.extui %eq3A_271 : i1 to i32
    %cond3A_273 = arith.constant 0 : i32
    %cond3A_274 = arith.cmpi ne, %convert_element_type3A_272, %cond3A_273 : i32
    scf.if %cond3A_274 {
      %add3A_503 = arith.constant 120 : i32
      %add3A_504 = arith.addi %mul3A_2, %add3A_503 : i32
      %dma_start3A_505 = arith.constant 0 : i32
      %dma_start3A_506 = tpu.memref_slice %arg6[%add3A_504, %dma_start3A_505] : memref<10240x128xf32, #tpu.memory_space<hbm>> -> memref<40x128xf32, #tpu.memory_space<hbm>>
      %dma_start3A_507 = arith.constant 0 : i32
      %dma_start3A_508 = tpu.memref_slice %arg6[%add3A_504, %dma_start3A_507] : memref<10240x128xf32, #tpu.memory_space<hbm>> -> memref<40x128xf32, #tpu.memory_space<hbm>>
      tpu.enqueue_dma source(%arg9 : memref<40x128xf32, #tpu.memory_space<vmem>>) target(%dma_start3A_508 : memref<40x128xf32, #tpu.memory_space<hbm>>) target_semaphore(%arg16 : memref<!tpu.dma_semaphore, #tpu.memory_space<semaphore_mem>>)
    } else {
    }
    %add3A_275 = arith.constant 80 : i32
    %add3A_276 = arith.addi %mul3A_2, %add3A_275 : i32
    %dma_wait3A_277 = arith.constant 0 : i32
    %dma_wait3A_278 = tpu.memref_slice %arg5[%add3A_276, %dma_wait3A_277] : memref<10240x128xf32, #tpu.memory_space<hbm>> -> memref<40x128xf32, #tpu.memory_space<hbm>>
    %dma_wait3A_279 = arith.constant 0 : i32
    %dma_wait3A_280 = tpu.memref_slice %arg5[%add3A_276, %dma_wait3A_279] : memref<10240x128xf32, #tpu.memory_space<hbm>> -> memref<40x128xf32, #tpu.memory_space<hbm>>
    tpu.wait_dma2 semaphore(%arg16 : memref<!tpu.dma_semaphore, #tpu.memory_space<semaphore_mem>>) src(%arg8 : memref<40x128xf32, #tpu.memory_space<vmem>>) dst(%dma_wait3A_280 : memref<40x128xf32, #tpu.memory_space<hbm>>)
    %add3A_281 = arith.constant 160 : i32
    %add3A_282 = arith.addi %mul3A_2, %add3A_281 : i32
    "tpu.region"() ({
      %run_scoped3A = tpu.sem_alloc : memref<!tpu.dma_semaphore, #tpu.memory_space<semaphore_mem>>
      %dma_start3A_503 = arith.constant 0 : i32
      %dma_start3A_504 = tpu.memref_slice %arg7[%add3A_282, %dma_start3A_503] : memref<10240x128xf32, #tpu.memory_space<vmem_shared>> -> memref<40x128xf32, #tpu.memory_space<vmem_shared>>
      %dma_start3A_505 = arith.constant 0 : i32
      %dma_start3A_506 = tpu.memref_slice %arg7[%add3A_282, %dma_start3A_505] : memref<10240x128xf32, #tpu.memory_space<vmem_shared>> -> memref<40x128xf32, #tpu.memory_space<vmem_shared>>
      tpu.enqueue_dma source(%dma_start3A_506 : memref<40x128xf32, #tpu.memory_space<vmem_shared>>) target(%arg8 : memref<40x128xf32, #tpu.memory_space<vmem>>) target_semaphore(%run_scoped3A : memref<!tpu.dma_semaphore, #tpu.memory_space<semaphore_mem>>)
      %dma_wait3A_507 = arith.constant 0 : i32
      %dma_wait3A_508 = tpu.memref_slice %arg7[%add3A_282, %dma_wait3A_507] : memref<10240x128xf32, #tpu.memory_space<vmem_shared>> -> memref<40x128xf32, #tpu.memory_space<vmem_shared>>
      %dma_wait3A_509 = arith.constant 0 : i32
      %dma_wait3A_510 = tpu.memref_slice %arg7[%add3A_282, %dma_wait3A_509] : memref<10240x128xf32, #tpu.memory_space<vmem_shared>> -> memref<40x128xf32, #tpu.memory_space<vmem_shared>>
      tpu.wait_dma2 semaphore(%run_scoped3A : memref<!tpu.dma_semaphore, #tpu.memory_space<semaphore_mem>>) src(%dma_wait3A_510 : memref<40x128xf32, #tpu.memory_space<vmem_shared>>) dst(%arg8 : memref<40x128xf32, #tpu.memory_space<vmem>>)
      tpu.yield
    }) : () -> ()
    %eq3A_283 = arith.constant 0 : i32
    %eq3A_284 = arith.cmpi eq, %arg0, %eq3A_283 : i32
    %convert_element_type3A_285 = arith.extui %eq3A_284 : i1 to i32
    %cond3A_286 = arith.constant 0 : i32
    %cond3A_287 = arith.cmpi ne, %convert_element_type3A_285, %cond3A_286 : i32
    scf.if %cond3A_287 {
      %add3A_503 = arith.constant 160 : i32
      %add3A_504 = arith.addi %mul3A_2, %add3A_503 : i32
      %dma_start3A_505 = arith.constant 0 : i32
      %dma_start3A_506 = tpu.memref_slice %arg5[%add3A_504, %dma_start3A_505] : memref<10240x128xf32, #tpu.memory_space<hbm>> -> memref<40x128xf32, #tpu.memory_space<hbm>>
      %dma_start3A_507 = arith.constant 0 : i32
      %dma_start3A_508 = tpu.memref_slice %arg5[%add3A_504, %dma_start3A_507] : memref<10240x128xf32, #tpu.memory_space<hbm>> -> memref<40x128xf32, #tpu.memory_space<hbm>>
      tpu.enqueue_dma source(%arg8 : memref<40x128xf32, #tpu.memory_space<vmem>>) target(%dma_start3A_508 : memref<40x128xf32, #tpu.memory_space<hbm>>) target_semaphore(%arg16 : memref<!tpu.dma_semaphore, #tpu.memory_space<semaphore_mem>>)
    } else {
    }
    %eq3A_288 = arith.constant 1 : i32
    %eq3A_289 = arith.cmpi eq, %arg0, %eq3A_288 : i32
    %convert_element_type3A_290 = arith.extui %eq3A_289 : i1 to i32
    %cond3A_291 = arith.constant 0 : i32
    %cond3A_292 = arith.cmpi ne, %convert_element_type3A_290, %cond3A_291 : i32
    scf.if %cond3A_292 {
      %add3A_503 = arith.constant 160 : i32
      %add3A_504 = arith.addi %mul3A_2, %add3A_503 : i32
      %dma_start3A_505 = arith.constant 0 : i32
      %dma_start3A_506 = tpu.memref_slice %arg6[%add3A_504, %dma_start3A_505] : memref<10240x128xf32, #tpu.memory_space<hbm>> -> memref<40x128xf32, #tpu.memory_space<hbm>>
      %dma_start3A_507 = arith.constant 0 : i32
      %dma_start3A_508 = tpu.memref_slice %arg6[%add3A_504, %dma_start3A_507] : memref<10240x128xf32, #tpu.memory_space<hbm>> -> memref<40x128xf32, #tpu.memory_space<hbm>>
      tpu.enqueue_dma source(%arg8 : memref<40x128xf32, #tpu.memory_space<vmem>>) target(%dma_start3A_508 : memref<40x128xf32, #tpu.memory_space<hbm>>) target_semaphore(%arg16 : memref<!tpu.dma_semaphore, #tpu.memory_space<semaphore_mem>>)
    } else {
    }
    %add3A_293 = arith.constant 120 : i32
    %add3A_294 = arith.addi %mul3A_2, %add3A_293 : i32
    %dma_wait3A_295 = arith.constant 0 : i32
    %dma_wait3A_296 = tpu.memref_slice %arg5[%add3A_294, %dma_wait3A_295] : memref<10240x128xf32, #tpu.memory_space<hbm>> -> memref<40x128xf32, #tpu.memory_space<hbm>>
    %dma_wait3A_297 = arith.constant 0 : i32
    %dma_wait3A_298 = tpu.memref_slice %arg5[%add3A_294, %dma_wait3A_297] : memref<10240x128xf32, #tpu.memory_space<hbm>> -> memref<40x128xf32, #tpu.memory_space<hbm>>
    tpu.wait_dma2 semaphore(%arg16 : memref<!tpu.dma_semaphore, #tpu.memory_space<semaphore_mem>>) src(%arg9 : memref<40x128xf32, #tpu.memory_space<vmem>>) dst(%dma_wait3A_298 : memref<40x128xf32, #tpu.memory_space<hbm>>)
    %add3A_299 = arith.constant 200 : i32
    %add3A_300 = arith.addi %mul3A_2, %add3A_299 : i32
    "tpu.region"() ({
      %run_scoped3A = tpu.sem_alloc : memref<!tpu.dma_semaphore, #tpu.memory_space<semaphore_mem>>
      %dma_start3A_503 = arith.constant 0 : i32
      %dma_start3A_504 = tpu.memref_slice %arg7[%add3A_300, %dma_start3A_503] : memref<10240x128xf32, #tpu.memory_space<vmem_shared>> -> memref<40x128xf32, #tpu.memory_space<vmem_shared>>
      %dma_start3A_505 = arith.constant 0 : i32
      %dma_start3A_506 = tpu.memref_slice %arg7[%add3A_300, %dma_start3A_505] : memref<10240x128xf32, #tpu.memory_space<vmem_shared>> -> memref<40x128xf32, #tpu.memory_space<vmem_shared>>
      tpu.enqueue_dma source(%dma_start3A_506 : memref<40x128xf32, #tpu.memory_space<vmem_shared>>) target(%arg9 : memref<40x128xf32, #tpu.memory_space<vmem>>) target_semaphore(%run_scoped3A : memref<!tpu.dma_semaphore, #tpu.memory_space<semaphore_mem>>)
      %dma_wait3A_507 = arith.constant 0 : i32
      %dma_wait3A_508 = tpu.memref_slice %arg7[%add3A_300, %dma_wait3A_507] : memref<10240x128xf32, #tpu.memory_space<vmem_shared>> -> memref<40x128xf32, #tpu.memory_space<vmem_shared>>
      %dma_wait3A_509 = arith.constant 0 : i32
      %dma_wait3A_510 = tpu.memref_slice %arg7[%add3A_300, %dma_wait3A_509] : memref<10240x128xf32, #tpu.memory_space<vmem_shared>> -> memref<40x128xf32, #tpu.memory_space<vmem_shared>>
      tpu.wait_dma2 semaphore(%run_scoped3A : memref<!tpu.dma_semaphore, #tpu.memory_space<semaphore_mem>>) src(%dma_wait3A_510 : memref<40x128xf32, #tpu.memory_space<vmem_shared>>) dst(%arg9 : memref<40x128xf32, #tpu.memory_space<vmem>>)
      tpu.yield
    }) : () -> ()
    %eq3A_301 = arith.constant 0 : i32
    %eq3A_302 = arith.cmpi eq, %arg0, %eq3A_301 : i32
    %convert_element_type3A_303 = arith.extui %eq3A_302 : i1 to i32
    %cond3A_304 = arith.constant 0 : i32
    %cond3A_305 = arith.cmpi ne, %convert_element_type3A_303, %cond3A_304 : i32
    scf.if %cond3A_305 {
      %add3A_503 = arith.constant 200 : i32
      %add3A_504 = arith.addi %mul3A_2, %add3A_503 : i32
      %dma_start3A_505 = arith.constant 0 : i32
      %dma_start3A_506 = tpu.memref_slice %arg5[%add3A_504, %dma_start3A_505] : memref<10240x128xf32, #tpu.memory_space<hbm>> -> memref<40x128xf32, #tpu.memory_space<hbm>>
      %dma_start3A_507 = arith.constant 0 : i32
      %dma_start3A_508 = tpu.memref_slice %arg5[%add3A_504, %dma_start3A_507] : memref<10240x128xf32, #tpu.memory_space<hbm>> -> memref<40x128xf32, #tpu.memory_space<hbm>>
      tpu.enqueue_dma source(%arg9 : memref<40x128xf32, #tpu.memory_space<vmem>>) target(%dma_start3A_508 : memref<40x128xf32, #tpu.memory_space<hbm>>) target_semaphore(%arg16 : memref<!tpu.dma_semaphore, #tpu.memory_space<semaphore_mem>>)
    } else {
    }
    %eq3A_306 = arith.constant 1 : i32
    %eq3A_307 = arith.cmpi eq, %arg0, %eq3A_306 : i32
    %convert_element_type3A_308 = arith.extui %eq3A_307 : i1 to i32
    %cond3A_309 = arith.constant 0 : i32
    %cond3A_310 = arith.cmpi ne, %convert_element_type3A_308, %cond3A_309 : i32
    scf.if %cond3A_310 {
      %add3A_503 = arith.constant 200 : i32
      %add3A_504 = arith.addi %mul3A_2, %add3A_503 : i32
      %dma_start3A_505 = arith.constant 0 : i32
      %dma_start3A_506 = tpu.memref_slice %arg6[%add3A_504, %dma_start3A_505] : memref<10240x128xf32, #tpu.memory_space<hbm>> -> memref<40x128xf32, #tpu.memory_space<hbm>>
      %dma_start3A_507 = arith.constant 0 : i32
      %dma_start3A_508 = tpu.memref_slice %arg6[%add3A_504, %dma_start3A_507] : memref<10240x128xf32, #tpu.memory_space<hbm>> -> memref<40x128xf32, #tpu.memory_space<hbm>>
      tpu.enqueue_dma source(%arg9 : memref<40x128xf32, #tpu.memory_space<vmem>>) target(%dma_start3A_508 : memref<40x128xf32, #tpu.memory_space<hbm>>) target_semaphore(%arg16 : memref<!tpu.dma_semaphore, #tpu.memory_space<semaphore_mem>>)
    } else {
    }
    %add3A_311 = arith.constant 160 : i32
    %add3A_312 = arith.addi %mul3A_2, %add3A_311 : i32
    %dma_wait3A_313 = arith.constant 0 : i32
    %dma_wait3A_314 = tpu.memref_slice %arg5[%add3A_312, %dma_wait3A_313] : memref<10240x128xf32, #tpu.memory_space<hbm>> -> memref<40x128xf32, #tpu.memory_space<hbm>>
    %dma_wait3A_315 = arith.constant 0 : i32
    %dma_wait3A_316 = tpu.memref_slice %arg5[%add3A_312, %dma_wait3A_315] : memref<10240x128xf32, #tpu.memory_space<hbm>> -> memref<40x128xf32, #tpu.memory_space<hbm>>
    tpu.wait_dma2 semaphore(%arg16 : memref<!tpu.dma_semaphore, #tpu.memory_space<semaphore_mem>>) src(%arg8 : memref<40x128xf32, #tpu.memory_space<vmem>>) dst(%dma_wait3A_316 : memref<40x128xf32, #tpu.memory_space<hbm>>)
    %add3A_317 = arith.constant 240 : i32
    %add3A_318 = arith.addi %mul3A_2, %add3A_317 : i32
    "tpu.region"() ({
      %run_scoped3A = tpu.sem_alloc : memref<!tpu.dma_semaphore, #tpu.memory_space<semaphore_mem>>
      %dma_start3A_503 = arith.constant 0 : i32
      %dma_start3A_504 = tpu.memref_slice %arg7[%add3A_318, %dma_start3A_503] : memref<10240x128xf32, #tpu.memory_space<vmem_shared>> -> memref<40x128xf32, #tpu.memory_space<vmem_shared>>
      %dma_start3A_505 = arith.constant 0 : i32
      %dma_start3A_506 = tpu.memref_slice %arg7[%add3A_318, %dma_start3A_505] : memref<10240x128xf32, #tpu.memory_space<vmem_shared>> -> memref<40x128xf32, #tpu.memory_space<vmem_shared>>
      tpu.enqueue_dma source(%dma_start3A_506 : memref<40x128xf32, #tpu.memory_space<vmem_shared>>) target(%arg8 : memref<40x128xf32, #tpu.memory_space<vmem>>) target_semaphore(%run_scoped3A : memref<!tpu.dma_semaphore, #tpu.memory_space<semaphore_mem>>)
      %dma_wait3A_507 = arith.constant 0 : i32
      %dma_wait3A_508 = tpu.memref_slice %arg7[%add3A_318, %dma_wait3A_507] : memref<10240x128xf32, #tpu.memory_space<vmem_shared>> -> memref<40x128xf32, #tpu.memory_space<vmem_shared>>
      %dma_wait3A_509 = arith.constant 0 : i32
      %dma_wait3A_510 = tpu.memref_slice %arg7[%add3A_318, %dma_wait3A_509] : memref<10240x128xf32, #tpu.memory_space<vmem_shared>> -> memref<40x128xf32, #tpu.memory_space<vmem_shared>>
      tpu.wait_dma2 semaphore(%run_scoped3A : memref<!tpu.dma_semaphore, #tpu.memory_space<semaphore_mem>>) src(%dma_wait3A_510 : memref<40x128xf32, #tpu.memory_space<vmem_shared>>) dst(%arg8 : memref<40x128xf32, #tpu.memory_space<vmem>>)
      tpu.yield
    }) : () -> ()
    %eq3A_319 = arith.constant 0 : i32
    %eq3A_320 = arith.cmpi eq, %arg0, %eq3A_319 : i32
    %convert_element_type3A_321 = arith.extui %eq3A_320 : i1 to i32
    %cond3A_322 = arith.constant 0 : i32
    %cond3A_323 = arith.cmpi ne, %convert_element_type3A_321, %cond3A_322 : i32
    scf.if %cond3A_323 {
      %add3A_503 = arith.constant 240 : i32
      %add3A_504 = arith.addi %mul3A_2, %add3A_503 : i32
      %dma_start3A_505 = arith.constant 0 : i32
      %dma_start3A_506 = tpu.memref_slice %arg5[%add3A_504, %dma_start3A_505] : memref<10240x128xf32, #tpu.memory_space<hbm>> -> memref<40x128xf32, #tpu.memory_space<hbm>>
      %dma_start3A_507 = arith.constant 0 : i32
      %dma_start3A_508 = tpu.memref_slice %arg5[%add3A_504, %dma_start3A_507] : memref<10240x128xf32, #tpu.memory_space<hbm>> -> memref<40x128xf32, #tpu.memory_space<hbm>>
      tpu.enqueue_dma source(%arg8 : memref<40x128xf32, #tpu.memory_space<vmem>>) target(%dma_start3A_508 : memref<40x128xf32, #tpu.memory_space<hbm>>) target_semaphore(%arg16 : memref<!tpu.dma_semaphore, #tpu.memory_space<semaphore_mem>>)
    } else {
    }
    %eq3A_324 = arith.constant 1 : i32
    %eq3A_325 = arith.cmpi eq, %arg0, %eq3A_324 : i32
    %convert_element_type3A_326 = arith.extui %eq3A_325 : i1 to i32
    %cond3A_327 = arith.constant 0 : i32
    %cond3A_328 = arith.cmpi ne, %convert_element_type3A_326, %cond3A_327 : i32
    scf.if %cond3A_328 {
      %add3A_503 = arith.constant 240 : i32
      %add3A_504 = arith.addi %mul3A_2, %add3A_503 : i32
      %dma_start3A_505 = arith.constant 0 : i32
      %dma_start3A_506 = tpu.memref_slice %arg6[%add3A_504, %dma_start3A_505] : memref<10240x128xf32, #tpu.memory_space<hbm>> -> memref<40x128xf32, #tpu.memory_space<hbm>>
      %dma_start3A_507 = arith.constant 0 : i32
      %dma_start3A_508 = tpu.memref_slice %arg6[%add3A_504, %dma_start3A_507] : memref<10240x128xf32, #tpu.memory_space<hbm>> -> memref<40x128xf32, #tpu.memory_space<hbm>>
      tpu.enqueue_dma source(%arg8 : memref<40x128xf32, #tpu.memory_space<vmem>>) target(%dma_start3A_508 : memref<40x128xf32, #tpu.memory_space<hbm>>) target_semaphore(%arg16 : memref<!tpu.dma_semaphore, #tpu.memory_space<semaphore_mem>>)
    } else {
    }
    %add3A_329 = arith.constant 200 : i32
    %add3A_330 = arith.addi %mul3A_2, %add3A_329 : i32
    %dma_wait3A_331 = arith.constant 0 : i32
    %dma_wait3A_332 = tpu.memref_slice %arg5[%add3A_330, %dma_wait3A_331] : memref<10240x128xf32, #tpu.memory_space<hbm>> -> memref<40x128xf32, #tpu.memory_space<hbm>>
    %dma_wait3A_333 = arith.constant 0 : i32
    %dma_wait3A_334 = tpu.memref_slice %arg5[%add3A_330, %dma_wait3A_333] : memref<10240x128xf32, #tpu.memory_space<hbm>> -> memref<40x128xf32, #tpu.memory_space<hbm>>
    tpu.wait_dma2 semaphore(%arg16 : memref<!tpu.dma_semaphore, #tpu.memory_space<semaphore_mem>>) src(%arg9 : memref<40x128xf32, #tpu.memory_space<vmem>>) dst(%dma_wait3A_334 : memref<40x128xf32, #tpu.memory_space<hbm>>)
    %add3A_335 = arith.constant 280 : i32
    %add3A_336 = arith.addi %mul3A_2, %add3A_335 : i32
    "tpu.region"() ({
      %run_scoped3A = tpu.sem_alloc : memref<!tpu.dma_semaphore, #tpu.memory_space<semaphore_mem>>
      %dma_start3A_503 = arith.constant 0 : i32
      %dma_start3A_504 = tpu.memref_slice %arg7[%add3A_336, %dma_start3A_503] : memref<10240x128xf32, #tpu.memory_space<vmem_shared>> -> memref<40x128xf32, #tpu.memory_space<vmem_shared>>
      %dma_start3A_505 = arith.constant 0 : i32
      %dma_start3A_506 = tpu.memref_slice %arg7[%add3A_336, %dma_start3A_505] : memref<10240x128xf32, #tpu.memory_space<vmem_shared>> -> memref<40x128xf32, #tpu.memory_space<vmem_shared>>
      tpu.enqueue_dma source(%dma_start3A_506 : memref<40x128xf32, #tpu.memory_space<vmem_shared>>) target(%arg9 : memref<40x128xf32, #tpu.memory_space<vmem>>) target_semaphore(%run_scoped3A : memref<!tpu.dma_semaphore, #tpu.memory_space<semaphore_mem>>)
      %dma_wait3A_507 = arith.constant 0 : i32
      %dma_wait3A_508 = tpu.memref_slice %arg7[%add3A_336, %dma_wait3A_507] : memref<10240x128xf32, #tpu.memory_space<vmem_shared>> -> memref<40x128xf32, #tpu.memory_space<vmem_shared>>
      %dma_wait3A_509 = arith.constant 0 : i32
      %dma_wait3A_510 = tpu.memref_slice %arg7[%add3A_336, %dma_wait3A_509] : memref<10240x128xf32, #tpu.memory_space<vmem_shared>> -> memref<40x128xf32, #tpu.memory_space<vmem_shared>>
      tpu.wait_dma2 semaphore(%run_scoped3A : memref<!tpu.dma_semaphore, #tpu.memory_space<semaphore_mem>>) src(%dma_wait3A_510 : memref<40x128xf32, #tpu.memory_space<vmem_shared>>) dst(%arg9 : memref<40x128xf32, #tpu.memory_space<vmem>>)
      tpu.yield
    }) : () -> ()
    %eq3A_337 = arith.constant 0 : i32
    %eq3A_338 = arith.cmpi eq, %arg0, %eq3A_337 : i32
    %convert_element_type3A_339 = arith.extui %eq3A_338 : i1 to i32
    %cond3A_340 = arith.constant 0 : i32
    %cond3A_341 = arith.cmpi ne, %convert_element_type3A_339, %cond3A_340 : i32
    scf.if %cond3A_341 {
      %add3A_503 = arith.constant 280 : i32
      %add3A_504 = arith.addi %mul3A_2, %add3A_503 : i32
      %dma_start3A_505 = arith.constant 0 : i32
      %dma_start3A_506 = tpu.memref_slice %arg5[%add3A_504, %dma_start3A_505] : memref<10240x128xf32, #tpu.memory_space<hbm>> -> memref<40x128xf32, #tpu.memory_space<hbm>>
      %dma_start3A_507 = arith.constant 0 : i32
      %dma_start3A_508 = tpu.memref_slice %arg5[%add3A_504, %dma_start3A_507] : memref<10240x128xf32, #tpu.memory_space<hbm>> -> memref<40x128xf32, #tpu.memory_space<hbm>>
      tpu.enqueue_dma source(%arg9 : memref<40x128xf32, #tpu.memory_space<vmem>>) target(%dma_start3A_508 : memref<40x128xf32, #tpu.memory_space<hbm>>) target_semaphore(%arg16 : memref<!tpu.dma_semaphore, #tpu.memory_space<semaphore_mem>>)
    } else {
    }
    %eq3A_342 = arith.constant 1 : i32
    %eq3A_343 = arith.cmpi eq, %arg0, %eq3A_342 : i32
    %convert_element_type3A_344 = arith.extui %eq3A_343 : i1 to i32
    %cond3A_345 = arith.constant 0 : i32
    %cond3A_346 = arith.cmpi ne, %convert_element_type3A_344, %cond3A_345 : i32
    scf.if %cond3A_346 {
      %add3A_503 = arith.constant 280 : i32
      %add3A_504 = arith.addi %mul3A_2, %add3A_503 : i32
      %dma_start3A_505 = arith.constant 0 : i32
      %dma_start3A_506 = tpu.memref_slice %arg6[%add3A_504, %dma_start3A_505] : memref<10240x128xf32, #tpu.memory_space<hbm>> -> memref<40x128xf32, #tpu.memory_space<hbm>>
      %dma_start3A_507 = arith.constant 0 : i32
      %dma_start3A_508 = tpu.memref_slice %arg6[%add3A_504, %dma_start3A_507] : memref<10240x128xf32, #tpu.memory_space<hbm>> -> memref<40x128xf32, #tpu.memory_space<hbm>>
      tpu.enqueue_dma source(%arg9 : memref<40x128xf32, #tpu.memory_space<vmem>>) target(%dma_start3A_508 : memref<40x128xf32, #tpu.memory_space<hbm>>) target_semaphore(%arg16 : memref<!tpu.dma_semaphore, #tpu.memory_space<semaphore_mem>>)
    } else {
    }
    %add3A_347 = arith.constant 240 : i32
    %add3A_348 = arith.addi %mul3A_2, %add3A_347 : i32
    %dma_wait3A_349 = arith.constant 0 : i32
    %dma_wait3A_350 = tpu.memref_slice %arg5[%add3A_348, %dma_wait3A_349] : memref<10240x128xf32, #tpu.memory_space<hbm>> -> memref<40x128xf32, #tpu.memory_space<hbm>>
    %dma_wait3A_351 = arith.constant 0 : i32
    %dma_wait3A_352 = tpu.memref_slice %arg5[%add3A_348, %dma_wait3A_351] : memref<10240x128xf32, #tpu.memory_space<hbm>> -> memref<40x128xf32, #tpu.memory_space<hbm>>
    tpu.wait_dma2 semaphore(%arg16 : memref<!tpu.dma_semaphore, #tpu.memory_space<semaphore_mem>>) src(%arg8 : memref<40x128xf32, #tpu.memory_space<vmem>>) dst(%dma_wait3A_352 : memref<40x128xf32, #tpu.memory_space<hbm>>)
    %add3A_353 = arith.constant 320 : i32
    %add3A_354 = arith.addi %mul3A_2, %add3A_353 : i32
    "tpu.region"() ({
      %run_scoped3A = tpu.sem_alloc : memref<!tpu.dma_semaphore, #tpu.memory_space<semaphore_mem>>
      %dma_start3A_503 = arith.constant 0 : i32
      %dma_start3A_504 = tpu.memref_slice %arg7[%add3A_354, %dma_start3A_503] : memref<10240x128xf32, #tpu.memory_space<vmem_shared>> -> memref<40x128xf32, #tpu.memory_space<vmem_shared>>
      %dma_start3A_505 = arith.constant 0 : i32
      %dma_start3A_506 = tpu.memref_slice %arg7[%add3A_354, %dma_start3A_505] : memref<10240x128xf32, #tpu.memory_space<vmem_shared>> -> memref<40x128xf32, #tpu.memory_space<vmem_shared>>
      tpu.enqueue_dma source(%dma_start3A_506 : memref<40x128xf32, #tpu.memory_space<vmem_shared>>) target(%arg8 : memref<40x128xf32, #tpu.memory_space<vmem>>) target_semaphore(%run_scoped3A : memref<!tpu.dma_semaphore, #tpu.memory_space<semaphore_mem>>)
      %dma_wait3A_507 = arith.constant 0 : i32
      %dma_wait3A_508 = tpu.memref_slice %arg7[%add3A_354, %dma_wait3A_507] : memref<10240x128xf32, #tpu.memory_space<vmem_shared>> -> memref<40x128xf32, #tpu.memory_space<vmem_shared>>
      %dma_wait3A_509 = arith.constant 0 : i32
      %dma_wait3A_510 = tpu.memref_slice %arg7[%add3A_354, %dma_wait3A_509] : memref<10240x128xf32, #tpu.memory_space<vmem_shared>> -> memref<40x128xf32, #tpu.memory_space<vmem_shared>>
      tpu.wait_dma2 semaphore(%run_scoped3A : memref<!tpu.dma_semaphore, #tpu.memory_space<semaphore_mem>>) src(%dma_wait3A_510 : memref<40x128xf32, #tpu.memory_space<vmem_shared>>) dst(%arg8 : memref<40x128xf32, #tpu.memory_space<vmem>>)
      tpu.yield
    }) : () -> ()
    %eq3A_355 = arith.constant 0 : i32
    %eq3A_356 = arith.cmpi eq, %arg0, %eq3A_355 : i32
    %convert_element_type3A_357 = arith.extui %eq3A_356 : i1 to i32
    %cond3A_358 = arith.constant 0 : i32
    %cond3A_359 = arith.cmpi ne, %convert_element_type3A_357, %cond3A_358 : i32
    scf.if %cond3A_359 {
      %add3A_503 = arith.constant 320 : i32
      %add3A_504 = arith.addi %mul3A_2, %add3A_503 : i32
      %dma_start3A_505 = arith.constant 0 : i32
      %dma_start3A_506 = tpu.memref_slice %arg5[%add3A_504, %dma_start3A_505] : memref<10240x128xf32, #tpu.memory_space<hbm>> -> memref<40x128xf32, #tpu.memory_space<hbm>>
      %dma_start3A_507 = arith.constant 0 : i32
      %dma_start3A_508 = tpu.memref_slice %arg5[%add3A_504, %dma_start3A_507] : memref<10240x128xf32, #tpu.memory_space<hbm>> -> memref<40x128xf32, #tpu.memory_space<hbm>>
      tpu.enqueue_dma source(%arg8 : memref<40x128xf32, #tpu.memory_space<vmem>>) target(%dma_start3A_508 : memref<40x128xf32, #tpu.memory_space<hbm>>) target_semaphore(%arg16 : memref<!tpu.dma_semaphore, #tpu.memory_space<semaphore_mem>>)
    } else {
    }
    %eq3A_360 = arith.constant 1 : i32
    %eq3A_361 = arith.cmpi eq, %arg0, %eq3A_360 : i32
    %convert_element_type3A_362 = arith.extui %eq3A_361 : i1 to i32
    %cond3A_363 = arith.constant 0 : i32
    %cond3A_364 = arith.cmpi ne, %convert_element_type3A_362, %cond3A_363 : i32
    scf.if %cond3A_364 {
      %add3A_503 = arith.constant 320 : i32
      %add3A_504 = arith.addi %mul3A_2, %add3A_503 : i32
      %dma_start3A_505 = arith.constant 0 : i32
      %dma_start3A_506 = tpu.memref_slice %arg6[%add3A_504, %dma_start3A_505] : memref<10240x128xf32, #tpu.memory_space<hbm>> -> memref<40x128xf32, #tpu.memory_space<hbm>>
      %dma_start3A_507 = arith.constant 0 : i32
      %dma_start3A_508 = tpu.memref_slice %arg6[%add3A_504, %dma_start3A_507] : memref<10240x128xf32, #tpu.memory_space<hbm>> -> memref<40x128xf32, #tpu.memory_space<hbm>>
      tpu.enqueue_dma source(%arg8 : memref<40x128xf32, #tpu.memory_space<vmem>>) target(%dma_start3A_508 : memref<40x128xf32, #tpu.memory_space<hbm>>) target_semaphore(%arg16 : memref<!tpu.dma_semaphore, #tpu.memory_space<semaphore_mem>>)
    } else {
    }
    %add3A_365 = arith.constant 280 : i32
    %add3A_366 = arith.addi %mul3A_2, %add3A_365 : i32
    %dma_wait3A_367 = arith.constant 0 : i32
    %dma_wait3A_368 = tpu.memref_slice %arg5[%add3A_366, %dma_wait3A_367] : memref<10240x128xf32, #tpu.memory_space<hbm>> -> memref<40x128xf32, #tpu.memory_space<hbm>>
    %dma_wait3A_369 = arith.constant 0 : i32
    %dma_wait3A_370 = tpu.memref_slice %arg5[%add3A_366, %dma_wait3A_369] : memref<10240x128xf32, #tpu.memory_space<hbm>> -> memref<40x128xf32, #tpu.memory_space<hbm>>
    tpu.wait_dma2 semaphore(%arg16 : memref<!tpu.dma_semaphore, #tpu.memory_space<semaphore_mem>>) src(%arg9 : memref<40x128xf32, #tpu.memory_space<vmem>>) dst(%dma_wait3A_370 : memref<40x128xf32, #tpu.memory_space<hbm>>)
    %add3A_371 = arith.constant 360 : i32
    %add3A_372 = arith.addi %mul3A_2, %add3A_371 : i32
    "tpu.region"() ({
      %run_scoped3A = tpu.sem_alloc : memref<!tpu.dma_semaphore, #tpu.memory_space<semaphore_mem>>
      %dma_start3A_503 = arith.constant 0 : i32
      %dma_start3A_504 = tpu.memref_slice %arg7[%add3A_372, %dma_start3A_503] : memref<10240x128xf32, #tpu.memory_space<vmem_shared>> -> memref<40x128xf32, #tpu.memory_space<vmem_shared>>
      %dma_start3A_505 = arith.constant 0 : i32
      %dma_start3A_506 = tpu.memref_slice %arg7[%add3A_372, %dma_start3A_505] : memref<10240x128xf32, #tpu.memory_space<vmem_shared>> -> memref<40x128xf32, #tpu.memory_space<vmem_shared>>
      tpu.enqueue_dma source(%dma_start3A_506 : memref<40x128xf32, #tpu.memory_space<vmem_shared>>) target(%arg9 : memref<40x128xf32, #tpu.memory_space<vmem>>) target_semaphore(%run_scoped3A : memref<!tpu.dma_semaphore, #tpu.memory_space<semaphore_mem>>)
      %dma_wait3A_507 = arith.constant 0 : i32
      %dma_wait3A_508 = tpu.memref_slice %arg7[%add3A_372, %dma_wait3A_507] : memref<10240x128xf32, #tpu.memory_space<vmem_shared>> -> memref<40x128xf32, #tpu.memory_space<vmem_shared>>
      %dma_wait3A_509 = arith.constant 0 : i32
      %dma_wait3A_510 = tpu.memref_slice %arg7[%add3A_372, %dma_wait3A_509] : memref<10240x128xf32, #tpu.memory_space<vmem_shared>> -> memref<40x128xf32, #tpu.memory_space<vmem_shared>>
      tpu.wait_dma2 semaphore(%run_scoped3A : memref<!tpu.dma_semaphore, #tpu.memory_space<semaphore_mem>>) src(%dma_wait3A_510 : memref<40x128xf32, #tpu.memory_space<vmem_shared>>) dst(%arg9 : memref<40x128xf32, #tpu.memory_space<vmem>>)
      tpu.yield
    }) : () -> ()
    %eq3A_373 = arith.constant 0 : i32
    %eq3A_374 = arith.cmpi eq, %arg0, %eq3A_373 : i32
    %convert_element_type3A_375 = arith.extui %eq3A_374 : i1 to i32
    %cond3A_376 = arith.constant 0 : i32
    %cond3A_377 = arith.cmpi ne, %convert_element_type3A_375, %cond3A_376 : i32
    scf.if %cond3A_377 {
      %add3A_503 = arith.constant 360 : i32
      %add3A_504 = arith.addi %mul3A_2, %add3A_503 : i32
      %dma_start3A_505 = arith.constant 0 : i32
      %dma_start3A_506 = tpu.memref_slice %arg5[%add3A_504, %dma_start3A_505] : memref<10240x128xf32, #tpu.memory_space<hbm>> -> memref<40x128xf32, #tpu.memory_space<hbm>>
      %dma_start3A_507 = arith.constant 0 : i32
      %dma_start3A_508 = tpu.memref_slice %arg5[%add3A_504, %dma_start3A_507] : memref<10240x128xf32, #tpu.memory_space<hbm>> -> memref<40x128xf32, #tpu.memory_space<hbm>>
      tpu.enqueue_dma source(%arg9 : memref<40x128xf32, #tpu.memory_space<vmem>>) target(%dma_start3A_508 : memref<40x128xf32, #tpu.memory_space<hbm>>) target_semaphore(%arg16 : memref<!tpu.dma_semaphore, #tpu.memory_space<semaphore_mem>>)
    } else {
    }
    %eq3A_378 = arith.constant 1 : i32
    %eq3A_379 = arith.cmpi eq, %arg0, %eq3A_378 : i32
    %convert_element_type3A_380 = arith.extui %eq3A_379 : i1 to i32
    %cond3A_381 = arith.constant 0 : i32
    %cond3A_382 = arith.cmpi ne, %convert_element_type3A_380, %cond3A_381 : i32
    scf.if %cond3A_382 {
      %add3A_503 = arith.constant 360 : i32
      %add3A_504 = arith.addi %mul3A_2, %add3A_503 : i32
      %dma_start3A_505 = arith.constant 0 : i32
      %dma_start3A_506 = tpu.memref_slice %arg6[%add3A_504, %dma_start3A_505] : memref<10240x128xf32, #tpu.memory_space<hbm>> -> memref<40x128xf32, #tpu.memory_space<hbm>>
      %dma_start3A_507 = arith.constant 0 : i32
      %dma_start3A_508 = tpu.memref_slice %arg6[%add3A_504, %dma_start3A_507] : memref<10240x128xf32, #tpu.memory_space<hbm>> -> memref<40x128xf32, #tpu.memory_space<hbm>>
      tpu.enqueue_dma source(%arg9 : memref<40x128xf32, #tpu.memory_space<vmem>>) target(%dma_start3A_508 : memref<40x128xf32, #tpu.memory_space<hbm>>) target_semaphore(%arg16 : memref<!tpu.dma_semaphore, #tpu.memory_space<semaphore_mem>>)
    } else {
    }
    %add3A_383 = arith.constant 320 : i32
    %add3A_384 = arith.addi %mul3A_2, %add3A_383 : i32
    %dma_wait3A_385 = arith.constant 0 : i32
    %dma_wait3A_386 = tpu.memref_slice %arg5[%add3A_384, %dma_wait3A_385] : memref<10240x128xf32, #tpu.memory_space<hbm>> -> memref<40x128xf32, #tpu.memory_space<hbm>>
    %dma_wait3A_387 = arith.constant 0 : i32
    %dma_wait3A_388 = tpu.memref_slice %arg5[%add3A_384, %dma_wait3A_387] : memref<10240x128xf32, #tpu.memory_space<hbm>> -> memref<40x128xf32, #tpu.memory_space<hbm>>
    tpu.wait_dma2 semaphore(%arg16 : memref<!tpu.dma_semaphore, #tpu.memory_space<semaphore_mem>>) src(%arg8 : memref<40x128xf32, #tpu.memory_space<vmem>>) dst(%dma_wait3A_388 : memref<40x128xf32, #tpu.memory_space<hbm>>)
    %add3A_389 = arith.constant 400 : i32
    %add3A_390 = arith.addi %mul3A_2, %add3A_389 : i32
    "tpu.region"() ({
      %run_scoped3A = tpu.sem_alloc : memref<!tpu.dma_semaphore, #tpu.memory_space<semaphore_mem>>
      %dma_start3A_503 = arith.constant 0 : i32
      %dma_start3A_504 = tpu.memref_slice %arg7[%add3A_390, %dma_start3A_503] : memref<10240x128xf32, #tpu.memory_space<vmem_shared>> -> memref<40x128xf32, #tpu.memory_space<vmem_shared>>
      %dma_start3A_505 = arith.constant 0 : i32
      %dma_start3A_506 = tpu.memref_slice %arg7[%add3A_390, %dma_start3A_505] : memref<10240x128xf32, #tpu.memory_space<vmem_shared>> -> memref<40x128xf32, #tpu.memory_space<vmem_shared>>
      tpu.enqueue_dma source(%dma_start3A_506 : memref<40x128xf32, #tpu.memory_space<vmem_shared>>) target(%arg8 : memref<40x128xf32, #tpu.memory_space<vmem>>) target_semaphore(%run_scoped3A : memref<!tpu.dma_semaphore, #tpu.memory_space<semaphore_mem>>)
      %dma_wait3A_507 = arith.constant 0 : i32
      %dma_wait3A_508 = tpu.memref_slice %arg7[%add3A_390, %dma_wait3A_507] : memref<10240x128xf32, #tpu.memory_space<vmem_shared>> -> memref<40x128xf32, #tpu.memory_space<vmem_shared>>
      %dma_wait3A_509 = arith.constant 0 : i32
      %dma_wait3A_510 = tpu.memref_slice %arg7[%add3A_390, %dma_wait3A_509] : memref<10240x128xf32, #tpu.memory_space<vmem_shared>> -> memref<40x128xf32, #tpu.memory_space<vmem_shared>>
      tpu.wait_dma2 semaphore(%run_scoped3A : memref<!tpu.dma_semaphore, #tpu.memory_space<semaphore_mem>>) src(%dma_wait3A_510 : memref<40x128xf32, #tpu.memory_space<vmem_shared>>) dst(%arg8 : memref<40x128xf32, #tpu.memory_space<vmem>>)
      tpu.yield
    }) : () -> ()
    %eq3A_391 = arith.constant 0 : i32
    %eq3A_392 = arith.cmpi eq, %arg0, %eq3A_391 : i32
    %convert_element_type3A_393 = arith.extui %eq3A_392 : i1 to i32
    %cond3A_394 = arith.constant 0 : i32
    %cond3A_395 = arith.cmpi ne, %convert_element_type3A_393, %cond3A_394 : i32
    scf.if %cond3A_395 {
      %add3A_503 = arith.constant 400 : i32
      %add3A_504 = arith.addi %mul3A_2, %add3A_503 : i32
      %dma_start3A_505 = arith.constant 0 : i32
      %dma_start3A_506 = tpu.memref_slice %arg5[%add3A_504, %dma_start3A_505] : memref<10240x128xf32, #tpu.memory_space<hbm>> -> memref<40x128xf32, #tpu.memory_space<hbm>>
      %dma_start3A_507 = arith.constant 0 : i32
      %dma_start3A_508 = tpu.memref_slice %arg5[%add3A_504, %dma_start3A_507] : memref<10240x128xf32, #tpu.memory_space<hbm>> -> memref<40x128xf32, #tpu.memory_space<hbm>>
      tpu.enqueue_dma source(%arg8 : memref<40x128xf32, #tpu.memory_space<vmem>>) target(%dma_start3A_508 : memref<40x128xf32, #tpu.memory_space<hbm>>) target_semaphore(%arg16 : memref<!tpu.dma_semaphore, #tpu.memory_space<semaphore_mem>>)
    } else {
    }
    %eq3A_396 = arith.constant 1 : i32
    %eq3A_397 = arith.cmpi eq, %arg0, %eq3A_396 : i32
    %convert_element_type3A_398 = arith.extui %eq3A_397 : i1 to i32
    %cond3A_399 = arith.constant 0 : i32
    %cond3A_400 = arith.cmpi ne, %convert_element_type3A_398, %cond3A_399 : i32
    scf.if %cond3A_400 {
      %add3A_503 = arith.constant 400 : i32
      %add3A_504 = arith.addi %mul3A_2, %add3A_503 : i32
      %dma_start3A_505 = arith.constant 0 : i32
      %dma_start3A_506 = tpu.memref_slice %arg6[%add3A_504, %dma_start3A_505] : memref<10240x128xf32, #tpu.memory_space<hbm>> -> memref<40x128xf32, #tpu.memory_space<hbm>>
      %dma_start3A_507 = arith.constant 0 : i32
      %dma_start3A_508 = tpu.memref_slice %arg6[%add3A_504, %dma_start3A_507] : memref<10240x128xf32, #tpu.memory_space<hbm>> -> memref<40x128xf32, #tpu.memory_space<hbm>>
      tpu.enqueue_dma source(%arg8 : memref<40x128xf32, #tpu.memory_space<vmem>>) target(%dma_start3A_508 : memref<40x128xf32, #tpu.memory_space<hbm>>) target_semaphore(%arg16 : memref<!tpu.dma_semaphore, #tpu.memory_space<semaphore_mem>>)
    } else {
    }
    %add3A_401 = arith.constant 360 : i32
    %add3A_402 = arith.addi %mul3A_2, %add3A_401 : i32
    %dma_wait3A_403 = arith.constant 0 : i32
    %dma_wait3A_404 = tpu.memref_slice %arg5[%add3A_402, %dma_wait3A_403] : memref<10240x128xf32, #tpu.memory_space<hbm>> -> memref<40x128xf32, #tpu.memory_space<hbm>>
    %dma_wait3A_405 = arith.constant 0 : i32
    %dma_wait3A_406 = tpu.memref_slice %arg5[%add3A_402, %dma_wait3A_405] : memref<10240x128xf32, #tpu.memory_space<hbm>> -> memref<40x128xf32, #tpu.memory_space<hbm>>
    tpu.wait_dma2 semaphore(%arg16 : memref<!tpu.dma_semaphore, #tpu.memory_space<semaphore_mem>>) src(%arg9 : memref<40x128xf32, #tpu.memory_space<vmem>>) dst(%dma_wait3A_406 : memref<40x128xf32, #tpu.memory_space<hbm>>)
    %add3A_407 = arith.constant 440 : i32
    %add3A_408 = arith.addi %mul3A_2, %add3A_407 : i32
    "tpu.region"() ({
      %run_scoped3A = tpu.sem_alloc : memref<!tpu.dma_semaphore, #tpu.memory_space<semaphore_mem>>
      %dma_start3A_503 = arith.constant 0 : i32
      %dma_start3A_504 = tpu.memref_slice %arg7[%add3A_408, %dma_start3A_503] : memref<10240x128xf32, #tpu.memory_space<vmem_shared>> -> memref<40x128xf32, #tpu.memory_space<vmem_shared>>
      %dma_start3A_505 = arith.constant 0 : i32
      %dma_start3A_506 = tpu.memref_slice %arg7[%add3A_408, %dma_start3A_505] : memref<10240x128xf32, #tpu.memory_space<vmem_shared>> -> memref<40x128xf32, #tpu.memory_space<vmem_shared>>
      tpu.enqueue_dma source(%dma_start3A_506 : memref<40x128xf32, #tpu.memory_space<vmem_shared>>) target(%arg9 : memref<40x128xf32, #tpu.memory_space<vmem>>) target_semaphore(%run_scoped3A : memref<!tpu.dma_semaphore, #tpu.memory_space<semaphore_mem>>)
      %dma_wait3A_507 = arith.constant 0 : i32
      %dma_wait3A_508 = tpu.memref_slice %arg7[%add3A_408, %dma_wait3A_507] : memref<10240x128xf32, #tpu.memory_space<vmem_shared>> -> memref<40x128xf32, #tpu.memory_space<vmem_shared>>
      %dma_wait3A_509 = arith.constant 0 : i32
      %dma_wait3A_510 = tpu.memref_slice %arg7[%add3A_408, %dma_wait3A_509] : memref<10240x128xf32, #tpu.memory_space<vmem_shared>> -> memref<40x128xf32, #tpu.memory_space<vmem_shared>>
      tpu.wait_dma2 semaphore(%run_scoped3A : memref<!tpu.dma_semaphore, #tpu.memory_space<semaphore_mem>>) src(%dma_wait3A_510 : memref<40x128xf32, #tpu.memory_space<vmem_shared>>) dst(%arg9 : memref<40x128xf32, #tpu.memory_space<vmem>>)
      tpu.yield
    }) : () -> ()
    %eq3A_409 = arith.constant 0 : i32
    %eq3A_410 = arith.cmpi eq, %arg0, %eq3A_409 : i32
    %convert_element_type3A_411 = arith.extui %eq3A_410 : i1 to i32
    %cond3A_412 = arith.constant 0 : i32
    %cond3A_413 = arith.cmpi ne, %convert_element_type3A_411, %cond3A_412 : i32
    scf.if %cond3A_413 {
      %add3A_503 = arith.constant 440 : i32
      %add3A_504 = arith.addi %mul3A_2, %add3A_503 : i32
      %dma_start3A_505 = arith.constant 0 : i32
      %dma_start3A_506 = tpu.memref_slice %arg5[%add3A_504, %dma_start3A_505] : memref<10240x128xf32, #tpu.memory_space<hbm>> -> memref<40x128xf32, #tpu.memory_space<hbm>>
      %dma_start3A_507 = arith.constant 0 : i32
      %dma_start3A_508 = tpu.memref_slice %arg5[%add3A_504, %dma_start3A_507] : memref<10240x128xf32, #tpu.memory_space<hbm>> -> memref<40x128xf32, #tpu.memory_space<hbm>>
      tpu.enqueue_dma source(%arg9 : memref<40x128xf32, #tpu.memory_space<vmem>>) target(%dma_start3A_508 : memref<40x128xf32, #tpu.memory_space<hbm>>) target_semaphore(%arg16 : memref<!tpu.dma_semaphore, #tpu.memory_space<semaphore_mem>>)
    } else {
    }
    %eq3A_414 = arith.constant 1 : i32
    %eq3A_415 = arith.cmpi eq, %arg0, %eq3A_414 : i32
    %convert_element_type3A_416 = arith.extui %eq3A_415 : i1 to i32
    %cond3A_417 = arith.constant 0 : i32
    %cond3A_418 = arith.cmpi ne, %convert_element_type3A_416, %cond3A_417 : i32
    scf.if %cond3A_418 {
      %add3A_503 = arith.constant 440 : i32
      %add3A_504 = arith.addi %mul3A_2, %add3A_503 : i32
      %dma_start3A_505 = arith.constant 0 : i32
      %dma_start3A_506 = tpu.memref_slice %arg6[%add3A_504, %dma_start3A_505] : memref<10240x128xf32, #tpu.memory_space<hbm>> -> memref<40x128xf32, #tpu.memory_space<hbm>>
      %dma_start3A_507 = arith.constant 0 : i32
      %dma_start3A_508 = tpu.memref_slice %arg6[%add3A_504, %dma_start3A_507] : memref<10240x128xf32, #tpu.memory_space<hbm>> -> memref<40x128xf32, #tpu.memory_space<hbm>>
      tpu.enqueue_dma source(%arg9 : memref<40x128xf32, #tpu.memory_space<vmem>>) target(%dma_start3A_508 : memref<40x128xf32, #tpu.memory_space<hbm>>) target_semaphore(%arg16 : memref<!tpu.dma_semaphore, #tpu.memory_space<semaphore_mem>>)
    } else {
    }
    %add3A_419 = arith.constant 400 : i32
    %add3A_420 = arith.addi %mul3A_2, %add3A_419 : i32
    %dma_wait3A_421 = arith.constant 0 : i32
    %dma_wait3A_422 = tpu.memref_slice %arg5[%add3A_420, %dma_wait3A_421] : memref<10240x128xf32, #tpu.memory_space<hbm>> -> memref<40x128xf32, #tpu.memory_space<hbm>>
    %dma_wait3A_423 = arith.constant 0 : i32
    %dma_wait3A_424 = tpu.memref_slice %arg5[%add3A_420, %dma_wait3A_423] : memref<10240x128xf32, #tpu.memory_space<hbm>> -> memref<40x128xf32, #tpu.memory_space<hbm>>
    tpu.wait_dma2 semaphore(%arg16 : memref<!tpu.dma_semaphore, #tpu.memory_space<semaphore_mem>>) src(%arg8 : memref<40x128xf32, #tpu.memory_space<vmem>>) dst(%dma_wait3A_424 : memref<40x128xf32, #tpu.memory_space<hbm>>)
    %add3A_425 = arith.constant 480 : i32
    %add3A_426 = arith.addi %mul3A_2, %add3A_425 : i32
    "tpu.region"() ({
      %run_scoped3A = tpu.sem_alloc : memref<!tpu.dma_semaphore, #tpu.memory_space<semaphore_mem>>
      %dma_start3A_503 = arith.constant 0 : i32
      %dma_start3A_504 = tpu.memref_slice %arg7[%add3A_426, %dma_start3A_503] : memref<10240x128xf32, #tpu.memory_space<vmem_shared>> -> memref<40x128xf32, #tpu.memory_space<vmem_shared>>
      %dma_start3A_505 = arith.constant 0 : i32
      %dma_start3A_506 = tpu.memref_slice %arg7[%add3A_426, %dma_start3A_505] : memref<10240x128xf32, #tpu.memory_space<vmem_shared>> -> memref<40x128xf32, #tpu.memory_space<vmem_shared>>
      tpu.enqueue_dma source(%dma_start3A_506 : memref<40x128xf32, #tpu.memory_space<vmem_shared>>) target(%arg8 : memref<40x128xf32, #tpu.memory_space<vmem>>) target_semaphore(%run_scoped3A : memref<!tpu.dma_semaphore, #tpu.memory_space<semaphore_mem>>)
      %dma_wait3A_507 = arith.constant 0 : i32
      %dma_wait3A_508 = tpu.memref_slice %arg7[%add3A_426, %dma_wait3A_507] : memref<10240x128xf32, #tpu.memory_space<vmem_shared>> -> memref<40x128xf32, #tpu.memory_space<vmem_shared>>
      %dma_wait3A_509 = arith.constant 0 : i32
      %dma_wait3A_510 = tpu.memref_slice %arg7[%add3A_426, %dma_wait3A_509] : memref<10240x128xf32, #tpu.memory_space<vmem_shared>> -> memref<40x128xf32, #tpu.memory_space<vmem_shared>>
      tpu.wait_dma2 semaphore(%run_scoped3A : memref<!tpu.dma_semaphore, #tpu.memory_space<semaphore_mem>>) src(%dma_wait3A_510 : memref<40x128xf32, #tpu.memory_space<vmem_shared>>) dst(%arg8 : memref<40x128xf32, #tpu.memory_space<vmem>>)
      tpu.yield
    }) : () -> ()
    %eq3A_427 = arith.constant 0 : i32
    %eq3A_428 = arith.cmpi eq, %arg0, %eq3A_427 : i32
    %convert_element_type3A_429 = arith.extui %eq3A_428 : i1 to i32
    %cond3A_430 = arith.constant 0 : i32
    %cond3A_431 = arith.cmpi ne, %convert_element_type3A_429, %cond3A_430 : i32
    scf.if %cond3A_431 {
      %add3A_503 = arith.constant 480 : i32
      %add3A_504 = arith.addi %mul3A_2, %add3A_503 : i32
      %dma_start3A_505 = arith.constant 0 : i32
      %dma_start3A_506 = tpu.memref_slice %arg5[%add3A_504, %dma_start3A_505] : memref<10240x128xf32, #tpu.memory_space<hbm>> -> memref<40x128xf32, #tpu.memory_space<hbm>>
      %dma_start3A_507 = arith.constant 0 : i32
      %dma_start3A_508 = tpu.memref_slice %arg5[%add3A_504, %dma_start3A_507] : memref<10240x128xf32, #tpu.memory_space<hbm>> -> memref<40x128xf32, #tpu.memory_space<hbm>>
      tpu.enqueue_dma source(%arg8 : memref<40x128xf32, #tpu.memory_space<vmem>>) target(%dma_start3A_508 : memref<40x128xf32, #tpu.memory_space<hbm>>) target_semaphore(%arg16 : memref<!tpu.dma_semaphore, #tpu.memory_space<semaphore_mem>>)
    } else {
    }
    %eq3A_432 = arith.constant 1 : i32
    %eq3A_433 = arith.cmpi eq, %arg0, %eq3A_432 : i32
    %convert_element_type3A_434 = arith.extui %eq3A_433 : i1 to i32
    %cond3A_435 = arith.constant 0 : i32
    %cond3A_436 = arith.cmpi ne, %convert_element_type3A_434, %cond3A_435 : i32
    scf.if %cond3A_436 {
      %add3A_503 = arith.constant 480 : i32
      %add3A_504 = arith.addi %mul3A_2, %add3A_503 : i32
      %dma_start3A_505 = arith.constant 0 : i32
      %dma_start3A_506 = tpu.memref_slice %arg6[%add3A_504, %dma_start3A_505] : memref<10240x128xf32, #tpu.memory_space<hbm>> -> memref<40x128xf32, #tpu.memory_space<hbm>>
      %dma_start3A_507 = arith.constant 0 : i32
      %dma_start3A_508 = tpu.memref_slice %arg6[%add3A_504, %dma_start3A_507] : memref<10240x128xf32, #tpu.memory_space<hbm>> -> memref<40x128xf32, #tpu.memory_space<hbm>>
      tpu.enqueue_dma source(%arg8 : memref<40x128xf32, #tpu.memory_space<vmem>>) target(%dma_start3A_508 : memref<40x128xf32, #tpu.memory_space<hbm>>) target_semaphore(%arg16 : memref<!tpu.dma_semaphore, #tpu.memory_space<semaphore_mem>>)
    } else {
    }
    %add3A_437 = arith.constant 440 : i32
    %add3A_438 = arith.addi %mul3A_2, %add3A_437 : i32
    %dma_wait3A_439 = arith.constant 0 : i32
    %dma_wait3A_440 = tpu.memref_slice %arg5[%add3A_438, %dma_wait3A_439] : memref<10240x128xf32, #tpu.memory_space<hbm>> -> memref<40x128xf32, #tpu.memory_space<hbm>>
    %dma_wait3A_441 = arith.constant 0 : i32
    %dma_wait3A_442 = tpu.memref_slice %arg5[%add3A_438, %dma_wait3A_441] : memref<10240x128xf32, #tpu.memory_space<hbm>> -> memref<40x128xf32, #tpu.memory_space<hbm>>
    tpu.wait_dma2 semaphore(%arg16 : memref<!tpu.dma_semaphore, #tpu.memory_space<semaphore_mem>>) src(%arg9 : memref<40x128xf32, #tpu.memory_space<vmem>>) dst(%dma_wait3A_442 : memref<40x128xf32, #tpu.memory_space<hbm>>)
    %add3A_443 = arith.constant 520 : i32
    %add3A_444 = arith.addi %mul3A_2, %add3A_443 : i32
    "tpu.region"() ({
      %run_scoped3A = tpu.sem_alloc : memref<!tpu.dma_semaphore, #tpu.memory_space<semaphore_mem>>
      %dma_start3A_503 = arith.constant 0 : i32
      %dma_start3A_504 = tpu.memref_slice %arg7[%add3A_444, %dma_start3A_503] : memref<10240x128xf32, #tpu.memory_space<vmem_shared>> -> memref<40x128xf32, #tpu.memory_space<vmem_shared>>
      %dma_start3A_505 = arith.constant 0 : i32
      %dma_start3A_506 = tpu.memref_slice %arg7[%add3A_444, %dma_start3A_505] : memref<10240x128xf32, #tpu.memory_space<vmem_shared>> -> memref<40x128xf32, #tpu.memory_space<vmem_shared>>
      tpu.enqueue_dma source(%dma_start3A_506 : memref<40x128xf32, #tpu.memory_space<vmem_shared>>) target(%arg9 : memref<40x128xf32, #tpu.memory_space<vmem>>) target_semaphore(%run_scoped3A : memref<!tpu.dma_semaphore, #tpu.memory_space<semaphore_mem>>)
      %dma_wait3A_507 = arith.constant 0 : i32
      %dma_wait3A_508 = tpu.memref_slice %arg7[%add3A_444, %dma_wait3A_507] : memref<10240x128xf32, #tpu.memory_space<vmem_shared>> -> memref<40x128xf32, #tpu.memory_space<vmem_shared>>
      %dma_wait3A_509 = arith.constant 0 : i32
      %dma_wait3A_510 = tpu.memref_slice %arg7[%add3A_444, %dma_wait3A_509] : memref<10240x128xf32, #tpu.memory_space<vmem_shared>> -> memref<40x128xf32, #tpu.memory_space<vmem_shared>>
      tpu.wait_dma2 semaphore(%run_scoped3A : memref<!tpu.dma_semaphore, #tpu.memory_space<semaphore_mem>>) src(%dma_wait3A_510 : memref<40x128xf32, #tpu.memory_space<vmem_shared>>) dst(%arg9 : memref<40x128xf32, #tpu.memory_space<vmem>>)
      tpu.yield
    }) : () -> ()
    %eq3A_445 = arith.constant 0 : i32
    %eq3A_446 = arith.cmpi eq, %arg0, %eq3A_445 : i32
    %convert_element_type3A_447 = arith.extui %eq3A_446 : i1 to i32
    %cond3A_448 = arith.constant 0 : i32
    %cond3A_449 = arith.cmpi ne, %convert_element_type3A_447, %cond3A_448 : i32
    scf.if %cond3A_449 {
      %add3A_503 = arith.constant 520 : i32
      %add3A_504 = arith.addi %mul3A_2, %add3A_503 : i32
      %dma_start3A_505 = arith.constant 0 : i32
      %dma_start3A_506 = tpu.memref_slice %arg5[%add3A_504, %dma_start3A_505] : memref<10240x128xf32, #tpu.memory_space<hbm>> -> memref<40x128xf32, #tpu.memory_space<hbm>>
      %dma_start3A_507 = arith.constant 0 : i32
      %dma_start3A_508 = tpu.memref_slice %arg5[%add3A_504, %dma_start3A_507] : memref<10240x128xf32, #tpu.memory_space<hbm>> -> memref<40x128xf32, #tpu.memory_space<hbm>>
      tpu.enqueue_dma source(%arg9 : memref<40x128xf32, #tpu.memory_space<vmem>>) target(%dma_start3A_508 : memref<40x128xf32, #tpu.memory_space<hbm>>) target_semaphore(%arg16 : memref<!tpu.dma_semaphore, #tpu.memory_space<semaphore_mem>>)
    } else {
    }
    %eq3A_450 = arith.constant 1 : i32
    %eq3A_451 = arith.cmpi eq, %arg0, %eq3A_450 : i32
    %convert_element_type3A_452 = arith.extui %eq3A_451 : i1 to i32
    %cond3A_453 = arith.constant 0 : i32
    %cond3A_454 = arith.cmpi ne, %convert_element_type3A_452, %cond3A_453 : i32
    scf.if %cond3A_454 {
      %add3A_503 = arith.constant 520 : i32
      %add3A_504 = arith.addi %mul3A_2, %add3A_503 : i32
      %dma_start3A_505 = arith.constant 0 : i32
      %dma_start3A_506 = tpu.memref_slice %arg6[%add3A_504, %dma_start3A_505] : memref<10240x128xf32, #tpu.memory_space<hbm>> -> memref<40x128xf32, #tpu.memory_space<hbm>>
      %dma_start3A_507 = arith.constant 0 : i32
      %dma_start3A_508 = tpu.memref_slice %arg6[%add3A_504, %dma_start3A_507] : memref<10240x128xf32, #tpu.memory_space<hbm>> -> memref<40x128xf32, #tpu.memory_space<hbm>>
      tpu.enqueue_dma source(%arg9 : memref<40x128xf32, #tpu.memory_space<vmem>>) target(%dma_start3A_508 : memref<40x128xf32, #tpu.memory_space<hbm>>) target_semaphore(%arg16 : memref<!tpu.dma_semaphore, #tpu.memory_space<semaphore_mem>>)
    } else {
    }
    %add3A_455 = arith.constant 480 : i32
    %add3A_456 = arith.addi %mul3A_2, %add3A_455 : i32
    %dma_wait3A_457 = arith.constant 0 : i32
    %dma_wait3A_458 = tpu.memref_slice %arg5[%add3A_456, %dma_wait3A_457] : memref<10240x128xf32, #tpu.memory_space<hbm>> -> memref<40x128xf32, #tpu.memory_space<hbm>>
    %dma_wait3A_459 = arith.constant 0 : i32
    %dma_wait3A_460 = tpu.memref_slice %arg5[%add3A_456, %dma_wait3A_459] : memref<10240x128xf32, #tpu.memory_space<hbm>> -> memref<40x128xf32, #tpu.memory_space<hbm>>
    tpu.wait_dma2 semaphore(%arg16 : memref<!tpu.dma_semaphore, #tpu.memory_space<semaphore_mem>>) src(%arg8 : memref<40x128xf32, #tpu.memory_space<vmem>>) dst(%dma_wait3A_460 : memref<40x128xf32, #tpu.memory_space<hbm>>)
    %add3A_461 = arith.constant 560 : i32
    %add3A_462 = arith.addi %mul3A_2, %add3A_461 : i32
    "tpu.region"() ({
      %run_scoped3A = tpu.sem_alloc : memref<!tpu.dma_semaphore, #tpu.memory_space<semaphore_mem>>
      %dma_start3A_503 = arith.constant 0 : i32
      %dma_start3A_504 = tpu.memref_slice %arg7[%add3A_462, %dma_start3A_503] : memref<10240x128xf32, #tpu.memory_space<vmem_shared>> -> memref<40x128xf32, #tpu.memory_space<vmem_shared>>
      %dma_start3A_505 = arith.constant 0 : i32
      %dma_start3A_506 = tpu.memref_slice %arg7[%add3A_462, %dma_start3A_505] : memref<10240x128xf32, #tpu.memory_space<vmem_shared>> -> memref<40x128xf32, #tpu.memory_space<vmem_shared>>
      tpu.enqueue_dma source(%dma_start3A_506 : memref<40x128xf32, #tpu.memory_space<vmem_shared>>) target(%arg8 : memref<40x128xf32, #tpu.memory_space<vmem>>) target_semaphore(%run_scoped3A : memref<!tpu.dma_semaphore, #tpu.memory_space<semaphore_mem>>)
      %dma_wait3A_507 = arith.constant 0 : i32
      %dma_wait3A_508 = tpu.memref_slice %arg7[%add3A_462, %dma_wait3A_507] : memref<10240x128xf32, #tpu.memory_space<vmem_shared>> -> memref<40x128xf32, #tpu.memory_space<vmem_shared>>
      %dma_wait3A_509 = arith.constant 0 : i32
      %dma_wait3A_510 = tpu.memref_slice %arg7[%add3A_462, %dma_wait3A_509] : memref<10240x128xf32, #tpu.memory_space<vmem_shared>> -> memref<40x128xf32, #tpu.memory_space<vmem_shared>>
      tpu.wait_dma2 semaphore(%run_scoped3A : memref<!tpu.dma_semaphore, #tpu.memory_space<semaphore_mem>>) src(%dma_wait3A_510 : memref<40x128xf32, #tpu.memory_space<vmem_shared>>) dst(%arg8 : memref<40x128xf32, #tpu.memory_space<vmem>>)
      tpu.yield
    }) : () -> ()
    %eq3A_463 = arith.constant 0 : i32
    %eq3A_464 = arith.cmpi eq, %arg0, %eq3A_463 : i32
    %convert_element_type3A_465 = arith.extui %eq3A_464 : i1 to i32
    %cond3A_466 = arith.constant 0 : i32
    %cond3A_467 = arith.cmpi ne, %convert_element_type3A_465, %cond3A_466 : i32
    scf.if %cond3A_467 {
      %add3A_503 = arith.constant 560 : i32
      %add3A_504 = arith.addi %mul3A_2, %add3A_503 : i32
      %dma_start3A_505 = arith.constant 0 : i32
      %dma_start3A_506 = tpu.memref_slice %arg5[%add3A_504, %dma_start3A_505] : memref<10240x128xf32, #tpu.memory_space<hbm>> -> memref<40x128xf32, #tpu.memory_space<hbm>>
      %dma_start3A_507 = arith.constant 0 : i32
      %dma_start3A_508 = tpu.memref_slice %arg5[%add3A_504, %dma_start3A_507] : memref<10240x128xf32, #tpu.memory_space<hbm>> -> memref<40x128xf32, #tpu.memory_space<hbm>>
      tpu.enqueue_dma source(%arg8 : memref<40x128xf32, #tpu.memory_space<vmem>>) target(%dma_start3A_508 : memref<40x128xf32, #tpu.memory_space<hbm>>) target_semaphore(%arg16 : memref<!tpu.dma_semaphore, #tpu.memory_space<semaphore_mem>>)
    } else {
    }
    %eq3A_468 = arith.constant 1 : i32
    %eq3A_469 = arith.cmpi eq, %arg0, %eq3A_468 : i32
    %convert_element_type3A_470 = arith.extui %eq3A_469 : i1 to i32
    %cond3A_471 = arith.constant 0 : i32
    %cond3A_472 = arith.cmpi ne, %convert_element_type3A_470, %cond3A_471 : i32
    scf.if %cond3A_472 {
      %add3A_503 = arith.constant 560 : i32
      %add3A_504 = arith.addi %mul3A_2, %add3A_503 : i32
      %dma_start3A_505 = arith.constant 0 : i32
      %dma_start3A_506 = tpu.memref_slice %arg6[%add3A_504, %dma_start3A_505] : memref<10240x128xf32, #tpu.memory_space<hbm>> -> memref<40x128xf32, #tpu.memory_space<hbm>>
      %dma_start3A_507 = arith.constant 0 : i32
      %dma_start3A_508 = tpu.memref_slice %arg6[%add3A_504, %dma_start3A_507] : memref<10240x128xf32, #tpu.memory_space<hbm>> -> memref<40x128xf32, #tpu.memory_space<hbm>>
      tpu.enqueue_dma source(%arg8 : memref<40x128xf32, #tpu.memory_space<vmem>>) target(%dma_start3A_508 : memref<40x128xf32, #tpu.memory_space<hbm>>) target_semaphore(%arg16 : memref<!tpu.dma_semaphore, #tpu.memory_space<semaphore_mem>>)
    } else {
    }
    %add3A_473 = arith.constant 520 : i32
    %add3A_474 = arith.addi %mul3A_2, %add3A_473 : i32
    %dma_wait3A_475 = arith.constant 0 : i32
    %dma_wait3A_476 = tpu.memref_slice %arg5[%add3A_474, %dma_wait3A_475] : memref<10240x128xf32, #tpu.memory_space<hbm>> -> memref<40x128xf32, #tpu.memory_space<hbm>>
    %dma_wait3A_477 = arith.constant 0 : i32
    %dma_wait3A_478 = tpu.memref_slice %arg5[%add3A_474, %dma_wait3A_477] : memref<10240x128xf32, #tpu.memory_space<hbm>> -> memref<40x128xf32, #tpu.memory_space<hbm>>
    tpu.wait_dma2 semaphore(%arg16 : memref<!tpu.dma_semaphore, #tpu.memory_space<semaphore_mem>>) src(%arg9 : memref<40x128xf32, #tpu.memory_space<vmem>>) dst(%dma_wait3A_478 : memref<40x128xf32, #tpu.memory_space<hbm>>)
    %add3A_479 = arith.constant 600 : i32
    %add3A_480 = arith.addi %mul3A_2, %add3A_479 : i32
    "tpu.region"() ({
      %run_scoped3A = tpu.sem_alloc : memref<!tpu.dma_semaphore, #tpu.memory_space<semaphore_mem>>
      %dma_start3A_503 = arith.constant 0 : i32
      %dma_start3A_504 = tpu.memref_slice %arg7[%add3A_480, %dma_start3A_503] : memref<10240x128xf32, #tpu.memory_space<vmem_shared>> -> memref<40x128xf32, #tpu.memory_space<vmem_shared>>
      %dma_start3A_505 = arith.constant 0 : i32
      %dma_start3A_506 = tpu.memref_slice %arg7[%add3A_480, %dma_start3A_505] : memref<10240x128xf32, #tpu.memory_space<vmem_shared>> -> memref<40x128xf32, #tpu.memory_space<vmem_shared>>
      tpu.enqueue_dma source(%dma_start3A_506 : memref<40x128xf32, #tpu.memory_space<vmem_shared>>) target(%arg9 : memref<40x128xf32, #tpu.memory_space<vmem>>) target_semaphore(%run_scoped3A : memref<!tpu.dma_semaphore, #tpu.memory_space<semaphore_mem>>)
      %dma_wait3A_507 = arith.constant 0 : i32
      %dma_wait3A_508 = tpu.memref_slice %arg7[%add3A_480, %dma_wait3A_507] : memref<10240x128xf32, #tpu.memory_space<vmem_shared>> -> memref<40x128xf32, #tpu.memory_space<vmem_shared>>
      %dma_wait3A_509 = arith.constant 0 : i32
      %dma_wait3A_510 = tpu.memref_slice %arg7[%add3A_480, %dma_wait3A_509] : memref<10240x128xf32, #tpu.memory_space<vmem_shared>> -> memref<40x128xf32, #tpu.memory_space<vmem_shared>>
      tpu.wait_dma2 semaphore(%run_scoped3A : memref<!tpu.dma_semaphore, #tpu.memory_space<semaphore_mem>>) src(%dma_wait3A_510 : memref<40x128xf32, #tpu.memory_space<vmem_shared>>) dst(%arg9 : memref<40x128xf32, #tpu.memory_space<vmem>>)
      tpu.yield
    }) : () -> ()
    %eq3A_481 = arith.constant 0 : i32
    %eq3A_482 = arith.cmpi eq, %arg0, %eq3A_481 : i32
    %convert_element_type3A_483 = arith.extui %eq3A_482 : i1 to i32
    %cond3A_484 = arith.constant 0 : i32
    %cond3A_485 = arith.cmpi ne, %convert_element_type3A_483, %cond3A_484 : i32
    scf.if %cond3A_485 {
      %add3A_503 = arith.constant 600 : i32
      %add3A_504 = arith.addi %mul3A_2, %add3A_503 : i32
      %dma_start3A_505 = arith.constant 0 : i32
      %dma_start3A_506 = tpu.memref_slice %arg5[%add3A_504, %dma_start3A_505] : memref<10240x128xf32, #tpu.memory_space<hbm>> -> memref<40x128xf32, #tpu.memory_space<hbm>>
      %dma_start3A_507 = arith.constant 0 : i32
      %dma_start3A_508 = tpu.memref_slice %arg5[%add3A_504, %dma_start3A_507] : memref<10240x128xf32, #tpu.memory_space<hbm>> -> memref<40x128xf32, #tpu.memory_space<hbm>>
      tpu.enqueue_dma source(%arg9 : memref<40x128xf32, #tpu.memory_space<vmem>>) target(%dma_start3A_508 : memref<40x128xf32, #tpu.memory_space<hbm>>) target_semaphore(%arg16 : memref<!tpu.dma_semaphore, #tpu.memory_space<semaphore_mem>>)
    } else {
    }
    %eq3A_486 = arith.constant 1 : i32
    %eq3A_487 = arith.cmpi eq, %arg0, %eq3A_486 : i32
    %convert_element_type3A_488 = arith.extui %eq3A_487 : i1 to i32
    %cond3A_489 = arith.constant 0 : i32
    %cond3A_490 = arith.cmpi ne, %convert_element_type3A_488, %cond3A_489 : i32
    scf.if %cond3A_490 {
      %add3A_503 = arith.constant 600 : i32
      %add3A_504 = arith.addi %mul3A_2, %add3A_503 : i32
      %dma_start3A_505 = arith.constant 0 : i32
      %dma_start3A_506 = tpu.memref_slice %arg6[%add3A_504, %dma_start3A_505] : memref<10240x128xf32, #tpu.memory_space<hbm>> -> memref<40x128xf32, #tpu.memory_space<hbm>>
      %dma_start3A_507 = arith.constant 0 : i32
      %dma_start3A_508 = tpu.memref_slice %arg6[%add3A_504, %dma_start3A_507] : memref<10240x128xf32, #tpu.memory_space<hbm>> -> memref<40x128xf32, #tpu.memory_space<hbm>>
      tpu.enqueue_dma source(%arg9 : memref<40x128xf32, #tpu.memory_space<vmem>>) target(%dma_start3A_508 : memref<40x128xf32, #tpu.memory_space<hbm>>) target_semaphore(%arg16 : memref<!tpu.dma_semaphore, #tpu.memory_space<semaphore_mem>>)
    } else {
    }
    %add3A_491 = arith.constant 560 : i32
    %add3A_492 = arith.addi %mul3A_2, %add3A_491 : i32
    %dma_wait3A_493 = arith.constant 0 : i32
    %dma_wait3A_494 = tpu.memref_slice %arg5[%add3A_492, %dma_wait3A_493] : memref<10240x128xf32, #tpu.memory_space<hbm>> -> memref<40x128xf32, #tpu.memory_space<hbm>>
    %dma_wait3A_495 = arith.constant 0 : i32
    %dma_wait3A_496 = tpu.memref_slice %arg5[%add3A_492, %dma_wait3A_495] : memref<10240x128xf32, #tpu.memory_space<hbm>> -> memref<40x128xf32, #tpu.memory_space<hbm>>
    tpu.wait_dma2 semaphore(%arg16 : memref<!tpu.dma_semaphore, #tpu.memory_space<semaphore_mem>>) src(%arg8 : memref<40x128xf32, #tpu.memory_space<vmem>>) dst(%dma_wait3A_496 : memref<40x128xf32, #tpu.memory_space<hbm>>)
    %add3A_497 = arith.constant 600 : i32
    %add3A_498 = arith.addi %mul3A_2, %add3A_497 : i32
    %dma_wait3A_499 = arith.constant 0 : i32
    %dma_wait3A_500 = tpu.memref_slice %arg5[%add3A_498, %dma_wait3A_499] : memref<10240x128xf32, #tpu.memory_space<hbm>> -> memref<40x128xf32, #tpu.memory_space<hbm>>
    %dma_wait3A_501 = arith.constant 0 : i32
    %dma_wait3A_502 = tpu.memref_slice %arg5[%add3A_498, %dma_wait3A_501] : memref<10240x128xf32, #tpu.memory_space<hbm>> -> memref<40x128xf32, #tpu.memory_space<hbm>>
    tpu.wait_dma2 semaphore(%arg16 : memref<!tpu.dma_semaphore, #tpu.memory_space<semaphore_mem>>) src(%arg9 : memref<40x128xf32, #tpu.memory_space<vmem>>) dst(%dma_wait3A_502 : memref<40x128xf32, #tpu.memory_space<hbm>>)
    return
  }
}

module attributes {stable_mosaic.version = 14 : i64} {
  func.func @_k1_body(%arg0: i32, %arg1: memref<400x256xf32, #tpu.memory_space<vmem>>, %arg2: memref<256x128xf32, #tpu.memory_space<vmem>>, %arg3: memref<256x128xf32, #tpu.memory_space<vmem>>, %arg4: memref<400x128xf32, #tpu.memory_space<vmem>>, %arg5: memref<400x128xf32, #tpu.memory_space<vmem>>) attributes {dimension_semantics = [#tpu.dimension_semantics<arbitrary>], iteration_bounds = array<i64: 25>, scalar_prefetch = 0 : i64, scratch_operands = 0 : i64, tpu.core_type = #tpu.core_type<tc>, window_params = [{transform_indices = @transform_0, window_bounds = array<i64: 400, 256>}, {pipeline_mode = #tpu.pipeline_mode<synchronous>, transform_indices = @transform_1, window_bounds = array<i64: 256, 128>}, {pipeline_mode = #tpu.pipeline_mode<synchronous>, transform_indices = @transform_2, window_bounds = array<i64: 256, 128>}, {transform_indices = @transform_3, window_bounds = array<i64: 400, 128>}, {transform_indices = @transform_4, window_bounds = array<i64: 400, 128>}]} {
    %get3A = arith.constant 0 : index
    %get3A_0 = arith.constant 0 : index
    %get3A_1 = vector.load %arg1[%get3A, %get3A_0] : memref<400x256xf32, #tpu.memory_space<vmem>>, vector<400x256xf32>
    %get3A_2 = arith.constant 0 : index
    %get3A_3 = arith.constant 0 : index
    %get3A_4 = vector.load %arg2[%get3A_2, %get3A_3] : memref<256x128xf32, #tpu.memory_space<vmem>>, vector<256x128xf32>
    %dot_general3A = arith.constant dense<0.000000e+00> : vector<400x128xf32>
    %dot_general3A_5 = tpu.matmul %get3A_1, %get3A_4, %dot_general3A {dimension_numbers = #tpu.dot_dimension_numbers<[1], [0], [0], [1], [0, 0, 1, 1], [], []>, transpose_lhs_hint = false} : vector<400x256xf32>, vector<256x128xf32>, vector<400x128xf32> -> vector<400x128xf32>
    %swap3A = arith.constant 0 : index
    %swap3A_6 = arith.constant 0 : index
    %swap3A_7 = vector.load %arg4[%swap3A, %swap3A_6] : memref<400x128xf32, #tpu.memory_space<vmem>>, vector<400x128xf32>
    tpu.vector_store %arg4[%swap3A, %swap3A_6], %dot_general3A_5 {strides = array<i32>} : memref<400x128xf32, #tpu.memory_space<vmem>>, vector<400x128xf32>,
    %get3A_8 = arith.constant 0 : index
    %get3A_9 = arith.constant 0 : index
    %get3A_10 = vector.load %arg3[%get3A_8, %get3A_9] : memref<256x128xf32, #tpu.memory_space<vmem>>, vector<256x128xf32>
    %dot_general3A_11 = arith.constant dense<0.000000e+00> : vector<400x128xf32>
    %dot_general3A_12 = tpu.matmul %get3A_1, %get3A_10, %dot_general3A_11 {dimension_numbers = #tpu.dot_dimension_numbers<[1], [0], [0], [1], [0, 0, 1, 1], [], []>, transpose_lhs_hint = false} : vector<400x256xf32>, vector<256x128xf32>, vector<400x128xf32> -> vector<400x128xf32>
    %swap3A_13 = arith.constant 0 : index
    %swap3A_14 = arith.constant 0 : index
    %swap3A_15 = vector.load %arg5[%swap3A_13, %swap3A_14] : memref<400x128xf32, #tpu.memory_space<vmem>>, vector<400x128xf32>
    tpu.vector_store %arg5[%swap3A_13, %swap3A_14], %dot_general3A_12 {strides = array<i32>} : memref<400x128xf32, #tpu.memory_space<vmem>>, vector<400x128xf32>,
    return
  }
  func.func @transform_0(%arg0: i32) -> (i32, i32) {
    %c0_i32 = arith.constant 0 : i32
    %c0_i32_0 = arith.constant 0 : i32
    return %arg0, %c0_i32 : i32, i32
  }
  func.func @transform_1(%arg0: i32) -> (i32, i32) {
    %c0_i32 = arith.constant 0 : i32
    %c0_i32_0 = arith.constant 0 : i32
    %c0_i32_1 = arith.constant 0 : i32
    return %c0_i32, %c0_i32_0 : i32, i32
  }
  func.func @transform_2(%arg0: i32) -> (i32, i32) {
    %c0_i32 = arith.constant 0 : i32
    %c0_i32_0 = arith.constant 0 : i32
    %c0_i32_1 = arith.constant 0 : i32
    return %c0_i32, %c0_i32_0 : i32, i32
  }
  func.func @transform_3(%arg0: i32) -> (i32, i32) {
    %c0_i32 = arith.constant 0 : i32
    %c0_i32_0 = arith.constant 0 : i32
    return %arg0, %c0_i32 : i32, i32
  }
  func.func @transform_4(%arg0: i32) -> (i32, i32) {
    %c0_i32 = arith.constant 0 : i32
    %c0_i32_0 = arith.constant 0 : i32
    return %arg0, %c0_i32 : i32, i32
  }
}

module attributes {stable_mosaic.version = 14 : i64} {
  func.func @_k2_body(%arg0: i32, %arg1: memref<400x128xf32, #tpu.memory_space<vmem>>, %arg2: memref<400x128xf32, #tpu.memory_space<vmem>>, %arg3: memref<400x128xf32, #tpu.memory_space<vmem>>, %arg4: memref<400x16xf32, #tpu.memory_space<vmem>>, %arg5: memref<400x16xf32, #tpu.memory_space<vmem>>, %arg6: memref<1x128xf32, #tpu.memory_space<vmem>>, %arg7: memref<400x128xf32, #tpu.memory_space<vmem>>) attributes {dimension_semantics = [#tpu.dimension_semantics<arbitrary>], iteration_bounds = array<i64: 25>, scalar_prefetch = 0 : i64, scratch_operands = 0 : i64, tpu.core_type = #tpu.core_type<tc>, window_params = [{transform_indices = @transform_0, window_bounds = array<i64: 400, 128>}, {transform_indices = @transform_1, window_bounds = array<i64: 400, 128>}, {transform_indices = @transform_2, window_bounds = array<i64: 400, 128>}, {transform_indices = @transform_3, window_bounds = array<i64: 400, 16>}, {transform_indices = @transform_4, window_bounds = array<i64: 400, 16>}, {pipeline_mode = #tpu.pipeline_mode<synchronous>, transform_indices = @transform_5, window_bounds = array<i64: 1, 128>}, {transform_indices = @transform_6, window_bounds = array<i64: 400, 128>}]} {
    %get3A = arith.constant 0 : index
    %get3A_0 = arith.constant 0 : index
    %get3A_1 = vector.load %arg4[%get3A, %get3A_0] : memref<400x16xf32, #tpu.memory_space<vmem>>, vector<400x16xf32>
    %slice3A = vector.extract_strided_slice %get3A_1 {offsets = [0, 0], sizes = [400, 1], strides = [1, 1]} : vector<400x16xf32> to vector<400x1xf32>
    %get3A_2 = arith.constant 0 : index
    %get3A_3 = arith.constant 0 : index
    %get3A_4 = vector.load %arg5[%get3A_2, %get3A_3] : memref<400x16xf32, #tpu.memory_space<vmem>>, vector<400x16xf32>
    %slice3A_5 = vector.extract_strided_slice %get3A_4 {offsets = [0, 0], sizes = [400, 1], strides = [1, 1]} : vector<400x16xf32> to vector<400x1xf32>
    %add3A = arith.addf %slice3A, %slice3A_5 : vector<400x1xf32>
    %max3A = arith.constant 1.000000e+00 : f32
    %max3A_6 = vector.broadcast %max3A : f32 to vector<400x1xf32>
    %max3A_7 = arith.maximumf %add3A, %max3A_6 : vector<400x1xf32>
    %div3A = arith.constant 1.000000e+00 : f32
    %div3A_8 = vector.broadcast %div3A : f32 to vector<400x1xf32>
    %div3A_9 = arith.divf %div3A_8, %max3A_7 : vector<400x1xf32>
    %get3A_10 = arith.constant 0 : index
    %get3A_11 = arith.constant 0 : index
    %get3A_12 = vector.load %arg2[%get3A_10, %get3A_11] : memref<400x128xf32, #tpu.memory_space<vmem>>, vector<400x128xf32>
    %get3A_13 = arith.constant 0 : index
    %get3A_14 = arith.constant 0 : index
    %get3A_15 = vector.load %arg3[%get3A_13, %get3A_14] : memref<400x128xf32, #tpu.memory_space<vmem>>, vector<400x128xf32>
    %add3A_16 = arith.addf %get3A_12, %get3A_15 : vector<400x128xf32>
    %mul3A = vector.broadcast %div3A_9 : vector<400x1xf32> to vector<400x128xf32>
    %mul3A_17 = arith.mulf %add3A_16, %mul3A : vector<400x128xf32>
    %get3A_18 = arith.constant 0 : index
    %get3A_19 = arith.constant 0 : index
    %get3A_20 = vector.load %arg1[%get3A_18, %get3A_19] : memref<400x128xf32, #tpu.memory_space<vmem>>, vector<400x128xf32>
    %add3A_21 = arith.addf %get3A_20, %mul3A_17 : vector<400x128xf32>
    %get3A_22 = arith.constant 0 : index
    %get3A_23 = arith.constant 0 : index
    %get3A_24 = vector.load %arg6[%get3A_22, %get3A_23] : memref<1x128xf32, #tpu.memory_space<vmem>>, vector<1x128xf32>
    %add3A_25 = vector.broadcast %get3A_24 : vector<1x128xf32> to vector<400x128xf32>
    %add3A_26 = arith.addf %add3A_21, %add3A_25 : vector<400x128xf32>
    %max3A_27 = arith.constant 0.000000e+00 : f32
    %max3A_28 = vector.broadcast %max3A_27 : f32 to vector<400x128xf32>
    %max3A_29 = arith.maximumf %add3A_26, %max3A_28 : vector<400x128xf32>
    %swap3A = arith.constant 0 : index
    %swap3A_30 = arith.constant 0 : index
    %swap3A_31 = vector.load %arg7[%swap3A, %swap3A_30] : memref<400x128xf32, #tpu.memory_space<vmem>>, vector<400x128xf32>
    tpu.vector_store %arg7[%swap3A, %swap3A_30], %max3A_29 {strides = array<i32>} : memref<400x128xf32, #tpu.memory_space<vmem>>, vector<400x128xf32>,
    return
  }
  func.func @transform_0(%arg0: i32) -> (i32, i32) {
    %c0_i32 = arith.constant 0 : i32
    %c0_i32_0 = arith.constant 0 : i32
    return %arg0, %c0_i32 : i32, i32
  }
  func.func @transform_1(%arg0: i32) -> (i32, i32) {
    %c0_i32 = arith.constant 0 : i32
    %c0_i32_0 = arith.constant 0 : i32
    return %arg0, %c0_i32 : i32, i32
  }
  func.func @transform_2(%arg0: i32) -> (i32, i32) {
    %c0_i32 = arith.constant 0 : i32
    %c0_i32_0 = arith.constant 0 : i32
    return %arg0, %c0_i32 : i32, i32
  }
  func.func @transform_3(%arg0: i32) -> (i32, i32) {
    %c0_i32 = arith.constant 0 : i32
    %c0_i32_0 = arith.constant 0 : i32
    return %arg0, %c0_i32 : i32, i32
  }
  func.func @transform_4(%arg0: i32) -> (i32, i32) {
    %c0_i32 = arith.constant 0 : i32
    %c0_i32_0 = arith.constant 0 : i32
    return %arg0, %c0_i32 : i32, i32
  }
  func.func @transform_5(%arg0: i32) -> (i32, i32) {
    %c0_i32 = arith.constant 0 : i32
    %c0_i32_0 = arith.constant 0 : i32
    %c0_i32_1 = arith.constant 0 : i32
    return %c0_i32, %c0_i32_0 : i32, i32
  }
  func.func @transform_6(%arg0: i32) -> (i32, i32) {
    %c0_i32 = arith.constant 0 : i32
    %c0_i32_0 = arith.constant 0 : i32
    return %arg0, %c0_i32 : i32, i32
  }
}

module attributes {stable_mosaic.version = 14 : i64} {
  func.func @_k3_body(%arg0: i32, %arg1: memref<400x128xf32, #tpu.memory_space<vmem>>, %arg2: memref<400x128xf32, #tpu.memory_space<vmem>>, %arg3: memref<400x128xf32, #tpu.memory_space<vmem>>, %arg4: memref<400x16xf32, #tpu.memory_space<vmem>>, %arg5: memref<400x16xf32, #tpu.memory_space<vmem>>, %arg6: memref<128x256xf32, #tpu.memory_space<vmem>>, %arg7: memref<128x256xf32, #tpu.memory_space<vmem>>, %arg8: memref<1x256xf32, #tpu.memory_space<vmem>>, %arg9: memref<400x256xf32, #tpu.memory_space<vmem>>) attributes {dimension_semantics = [#tpu.dimension_semantics<arbitrary>], iteration_bounds = array<i64: 25>, scalar_prefetch = 0 : i64, scratch_operands = 0 : i64, tpu.core_type = #tpu.core_type<tc>, window_params = [{transform_indices = @transform_0, window_bounds = array<i64: 400, 128>}, {transform_indices = @transform_1, window_bounds = array<i64: 400, 128>}, {transform_indices = @transform_2, window_bounds = array<i64: 400, 128>}, {transform_indices = @transform_3, window_bounds = array<i64: 400, 16>}, {transform_indices = @transform_4, window_bounds = array<i64: 400, 16>}, {pipeline_mode = #tpu.pipeline_mode<synchronous>, transform_indices = @transform_5, window_bounds = array<i64: 128, 256>}, {pipeline_mode = #tpu.pipeline_mode<synchronous>, transform_indices = @transform_6, window_bounds = array<i64: 128, 256>}, {pipeline_mode = #tpu.pipeline_mode<synchronous>, transform_indices = @transform_7, window_bounds = array<i64: 1, 256>}, {transform_indices = @transform_8, window_bounds = array<i64: 400, 256>}]} {
    %get3A = arith.constant 0 : index
    %get3A_0 = arith.constant 0 : index
    %get3A_1 = vector.load %arg4[%get3A, %get3A_0] : memref<400x16xf32, #tpu.memory_space<vmem>>, vector<400x16xf32>
    %slice3A = vector.extract_strided_slice %get3A_1 {offsets = [0, 0], sizes = [400, 1], strides = [1, 1]} : vector<400x16xf32> to vector<400x1xf32>
    %get3A_2 = arith.constant 0 : index
    %get3A_3 = arith.constant 0 : index
    %get3A_4 = vector.load %arg5[%get3A_2, %get3A_3] : memref<400x16xf32, #tpu.memory_space<vmem>>, vector<400x16xf32>
    %slice3A_5 = vector.extract_strided_slice %get3A_4 {offsets = [0, 0], sizes = [400, 1], strides = [1, 1]} : vector<400x16xf32> to vector<400x1xf32>
    %add3A = arith.addf %slice3A, %slice3A_5 : vector<400x1xf32>
    %max3A = arith.constant 1.000000e+00 : f32
    %max3A_6 = vector.broadcast %max3A : f32 to vector<400x1xf32>
    %max3A_7 = arith.maximumf %add3A, %max3A_6 : vector<400x1xf32>
    %div3A = arith.constant 1.000000e+00 : f32
    %div3A_8 = vector.broadcast %div3A : f32 to vector<400x1xf32>
    %div3A_9 = arith.divf %div3A_8, %max3A_7 : vector<400x1xf32>
    %get3A_10 = arith.constant 0 : index
    %get3A_11 = arith.constant 0 : index
    %get3A_12 = vector.load %arg2[%get3A_10, %get3A_11] : memref<400x128xf32, #tpu.memory_space<vmem>>, vector<400x128xf32>
    %get3A_13 = arith.constant 0 : index
    %get3A_14 = arith.constant 0 : index
    %get3A_15 = vector.load %arg3[%get3A_13, %get3A_14] : memref<400x128xf32, #tpu.memory_space<vmem>>, vector<400x128xf32>
    %add3A_16 = arith.addf %get3A_12, %get3A_15 : vector<400x128xf32>
    %mul3A = vector.broadcast %div3A_9 : vector<400x1xf32> to vector<400x128xf32>
    %mul3A_17 = arith.mulf %add3A_16, %mul3A : vector<400x128xf32>
    %get3A_18 = arith.constant 0 : index
    %get3A_19 = arith.constant 0 : index
    %get3A_20 = vector.load %arg1[%get3A_18, %get3A_19] : memref<400x128xf32, #tpu.memory_space<vmem>>, vector<400x128xf32>
    %get3A_21 = arith.constant 0 : index
    %get3A_22 = arith.constant 0 : index
    %get3A_23 = vector.load %arg6[%get3A_21, %get3A_22] : memref<128x256xf32, #tpu.memory_space<vmem>>, vector<128x256xf32>
    %dot_general3A = arith.constant dense<0.000000e+00> : vector<400x256xf32>
    %dot_general3A_24 = tpu.matmul %get3A_20, %get3A_23, %dot_general3A {dimension_numbers = #tpu.dot_dimension_numbers<[1], [0], [0], [1], [0, 0, 1, 1], [], []>, transpose_lhs_hint = false} : vector<400x128xf32>, vector<128x256xf32>, vector<400x256xf32> -> vector<400x256xf32>
    %get3A_25 = arith.constant 0 : index
    %get3A_26 = arith.constant 0 : index
    %get3A_27 = vector.load %arg7[%get3A_25, %get3A_26] : memref<128x256xf32, #tpu.memory_space<vmem>>, vector<128x256xf32>
    %dot_general3A_28 = arith.constant dense<0.000000e+00> : vector<400x256xf32>
    %dot_general3A_29 = tpu.matmul %mul3A_17, %get3A_27, %dot_general3A_28 {dimension_numbers = #tpu.dot_dimension_numbers<[1], [0], [0], [1], [0, 0, 1, 1], [], []>, transpose_lhs_hint = false} : vector<400x128xf32>, vector<128x256xf32>, vector<400x256xf32> -> vector<400x256xf32>
    %add3A_30 = arith.addf %dot_general3A_24, %dot_general3A_29 : vector<400x256xf32>
    %get3A_31 = arith.constant 0 : index
    %get3A_32 = arith.constant 0 : index
    %get3A_33 = vector.load %arg8[%get3A_31, %get3A_32] : memref<1x256xf32, #tpu.memory_space<vmem>>, vector<1x256xf32>
    %add3A_34 = vector.broadcast %get3A_33 : vector<1x256xf32> to vector<400x256xf32>
    %add3A_35 = arith.addf %add3A_30, %add3A_34 : vector<400x256xf32>
    %swap3A = arith.constant 0 : index
    %swap3A_36 = arith.constant 0 : index
    %swap3A_37 = vector.load %arg9[%swap3A, %swap3A_36] : memref<400x256xf32, #tpu.memory_space<vmem>>, vector<400x256xf32>
    tpu.vector_store %arg9[%swap3A, %swap3A_36], %add3A_35 {strides = array<i32>} : memref<400x256xf32, #tpu.memory_space<vmem>>, vector<400x256xf32>,
    return
  }
  func.func @transform_0(%arg0: i32) -> (i32, i32) {
    %c0_i32 = arith.constant 0 : i32
    %c0_i32_0 = arith.constant 0 : i32
    return %arg0, %c0_i32 : i32, i32
  }
  func.func @transform_1(%arg0: i32) -> (i32, i32) {
    %c0_i32 = arith.constant 0 : i32
    %c0_i32_0 = arith.constant 0 : i32
    return %arg0, %c0_i32 : i32, i32
  }
  func.func @transform_2(%arg0: i32) -> (i32, i32) {
    %c0_i32 = arith.constant 0 : i32
    %c0_i32_0 = arith.constant 0 : i32
    return %arg0, %c0_i32 : i32, i32
  }
  func.func @transform_3(%arg0: i32) -> (i32, i32) {
    %c0_i32 = arith.constant 0 : i32
    %c0_i32_0 = arith.constant 0 : i32
    return %arg0, %c0_i32 : i32, i32
  }
  func.func @transform_4(%arg0: i32) -> (i32, i32) {
    %c0_i32 = arith.constant 0 : i32
    %c0_i32_0 = arith.constant 0 : i32
    return %arg0, %c0_i32 : i32, i32
  }
  func.func @transform_5(%arg0: i32) -> (i32, i32) {
    %c0_i32 = arith.constant 0 : i32
    %c0_i32_0 = arith.constant 0 : i32
    %c0_i32_1 = arith.constant 0 : i32
    return %c0_i32, %c0_i32_0 : i32, i32
  }
  func.func @transform_6(%arg0: i32) -> (i32, i32) {
    %c0_i32 = arith.constant 0 : i32
    %c0_i32_0 = arith.constant 0 : i32
    %c0_i32_1 = arith.constant 0 : i32
    return %c0_i32, %c0_i32_0 : i32, i32
  }
  func.func @transform_7(%arg0: i32) -> (i32, i32) {
    %c0_i32 = arith.constant 0 : i32
    %c0_i32_0 = arith.constant 0 : i32
    %c0_i32_1 = arith.constant 0 : i32
    return %c0_i32, %c0_i32_0 : i32, i32
  }
  func.func @transform_8(%arg0: i32) -> (i32, i32) {
    %c0_i32 = arith.constant 0 : i32
    %c0_i32_0 = arith.constant 0 : i32
    return %arg0, %c0_i32 : i32, i32
  }
}

</mosaic_0001>

<sc_bundles>
// kernel: sc_deg.3.cloned.1.call-start
scs
__scs_entry_jumppad:
0x0: {  	(pc) =	sbr.rel $0x88, $3  }
0x1: {  	(tag) =	ssettag $0x0;
	lr =	simm.s32 $0x1  }
0x2: {  	[smem:$0x3F99] =	sst lr;
	_ =	strace $0xD0000000  }
0x3: {  	_ = 	snop  }
0x4: {  	_ = 	snop  }
0x5: {  	_ = 	snop  }
0x6: {  	_ = 	snop  }
0x7: {  	_ = 	snop  }
__scs_overlays_trampoline_lowered:
0x8: {  	[smem:$0x3FA8] =	sst s0  }
0x9: {  	[smem:$0x3FA9] =	sst s1  }
0xa: {  	[smem:$0x3FAA] =	sst s2  }
0xb: {  	[smem:$0x3FAB] =	sst s3  }
0xc: {  	[smem:$0x3FAC] =	sst s4  }
0xd: {  	[smem:$0x3FAD] =	sst s5  }
0xe: {  	[smem:$0x3FAE] =	sst s6  }
0xf: {  	[smem:$0x3FAF] =	sst s7  }
0x10: {  	[smem:$0x3FB0] =	sst s8  }
0x11: {  	[smem:$0x3FB1] =	sst s9;
	s0 =	simm.s32 @!p0 $0x0  }
0x12: {  	s1 =	sld [smem:$0x3F97];
	s0 =	simm.s32 @p0 $0x1  }
0x13: {  	[smem:$0x3FB2] =	sst s0;
	s0 =	simm.s32 @!p1 $0x0  }
0x14: {  	s2 =	sld [smem:$0x3F96];
	s0 =	simm.s32 @p1 $0x1  }
0x15: {  	[smem:$0x3FB3] =	sst s0;
	s0 =	simm.s32 @!p2 $0x0  }
0x16: {  	s3 =	sld [smem:$0x3FDB];
	s0 =	simm.s32 @p2 $0x1  }
0x17: {  	s4 =	simm.s32 $0x1BF5;
	[smem:$0x3FB5] =	sst s0  }
0x18: {  	s0 =	sld [smem:$0x3F98];
	_ =	swait.ge [sflag:s4], $0x0  }
0x19: {  	s7 =	sld [smem:$0x3F99]  }
0x1a: {  	s8 =	sadd.s32 $0xFFFFE003, lr  }
0x1b: {  	s9 =	sadd.s32 $0xFFFFFEF7, lr;
	s5 =	simm.s32 $0xFFFFFFFF;
	p2 =	slt.u32 s8, $0xFFFFF086  }
0x1c: {  	p1 =	slt.u32 s9, $0xF7A;
	s5 =	simm.s32 @!p2 $0x0  }
0x1d: {  	s5 =	simm.s32 @p1 $0x1;
	p0 =	seq.s32 s7, s2  }
0x1e: {  	s7 =	smul.u32 @!p0 $0xF7A, s2;
	p2 =	seq.s32 @!p0 s5, $0x0  }
0x1f: {  	s9 =	smul.u32 $0xF7A, s1;
	s8 =	simm.s32 @!p0 $0x1BF5;
	p2 =	por !p2, p0  }
0x20: {  	[sflag:s8] =	ssyncset.s32 @!p0 $0xFFFFF086;
	s6 =	sadd.s32 @!p0 s3, s7;
	s7 =	simm.s32 @!p0 $0x108  }
0x21: {  	s3 =	sadd.s32 s3, s9;
	s6 =	sadd.s32 @!p0 $0x88, s6;
	s7 =	simm.s32 @p2 $0x1082  }
0x22: {  	[simem:s7], [sflag:s8] =	dma.local @!p0 [hbm:s6], $0xF7A  }
0x23: {  	s9 =	sor.u32 $0xD0000000, s2;
	s6 =	simm.s32 $0x108;
	_ =	swait.ge @!p0 [sflag:s8], $0x0  }
0x24: {  	s3 =	sadd.s32 $0x88, s3;
	s6 =	simm.s32 @!p1 $0x1082;
	[sflag:s4] =	ssyncset.s32 $0xFFFFF086  }
0x25: {  	[simem:s6], [sflag:s4] =	dma.local [hbm:s3], $0xF7A  }
0x26: {  	[smem:$0x3F99] =	sst s1;
	(tag) =	ssettag s2;
	_ =	strace s9  }
0x27: {  	s1 =	sld [smem:$0x3FA9]  }
0x28: {  	s2 =	sld [smem:$0x3FAA]  }
0x29: {  	s4 =	sld [smem:$0x3FAC]  }
0x2a: {  	p0 =	seq.s32 s5, $0x0;
	s5 =	sld [smem:$0x3FAD]  }
0x2b: {  	s6 =	sld [smem:$0x3FAE]  }
0x2c: {  	s7 =	sld [smem:$0x3FAF]  }
0x2d: {  	s3 =	simm.s32 $0x108;
	s8 =	sld [smem:$0x3FB0]  }
0x2e: {  	s3 =	simm.s32 @!p0 $0x1082;
	s9 =	sld [smem:$0x3FB1]  }
0x2f: {  	lr =	sadd.s32 s0, s3;
	s0 =	sld [smem:$0x3FA8]  }
0x30: {  	s3 =	sld [smem:$0x3FAB]  }
0x31: {  	[smem:$0x3FB4] =	sst s10  }
0x32: {  	s10 =	sld [smem:$0x3FB2];
	_ =	sdelay $0x3  }
0x33: {  	p0 =	seq.s32 s10, $0x1;
	s10 =	sld [smem:$0x3FB4];
	_ =	sdelay $0x3  }
0x34: {  	[smem:$0x3FB4] =	sst s10  }
0x35: {  	s10 =	sld [smem:$0x3FB3];
	_ =	sdelay $0x3  }
0x36: {  	p1 =	seq.s32 s10, $0x1;
	s10 =	sld [smem:$0x3FB4];
	_ =	sdelay $0x3  }
0x37: {  	[smem:$0x3FB4] =	sst s10  }
0x38: {  	s10 =	sld [smem:$0x3FB5]  }
0x39: {  	_ = 	snop;
	(pc) =	sbr.ind lr, $3  }
0x3a: {  	_ = 	snop  }
0x3b: {  	_ = 	snop  }
0x3c: {  	p2 =	seq.s32 s10, $0x1;
	s10 =	sld [smem:$0x3FB4]  }
0x3d: {  	_ =	shalt  }
0x3e: {  	_ =	shalt  }
0x3f: {  	_ =	shalt  }
0x40: {  	_ =	shalt  }
0x41: {  	_ =	shalt  }
0x42: {  	_ =	shalt  }
0x43: {  	_ =	shalt  }
0x44: {  	_ =	shalt  }
0x45: {  	_ =	shalt  }
0x46: {  	_ =	shalt  }
0x47: {  	_ =	shalt  }
0x48: {  	_ =	shalt  }
0x49: {  	_ =	shalt  }
0x4a: {  	_ =	shalt  }
0x4b: {  	_ =	shalt  }
0x4c: {  	_ =	shalt  }
0x4d: {  	_ =	shalt  }
0x4e: {  	_ =	shalt  }
0x4f: {  	_ =	shalt  }
0x50: {  	_ =	shalt  }
0x51: {  	_ =	shalt  }
0x52: {  	_ =	shalt  }
0x53: {  	_ =	shalt  }
0x54: {  	_ =	shalt  }
0x55: {  	_ =	shalt  }
0x56: {  	_ =	shalt  }
0x57: {  	_ =	shalt  }
0x58: {  	_ =	shalt  }
0x59: {  	_ =	shalt  }
0x5a: {  	_ =	shalt  }
0x5b: {  	_ =	shalt  }
0x5c: {  	_ =	shalt  }
0x5d: {  	_ =	shalt  }
0x5e: {  	_ =	shalt  }
0x5f: {  	_ =	shalt  }
0x60: {  	_ =	shalt  }
0x61: {  	_ =	shalt  }
0x62: {  	_ =	shalt  }
0x63: {  	_ =	shalt  }
0x64: {  	_ =	shalt  }
0x65: {  	_ =	shalt  }
0x66: {  	_ =	shalt  }
0x67: {  	_ =	shalt  }
0x68: {  	_ =	shalt  }
0x69: {  	_ =	shalt  }
0x6a: {  	_ =	shalt  }
0x6b: {  	_ =	shalt  }
0x6c: {  	_ =	shalt  }
0x6d: {  	_ =	shalt  }
0x6e: {  	_ =	shalt  }
0x6f: {  	_ =	shalt  }
0x70: {  	_ =	shalt  }
0x71: {  	_ =	shalt  }
0x72: {  	_ =	shalt  }
0x73: {  	_ =	shalt  }
0x74: {  	_ =	shalt  }
0x75: {  	_ =	shalt  }
0x76: {  	_ =	shalt  }
0x77: {  	_ =	shalt  }
0x78: {  	_ =	shalt  }
0x79: {  	_ =	shalt  }
0x7a: {  	_ =	shalt  }
0x7b: {  	_ =	shalt  }
0x7c: {  	_ =	shalt  }
0x7d: {  	_ =	shalt  }
0x7e: {  	_ =	shalt  }
0x7f: {  	_ =	shalt  }
0x80: {  	_ =	shalt  }
0x81: {  	_ =	shalt  }
0x82: {  	_ =	shalt  }
0x83: {  	_ =	shalt  }
0x84: {  	_ =	shalt  }
0x85: {  	_ =	shalt  }
0x86: {  	_ =	shalt  }
0x87: {  	_ =	shalt  }
.Lfunc_end0:
.L_simem_size_0:
called_computation_lowered:
.L_overlay_start_0:
0x88: {  	s2 =	sld [smem:$0x3FD9]  }
0x89: {  	s3 =	sld [smem:$0x3FFE];
	_ =	sdelay $0x1  }
0x8a: {  	s1 =	srdreg.scid  }
0x8b: {  	s0 =	sand.u32 $0x1, s1  }
0x8c: {  	s17 =	sshll.u32 s0, $0xA;
	s2 =	sadd.s32 s3, s2  }
0x8d: {  	s2 =	sadd.s32 s2, s17  }
0x8e: {  	[smem:$0x3FC0] =	sst s2  }
0x8f: {  	_ = 	snop  }
0x90: {  	s2 =	sld [smem:$0x3FD0];
	(tm) =	ssettm $0x1  }
0x91: {  	s18 =	sld [smem:$0x3FFB];
	_ =	sdelay $0x3  }
0x92: {  	_ =	strace s18  }
0x93: {  	s3 =	sld [smem:$0x3FFC];
	_ =	sdelay $0x3  }
0x94: {  	_ =	strace s3  }
0x95: {  	s3 =	sld [smem:$0x3FFD];
	_ =	sdelay $0x3  }
0x96: {  	_ =	strace s3  }
0x97: {  	_ =	strace $0x8FFFFFFF  }
0x98: {  	s19 =	sld [smem:$0x3FDB];
	_ =	sdelay $0x1  }
0x99: {  	s4 =	simm.s32 $_scs_section_size  }
0x9a: {  	s5 =	simm.s32 $_size__tile_overlayer_lowered;
	s6 =	simm.s32 $_tile_overlayer_lowered  }
0x9b: {  	s22 =	simm.s32 $0x1BFF;
	s21 =	sshll.u32 s6, $0x1;
	s3 =	sadd.s32 s4, s19  }
0x9c: {  	s7 =	simm.s32 $0x0;
	s20 =	sshll.u32 s5, $0x1;
	s5 =	sadd.s32 s21, s3  }
0x9d: {  	[timem:s7], [sflag:s22] =	dma.local [hbm:s5], s20  }
0x9e: {  	_ =	swait.ge [sflag:s22], s20  }
0x9f: {  	s4 =	ssub.s32 $0x0, s20;
	[sflag:s22] =	ssyncset.done $0x0  }
0xa0: {  	[sflag:s22] =	ssyncadd.s32 s4;
	_ =	sdelay $0x1  }
0xa1: {  	s23 =	simm.s32 $0x1B8B  }
0xa2: {  	_ =	swait.ge [sflag:s23], $0x1  }
0xa3: {  	[sflag:s23] =	ssyncset.done $0x0  }
0xa4: {  	s25 =	simm.s32 $0x1B8E;
	s24 =	sld [smem:$0x3FFE];
	[sflag:s23] =	ssyncadd.s32 $0xFFFFFFFF  }
0xa5: {  	s26 =	simm.s32 $execute0_lowered;
	[smem:$0x3FD2] =	sst s25  }
0xa6: {  	s5 =	sshll.u32 s26, $0x1;
	_ =	strace $0x80000046;
	[dreg:$0x1] =	wrdreg $0xFFFFFFFF  }
0xa7: {  	s28 =	simm.s32 $_size_execute0_lowered;
	s3 =	sadd.s32 s3, s5;
	[dreg:$0x0] =	wrdreg $0x0  }
0xa8: {  	s5 =	sshll.u32 s28, $0x1;
	[dreg:$0x2] =	wrdreg s3  }
0xa9: {  	[dreg:$0x3] =	wrdreg s5  }
0xaa: {  	[dreg:$0x4] =	wrdreg $0xC0  }
0xab: {  	_ =	task [dreg:s7], $0x5FFFF  }
0xac: {  	[dreg:$0x1] =	wrdreg $0xFFFFFFFF  }
0xad: {  	[dreg:$0x0] =	wrdreg $0x60  }
0xae: {  	[dreg:$0x2] =	wrdreg s24  }
0xaf: {  	[dreg:$0x3] =	wrdreg s2  }
0xb0: {  	[dreg:$0x4] =	wrdreg $0x0  }
0xb1: {  	[dreg:$0x5] =	wrdreg $0x9  }
0xb2: {  	_ =	task.clear_ibuf [dreg:s7], $0x6FFFF;
	_ =	strace $0x90000046  }
0xb3: {  	s29 =	simm.s32 $0x9;
	_ =	strace $0x80000048  }
0xb4: {  	_ =	swait.ge [sflag:s29], $0x1  }
0xb5: {  	[sflag:s29] =	ssyncadd.s32 $0xFFFFFFFF  }
0xb6: {  	_ =	strace $0x90000048  }
0xb7: {  	_ =	sfence  }
0xb8: {  	s30 =	sld [smem:$0x0];
	_ =	sdelay $0x2  }
0xb9: {  	s31 =	sshll.u32 s1, $0xD;
	s1 =	sshrl.u32 s1, $0x2  }
0xba: {  	s3 =	sand.u32 $0x4000, s31;
	s1 =	sadd.s32 s1, s30  }
0xbb: {  	s0 =	sor.u32 s3, s0;
	s1 =	sshll.u32 s1, $0x11  }
0xbc: {  	s0 =	sor.u32 s1, s0  }
0xbd: {  	s0 =	sadd.s32 $0x8F2B, s0  }
0xbe: {  	[sflag:s0] =	ssyncadd.remote.s32 $0x1  }
0xbf: {  	_ =	sfence.sel $0xFFFF  }
0xc0: {  	[dreg:$0x0] =	wrdreg $0xFFFFFFFF;
	(pc) =	sbr.abs _section_cstart, $3  }
0xc1: {  	[dreg:$0x1] =	wrdreg $0xFFFFFFFF  }
0xc2: {  	_ =	task.clear_ibuf [dreg:s7], $0x2FFFF;
	_ =	strace $0x9FFFFFFF  }
0xc3: {  	(tm) =	ssettm $0x7FFFFFFF  }
tec
execute0_lowered:
.L_overlay_start_1:
0x0: {  	(tag) =	ssettag $0x1  }
0x1: {  	s6 =	rddreg [dreg:$0x0]  }
0x2: {  	s12 =	rddreg [dreg:$0x1]  }
0x3: {  	s1 =	rddreg [dreg:$0x2]  }
0x4: {  	s2 =	srdreg.scid;
	s0 =	rddreg [dreg:$0x3]  }
0x5: {  	s3 =	simm.s32 $0x0;
	s21 =	simm.s32 $0x3C50;
	s22 =	simm.s32 $0x2  }
0x6: {  	s23 =	simm.s32 $0x1;
	s28 =	simm.s32 $0x2938;
	s29 =	simm.s32 $0x0  }
0x7: {  	s13 =	sand.u32 $0x1, s2;
	s2 =	stileid.u32;
	[smem:$0x7FF] =	sst s3  }
0x8: {  	s17 =	sadd.s32 $0xE200, s6;
	s4 =	sshll.u32 s13, $0x4;
	_ =	strace $0x80000047  }
0x9: {  	s8 =	ssub.s32 $0x2, s13;
	s14 =	smul.u32 $0x2800, s2;
	p0 =	seq.s32 s13, $0x0  }
0xa: {  	s5 =	sor.u32 s2, s4;
	s4 =	sadd.s32 $0xE000, s6;
	s9 =	sshrl.u32 s8, $0x1  }
0xb: {  	s17 =	smov.u32 @p0 s12;
	s7 =	smul.u32 $0x1450, s5;
	s5 =	sadd.s32 $0xDE00, s6  }
0xc: {  	s15 =	ssub.s32 s8, s9;
	s16 =	sadd.s32 $0x800, s14;
	s18 =	sadd.s32 $0x1000, s14  }
0xd: {  	s19 =	sadd.s32 $0x1800, s14;
	s20 =	sadd.s32 $0x2000, s14;
	s24 =	sshrl.u32 s14, $0x3  }
0xe: {  	s8 =	sadd.s32 s16, s1;
	s9 =	sadd.s32 s18, s1;
	s10 =	sadd.s32 s19, s1  }
0xf: {  	s11 =	sadd.s32 s20, s1;
	s25 =	sshrl.u32 s16, $0x3;
	s26 =	sshrl.u32 s18, $0x3  }
0x10: {  	s30 =	sshrl.u32 s19, $0x3;
	s31 =	sshrl.u32 s20, $0x3;
	s12 =	smax.u32 s15, $0x1  }
0x11: {  	s13 =	sadd.s32 s17, s24;
	s18 =	simm.s32 $0x2800;
	s19 =	simm.s32 $0x4290  }
0x12: {  	s20 =	simm.s32 $0x3;
	s24 =	simm.s32 $0x64;
	s7 =	sshrl.u32 s7, $0x3  }
0x13: {  	s15 =	sadd.s32 s17, s26;
	s16 =	sadd.s32 s17, s30;
	s26 =	simm.s32 $0x28D0  }
0x14: {  	s6 =	sadd.s32 s6, s7;
	s7 =	sadd.s32 s14, s1;
	s14 =	sadd.s32 s17, s25  }
0x15: {  	s17 =	sadd.s32 s17, s31;
	s25 =	simm.s32 $0x2868;
	s6 =	sadd.s32 $0x8B40, s6  }
.LBB2_1:
0x16: {  	[tilespmem:s18], [sflag:$0x1] =	stream.linear.gather [hbm4b:s6+s3], $0x1450, $0x38;
	[tilespmem:$0x4A90] =	vst v63  }
0x17: {  	_ = 	snop  }
0x18: {  	[tilespmem:s19], [sflag:$0x3] =	stream.linear.gather [hbm4b:s4+s3], $0x800, $0x38;
	[tilespmem:$0x4A90] =	vst v63  }
0x19: {  	_ =	swait.ge [sflag:s20], $0x800  }
0x1a: {  	[sflag:s20] =	ssyncset.done $0x0  }
0x1b: {  	[sflag:s20] =	ssyncadd.s32 $0xFFFFF800  }
0x1c: {  	[spmem:s7] =	stream.linear.scatter [tilespmem:s19], [sflag:$0x2], $0x800, $0x38;
	[tilespmem:$0x4A90] =	vst v63  }
0x1d: {  	_ = 	snop  }
0x1e: {  	[spmem:s8] =	stream.linear.scatter [tilespmem:s19], [sflag:$0x2], $0x800, $0x38;
	[tilespmem:$0x4A90] =	vst v63  }
0x1f: {  	_ = 	snop  }
0x20: {  	[spmem:s9] =	stream.linear.scatter [tilespmem:s19], [sflag:$0x2], $0x800, $0x38;
	[tilespmem:$0x4A90] =	vst v63  }
0x21: {  	_ = 	snop  }
0x22: {  	[spmem:s10] =	stream.linear.scatter [tilespmem:s19], [sflag:$0x2], $0x800, $0x38;
	[tilespmem:$0x4A90] =	vst v63  }
0x23: {  	_ = 	snop  }
0x24: {  	[spmem:s11] =	stream.linear.scatter [tilespmem:s19], [sflag:$0x2], $0x800, $0x38;
	[tilespmem:$0x4A90] =	vst v63  }
0x25: {  	_ = 	snop  }
0x26: {  	[tilespmem:s21], [sflag:$0x3] =	stream.linear.gather [hbm4b:s5+s3], $0x640, $0x38;
	[tilespmem:$0x4A90] =	vst v63  }
0x27: {  	_ =	swait.ge [sflag:s20], $0x640  }
0x28: {  	[sflag:s20] =	ssyncset.done $0x0  }
0x29: {  	[sflag:s20] =	ssyncadd.s32 $0xFFFFF9C0  }
0x2a: {  	_ =	swait.ge [sflag:s22], $0x800  }
0x2b: {  	[sflag:s22] =	ssyncset.done $0x0  }
0x2c: {  	[sflag:s22] =	ssyncadd.s32 $0xFFFFF800  }
0x2d: {  	_ =	swait.ge [sflag:s22], $0x800  }
0x2e: {  	[sflag:s22] =	ssyncset.done $0x0  }
0x2f: {  	[sflag:s22] =	ssyncadd.s32 $0xFFFFF800  }
0x30: {  	_ =	swait.ge [sflag:s22], $0x800  }
0x31: {  	[sflag:s22] =	ssyncset.done $0x0  }
0x32: {  	[sflag:s22] =	ssyncadd.s32 $0xFFFFF800  }
0x33: {  	_ =	swait.ge [sflag:s22], $0x800  }
0x34: {  	[sflag:s22] =	ssyncset.done $0x0  }
0x35: {  	[sflag:s22] =	ssyncadd.s32 $0xFFFFF800  }
0x36: {  	_ =	swait.ge [sflag:s22], $0x800  }
0x37: {  	[sflag:s22] =	ssyncset.done $0x0  }
0x38: {  	[sflag:s22] =	ssyncadd.s32 $0xFFFFF800  }
0x39: {  	_ =	swait.ge [sflag:s23], $0x1450  }
0x3a: {  	[sflag:s23] =	ssyncset.done $0x0  }
0x3b: {  	[sflag:s23] =	ssyncadd.s32 $0xFFFFEBB0  }
0x3c: {  	[bflag:$0x0] =	sbarrier.arrive $0xFFFF  }
0x3d: {  	[spmem:s1] =	stream.indirect.scatter.add.f32 [tilespmem:s21], [sflag:$0x2], $0x10, s18, s24, $0xb8;
	[tilespmem:$0x4A90] =	vst v63  }
0x3e: {  	_ = 	snop  }
0x3f: {  	[spmem:s1] =	stream.indirect.scatter.add.f32 [tilespmem:s21], [sflag:$0x2], $0x10, s25, s24, $0xb8;
	[tilespmem:$0x4A90] =	vst v63  }
0x40: {  	_ = 	snop  }
0x41: {  	[spmem:s1] =	stream.indirect.scatter.add.f32 [tilespmem:s21], [sflag:$0x2], $0x10, s26, s24, $0xb8;
	[tilespmem:$0x4A90] =	vst v63  }
0x42: {  	_ = 	snop  }
0x43: {  	[spmem:s1] =	stream.indirect.scatter.add.f32 [tilespmem:s21], [sflag:$0x2], $0x10, s28, s24, $0xb8;
	[tilespmem:$0x4A90] =	vst v63  }
0x44: {  	s30 =	simm.s32 $0x29A0  }
0x45: {  	[spmem:s1] =	stream.indirect.scatter.add.f32 [tilespmem:s21], [sflag:$0x2], $0x10, s30, s24, $0xb8;
	[tilespmem:$0x4A90] =	vst v63  }
0x46: {  	s30 =	simm.s32 $0x820;
	_ =	swait.ge [sflag:s22], $0x640  }
.LBB2_2:
0x47: {  	s31 =	sshra.s32 s30, $0x2;
	[sflag:s22] =	ssyncset.done $0x0;
	p0 =	sne.s32 s30, $0x4FA0  }
.Ltmp0:
0x48: {  	s31 =	sadd.s32 $0x2800, s31;
	[sflag:s22] =	ssyncadd.s32 $0xFFFFF9C0;
	(pc) =	sbr.rel @p0 .LBB2_2-.Ltmp0, $3  }
0x49: {  	[spmem:s1] =	stream.indirect.scatter.add.f32 [tilespmem:s21], [sflag:$0x2], $0x10, s31, s24, $0xb8;
	[tilespmem:$0x4A90] =	vst v63  }
0x4a: {  	s30 =	sadd.s32 $0x1A0, s30;
	_ =	sdelay $0x1  }
0x4b: {  	_ =	swait.ge [sflag:s22], $0x640  }
0x4c: {  	[sflag:s22] =	ssyncset.done $0x0  }
0x4d: {  	[sflag:s22] =	ssyncadd.s32 $0xFFFFF9C0  }
0x4e: {  	_ =	swait.ge [sflag:s22], $0x640  }
0x4f: {  	[sflag:s22] =	ssyncset.done $0x0  }
0x50: {  	[sflag:s22] =	ssyncadd.s32 $0xFFFFF9C0  }
0x51: {  	_ =	swait.ge [sflag:s22], $0x640  }
0x52: {  	[sflag:s22] =	ssyncset.done $0x0  }
0x53: {  	[sflag:s22] =	ssyncadd.s32 $0xFFFFF9C0  }
0x54: {  	_ =	swait.ge [sflag:s22], $0x640  }
0x55: {  	[sflag:s22] =	ssyncset.done $0x0  }
0x56: {  	[sflag:s22] =	ssyncadd.s32 $0xFFFFF9C0  }
0x57: {  	_ =	swait.ge [sflag:s22], $0x640  }
0x58: {  	[sflag:s22] =	ssyncset.done $0x0  }
0x59: {  	[sflag:s22] =	ssyncadd.s32 $0xFFFFF9C0  }
0x5a: {  	[bflag:$0x0] =	sbarrier.arrive $0xFFFF  }
0x5b: {  	[tilespmem:s19], [sflag:$0x3] =	stream.linear.gather [spmem:s7], $0x800, $0x38;
	[tilespmem:$0x4A90] =	vst v63  }
0x5c: {  	_ =	swait.ge [sflag:s20], $0x800  }
0x5d: {  	[sflag:s20] =	ssyncset.done $0x0  }
0x5e: {  	[sflag:s20] =	ssyncadd.s32 $0xFFFFF800  }
0x5f: {  	[hbm4b:s13+s3] =	stream.linear.scatter [tilespmem:s19], [sflag:$0x3], $0x800, $0x38;
	[tilespmem:$0x4A90] =	vst v63  }
0x60: {  	_ =	swait.ge [sflag:s20], $0x800  }
0x61: {  	[sflag:s20] =	ssyncset.done $0x0  }
0x62: {  	[sflag:s20] =	ssyncadd.s32 $0xFFFFF800  }
0x63: {  	[tilespmem:s19], [sflag:$0x3] =	stream.linear.gather [spmem:s8], $0x800, $0x38;
	[tilespmem:$0x4A90] =	vst v63  }
0x64: {  	_ =	swait.ge [sflag:s20], $0x800  }
0x65: {  	[sflag:s20] =	ssyncset.done $0x0  }
0x66: {  	[sflag:s20] =	ssyncadd.s32 $0xFFFFF800  }
0x67: {  	[hbm4b:s14+s3] =	stream.linear.scatter [tilespmem:s19], [sflag:$0x3], $0x800, $0x38;
	[tilespmem:$0x4A90] =	vst v63  }
0x68: {  	_ =	swait.ge [sflag:s20], $0x800  }
0x69: {  	[sflag:s20] =	ssyncset.done $0x0  }
0x6a: {  	[sflag:s20] =	ssyncadd.s32 $0xFFFFF800  }
0x6b: {  	[tilespmem:s19], [sflag:$0x3] =	stream.linear.gather [spmem:s9], $0x800, $0x38;
	[tilespmem:$0x4A90] =	vst v63  }
0x6c: {  	_ =	swait.ge [sflag:s20], $0x800  }
0x6d: {  	[sflag:s20] =	ssyncset.done $0x0  }
0x6e: {  	[sflag:s20] =	ssyncadd.s32 $0xFFFFF800  }
0x6f: {  	[hbm4b:s15+s3] =	stream.linear.scatter [tilespmem:s19], [sflag:$0x3], $0x800, $0x38;
	[tilespmem:$0x4A90] =	vst v63  }
0x70: {  	_ =	swait.ge [sflag:s20], $0x800  }
0x71: {  	[sflag:s20] =	ssyncset.done $0x0  }
0x72: {  	[sflag:s20] =	ssyncadd.s32 $0xFFFFF800  }
0x73: {  	[tilespmem:s19], [sflag:$0x3] =	stream.linear.gather [spmem:s10], $0x800, $0x38;
	[tilespmem:$0x4A90] =	vst v63  }
0x74: {  	_ =	swait.ge [sflag:s20], $0x800  }
0x75: {  	[sflag:s20] =	ssyncset.done $0x0  }
0x76: {  	[sflag:s20] =	ssyncadd.s32 $0xFFFFF800  }
0x77: {  	[hbm4b:s16+s3] =	stream.linear.scatter [tilespmem:s19], [sflag:$0x3], $0x800, $0x38;
	[tilespmem:$0x4A90] =	vst v63  }
0x78: {  	_ =	swait.ge [sflag:s20], $0x800  }
0x79: {  	[sflag:s20] =	ssyncset.done $0x0  }
0x7a: {  	[sflag:s20] =	ssyncadd.s32 $0xFFFFF800  }
0x7b: {  	[tilespmem:s19], [sflag:$0x3] =	stream.linear.gather [spmem:s11], $0x800, $0x38;
	[tilespmem:$0x4A90] =	vst v63  }
0x7c: {  	s29 =	sadd.s32 $0x1, s29;
	_ =	swait.ge [sflag:s20], $0x800  }
0x7d: {  	p0 =	sne.s32 s29, s12;
	[sflag:s20] =	ssyncset.done $0x0  }
.Ltmp1:
0x7e: {  	[sflag:s20] =	ssyncadd.s32 $0xFFFFF800;
	(pc) =	sbr.rel @p0 .LBB2_1-.Ltmp1, $4  }
0x7f: {  	[hbm4b:s17+s3] =	stream.linear.scatter [tilespmem:s19], [sflag:$0x3], $0x800, $0x38;
	[tilespmem:$0x4A90] =	vst v63  }
0x80: {  	_ =	swait.ge [sflag:s20], $0x800  }
0x81: {  	[sflag:s20] =	ssyncset.done $0x0  }
0x82: {  	[sflag:s20] =	ssyncadd.s32 $0xFFFFF800  }
0x83: {  	_ =	sfence.sel $0x180000  }
0x84: {  	[bflag:$0x0] =	sbarrier.arrive $0xFFFF  }
0x85: {  	p0 =	sne.s32 s2, $0x0;
	_ =	strace $0x90000047  }
0x86: {  	s0 =	sadd.s32 @!p0 $0x100000, s0;
	[bflag:$0x2] =	sbarrier.arrive $0xFFFF  }
0x87: {  	[sflag:s0] =	ssyncadd.tile.s32 @!p0 $0x1;
	_ =	shalt  }
.Lfunc_end2:
_tile_overlayer_lowered:
.L_overlay_start_2:
0x88: {  	(tag) =	ssettag $0x2  }
0x89: {  	s0 =	rddreg [dreg:$0x0];
	s2 =	stileid.u32  }
0x8a: {  	s1 =	rddreg [dreg:$0x1];
	p0 =	sne.s32 s2, $0x0  }
0x8b: {  	s3 =	rddreg [dreg:$0x2];
	[bflag:$0x3] =	sbarrier.arrive $0xFFFF;
	s2 =	simm.s32 @!p0 $0x1C03  }
0x8c: {  	[timem:s3], [sflag:s2] =	dma.local @!p0 [hbm:s0], s1  }
0x8d: {  	s0 =	simm.s32 @!p0 $0x3  }
0x8e: {  	_ =	swait.ge @!p0 [sflag:s0], s1  }
0x8f: {  	s1 =	ssub.s32 @!p0 $0x0, s1;
	[sflag:s0] =	ssyncset.done @!p0 $0x0  }
0x90: {  	[sflag:s0] =	ssyncadd.s32 @!p0 s1  }
0x91: {  	[bflag:$0x3] =	sbarrier.arrive $0xFFFF  }
0x92: {  	_ =	shalt  }

// kernel: sc_segsum.4.cloned.1.call-start
scs
__scs_entry_jumppad:
0x0: {  	(pc) =	sbr.rel $0x88, $3  }
0x1: {  	(tag) =	ssettag $0x0;
	lr =	simm.s32 $0x1  }
0x2: {  	[smem:$0x3F99] =	sst lr;
	_ =	strace $0xD0000000  }
0x3: {  	_ = 	snop  }
0x4: {  	_ = 	snop  }
0x5: {  	_ = 	snop  }
0x6: {  	_ = 	snop  }
0x7: {  	_ = 	snop  }
__scs_overlays_trampoline_lowered:
0x8: {  	[smem:$0x3FA8] =	sst s0  }
0x9: {  	[smem:$0x3FA9] =	sst s1  }
0xa: {  	[smem:$0x3FAA] =	sst s2  }
0xb: {  	[smem:$0x3FAB] =	sst s3  }
0xc: {  	[smem:$0x3FAC] =	sst s4  }
0xd: {  	[smem:$0x3FAD] =	sst s5  }
0xe: {  	[smem:$0x3FAE] =	sst s6  }
0xf: {  	[smem:$0x3FAF] =	sst s7  }
0x10: {  	[smem:$0x3FB0] =	sst s8  }
0x11: {  	[smem:$0x3FB1] =	sst s9;
	s0 =	simm.s32 @!p0 $0x0  }
0x12: {  	s1 =	sld [smem:$0x3F97];
	s0 =	simm.s32 @p0 $0x1  }
0x13: {  	[smem:$0x3FB2] =	sst s0;
	s0 =	simm.s32 @!p1 $0x0  }
0x14: {  	s2 =	sld [smem:$0x3F96];
	s0 =	simm.s32 @p1 $0x1  }
0x15: {  	[smem:$0x3FB3] =	sst s0;
	s0 =	simm.s32 @!p2 $0x0  }
0x16: {  	s3 =	sld [smem:$0x3FDB];
	s0 =	simm.s32 @p2 $0x1  }
0x17: {  	s4 =	simm.s32 $0x1BF5;
	[smem:$0x3FB5] =	sst s0  }
0x18: {  	s0 =	sld [smem:$0x3F98];
	_ =	swait.ge [sflag:s4], $0x0  }
0x19: {  	s7 =	sld [smem:$0x3F99]  }
0x1a: {  	s8 =	sadd.s32 $0xFFFFE003, lr  }
0x1b: {  	s9 =	sadd.s32 $0xFFFFFEF7, lr;
	s5 =	simm.s32 $0xFFFFFFFF;
	p2 =	slt.u32 s8, $0xFFFFF086  }
0x1c: {  	p1 =	slt.u32 s9, $0xF7A;
	s5 =	simm.s32 @!p2 $0x0  }
0x1d: {  	s5 =	simm.s32 @p1 $0x1;
	p0 =	seq.s32 s7, s2  }
0x1e: {  	s7 =	smul.u32 @!p0 $0xF7A, s2;
	p2 =	seq.s32 @!p0 s5, $0x0  }
0x1f: {  	s9 =	smul.u32 $0xF7A, s1;
	s8 =	simm.s32 @!p0 $0x1BF5;
	p2 =	por !p2, p0  }
0x20: {  	[sflag:s8] =	ssyncset.s32 @!p0 $0xFFFFF086;
	s6 =	sadd.s32 @!p0 s3, s7;
	s7 =	simm.s32 @!p0 $0x108  }
0x21: {  	s3 =	sadd.s32 s3, s9;
	s6 =	sadd.s32 @!p0 $0x88, s6;
	s7 =	simm.s32 @p2 $0x1082  }
0x22: {  	[simem:s7], [sflag:s8] =	dma.local @!p0 [hbm:s6], $0xF7A  }
0x23: {  	s9 =	sor.u32 $0xD0000000, s2;
	s6 =	simm.s32 $0x108;
	_ =	swait.ge @!p0 [sflag:s8], $0x0  }
0x24: {  	s3 =	sadd.s32 $0x88, s3;
	s6 =	simm.s32 @!p1 $0x1082;
	[sflag:s4] =	ssyncset.s32 $0xFFFFF086  }
0x25: {  	[simem:s6], [sflag:s4] =	dma.local [hbm:s3], $0xF7A  }
0x26: {  	[smem:$0x3F99] =	sst s1;
	(tag) =	ssettag s2;
	_ =	strace s9  }
0x27: {  	s1 =	sld [smem:$0x3FA9]  }
0x28: {  	s2 =	sld [smem:$0x3FAA]  }
0x29: {  	s4 =	sld [smem:$0x3FAC]  }
0x2a: {  	p0 =	seq.s32 s5, $0x0;
	s5 =	sld [smem:$0x3FAD]  }
0x2b: {  	s6 =	sld [smem:$0x3FAE]  }
0x2c: {  	s7 =	sld [smem:$0x3FAF]  }
0x2d: {  	s3 =	simm.s32 $0x108;
	s8 =	sld [smem:$0x3FB0]  }
0x2e: {  	s3 =	simm.s32 @!p0 $0x1082;
	s9 =	sld [smem:$0x3FB1]  }
0x2f: {  	lr =	sadd.s32 s0, s3;
	s0 =	sld [smem:$0x3FA8]  }
0x30: {  	s3 =	sld [smem:$0x3FAB]  }
0x31: {  	[smem:$0x3FB4] =	sst s10  }
0x32: {  	s10 =	sld [smem:$0x3FB2];
	_ =	sdelay $0x3  }
0x33: {  	p0 =	seq.s32 s10, $0x1;
	s10 =	sld [smem:$0x3FB4];
	_ =	sdelay $0x3  }
0x34: {  	[smem:$0x3FB4] =	sst s10  }
0x35: {  	s10 =	sld [smem:$0x3FB3];
	_ =	sdelay $0x3  }
0x36: {  	p1 =	seq.s32 s10, $0x1;
	s10 =	sld [smem:$0x3FB4];
	_ =	sdelay $0x3  }
0x37: {  	[smem:$0x3FB4] =	sst s10  }
0x38: {  	s10 =	sld [smem:$0x3FB5]  }
0x39: {  	_ = 	snop;
	(pc) =	sbr.ind lr, $3  }
0x3a: {  	_ = 	snop  }
0x3b: {  	_ = 	snop  }
0x3c: {  	p2 =	seq.s32 s10, $0x1;
	s10 =	sld [smem:$0x3FB4]  }
0x3d: {  	_ =	shalt  }
0x3e: {  	_ =	shalt  }
0x3f: {  	_ =	shalt  }
0x40: {  	_ =	shalt  }
0x41: {  	_ =	shalt  }
0x42: {  	_ =	shalt  }
0x43: {  	_ =	shalt  }
0x44: {  	_ =	shalt  }
0x45: {  	_ =	shalt  }
0x46: {  	_ =	shalt  }
0x47: {  	_ =	shalt  }
0x48: {  	_ =	shalt  }
0x49: {  	_ =	shalt  }
0x4a: {  	_ =	shalt  }
0x4b: {  	_ =	shalt  }
0x4c: {  	_ =	shalt  }
0x4d: {  	_ =	shalt  }
0x4e: {  	_ =	shalt  }
0x4f: {  	_ =	shalt  }
0x50: {  	_ =	shalt  }
0x51: {  	_ =	shalt  }
0x52: {  	_ =	shalt  }
0x53: {  	_ =	shalt  }
0x54: {  	_ =	shalt  }
0x55: {  	_ =	shalt  }
0x56: {  	_ =	shalt  }
0x57: {  	_ =	shalt  }
0x58: {  	_ =	shalt  }
0x59: {  	_ =	shalt  }
0x5a: {  	_ =	shalt  }
0x5b: {  	_ =	shalt  }
0x5c: {  	_ =	shalt  }
0x5d: {  	_ =	shalt  }
0x5e: {  	_ =	shalt  }
0x5f: {  	_ =	shalt  }
0x60: {  	_ =	shalt  }
0x61: {  	_ =	shalt  }
0x62: {  	_ =	shalt  }
0x63: {  	_ =	shalt  }
0x64: {  	_ =	shalt  }
0x65: {  	_ =	shalt  }
0x66: {  	_ =	shalt  }
0x67: {  	_ =	shalt  }
0x68: {  	_ =	shalt  }
0x69: {  	_ =	shalt  }
0x6a: {  	_ =	shalt  }
0x6b: {  	_ =	shalt  }
0x6c: {  	_ =	shalt  }
0x6d: {  	_ =	shalt  }
0x6e: {  	_ =	shalt  }
0x6f: {  	_ =	shalt  }
0x70: {  	_ =	shalt  }
0x71: {  	_ =	shalt  }
0x72: {  	_ =	shalt  }
0x73: {  	_ =	shalt  }
0x74: {  	_ =	shalt  }
0x75: {  	_ =	shalt  }
0x76: {  	_ =	shalt  }
0x77: {  	_ =	shalt  }
0x78: {  	_ =	shalt  }
0x79: {  	_ =	shalt  }
0x7a: {  	_ =	shalt  }
0x7b: {  	_ =	shalt  }
0x7c: {  	_ =	shalt  }
0x7d: {  	_ =	shalt  }
0x7e: {  	_ =	shalt  }
0x7f: {  	_ =	shalt  }
0x80: {  	_ =	shalt  }
0x81: {  	_ =	shalt  }
0x82: {  	_ =	shalt  }
0x83: {  	_ =	shalt  }
0x84: {  	_ =	shalt  }
0x85: {  	_ =	shalt  }
0x86: {  	_ =	shalt  }
0x87: {  	_ =	shalt  }
.Lfunc_end0:
.L_simem_size_0:
called_computation.1_lowered:
.L_overlay_start_0:
0x88: {  	s2 =	sld [smem:$0x3FD9]  }
0x89: {  	s3 =	sld [smem:$0x3FFE];
	_ =	sdelay $0x1  }
0x8a: {  	s1 =	srdreg.scid  }
0x8b: {  	s0 =	sand.u32 $0x1, s1  }
0x8c: {  	s17 =	sshll.u32 s0, $0xA;
	s2 =	sadd.s32 s3, s2  }
0x8d: {  	s2 =	sadd.s32 s2, s17  }
0x8e: {  	[smem:$0x3FC0] =	sst s2  }
0x8f: {  	_ = 	snop  }
0x90: {  	(tm) =	ssettm $0x1  }
0x91: {  	s18 =	sld [smem:$0x3FFB];
	_ =	sdelay $0x3  }
0x92: {  	_ =	strace s18  }
0x93: {  	s2 =	sld [smem:$0x3FFC];
	_ =	sdelay $0x3  }
0x94: {  	_ =	strace s2  }
0x95: {  	s2 =	sld [smem:$0x3FFD];
	_ =	sdelay $0x3  }
0x96: {  	_ =	strace s2  }
0x97: {  	_ =	strace $0x8FFFFFFF  }
0x98: {  	s19 =	sld [smem:$0x3FDB];
	_ =	sdelay $0x1  }
0x99: {  	s20 =	simm.s32 $_scs_section_size  }
0x9a: {  	s4 =	simm.s32 $_size__tile_overlayer_lowered;
	s5 =	simm.s32 $_tile_overlayer_lowered  }
0x9b: {  	s6 =	simm.s32 $0x1BFF;
	s21 =	sshll.u32 s5, $0x1;
	s3 =	sadd.s32 s20, s19  }
0x9c: {  	s22 =	simm.s32 $0x0;
	s4 =	sshll.u32 s4, $0x1;
	s5 =	sadd.s32 s21, s3  }
0x9d: {  	[timem:s22], [sflag:s6] =	dma.local [hbm:s5], s4  }
0x9e: {  	_ =	swait.ge [sflag:s6], s4  }
0x9f: {  	s4 =	ssub.s32 $0x0, s4;
	[sflag:s6] =	ssyncset.done $0x0  }
0xa0: {  	[sflag:s6] =	ssyncadd.s32 s4;
	_ =	sdelay $0x1  }
0xa1: {  	s23 =	simm.s32 $0x1B8B  }
0xa2: {  	_ =	swait.ge [sflag:s23], $0x1  }
0xa3: {  	[sflag:s23] =	ssyncset.done $0x0  }
0xa4: {  	[sflag:s23] =	ssyncadd.s32 $0xFFFFFFFF  }
0xa5: {  	s4 =	sld [smem:$0x0]  }
0xa6: {  	s5 =	sand.u32 $0xFFFFFFFE, s1  }
0xa7: {  	p0 =	sne.s32 s1, s5  }
0xa8: {  	s5 =	sshll.u32 @p0 s5, $0xE  }
0xa9: {  	s5 =	sadd.s32 @p0 $0x11B8D, s5;
	s6 =	sshll.u32 @p0 s4, $0x11  }
0xaa: {  	s5 =	sor.u32 @p0 s6, s5  }
0xab: {  	[sflag:s5] =	ssyncadd.remote.s32 @p0 $0x1;
	_ =	sdelay $0x1  }
0xac: {  	s5 =	simm.s32 @p0 $0x1B8D  }
0xad: {  	_ =	swait.eq @p0 [sflag:s5], $0x1  }
0xae: {  	[sflag:s5] =	ssyncadd.s32 @p0 $0xFFFFFFFF  }
0xaf: {  	s6 =	sshll.u32 @!p0 s1, $0xE  }
0xb0: {  	s6 =	sor.u32 @!p0 $0x4000, s6;
	s5 =	simm.s32 @!p0 $0x1B8D  }
0xb1: {  	s4 =	sshll.u32 @!p0 s4, $0x11;
	s6 =	sadd.s32 @!p0 $0x11B8D, s6;
	_ =	swait.eq @!p0 [sflag:s5], $0x1  }
0xb2: {  	s4 =	sor.u32 @!p0 s4, s6;
	[sflag:s5] =	ssyncadd.s32 @!p0 $0xFFFFFFFF  }
0xb3: {  	s25 =	simm.s32 $0x1B8E;
	s24 =	sld [smem:$0x3FFE];
	[sflag:s4] =	ssyncadd.remote.s32 @!p0 $0x1  }
0xb4: {  	s26 =	simm.s32 $execute0_lowered;
	[smem:$0x3FD2] =	sst s25  }
0xb5: {  	s5 =	sshll.u32 s26, $0x1;
	_ =	strace $0x80000049;
	[dreg:$0x1] =	wrdreg $0xFFFFFFFF  }
0xb6: {  	s28 =	simm.s32 $_size_execute0_lowered;
	s3 =	sadd.s32 s3, s5;
	[dreg:$0x0] =	wrdreg $0x0  }
0xb7: {  	s5 =	sshll.u32 s28, $0x1;
	[dreg:$0x2] =	wrdreg s3  }
0xb8: {  	[dreg:$0x3] =	wrdreg s5  }
0xb9: {  	[dreg:$0x4] =	wrdreg $0xC0  }
0xba: {  	_ =	task [dreg:s22], $0x5FFFF  }
0xbb: {  	[dreg:$0x1] =	wrdreg $0xFFFFFFFF  }
0xbc: {  	[dreg:$0x0] =	wrdreg $0x60  }
0xbd: {  	[dreg:$0x2] =	wrdreg s24  }
0xbe: {  	[dreg:$0x3] =	wrdreg $0x0  }
0xbf: {  	[dreg:$0x4] =	wrdreg $0xA  }
0xc0: {  	_ =	task.clear_ibuf [dreg:s22], $0x5FFFF;
	_ =	strace $0x90000049  }
0xc1: {  	s29 =	simm.s32 $0xA;
	_ =	strace $0x8000004B  }
0xc2: {  	_ =	swait.ge [sflag:s29], $0x1  }
0xc3: {  	[sflag:s29] =	ssyncadd.s32 $0xFFFFFFFF  }
0xc4: {  	_ =	strace $0x9000004B  }
0xc5: {  	_ =	sfence  }
0xc6: {  	s30 =	sld [smem:$0x0];
	_ =	sdelay $0x2  }
0xc7: {  	s31 =	sshll.u32 s1, $0xD;
	s1 =	sshrl.u32 s1, $0x2  }
0xc8: {  	s4 =	sand.u32 $0x4000, s31;
	s1 =	sadd.s32 s1, s30  }
0xc9: {  	s0 =	sor.u32 s4, s0;
	s1 =	sshll.u32 s1, $0x11  }
0xca: {  	s0 =	sor.u32 s1, s0  }
0xcb: {  	s0 =	sadd.s32 $0x8F2B, s0  }
0xcc: {  	[sflag:s0] =	ssyncadd.remote.s32 $0x1  }
0xcd: {  	_ =	sfence.sel $0xFFFF  }
0xce: {  	[dreg:$0x0] =	wrdreg $0xFFFFFFFF;
	(pc) =	sbr.abs _section_cstart, $3  }
0xcf: {  	[dreg:$0x1] =	wrdreg $0xFFFFFFFF  }
0xd0: {  	_ =	task.clear_ibuf [dreg:s22], $0x2FFFF;
	_ =	strace $0x9FFFFFFF  }
0xd1: {  	(tm) =	ssettm $0x7FFFFFFF  }
tec
execute0_lowered:
.L_overlay_start_1:
0x0: {  	(tag) =	ssettag $0x1  }
0x1: {  	s2 =	srdreg.scid;
	s0 =	rddreg [dreg:$0x0]  }
0x2: {  	s1 =	simm.s32 $0x0;
	s7 =	stileid.u32;
	s3 =	sand.u32 $0x1, s2  }
0x3: {  	s18 =	simm.s32 $0x3A800;
	[smem:$0x7FF] =	sst s1;
	s2 =	sshll.u32 s3, $0x4  }
0x4: {  	s4 =	ssub.s32 $0x2, s3;
	p0 =	seq.s32 s3, $0x0;
	s5 =	sor.u32 s7, s2  }
0x5: {  	s6 =	sshrl.u32 s4, $0x1;
	s2 =	smul.u32 $0x14000, s7;
	s18 =	simm.s32 @!p0 $0x62800  }
0x6: {  	s5 =	smul.u32 $0x1450, s5;
	s9 =	ssub.s32 s4, s6;
	s23 =	sadd.s32 s18, s0  }
0x7: {  	s4 =	sor.u32 $0x1400, s2;
	s6 =	sor.u32 $0x2800, s2;
	s7 =	sor.u32 $0x3C00, s2  }
0x8: {  	s29 =	sadd.s32 $0x5000, s2;
	s10 =	sadd.s32 $0x6400, s2;
	s11 =	sadd.s32 $0x7800, s2  }
0x9: {  	s12 =	sadd.s32 $0x8C00, s2;
	s13 =	sadd.s32 $0xA000, s2;
	s25 =	sshrl.u32 s2, $0x3  }
0xa: {  	s14 =	sadd.s32 $0xB400, s2;
	s16 =	sshrl.u32 s4, $0x3;
	s3 =	sadd.s32 s23, s25  }
0xb: {  	s17 =	sshrl.u32 s6, $0x3;
	[dreg:$0x3] =	wrdreg s3;
	s8 =	sadd.s32 s23, s16  }
0xc: {  	s19 =	sshrl.u32 s7, $0x3;
	s16 =	sadd.s32 s23, s17;
	[dreg:$0x4] =	wrdreg s8  }
0xd: {  	s20 =	sshrl.u32 s29, $0x3;
	s17 =	sadd.s32 s23, s19;
	[dreg:$0x5] =	wrdreg s16  }
0xe: {  	s21 =	sshrl.u32 s10, $0x3;
	s19 =	sadd.s32 s23, s20;
	[dreg:$0x6] =	wrdreg s17  }
0xf: {  	s22 =	sshrl.u32 s11, $0x3;
	s20 =	sadd.s32 s23, s21;
	[dreg:$0x7] =	wrdreg s19  }
0x10: {  	s26 =	sshrl.u32 s12, $0x3;
	s21 =	sadd.s32 s23, s22;
	[dreg:$0x8] =	wrdreg s20  }
0x11: {  	s24 =	sshrl.u32 s13, $0x3;
	s22 =	sadd.s32 s23, s26;
	[dreg:$0x9] =	wrdreg s21  }
0x12: {  	s25 =	sshrl.u32 s14, $0x3;
	s24 =	sadd.s32 s23, s24;
	[dreg:$0xa] =	wrdreg s22  }
0x13: {  	s15 =	sadd.s32 $0xC800, s2;
	s3 =	sadd.s32 s23, s25;
	[dreg:$0xb] =	wrdreg s24  }
0x14: {  	s26 =	sshrl.u32 s15, $0x3;
	s25 =	sshrl.u32 s5, $0x3;
	[dreg:$0xc] =	wrdreg s3  }
0x15: {  	s17 =	sadd.s32 $0xDC00, s2;
	s3 =	sadd.s32 s23, s26;
	s19 =	sadd.s32 $0xF000, s2  }
0x16: {  	s21 =	sadd.s32 $0x10400, s2;
	s22 =	sadd.s32 $0x11800, s2;
	s8 =	sshrl.u32 s17, $0x3  }
0x17: {  	[dreg:$0xd] =	wrdreg s3;
	s16 =	sshrl.u32 s19, $0x3;
	s3 =	sadd.s32 s23, s8  }
0x18: {  	s18 =	sshrl.u32 s21, $0x3;
	[dreg:$0xe] =	wrdreg s3;
	s3 =	sadd.s32 s23, s16  }
0x19: {  	s20 =	sshrl.u32 s22, $0x3;
	s8 =	sadd.s32 $0x12C00, s2;
	[dreg:$0xf] =	wrdreg s3  }
0x1a: {  	s24 =	sshrl.u32 s8, $0x3;
	s3 =	sadd.s32 s23, s18;
	s18 =	rddreg [dreg:$0x1]  }
0x1b: {  	[dreg:$0x10] =	wrdreg s3;
	s3 =	sadd.s32 s23, s20;
	s20 =	sadd.s32 $0x13200, s0  }
0x1c: {  	s5 =	sadd.s32 s4, s18;
	s28 =	sadd.s32 s6, s18;
	s29 =	sadd.s32 s29, s18  }
0x1d: {  	s31 =	sadd.s32 s10, s18;
	s16 =	sadd.s32 s11, s18;
	s4 =	sadd.s32 s15, s18  }
0x1e: {  	s6 =	sadd.s32 s19, s18;
	s30 =	sadd.s32 s22, s18;
	s15 =	simm.s32 $0x3  }
0x1f: {  	s19 =	simm.s32 $0x16800;
	s22 =	simm.s32 $0x2;
	s10 =	simm.s32 $0x0  }
0x20: {  	[dreg:$0x11] =	wrdreg s3;
	s3 =	sadd.s32 s23, s24;
	s24 =	sadd.s32 s2, s18  }
0x21: {  	s11 =	smov.u32 s5;
	s2 =	sadd.s32 s13, s18;
	s5 =	sadd.s32 s17, s18  }
0x22: {  	s23 =	smax.u32 s9, $0x1;
	s13 =	simm.s32 $0x4;
	s17 =	simm.s32 $0x64  }
0x23: {  	[dreg:$0x12] =	wrdreg s3;
	s3 =	sadd.s32 s25, s0;
	s0 =	sadd.s32 $0x3A400, s0  }
0x24: {  	s25 =	sadd.s32 s7, s18;
	_ =	strace $0x8000004A;
	[dreg:$0x13] =	wrdreg s0  }
0x25: {  	s7 =	sadd.s32 s21, s18;
	s21 =	simm.s32 $0x19A00;
	[dreg:$0x18] =	wrdreg s23  }
0x26: {  	s26 =	sadd.s32 $0x3A00, s3;
	s3 =	sadd.s32 $0x8B40, s3;
	[dreg:$0x16] =	wrdreg s25  }
0x27: {  	s0 =	sadd.s32 s12, s18;
	s12 =	simm.s32 $0x14000;
	[dreg:$0x14] =	wrdreg s26  }
0x28: {  	s23 =	simm.s32 $0x15400;
	[dreg:$0x15] =	wrdreg s3;
	s26 =	sadd.s32 s8, s18  }
0x29: {  	s3 =	sadd.s32 s14, s18;
	s14 =	simm.s32 $0x1;
	[dreg:$0x17] =	wrdreg s26  }
.LBB2_1:
0x2a: {  	s9 =	rddreg [dreg:$0x14];
	s8 =	simm.s32 $0x1CC00  }
0x2b: {  	[tilespmem:s8], [sflag:$0x3] =	stream.linear.gather [hbm4b:s9+s1], $0x1450, $0x38;
	[tilespmem:$0x1F4A0] =	vst v63  }
0x2c: {  	s9 =	rddreg [dreg:$0x15];
	s8 =	simm.s32 $0x1E050  }
0x2d: {  	[tilespmem:s8], [sflag:$0x3] =	stream.linear.gather [hbm4b:s9+s1], $0x1450, $0x38;
	[tilespmem:$0x1F4A0] =	vst v63  }
0x2e: {  	s8 =	rddreg [dreg:$0x13]  }
0x2f: {  	[tilespmem:s12], [sflag:$0x4] =	stream.linear.gather [hbm4b:s8+s1], $0x1400, $0x38;
	[tilespmem:$0x1F4A0] =	vst v63  }
0x30: {  	_ =	swait.ge [sflag:s13], $0x1400  }
0x31: {  	[sflag:s13] =	ssyncset.done $0x0  }
0x32: {  	s8 =	smov.u32 s7;
	s7 =	smov.u32 s6;
	[sflag:s13] =	ssyncadd.s32 $0xFFFFEC00  }
0x33: {  	[spmem:s24] =	stream.linear.scatter [tilespmem:s12], [sflag:$0x1], $0x1400, $0x38;
	[tilespmem:$0x1F4A0] =	vst v63  }
0x34: {  	s6 =	smov.u32 s5;
	s5 =	smov.u32 s4;
	s4 =	smov.u32 s3  }
0x35: {  	[spmem:s11] =	stream.linear.scatter [tilespmem:s12], [sflag:$0x1], $0x1400, $0x38;
	[tilespmem:$0x1F4A0] =	vst v63  }
0x36: {  	s3 =	smov.u32 s2;
	s2 =	smov.u32 s0;
	s0 =	smov.u32 s16  }
0x37: {  	[spmem:s28] =	stream.linear.scatter [tilespmem:s12], [sflag:$0x1], $0x1400, $0x38;
	[tilespmem:$0x1F4A0] =	vst v63  }
0x38: {  	s16 =	smov.u32 s31;
	s31 =	smov.u32 s29;
	s29 =	smov.u32 s25  }
0x39: {  	[spmem:s29] =	stream.linear.scatter [tilespmem:s12], [sflag:$0x1], $0x1400, $0x38;
	[tilespmem:$0x1F4A0] =	vst v63  }
0x3a: {  	s29 =	smov.u32 s31  }
0x3b: {  	[spmem:s29] =	stream.linear.scatter [tilespmem:s12], [sflag:$0x1], $0x1400, $0x38;
	[tilespmem:$0x1F4A0] =	vst v63  }
0x3c: {  	s31 =	smov.u32 s16  }
0x3d: {  	[spmem:s31] =	stream.linear.scatter [tilespmem:s12], [sflag:$0x1], $0x1400, $0x38;
	[tilespmem:$0x1F4A0] =	vst v63  }
0x3e: {  	s16 =	smov.u32 s0  }
0x3f: {  	[spmem:s16] =	stream.linear.scatter [tilespmem:s12], [sflag:$0x1], $0x1400, $0x38;
	[tilespmem:$0x1F4A0] =	vst v63  }
0x40: {  	s0 =	smov.u32 s2  }
0x41: {  	[spmem:s0] =	stream.linear.scatter [tilespmem:s12], [sflag:$0x1], $0x1400, $0x38;
	[tilespmem:$0x1F4A0] =	vst v63  }
0x42: {  	s2 =	smov.u32 s3  }
0x43: {  	[spmem:s2] =	stream.linear.scatter [tilespmem:s12], [sflag:$0x1], $0x1400, $0x38;
	[tilespmem:$0x1F4A0] =	vst v63  }
0x44: {  	s3 =	smov.u32 s4  }
0x45: {  	[spmem:s3] =	stream.linear.scatter [tilespmem:s12], [sflag:$0x1], $0x1400, $0x38;
	[tilespmem:$0x1F4A0] =	vst v63  }
0x46: {  	s4 =	smov.u32 s5  }
0x47: {  	[spmem:s4] =	stream.linear.scatter [tilespmem:s12], [sflag:$0x1], $0x1400, $0x38;
	[tilespmem:$0x1F4A0] =	vst v63  }
0x48: {  	s5 =	smov.u32 s6  }
0x49: {  	[spmem:s5] =	stream.linear.scatter [tilespmem:s12], [sflag:$0x1], $0x1400, $0x38;
	[tilespmem:$0x1F4A0] =	vst v63  }
0x4a: {  	s6 =	smov.u32 s7  }
0x4b: {  	[spmem:s6] =	stream.linear.scatter [tilespmem:s12], [sflag:$0x1], $0x1400, $0x38;
	[tilespmem:$0x1F4A0] =	vst v63  }
0x4c: {  	_ = 	snop  }
0x4d: {  	[spmem:s8] =	stream.linear.scatter [tilespmem:s12], [sflag:$0x1], $0x1400, $0x38;
	[tilespmem:$0x1F4A0] =	vst v63  }
0x4e: {  	_ = 	snop  }
0x4f: {  	[spmem:s30] =	stream.linear.scatter [tilespmem:s12], [sflag:$0x1], $0x1400, $0x38;
	[tilespmem:$0x1F4A0] =	vst v63  }
0x50: {  	s9 =	smov.u32 s26  }
0x51: {  	[spmem:s9] =	stream.linear.scatter [tilespmem:s12], [sflag:$0x1], $0x1400, $0x38;
	[tilespmem:$0x1F4A0] =	vst v63  }
0x52: {  	_ =	swait.ge [sflag:s14], $0x1400  }
0x53: {  	[sflag:s14] =	ssyncset.done $0x0  }
0x54: {  	[sflag:s14] =	ssyncadd.s32 $0xFFFFEC00  }
0x55: {  	_ =	swait.ge [sflag:s14], $0x1400  }
0x56: {  	[sflag:s14] =	ssyncset.done $0x0  }
0x57: {  	[sflag:s14] =	ssyncadd.s32 $0xFFFFEC00  }
0x58: {  	_ =	swait.ge [sflag:s14], $0x1400  }
0x59: {  	[sflag:s14] =	ssyncset.done $0x0  }
0x5a: {  	[sflag:s14] =	ssyncadd.s32 $0xFFFFEC00  }
0x5b: {  	_ =	swait.ge [sflag:s14], $0x1400  }
0x5c: {  	[sflag:s14] =	ssyncset.done $0x0  }
0x5d: {  	[sflag:s14] =	ssyncadd.s32 $0xFFFFEC00  }
0x5e: {  	_ =	swait.ge [sflag:s14], $0x1400  }
0x5f: {  	[sflag:s14] =	ssyncset.done $0x0  }
0x60: {  	[sflag:s14] =	ssyncadd.s32 $0xFFFFEC00  }
0x61: {  	_ =	swait.ge [sflag:s14], $0x1400  }
0x62: {  	[sflag:s14] =	ssyncset.done $0x0  }
0x63: {  	[sflag:s14] =	ssyncadd.s32 $0xFFFFEC00  }
0x64: {  	_ =	swait.ge [sflag:s14], $0x1400  }
0x65: {  	[sflag:s14] =	ssyncset.done $0x0  }
0x66: {  	[sflag:s14] =	ssyncadd.s32 $0xFFFFEC00  }
0x67: {  	_ =	swait.ge [sflag:s14], $0x1400  }
0x68: {  	[sflag:s14] =	ssyncset.done $0x0  }
0x69: {  	[sflag:s14] =	ssyncadd.s32 $0xFFFFEC00  }
0x6a: {  	_ =	swait.ge [sflag:s14], $0x1400  }
0x6b: {  	[sflag:s14] =	ssyncset.done $0x0  }
0x6c: {  	[sflag:s14] =	ssyncadd.s32 $0xFFFFEC00  }
0x6d: {  	_ =	swait.ge [sflag:s14], $0x1400  }
0x6e: {  	[sflag:s14] =	ssyncset.done $0x0  }
0x6f: {  	[sflag:s14] =	ssyncadd.s32 $0xFFFFEC00  }
0x70: {  	_ =	swait.ge [sflag:s14], $0x1400  }
0x71: {  	[sflag:s14] =	ssyncset.done $0x0  }
0x72: {  	[sflag:s14] =	ssyncadd.s32 $0xFFFFEC00  }
0x73: {  	_ =	swait.ge [sflag:s14], $0x1400  }
0x74: {  	[sflag:s14] =	ssyncset.done $0x0  }
0x75: {  	[sflag:s14] =	ssyncadd.s32 $0xFFFFEC00  }
0x76: {  	_ =	swait.ge [sflag:s14], $0x1400  }
0x77: {  	[sflag:s14] =	ssyncset.done $0x0  }
0x78: {  	[sflag:s14] =	ssyncadd.s32 $0xFFFFEC00  }
0x79: {  	_ =	swait.ge [sflag:s14], $0x1400  }
0x7a: {  	[sflag:s14] =	ssyncset.done $0x0  }
0x7b: {  	[sflag:s14] =	ssyncadd.s32 $0xFFFFEC00  }
0x7c: {  	_ =	swait.ge [sflag:s14], $0x1400  }
0x7d: {  	[sflag:s14] =	ssyncset.done $0x0  }
0x7e: {  	[sflag:s14] =	ssyncadd.s32 $0xFFFFEC00  }
0x7f: {  	_ =	swait.ge [sflag:s14], $0x1400  }
0x80: {  	[sflag:s14] =	ssyncset.done $0x0  }
0x81: {  	[sflag:s14] =	ssyncadd.s32 $0xFFFFEC00  }
0x82: {  	_ =	swait.ge [sflag:s15], $0x1450  }
0x83: {  	[sflag:s15] =	ssyncset.done $0x0  }
0x84: {  	[sflag:s15] =	ssyncadd.s32 $0xFFFFEBB0  }
0x85: {  	_ =	swait.ge [sflag:s15], $0x1450  }
0x86: {  	[sflag:s15] =	ssyncset.done $0x0  }
0x87: {  	[sflag:s15] =	ssyncadd.s32 $0xFFFFEBB0  }
0x88: {  	s26 =	smov.u32 s11;
	s11 =	simm.s32 $0x1CC00;
	[bflag:$0x0] =	sbarrier.arrive $0xFFFF  }
0x89: {  	[tilespmem:s19], [sflag:$0x1] =	stream.indirect.gather [hbm4b:s20+s17], $0x80, s11, s17, $0xb8;
	[tilespmem:$0x1F4A0] =	vst v63  }
0x8a: {  	_ =	swait.ge [sflag:s14], $0x3200  }
0x8b: {  	[sflag:s14] =	ssyncset.done $0x0  }
0x8c: {  	s25 =	smov.u32 s24;
	s24 =	simm.s32 $0x1CC68;
	[sflag:s14] =	ssyncadd.s32 $0xFFFFCE00  }
0x8d: {  	[tilespmem:s21], [sflag:$0x1] =	stream.indirect.gather [hbm4b:s20+s17], $0x80, s24, s17, $0xb8;
	[tilespmem:$0x1F4A0] =	vst v63  }
0x8e: {  	s9 =	simm.s32 $0x1E050  }
0x8f: {  	[spmem:s18] =	stream.indirect.scatter.add.f32 [tilespmem:s19], [sflag:$0x2], $0x80, s9, s17, $0xb8;
	[tilespmem:$0x1F4A0] =	vst v63  }
0x90: {  	_ =	swait.ge [sflag:s14], $0x3200  }
0x91: {  	[sflag:s14] =	ssyncset.done $0x0  }
0x92: {  	[sflag:s14] =	ssyncadd.s32 $0xFFFFCE00  }
0x93: {  	_ =	swait.ge [sflag:s22], $0x3200  }
0x94: {  	[sflag:s22] =	ssyncset.done $0x0  }
0x95: {  	s11 =	simm.s32 $0x1CCD0;
	[sflag:s22] =	ssyncadd.s32 $0xFFFFCE00  }
0x96: {  	[tilespmem:s19], [sflag:$0x1] =	stream.indirect.gather [hbm4b:s20+s17], $0x80, s11, s17, $0xb8;
	[tilespmem:$0x1F4A0] =	vst v63  }
0x97: {  	s24 =	simm.s32 $0x1E0B8  }
0x98: {  	[spmem:s18] =	stream.indirect.scatter.add.f32 [tilespmem:s21], [sflag:$0x2], $0x80, s24, s17, $0xb8;
	[tilespmem:$0x1F4A0] =	vst v63  }
0x99: {  	_ =	swait.ge [sflag:s14], $0x3200  }
0x9a: {  	[sflag:s14] =	ssyncset.done $0x0  }
0x9b: {  	[sflag:s14] =	ssyncadd.s32 $0xFFFFCE00  }
0x9c: {  	_ =	swait.ge [sflag:s22], $0x3200  }
0x9d: {  	[sflag:s22] =	ssyncset.done $0x0  }
0x9e: {  	s7 =	smov.u32 s8;
	s8 =	simm.s32 $0x1CD38;
	[sflag:s22] =	ssyncadd.s32 $0xFFFFCE00  }
0x9f: {  	[tilespmem:s21], [sflag:$0x1] =	stream.indirect.gather [hbm4b:s20+s17], $0x80, s8, s17, $0xb8;
	[tilespmem:$0x1F4A0] =	vst v63  }
0xa0: {  	s11 =	simm.s32 $0x1E120  }
0xa1: {  	[spmem:s18] =	stream.indirect.scatter.add.f32 [tilespmem:s19], [sflag:$0x2], $0x80, s11, s17, $0xb8;
	[tilespmem:$0x1F4A0] =	vst v63  }
0xa2: {  	_ =	swait.ge [sflag:s14], $0x3200  }
0xa3: {  	[sflag:s14] =	ssyncset.done $0x0  }
0xa4: {  	[sflag:s14] =	ssyncadd.s32 $0xFFFFCE00  }
0xa5: {  	_ =	swait.ge [sflag:s22], $0x3200  }
0xa6: {  	s9 =	simm.s32 $0x1E188;
	[sflag:s22] =	ssyncset.done $0x0  }
0xa7: {  	s24 =	simm.s32 $0x1CDA0;
	s11 =	simm.s32 $0xFFFFB880;
	[sflag:s22] =	ssyncadd.s32 $0xFFFFCE00  }
0xa8: {  	[tilespmem:s19], [sflag:$0x1] =	stream.indirect.gather [hbm4b:s20+s17], $0x80, s24, s17, $0xb8;
	[tilespmem:$0x1F4A0] =	vst v63  }
.LBB2_2:
0xa9: {  	[spmem:s18] =	stream.indirect.scatter.add.f32 [tilespmem:s21], [sflag:$0x2], $0x80, s9, s17, $0xb8;
	[tilespmem:$0x1F4A0] =	vst v63  }
0xaa: {  	s9 =	smov.u32 s11;
	s11 =	sadd.s32 $0x340, s11;
	_ =	swait.ge [sflag:s14], $0x3200  }
0xab: {  	p0 =	sne.s32 s11, $0x0;
	[sflag:s14] =	ssyncset.done $0x0  }
0xac: {  	[sflag:s14] =	ssyncadd.s32 $0xFFFFCE00  }
0xad: {  	_ =	swait.ge [sflag:s22], $0x3200  }
0xae: {  	s9 =	sshra.s32 s9, $0x2;
	[sflag:s22] =	ssyncset.done $0x0  }
0xaf: {  	s24 =	sadd.s32 $0x1DFE8, s9;
	[sflag:s22] =	ssyncadd.s32 $0xFFFFCE00  }
0xb0: {  	[tilespmem:s21], [sflag:$0x1] =	stream.indirect.gather [hbm4b:s20+s17], $0x80, s24, s17, $0xb8;
	[tilespmem:$0x1F4A0] =	vst v63  }
0xb1: {  	s24 =	sadd.s32 $0x1F3D0, s9  }
0xb2: {  	[spmem:s18] =	stream.indirect.scatter.add.f32 [tilespmem:s19], [sflag:$0x2], $0x80, s24, s17, $0xb8;
	[tilespmem:$0x1F4A0] =	vst v63  }
0xb3: {  	_ =	swait.ge [sflag:s14], $0x3200  }
0xb4: {  	[sflag:s14] =	ssyncset.done $0x0  }
0xb5: {  	[sflag:s14] =	ssyncadd.s32 $0xFFFFCE00  }
.Ltmp0:
0xb6: {  	_ =	swait.ge [sflag:s22], $0x3200;
	(pc) =	sbr.rel @p0 .LBB2_2-.Ltmp0, $4  }
0xb7: {  	[sflag:s22] =	ssyncset.done $0x0  }
0xb8: {  	s24 =	sadd.s32 $0x1E050, s9;
	[sflag:s22] =	ssyncadd.s32 $0xFFFFCE00  }
0xb9: {  	[tilespmem:s19], [sflag:$0x1] =	stream.indirect.gather [hbm4b:s20+s17], $0x80, s24, s17, $0xb8;
	[tilespmem:$0x1F4A0] =	vst v63  }
0xba: {  	s9 =	sadd.s32 $0x1F438, s9  }
0xbb: {  	[spmem:s18] =	stream.indirect.scatter.add.f32 [tilespmem:s21], [sflag:$0x2], $0x80, s9, s17, $0xb8;
	[tilespmem:$0x1F4A0] =	vst v63  }
0xbc: {  	_ =	swait.ge [sflag:s14], $0x3200  }
0xbd: {  	[sflag:s14] =	ssyncset.done $0x0  }
0xbe: {  	[sflag:s14] =	ssyncadd.s32 $0xFFFFCE00  }
0xbf: {  	_ =	swait.ge [sflag:s22], $0x3200  }
0xc0: {  	s24 =	sshra.s32 s11, $0x2;
	[sflag:s22] =	ssyncset.done $0x0  }
0xc1: {  	s11 =	sadd.s32 $0x1DFE8, s24;
	[sflag:s22] =	ssyncadd.s32 $0xFFFFCE00  }
0xc2: {  	[tilespmem:s21], [sflag:$0x1] =	stream.indirect.gather [hbm4b:s20+s17], $0x80, s11, s17, $0xb8;
	[tilespmem:$0x1F4A0] =	vst v63  }
0xc3: {  	s9 =	sadd.s32 $0x1F3D0, s24  }
0xc4: {  	[spmem:s18] =	stream.indirect.scatter.add.f32 [tilespmem:s19], [sflag:$0x2], $0x80, s9, s17, $0xb8;
	[tilespmem:$0x1F4A0] =	vst v63  }
0xc5: {  	_ =	swait.ge [sflag:s14], $0x3200  }
0xc6: {  	[sflag:s14] =	ssyncset.done $0x0  }
0xc7: {  	[sflag:s14] =	ssyncadd.s32 $0xFFFFCE00  }
0xc8: {  	_ =	swait.ge [sflag:s22], $0x3200  }
0xc9: {  	[sflag:s22] =	ssyncset.done $0x0  }
0xca: {  	s8 =	simm.s32 $0x1F438;
	[sflag:s22] =	ssyncadd.s32 $0xFFFFCE00  }
0xcb: {  	[spmem:s18] =	stream.indirect.scatter.add.f32 [tilespmem:s21], [sflag:$0x2], $0x80, s8, s17, $0xb8;
	[tilespmem:$0x1F4A0] =	vst v63  }
0xcc: {  	_ =	swait.ge [sflag:s22], $0x3200  }
0xcd: {  	[sflag:s22] =	ssyncset.done $0x0  }
0xce: {  	[sflag:s22] =	ssyncadd.s32 $0xFFFFCE00  }
0xcf: {  	[bflag:$0x0] =	sbarrier.arrive $0xFFFF  }
0xd0: {  	[tilespmem:s12], [sflag:$0x4] =	stream.linear.gather [spmem:s25], $0x1400, $0x38;
	[tilespmem:$0x1F4A0] =	vst v63  }
0xd1: {  	_ =	swait.ge [sflag:s13], $0x1400  }
0xd2: {  	[sflag:s13] =	ssyncset.done $0x0  }
0xd3: {  	s11 =	rddreg [dreg:$0x3];
	[sflag:s13] =	ssyncadd.s32 $0xFFFFEC00  }
0xd4: {  	[hbm4b:s11+s1] =	stream.linear.scatter [tilespmem:s12], [sflag:$0x3], $0x1400, $0x38;
	[tilespmem:$0x1F4A0] =	vst v63  }
0xd5: {  	_ = 	snop  }
0xd6: {  	[tilespmem:s23], [sflag:$0x4] =	stream.linear.gather [spmem:s26], $0x1400, $0x38;
	[tilespmem:$0x1F4A0] =	vst v63  }
0xd7: {  	_ =	swait.ge [sflag:s13], $0x1400  }
0xd8: {  	[sflag:s13] =	ssyncset.done $0x0  }
0xd9: {  	s24 =	smov.u32 s25;
	s25 =	rddreg [dreg:$0x4];
	[sflag:s13] =	ssyncadd.s32 $0xFFFFEC00  }
0xda: {  	[hbm4b:s25+s1] =	stream.linear.scatter [tilespmem:s23], [sflag:$0x3], $0x1400, $0x38;
	[tilespmem:$0x1F4A0] =	vst v63  }
0xdb: {  	_ =	swait.ge [sflag:s15], $0x1400  }
0xdc: {  	[sflag:s15] =	ssyncset.done $0x0  }
0xdd: {  	[sflag:s15] =	ssyncadd.s32 $0xFFFFEC00  }
0xde: {  	[tilespmem:s12], [sflag:$0x4] =	stream.linear.gather [spmem:s28], $0x1400, $0x38;
	[tilespmem:$0x1F4A0] =	vst v63  }
0xdf: {  	_ =	swait.ge [sflag:s13], $0x1400  }
0xe0: {  	[sflag:s13] =	ssyncset.done $0x0  }
0xe1: {  	s11 =	smov.u32 s26;
	s26 =	rddreg [dreg:$0x5];
	[sflag:s13] =	ssyncadd.s32 $0xFFFFEC00  }
0xe2: {  	[hbm4b:s26+s1] =	stream.linear.scatter [tilespmem:s12], [sflag:$0x3], $0x1400, $0x38;
	[tilespmem:$0x1F4A0] =	vst v63  }
0xe3: {  	_ =	swait.ge [sflag:s15], $0x1400  }
0xe4: {  	[sflag:s15] =	ssyncset.done $0x0  }
0xe5: {  	s25 =	rddreg [dreg:$0x16];
	[sflag:s15] =	ssyncadd.s32 $0xFFFFEC00  }
0xe6: {  	[tilespmem:s23], [sflag:$0x4] =	stream.linear.gather [spmem:s25], $0x1400, $0x38;
	[tilespmem:$0x1F4A0] =	vst v63  }
0xe7: {  	_ =	swait.ge [sflag:s13], $0x1400  }
0xe8: {  	[sflag:s13] =	ssyncset.done $0x0  }
0xe9: {  	s8 =	rddreg [dreg:$0x6];
	[sflag:s13] =	ssyncadd.s32 $0xFFFFEC00  }
0xea: {  	[hbm4b:s8+s1] =	stream.linear.scatter [tilespmem:s23], [sflag:$0x3], $0x1400, $0x38;
	[tilespmem:$0x1F4A0] =	vst v63  }
0xeb: {  	_ =	swait.ge [sflag:s15], $0x1400  }
0xec: {  	[sflag:s15] =	ssyncset.done $0x0  }
0xed: {  	[sflag:s15] =	ssyncadd.s32 $0xFFFFEC00  }
0xee: {  	[tilespmem:s12], [sflag:$0x4] =	stream.linear.gather [spmem:s29], $0x1400, $0x38;
	[tilespmem:$0x1F4A0] =	vst v63  }
0xef: {  	_ =	swait.ge [sflag:s13], $0x1400  }
0xf0: {  	[sflag:s13] =	ssyncset.done $0x0  }
0xf1: {  	s26 =	rddreg [dreg:$0x7];
	[sflag:s13] =	ssyncadd.s32 $0xFFFFEC00  }
0xf2: {  	[hbm4b:s26+s1] =	stream.linear.scatter [tilespmem:s12], [sflag:$0x3], $0x1400, $0x38;
	[tilespmem:$0x1F4A0] =	vst v63  }
0xf3: {  	_ =	swait.ge [sflag:s15], $0x1400  }
0xf4: {  	[sflag:s15] =	ssyncset.done $0x0  }
0xf5: {  	[sflag:s15] =	ssyncadd.s32 $0xFFFFEC00  }
0xf6: {  	[tilespmem:s23], [sflag:$0x4] =	stream.linear.gather [spmem:s31], $0x1400, $0x38;
	[tilespmem:$0x1F4A0] =	vst v63  }
0xf7: {  	_ =	swait.ge [sflag:s13], $0x1400  }
0xf8: {  	[sflag:s13] =	ssyncset.done $0x0  }
0xf9: {  	s8 =	rddreg [dreg:$0x8];
	[sflag:s13] =	ssyncadd.s32 $0xFFFFEC00  }
0xfa: {  	[hbm4b:s8+s1] =	stream.linear.scatter [tilespmem:s23], [sflag:$0x3], $0x1400, $0x38;
	[tilespmem:$0x1F4A0] =	vst v63  }
0xfb: {  	_ =	swait.ge [sflag:s15], $0x1400  }
0xfc: {  	[sflag:s15] =	ssyncset.done $0x0  }
0xfd: {  	[sflag:s15] =	ssyncadd.s32 $0xFFFFEC00  }
0xfe: {  	[tilespmem:s12], [sflag:$0x4] =	stream.linear.gather [spmem:s16], $0x1400, $0x38;
	[tilespmem:$0x1F4A0] =	vst v63  }
0xff: {  	_ =	swait.ge [sflag:s13], $0x1400  }
0x100: {  	[sflag:s13] =	ssyncset.done $0x0  }
0x101: {  	s26 =	rddreg [dreg:$0x9];
	[sflag:s13] =	ssyncadd.s32 $0xFFFFEC00  }
0x102: {  	[hbm4b:s26+s1] =	stream.linear.scatter [tilespmem:s12], [sflag:$0x3], $0x1400, $0x38;
	[tilespmem:$0x1F4A0] =	vst v63  }
0x103: {  	_ =	swait.ge [sflag:s15], $0x1400  }
0x104: {  	[sflag:s15] =	ssyncset.done $0x0  }
0x105: {  	[sflag:s15] =	ssyncadd.s32 $0xFFFFEC00  }
0x106: {  	[tilespmem:s23], [sflag:$0x4] =	stream.linear.gather [spmem:s0], $0x1400, $0x38;
	[tilespmem:$0x1F4A0] =	vst v63  }
0x107: {  	_ =	swait.ge [sflag:s13], $0x1400  }
0x108: {  	[sflag:s13] =	ssyncset.done $0x0  }
0x109: {  	s8 =	rddreg [dreg:$0xa];
	[sflag:s13] =	ssyncadd.s32 $0xFFFFEC00  }
0x10a: {  	[hbm4b:s8+s1] =	stream.linear.scatter [tilespmem:s23], [sflag:$0x3], $0x1400, $0x38;
	[tilespmem:$0x1F4A0] =	vst v63  }
0x10b: {  	_ =	swait.ge [sflag:s15], $0x1400  }
0x10c: {  	[sflag:s15] =	ssyncset.done $0x0  }
0x10d: {  	[sflag:s15] =	ssyncadd.s32 $0xFFFFEC00  }
0x10e: {  	[tilespmem:s12], [sflag:$0x4] =	stream.linear.gather [spmem:s2], $0x1400, $0x38;
	[tilespmem:$0x1F4A0] =	vst v63  }
0x10f: {  	_ =	swait.ge [sflag:s13], $0x1400  }
0x110: {  	[sflag:s13] =	ssyncset.done $0x0  }
0x111: {  	s26 =	rddreg [dreg:$0xb];
	[sflag:s13] =	ssyncadd.s32 $0xFFFFEC00  }
0x112: {  	[hbm4b:s26+s1] =	stream.linear.scatter [tilespmem:s12], [sflag:$0x3], $0x1400, $0x38;
	[tilespmem:$0x1F4A0] =	vst v63  }
0x113: {  	_ =	swait.ge [sflag:s15], $0x1400  }
0x114: {  	[sflag:s15] =	ssyncset.done $0x0  }
0x115: {  	[sflag:s15] =	ssyncadd.s32 $0xFFFFEC00  }
0x116: {  	[tilespmem:s23], [sflag:$0x4] =	stream.linear.gather [spmem:s3], $0x1400, $0x38;
	[tilespmem:$0x1F4A0] =	vst v63  }
0x117: {  	_ =	swait.ge [sflag:s13], $0x1400  }
0x118: {  	[sflag:s13] =	ssyncset.done $0x0  }
0x119: {  	s8 =	rddreg [dreg:$0xc];
	[sflag:s13] =	ssyncadd.s32 $0xFFFFEC00  }
0x11a: {  	[hbm4b:s8+s1] =	stream.linear.scatter [tilespmem:s23], [sflag:$0x3], $0x1400, $0x38;
	[tilespmem:$0x1F4A0] =	vst v63  }
0x11b: {  	_ =	swait.ge [sflag:s15], $0x1400  }
0x11c: {  	[sflag:s15] =	ssyncset.done $0x0  }
0x11d: {  	[sflag:s15] =	ssyncadd.s32 $0xFFFFEC00  }
0x11e: {  	[tilespmem:s12], [sflag:$0x4] =	stream.linear.gather [spmem:s4], $0x1400, $0x38;
	[tilespmem:$0x1F4A0] =	vst v63  }
0x11f: {  	_ =	swait.ge [sflag:s13], $0x1400  }
0x120: {  	[sflag:s13] =	ssyncset.done $0x0  }
0x121: {  	s26 =	rddreg [dreg:$0xd];
	[sflag:s13] =	ssyncadd.s32 $0xFFFFEC00  }
0x122: {  	[hbm4b:s26+s1] =	stream.linear.scatter [tilespmem:s12], [sflag:$0x3], $0x1400, $0x38;
	[tilespmem:$0x1F4A0] =	vst v63  }
0x123: {  	_ =	swait.ge [sflag:s15], $0x1400  }
0x124: {  	[sflag:s15] =	ssyncset.done $0x0  }
0x125: {  	[sflag:s15] =	ssyncadd.s32 $0xFFFFEC00  }
0x126: {  	[tilespmem:s23], [sflag:$0x4] =	stream.linear.gather [spmem:s5], $0x1400, $0x38;
	[tilespmem:$0x1F4A0] =	vst v63  }
0x127: {  	_ =	swait.ge [sflag:s13], $0x1400  }
0x128: {  	[sflag:s13] =	ssyncset.done $0x0  }
0x129: {  	s8 =	rddreg [dreg:$0xe];
	[sflag:s13] =	ssyncadd.s32 $0xFFFFEC00  }
0x12a: {  	[hbm4b:s8+s1] =	stream.linear.scatter [tilespmem:s23], [sflag:$0x3], $0x1400, $0x38;
	[tilespmem:$0x1F4A0] =	vst v63  }
0x12b: {  	_ =	swait.ge [sflag:s15], $0x1400  }
0x12c: {  	[sflag:s15] =	ssyncset.done $0x0  }
0x12d: {  	[sflag:s15] =	ssyncadd.s32 $0xFFFFEC00  }
0x12e: {  	[tilespmem:s12], [sflag:$0x4] =	stream.linear.gather [spmem:s6], $0x1400, $0x38;
	[tilespmem:$0x1F4A0] =	vst v63  }
0x12f: {  	_ =	swait.ge [sflag:s13], $0x1400  }
0x130: {  	[sflag:s13] =	ssyncset.done $0x0  }
0x131: {  	s26 =	rddreg [dreg:$0xf];
	[sflag:s13] =	ssyncadd.s32 $0xFFFFEC00  }
0x132: {  	[hbm4b:s26+s1] =	stream.linear.scatter [tilespmem:s12], [sflag:$0x3], $0x1400, $0x38;
	[tilespmem:$0x1F4A0] =	vst v63  }
0x133: {  	_ =	swait.ge [sflag:s15], $0x1400  }
0x134: {  	[sflag:s15] =	ssyncset.done $0x0  }
0x135: {  	[sflag:s15] =	ssyncadd.s32 $0xFFFFEC00  }
0x136: {  	[tilespmem:s23], [sflag:$0x4] =	stream.linear.gather [spmem:s7], $0x1400, $0x38;
	[tilespmem:$0x1F4A0] =	vst v63  }
0x137: {  	_ =	swait.ge [sflag:s13], $0x1400  }
0x138: {  	[sflag:s13] =	ssyncset.done $0x0  }
0x139: {  	s8 =	rddreg [dreg:$0x10];
	[sflag:s13] =	ssyncadd.s32 $0xFFFFEC00  }
0x13a: {  	[hbm4b:s8+s1] =	stream.linear.scatter [tilespmem:s23], [sflag:$0x3], $0x1400, $0x38;
	[tilespmem:$0x1F4A0] =	vst v63  }
0x13b: {  	_ =	swait.ge [sflag:s15], $0x1400  }
0x13c: {  	[sflag:s15] =	ssyncset.done $0x0  }
0x13d: {  	[sflag:s15] =	ssyncadd.s32 $0xFFFFEC00  }
0x13e: {  	[tilespmem:s12], [sflag:$0x4] =	stream.linear.gather [spmem:s30], $0x1400, $0x38;
	[tilespmem:$0x1F4A0] =	vst v63  }
0x13f: {  	_ =	swait.ge [sflag:s13], $0x1400  }
0x140: {  	[sflag:s13] =	ssyncset.done $0x0  }
0x141: {  	s26 =	rddreg [dreg:$0x11];
	[sflag:s13] =	ssyncadd.s32 $0xFFFFEC00  }
0x142: {  	[hbm4b:s26+s1] =	stream.linear.scatter [tilespmem:s12], [sflag:$0x3], $0x1400, $0x38;
	[tilespmem:$0x1F4A0] =	vst v63  }
0x143: {  	_ =	swait.ge [sflag:s15], $0x1400  }
0x144: {  	[sflag:s15] =	ssyncset.done $0x0  }
0x145: {  	s26 =	rddreg [dreg:$0x17];
	[sflag:s15] =	ssyncadd.s32 $0xFFFFEC00  }
0x146: {  	[tilespmem:s23], [sflag:$0x4] =	stream.linear.gather [spmem:s26], $0x1400, $0x38;
	[tilespmem:$0x1F4A0] =	vst v63  }
0x147: {  	_ =	swait.ge [sflag:s13], $0x1400  }
0x148: {  	[sflag:s13] =	ssyncset.done $0x0  }
0x149: {  	s8 =	rddreg [dreg:$0x12];
	[sflag:s13] =	ssyncadd.s32 $0xFFFFEC00  }
0x14a: {  	[hbm4b:s8+s1] =	stream.linear.scatter [tilespmem:s23], [sflag:$0x3], $0x1400, $0x38;
	[tilespmem:$0x1F4A0] =	vst v63  }
0x14b: {  	_ =	swait.ge [sflag:s15], $0x1400  }
0x14c: {  	[sflag:s15] =	ssyncset.done $0x0  }
0x14d: {  	[sflag:s15] =	ssyncadd.s32 $0xFFFFEC00  }
0x14e: {  	_ =	swait.ge [sflag:s15], $0x1400  }
0x14f: {  	s10 =	sadd.s32 $0x1, s10;
	s8 =	rddreg [dreg:$0x18]  }
0x150: {  	p0 =	sne.s32 s10, s8  }
.Ltmp1:
0x151: {  	_ = 	snop;
	(pc) =	sbr.rel @p0 .LBB2_1-.Ltmp1, $3  }
0x152: {  	_ =	sdelay $0x1  }
0x153: {  	[sflag:s15] =	ssyncset.done $0x0  }
0x154: {  	[sflag:s15] =	ssyncadd.s32 $0xFFFFEC00  }
0x155: {  	_ =	sfence.sel $0x180000  }
0x156: {  	[bflag:$0x0] =	sbarrier.arrive $0xFFFF  }
0x157: {  	_ =	strace $0x9000004A  }
0x158: {  	s0 =	stileid.u32;
	[bflag:$0x2] =	sbarrier.arrive $0xFFFF  }
0x159: {  	p0 =	sne.s32 s0, $0x0;
	s0 =	rddreg [dreg:$0x2]  }
0x15a: {  	s0 =	sadd.s32 @!p0 $0x100000, s0  }
0x15b: {  	[sflag:s0] =	ssyncadd.tile.s32 @!p0 $0x1;
	_ =	shalt  }
.Lfunc_end2:
_tile_overlayer_lowered:
.L_overlay_start_2:
0x15c: {  	(tag) =	ssettag $0x2  }
0x15d: {  	s0 =	rddreg [dreg:$0x0];
	s2 =	stileid.u32  }
0x15e: {  	s1 =	rddreg [dreg:$0x1];
	p0 =	sne.s32 s2, $0x0  }
0x15f: {  	s3 =	rddreg [dreg:$0x2];
	[bflag:$0x3] =	sbarrier.arrive $0xFFFF;
	s2 =	simm.s32 @!p0 $0x1C04  }
0x160: {  	[timem:s3], [sflag:s2] =	dma.local @!p0 [hbm:s0], s1  }
0x161: {  	s0 =	simm.s32 @!p0 $0x4  }
0x162: {  	_ =	swait.ge @!p0 [sflag:s0], s1  }
0x163: {  	s1 =	ssub.s32 @!p0 $0x0, s1;
	[sflag:s0] =	ssyncset.done @!p0 $0x0  }
0x164: {  	[sflag:s0] =	ssyncadd.s32 @!p0 s1  }
0x165: {  	[bflag:$0x3] =	sbarrier.arrive $0xFFFF  }
0x166: {  	_ =	shalt  }

// kernel: sc_segsum.7.cloned.1.call-start
scs
__scs_entry_jumppad:
0x0: {  	(pc) =	sbr.rel $0x88, $3  }
0x1: {  	(tag) =	ssettag $0x0;
	lr =	simm.s32 $0x1  }
0x2: {  	[smem:$0x3F99] =	sst lr;
	_ =	strace $0xD0000000  }
0x3: {  	_ = 	snop  }
0x4: {  	_ = 	snop  }
0x5: {  	_ = 	snop  }
0x6: {  	_ = 	snop  }
0x7: {  	_ = 	snop  }
__scs_overlays_trampoline_lowered:
0x8: {  	[smem:$0x3FA8] =	sst s0  }
0x9: {  	[smem:$0x3FA9] =	sst s1  }
0xa: {  	[smem:$0x3FAA] =	sst s2  }
0xb: {  	[smem:$0x3FAB] =	sst s3  }
0xc: {  	[smem:$0x3FAC] =	sst s4  }
0xd: {  	[smem:$0x3FAD] =	sst s5  }
0xe: {  	[smem:$0x3FAE] =	sst s6  }
0xf: {  	[smem:$0x3FAF] =	sst s7  }
0x10: {  	[smem:$0x3FB0] =	sst s8  }
0x11: {  	[smem:$0x3FB1] =	sst s9;
	s0 =	simm.s32 @!p0 $0x0  }
0x12: {  	s1 =	sld [smem:$0x3F97];
	s0 =	simm.s32 @p0 $0x1  }
0x13: {  	[smem:$0x3FB2] =	sst s0;
	s0 =	simm.s32 @!p1 $0x0  }
0x14: {  	s2 =	sld [smem:$0x3F96];
	s0 =	simm.s32 @p1 $0x1  }
0x15: {  	[smem:$0x3FB3] =	sst s0;
	s0 =	simm.s32 @!p2 $0x0  }
0x16: {  	s3 =	sld [smem:$0x3FDB];
	s0 =	simm.s32 @p2 $0x1  }
0x17: {  	s4 =	simm.s32 $0x1BF5;
	[smem:$0x3FB5] =	sst s0  }
0x18: {  	s0 =	sld [smem:$0x3F98];
	_ =	swait.ge [sflag:s4], $0x0  }
0x19: {  	s7 =	sld [smem:$0x3F99]  }
0x1a: {  	s8 =	sadd.s32 $0xFFFFE003, lr  }
0x1b: {  	s9 =	sadd.s32 $0xFFFFFEF7, lr;
	s5 =	simm.s32 $0xFFFFFFFF;
	p2 =	slt.u32 s8, $0xFFFFF086  }
0x1c: {  	p1 =	slt.u32 s9, $0xF7A;
	s5 =	simm.s32 @!p2 $0x0  }
0x1d: {  	s5 =	simm.s32 @p1 $0x1;
	p0 =	seq.s32 s7, s2  }
0x1e: {  	s7 =	smul.u32 @!p0 $0xF7A, s2;
	p2 =	seq.s32 @!p0 s5, $0x0  }
0x1f: {  	s9 =	smul.u32 $0xF7A, s1;
	s8 =	simm.s32 @!p0 $0x1BF5;
	p2 =	por !p2, p0  }
0x20: {  	[sflag:s8] =	ssyncset.s32 @!p0 $0xFFFFF086;
	s6 =	sadd.s32 @!p0 s3, s7;
	s7 =	simm.s32 @!p0 $0x108  }
0x21: {  	s3 =	sadd.s32 s3, s9;
	s6 =	sadd.s32 @!p0 $0x88, s6;
	s7 =	simm.s32 @p2 $0x1082  }
0x22: {  	[simem:s7], [sflag:s8] =	dma.local @!p0 [hbm:s6], $0xF7A  }
0x23: {  	s9 =	sor.u32 $0xD0000000, s2;
	s6 =	simm.s32 $0x108;
	_ =	swait.ge @!p0 [sflag:s8], $0x0  }
0x24: {  	s3 =	sadd.s32 $0x88, s3;
	s6 =	simm.s32 @!p1 $0x1082;
	[sflag:s4] =	ssyncset.s32 $0xFFFFF086  }
0x25: {  	[simem:s6], [sflag:s4] =	dma.local [hbm:s3], $0xF7A  }
0x26: {  	[smem:$0x3F99] =	sst s1;
	(tag) =	ssettag s2;
	_ =	strace s9  }
0x27: {  	s1 =	sld [smem:$0x3FA9]  }
0x28: {  	s2 =	sld [smem:$0x3FAA]  }
0x29: {  	s4 =	sld [smem:$0x3FAC]  }
0x2a: {  	p0 =	seq.s32 s5, $0x0;
	s5 =	sld [smem:$0x3FAD]  }
0x2b: {  	s6 =	sld [smem:$0x3FAE]  }
0x2c: {  	s7 =	sld [smem:$0x3FAF]  }
0x2d: {  	s3 =	simm.s32 $0x108;
	s8 =	sld [smem:$0x3FB0]  }
0x2e: {  	s3 =	simm.s32 @!p0 $0x1082;
	s9 =	sld [smem:$0x3FB1]  }
0x2f: {  	lr =	sadd.s32 s0, s3;
	s0 =	sld [smem:$0x3FA8]  }
0x30: {  	s3 =	sld [smem:$0x3FAB]  }
0x31: {  	[smem:$0x3FB4] =	sst s10  }
0x32: {  	s10 =	sld [smem:$0x3FB2];
	_ =	sdelay $0x3  }
0x33: {  	p0 =	seq.s32 s10, $0x1;
	s10 =	sld [smem:$0x3FB4];
	_ =	sdelay $0x3  }
0x34: {  	[smem:$0x3FB4] =	sst s10  }
0x35: {  	s10 =	sld [smem:$0x3FB3];
	_ =	sdelay $0x3  }
0x36: {  	p1 =	seq.s32 s10, $0x1;
	s10 =	sld [smem:$0x3FB4];
	_ =	sdelay $0x3  }
0x37: {  	[smem:$0x3FB4] =	sst s10  }
0x38: {  	s10 =	sld [smem:$0x3FB5]  }
0x39: {  	_ = 	snop;
	(pc) =	sbr.ind lr, $3  }
0x3a: {  	_ = 	snop  }
0x3b: {  	_ = 	snop  }
0x3c: {  	p2 =	seq.s32 s10, $0x1;
	s10 =	sld [smem:$0x3FB4]  }
0x3d: {  	_ =	shalt  }
0x3e: {  	_ =	shalt  }
0x3f: {  	_ =	shalt  }
0x40: {  	_ =	shalt  }
0x41: {  	_ =	shalt  }
0x42: {  	_ =	shalt  }
0x43: {  	_ =	shalt  }
0x44: {  	_ =	shalt  }
0x45: {  	_ =	shalt  }
0x46: {  	_ =	shalt  }
0x47: {  	_ =	shalt  }
0x48: {  	_ =	shalt  }
0x49: {  	_ =	shalt  }
0x4a: {  	_ =	shalt  }
0x4b: {  	_ =	shalt  }
0x4c: {  	_ =	shalt  }
0x4d: {  	_ =	shalt  }
0x4e: {  	_ =	shalt  }
0x4f: {  	_ =	shalt  }
0x50: {  	_ =	shalt  }
0x51: {  	_ =	shalt  }
0x52: {  	_ =	shalt  }
0x53: {  	_ =	shalt  }
0x54: {  	_ =	shalt  }
0x55: {  	_ =	shalt  }
0x56: {  	_ =	shalt  }
0x57: {  	_ =	shalt  }
0x58: {  	_ =	shalt  }
0x59: {  	_ =	shalt  }
0x5a: {  	_ =	shalt  }
0x5b: {  	_ =	shalt  }
0x5c: {  	_ =	shalt  }
0x5d: {  	_ =	shalt  }
0x5e: {  	_ =	shalt  }
0x5f: {  	_ =	shalt  }
0x60: {  	_ =	shalt  }
0x61: {  	_ =	shalt  }
0x62: {  	_ =	shalt  }
0x63: {  	_ =	shalt  }
0x64: {  	_ =	shalt  }
0x65: {  	_ =	shalt  }
0x66: {  	_ =	shalt  }
0x67: {  	_ =	shalt  }
0x68: {  	_ =	shalt  }
0x69: {  	_ =	shalt  }
0x6a: {  	_ =	shalt  }
0x6b: {  	_ =	shalt  }
0x6c: {  	_ =	shalt  }
0x6d: {  	_ =	shalt  }
0x6e: {  	_ =	shalt  }
0x6f: {  	_ =	shalt  }
0x70: {  	_ =	shalt  }
0x71: {  	_ =	shalt  }
0x72: {  	_ =	shalt  }
0x73: {  	_ =	shalt  }
0x74: {  	_ =	shalt  }
0x75: {  	_ =	shalt  }
0x76: {  	_ =	shalt  }
0x77: {  	_ =	shalt  }
0x78: {  	_ =	shalt  }
0x79: {  	_ =	shalt  }
0x7a: {  	_ =	shalt  }
0x7b: {  	_ =	shalt  }
0x7c: {  	_ =	shalt  }
0x7d: {  	_ =	shalt  }
0x7e: {  	_ =	shalt  }
0x7f: {  	_ =	shalt  }
0x80: {  	_ =	shalt  }
0x81: {  	_ =	shalt  }
0x82: {  	_ =	shalt  }
0x83: {  	_ =	shalt  }
0x84: {  	_ =	shalt  }
0x85: {  	_ =	shalt  }
0x86: {  	_ =	shalt  }
0x87: {  	_ =	shalt  }
.Lfunc_end0:
.L_simem_size_0:
called_computation.2_lowered:
.L_overlay_start_0:
0x88: {  	s2 =	sld [smem:$0x3FD9]  }
0x89: {  	s3 =	sld [smem:$0x3FFE];
	_ =	sdelay $0x1  }
0x8a: {  	s1 =	srdreg.scid  }
0x8b: {  	s0 =	sand.u32 $0x1, s1  }
0x8c: {  	s16 =	sshll.u32 s0, $0xA;
	s2 =	sadd.s32 s3, s2  }
0x8d: {  	s2 =	sadd.s32 s2, s16  }
0x8e: {  	[smem:$0x3FC0] =	sst s2  }
0x8f: {  	_ = 	snop  }
0x90: {  	(tm) =	ssettm $0x1  }
0x91: {  	s17 =	sld [smem:$0x3FFB];
	_ =	sdelay $0x3  }
0x92: {  	_ =	strace s17  }
0x93: {  	s2 =	sld [smem:$0x3FFC];
	_ =	sdelay $0x3  }
0x94: {  	_ =	strace s2  }
0x95: {  	s2 =	sld [smem:$0x3FFD];
	_ =	sdelay $0x3  }
0x96: {  	_ =	strace s2  }
0x97: {  	_ =	strace $0x8FFFFFFF  }
0x98: {  	s18 =	sld [smem:$0x3FDB];
	_ =	sdelay $0x1  }
0x99: {  	s19 =	simm.s32 $_scs_section_size  }
0x9a: {  	s4 =	simm.s32 $_size__tile_overlayer_lowered;
	s5 =	simm.s32 $_tile_overlayer_lowered  }
0x9b: {  	s22 =	simm.s32 $0x1BFF;
	s21 =	sshll.u32 s5, $0x1;
	s2 =	sadd.s32 s19, s18  }
0x9c: {  	s6 =	simm.s32 $0x0;
	s20 =	sshll.u32 s4, $0x1;
	s4 =	sadd.s32 s21, s2  }
0x9d: {  	[timem:s6], [sflag:s22] =	dma.local [hbm:s4], s20  }
0x9e: {  	_ =	swait.ge [sflag:s22], s20  }
0x9f: {  	s3 =	ssub.s32 $0x0, s20;
	[sflag:s22] =	ssyncset.done $0x0  }
0xa0: {  	[sflag:s22] =	ssyncadd.s32 s3;
	_ =	sdelay $0x1  }
0xa1: {  	s23 =	simm.s32 $0x1B8B  }
0xa2: {  	_ =	swait.ge [sflag:s23], $0x1  }
0xa3: {  	[sflag:s23] =	ssyncset.done $0x0  }
0xa4: {  	s25 =	simm.s32 $0x1B8E;
	s24 =	sld [smem:$0x3FFE];
	[sflag:s23] =	ssyncadd.s32 $0xFFFFFFFF  }
0xa5: {  	s26 =	simm.s32 $execute0_lowered;
	[smem:$0x3FD2] =	sst s25  }
0xa6: {  	s4 =	sshll.u32 s26, $0x1;
	_ =	strace $0x8000004C;
	[dreg:$0x1] =	wrdreg $0xFFFFFFFF  }
0xa7: {  	s28 =	simm.s32 $_size_execute0_lowered;
	s2 =	sadd.s32 s2, s4;
	[dreg:$0x0] =	wrdreg $0x0  }
0xa8: {  	s4 =	sshll.u32 s28, $0x1;
	[dreg:$0x2] =	wrdreg s2  }
0xa9: {  	[dreg:$0x3] =	wrdreg s4  }
0xaa: {  	[dreg:$0x4] =	wrdreg $0xC0  }
0xab: {  	_ =	task [dreg:s6], $0x5FFFF  }
0xac: {  	[dreg:$0x1] =	wrdreg $0xFFFFFFFF  }
0xad: {  	[dreg:$0x0] =	wrdreg $0x60  }
0xae: {  	[dreg:$0x2] =	wrdreg s24  }
0xaf: {  	[dreg:$0x3] =	wrdreg $0x0  }
0xb0: {  	[dreg:$0x4] =	wrdreg $0x9  }
0xb1: {  	_ =	task.clear_ibuf [dreg:s6], $0x5FFFF;
	_ =	strace $0x9000004C  }
0xb2: {  	s29 =	simm.s32 $0x9;
	_ =	strace $0x8000004E  }
0xb3: {  	_ =	swait.ge [sflag:s29], $0x1  }
0xb4: {  	[sflag:s29] =	ssyncadd.s32 $0xFFFFFFFF  }
0xb5: {  	_ =	strace $0x9000004E  }
0xb6: {  	_ =	sfence  }
0xb7: {  	s30 =	sld [smem:$0x0];
	_ =	sdelay $0x2  }
0xb8: {  	s31 =	sshll.u32 s1, $0xD;
	s1 =	sshrl.u32 s1, $0x2  }
0xb9: {  	s3 =	sand.u32 $0x4000, s31;
	s1 =	sadd.s32 s1, s30  }
0xba: {  	s0 =	sor.u32 s3, s0;
	s1 =	sshll.u32 s1, $0x11  }
0xbb: {  	s0 =	sor.u32 s1, s0  }
0xbc: {  	s0 =	sadd.s32 $0x8F2B, s0  }
0xbd: {  	[sflag:s0] =	ssyncadd.remote.s32 $0x1  }
0xbe: {  	_ =	sfence.sel $0xFFFF  }
0xbf: {  	[dreg:$0x0] =	wrdreg $0xFFFFFFFF;
	(pc) =	sbr.abs _section_cstart, $3  }
0xc0: {  	[dreg:$0x1] =	wrdreg $0xFFFFFFFF  }
0xc1: {  	_ =	task.clear_ibuf [dreg:s6], $0x2FFFF;
	_ =	strace $0x9FFFFFFF  }
0xc2: {  	(tm) =	ssettm $0x7FFFFFFF  }
0xc3: {  	_ =	shalt  }
tec
execute0_lowered:
.L_overlay_start_1:
0x0: {  	(tag) =	ssettag $0x1  }
0x1: {  	s2 =	srdreg.scid;
	s0 =	rddreg [dreg:$0x0]  }
0x2: {  	s1 =	simm.s32 $0x0;
	s7 =	stileid.u32;
	s3 =	sand.u32 $0x1, s2  }
0x3: {  	s18 =	simm.s32 $0x3A800;
	[smem:$0x7FF] =	sst s1;
	s2 =	sshll.u32 s3, $0x4  }
0x4: {  	s4 =	ssub.s32 $0x2, s3;
	p0 =	seq.s32 s3, $0x0;
	s5 =	sor.u32 s7, s2  }
0x5: {  	s6 =	sshrl.u32 s4, $0x1;
	s2 =	smul.u32 $0x14000, s7;
	s18 =	simm.s32 @!p0 $0x62800  }
0x6: {  	s5 =	smul.u32 $0x1450, s5;
	s9 =	ssub.s32 s4, s6;
	s23 =	sadd.s32 s18, s0  }
0x7: {  	s4 =	sor.u32 $0x1400, s2;
	s6 =	sor.u32 $0x2800, s2;
	s7 =	sor.u32 $0x3C00, s2  }
0x8: {  	s29 =	sadd.s32 $0x5000, s2;
	s10 =	sadd.s32 $0x6400, s2;
	s11 =	sadd.s32 $0x7800, s2  }
0x9: {  	s12 =	sadd.s32 $0x8C00, s2;
	s13 =	sadd.s32 $0xA000, s2;
	s25 =	sshrl.u32 s2, $0x3  }
0xa: {  	s14 =	sadd.s32 $0xB400, s2;
	s16 =	sshrl.u32 s4, $0x3;
	s3 =	sadd.s32 s23, s25  }
0xb: {  	s17 =	sshrl.u32 s6, $0x3;
	[dreg:$0x3] =	wrdreg s3;
	s8 =	sadd.s32 s23, s16  }
0xc: {  	s19 =	sshrl.u32 s7, $0x3;
	s16 =	sadd.s32 s23, s17;
	[dreg:$0x4] =	wrdreg s8  }
0xd: {  	s20 =	sshrl.u32 s29, $0x3;
	s17 =	sadd.s32 s23, s19;
	[dreg:$0x5] =	wrdreg s16  }
0xe: {  	s21 =	sshrl.u32 s10, $0x3;
	s19 =	sadd.s32 s23, s20;
	[dreg:$0x6] =	wrdreg s17  }
0xf: {  	s22 =	sshrl.u32 s11, $0x3;
	s20 =	sadd.s32 s23, s21;
	[dreg:$0x7] =	wrdreg s19  }
0x10: {  	s26 =	sshrl.u32 s12, $0x3;
	s21 =	sadd.s32 s23, s22;
	[dreg:$0x8] =	wrdreg s20  }
0x11: {  	s24 =	sshrl.u32 s13, $0x3;
	s22 =	sadd.s32 s23, s26;
	[dreg:$0x9] =	wrdreg s21  }
0x12: {  	s25 =	sshrl.u32 s14, $0x3;
	s24 =	sadd.s32 s23, s24;
	[dreg:$0xa] =	wrdreg s22  }
0x13: {  	s15 =	sadd.s32 $0xC800, s2;
	s3 =	sadd.s32 s23, s25;
	[dreg:$0xb] =	wrdreg s24  }
0x14: {  	s26 =	sshrl.u32 s15, $0x3;
	s25 =	sshrl.u32 s5, $0x3;
	[dreg:$0xc] =	wrdreg s3  }
0x15: {  	s17 =	sadd.s32 $0xDC00, s2;
	s3 =	sadd.s32 s23, s26;
	s19 =	sadd.s32 $0xF000, s2  }
0x16: {  	s21 =	sadd.s32 $0x10400, s2;
	s22 =	sadd.s32 $0x11800, s2;
	s8 =	sshrl.u32 s17, $0x3  }
0x17: {  	[dreg:$0xd] =	wrdreg s3;
	s16 =	sshrl.u32 s19, $0x3;
	s3 =	sadd.s32 s23, s8  }
0x18: {  	s18 =	sshrl.u32 s21, $0x3;
	[dreg:$0xe] =	wrdreg s3;
	s3 =	sadd.s32 s23, s16  }
0x19: {  	s20 =	sshrl.u32 s22, $0x3;
	s8 =	sadd.s32 $0x12C00, s2;
	[dreg:$0xf] =	wrdreg s3  }
0x1a: {  	s24 =	sshrl.u32 s8, $0x3;
	s3 =	sadd.s32 s23, s18;
	s18 =	rddreg [dreg:$0x1]  }
0x1b: {  	[dreg:$0x10] =	wrdreg s3;
	s3 =	sadd.s32 s23, s20;
	s20 =	sadd.s32 $0xDE00, s0  }
0x1c: {  	s5 =	sadd.s32 s4, s18;
	s28 =	sadd.s32 s6, s18;
	s29 =	sadd.s32 s29, s18  }
0x1d: {  	s31 =	sadd.s32 s10, s18;
	s16 =	sadd.s32 s11, s18;
	s4 =	sadd.s32 s15, s18  }
0x1e: {  	s6 =	sadd.s32 s19, s18;
	s30 =	sadd.s32 s22, s18;
	s15 =	simm.s32 $0x3  }
0x1f: {  	s19 =	simm.s32 $0x16800;
	s22 =	simm.s32 $0x2;
	s10 =	simm.s32 $0x0  }
0x20: {  	[dreg:$0x11] =	wrdreg s3;
	s3 =	sadd.s32 s23, s24;
	s24 =	sadd.s32 s2, s18  }
0x21: {  	s11 =	smov.u32 s5;
	s2 =	sadd.s32 s13, s18;
	s5 =	sadd.s32 s17, s18  }
0x22: {  	s23 =	smax.u32 s9, $0x1;
	s13 =	simm.s32 $0x4;
	s17 =	simm.s32 $0x64  }
0x23: {  	[dreg:$0x12] =	wrdreg s3;
	s3 =	sadd.s32 s25, s0;
	s0 =	sadd.s32 $0x3A400, s0  }
0x24: {  	s25 =	sadd.s32 s7, s18;
	_ =	strace $0x8000004D;
	[dreg:$0x13] =	wrdreg s0  }
0x25: {  	s7 =	sadd.s32 s21, s18;
	s21 =	simm.s32 $0x19A00;
	[dreg:$0x18] =	wrdreg s23  }
0x26: {  	s26 =	sadd.s32 $0x3A00, s3;
	s3 =	sadd.s32 $0x8B40, s3;
	[dreg:$0x16] =	wrdreg s25  }
0x27: {  	s0 =	sadd.s32 s12, s18;
	s12 =	simm.s32 $0x14000;
	[dreg:$0x14] =	wrdreg s26  }
0x28: {  	s23 =	simm.s32 $0x15400;
	[dreg:$0x15] =	wrdreg s3;
	s26 =	sadd.s32 s8, s18  }
0x29: {  	s3 =	sadd.s32 s14, s18;
	s14 =	simm.s32 $0x1;
	[dreg:$0x17] =	wrdreg s26  }
.LBB2_1:
0x2a: {  	s9 =	rddreg [dreg:$0x14];
	s8 =	simm.s32 $0x1CC00  }
0x2b: {  	[tilespmem:s8], [sflag:$0x3] =	stream.linear.gather [hbm4b:s9+s1], $0x1450, $0x38;
	[tilespmem:$0x1F4A0] =	vst v63  }
0x2c: {  	s9 =	rddreg [dreg:$0x15];
	s8 =	simm.s32 $0x1E050  }
0x2d: {  	[tilespmem:s8], [sflag:$0x3] =	stream.linear.gather [hbm4b:s9+s1], $0x1450, $0x38;
	[tilespmem:$0x1F4A0] =	vst v63  }
0x2e: {  	s8 =	rddreg [dreg:$0x13]  }
0x2f: {  	[tilespmem:s12], [sflag:$0x4] =	stream.linear.gather [hbm4b:s8+s1], $0x1400, $0x38;
	[tilespmem:$0x1F4A0] =	vst v63  }
0x30: {  	_ =	swait.ge [sflag:s13], $0x1400  }
0x31: {  	[sflag:s13] =	ssyncset.done $0x0  }
0x32: {  	s8 =	smov.u32 s7;
	s7 =	smov.u32 s6;
	[sflag:s13] =	ssyncadd.s32 $0xFFFFEC00  }
0x33: {  	[spmem:s24] =	stream.linear.scatter [tilespmem:s12], [sflag:$0x1], $0x1400, $0x38;
	[tilespmem:$0x1F4A0] =	vst v63  }
0x34: {  	s6 =	smov.u32 s5;
	s5 =	smov.u32 s4;
	s4 =	smov.u32 s3  }
0x35: {  	[spmem:s11] =	stream.linear.scatter [tilespmem:s12], [sflag:$0x1], $0x1400, $0x38;
	[tilespmem:$0x1F4A0] =	vst v63  }
0x36: {  	s3 =	smov.u32 s2;
	s2 =	smov.u32 s0;
	s0 =	smov.u32 s16  }
0x37: {  	[spmem:s28] =	stream.linear.scatter [tilespmem:s12], [sflag:$0x1], $0x1400, $0x38;
	[tilespmem:$0x1F4A0] =	vst v63  }
0x38: {  	s16 =	smov.u32 s31;
	s31 =	smov.u32 s29;
	s29 =	smov.u32 s25  }
0x39: {  	[spmem:s29] =	stream.linear.scatter [tilespmem:s12], [sflag:$0x1], $0x1400, $0x38;
	[tilespmem:$0x1F4A0] =	vst v63  }
0x3a: {  	s29 =	smov.u32 s31  }
0x3b: {  	[spmem:s29] =	stream.linear.scatter [tilespmem:s12], [sflag:$0x1], $0x1400, $0x38;
	[tilespmem:$0x1F4A0] =	vst v63  }
0x3c: {  	s31 =	smov.u32 s16  }
0x3d: {  	[spmem:s31] =	stream.linear.scatter [tilespmem:s12], [sflag:$0x1], $0x1400, $0x38;
	[tilespmem:$0x1F4A0] =	vst v63  }
0x3e: {  	s16 =	smov.u32 s0  }
0x3f: {  	[spmem:s16] =	stream.linear.scatter [tilespmem:s12], [sflag:$0x1], $0x1400, $0x38;
	[tilespmem:$0x1F4A0] =	vst v63  }
0x40: {  	s0 =	smov.u32 s2  }
0x41: {  	[spmem:s0] =	stream.linear.scatter [tilespmem:s12], [sflag:$0x1], $0x1400, $0x38;
	[tilespmem:$0x1F4A0] =	vst v63  }
0x42: {  	s2 =	smov.u32 s3  }
0x43: {  	[spmem:s2] =	stream.linear.scatter [tilespmem:s12], [sflag:$0x1], $0x1400, $0x38;
	[tilespmem:$0x1F4A0] =	vst v63  }
0x44: {  	s3 =	smov.u32 s4  }
0x45: {  	[spmem:s3] =	stream.linear.scatter [tilespmem:s12], [sflag:$0x1], $0x1400, $0x38;
	[tilespmem:$0x1F4A0] =	vst v63  }
0x46: {  	s4 =	smov.u32 s5  }
0x47: {  	[spmem:s4] =	stream.linear.scatter [tilespmem:s12], [sflag:$0x1], $0x1400, $0x38;
	[tilespmem:$0x1F4A0] =	vst v63  }
0x48: {  	s5 =	smov.u32 s6  }
0x49: {  	[spmem:s5] =	stream.linear.scatter [tilespmem:s12], [sflag:$0x1], $0x1400, $0x38;
	[tilespmem:$0x1F4A0] =	vst v63  }
0x4a: {  	s6 =	smov.u32 s7  }
0x4b: {  	[spmem:s6] =	stream.linear.scatter [tilespmem:s12], [sflag:$0x1], $0x1400, $0x38;
	[tilespmem:$0x1F4A0] =	vst v63  }
0x4c: {  	_ = 	snop  }
0x4d: {  	[spmem:s8] =	stream.linear.scatter [tilespmem:s12], [sflag:$0x1], $0x1400, $0x38;
	[tilespmem:$0x1F4A0] =	vst v63  }
0x4e: {  	_ = 	snop  }
0x4f: {  	[spmem:s30] =	stream.linear.scatter [tilespmem:s12], [sflag:$0x1], $0x1400, $0x38;
	[tilespmem:$0x1F4A0] =	vst v63  }
0x50: {  	s9 =	smov.u32 s26  }
0x51: {  	[spmem:s9] =	stream.linear.scatter [tilespmem:s12], [sflag:$0x1], $0x1400, $0x38;
	[tilespmem:$0x1F4A0] =	vst v63  }
0x52: {  	_ =	swait.ge [sflag:s14], $0x1400  }
0x53: {  	[sflag:s14] =	ssyncset.done $0x0  }
0x54: {  	[sflag:s14] =	ssyncadd.s32 $0xFFFFEC00  }
0x55: {  	_ =	swait.ge [sflag:s14], $0x1400  }
0x56: {  	[sflag:s14] =	ssyncset.done $0x0  }
0x57: {  	[sflag:s14] =	ssyncadd.s32 $0xFFFFEC00  }
0x58: {  	_ =	swait.ge [sflag:s14], $0x1400  }
0x59: {  	[sflag:s14] =	ssyncset.done $0x0  }
0x5a: {  	[sflag:s14] =	ssyncadd.s32 $0xFFFFEC00  }
0x5b: {  	_ =	swait.ge [sflag:s14], $0x1400  }
0x5c: {  	[sflag:s14] =	ssyncset.done $0x0  }
0x5d: {  	[sflag:s14] =	ssyncadd.s32 $0xFFFFEC00  }
0x5e: {  	_ =	swait.ge [sflag:s14], $0x1400  }
0x5f: {  	[sflag:s14] =	ssyncset.done $0x0  }
0x60: {  	[sflag:s14] =	ssyncadd.s32 $0xFFFFEC00  }
0x61: {  	_ =	swait.ge [sflag:s14], $0x1400  }
0x62: {  	[sflag:s14] =	ssyncset.done $0x0  }
0x63: {  	[sflag:s14] =	ssyncadd.s32 $0xFFFFEC00  }
0x64: {  	_ =	swait.ge [sflag:s14], $0x1400  }
0x65: {  	[sflag:s14] =	ssyncset.done $0x0  }
0x66: {  	[sflag:s14] =	ssyncadd.s32 $0xFFFFEC00  }
0x67: {  	_ =	swait.ge [sflag:s14], $0x1400  }
0x68: {  	[sflag:s14] =	ssyncset.done $0x0  }
0x69: {  	[sflag:s14] =	ssyncadd.s32 $0xFFFFEC00  }
0x6a: {  	_ =	swait.ge [sflag:s14], $0x1400  }
0x6b: {  	[sflag:s14] =	ssyncset.done $0x0  }
0x6c: {  	[sflag:s14] =	ssyncadd.s32 $0xFFFFEC00  }
0x6d: {  	_ =	swait.ge [sflag:s14], $0x1400  }
0x6e: {  	[sflag:s14] =	ssyncset.done $0x0  }
0x6f: {  	[sflag:s14] =	ssyncadd.s32 $0xFFFFEC00  }
0x70: {  	_ =	swait.ge [sflag:s14], $0x1400  }
0x71: {  	[sflag:s14] =	ssyncset.done $0x0  }
0x72: {  	[sflag:s14] =	ssyncadd.s32 $0xFFFFEC00  }
0x73: {  	_ =	swait.ge [sflag:s14], $0x1400  }
0x74: {  	[sflag:s14] =	ssyncset.done $0x0  }
0x75: {  	[sflag:s14] =	ssyncadd.s32 $0xFFFFEC00  }
0x76: {  	_ =	swait.ge [sflag:s14], $0x1400  }
0x77: {  	[sflag:s14] =	ssyncset.done $0x0  }
0x78: {  	[sflag:s14] =	ssyncadd.s32 $0xFFFFEC00  }
0x79: {  	_ =	swait.ge [sflag:s14], $0x1400  }
0x7a: {  	[sflag:s14] =	ssyncset.done $0x0  }
0x7b: {  	[sflag:s14] =	ssyncadd.s32 $0xFFFFEC00  }
0x7c: {  	_ =	swait.ge [sflag:s14], $0x1400  }
0x7d: {  	[sflag:s14] =	ssyncset.done $0x0  }
0x7e: {  	[sflag:s14] =	ssyncadd.s32 $0xFFFFEC00  }
0x7f: {  	_ =	swait.ge [sflag:s14], $0x1400  }
0x80: {  	[sflag:s14] =	ssyncset.done $0x0  }
0x81: {  	[sflag:s14] =	ssyncadd.s32 $0xFFFFEC00  }
0x82: {  	_ =	swait.ge [sflag:s15], $0x1450  }
0x83: {  	[sflag:s15] =	ssyncset.done $0x0  }
0x84: {  	[sflag:s15] =	ssyncadd.s32 $0xFFFFEBB0  }
0x85: {  	_ =	swait.ge [sflag:s15], $0x1450  }
0x86: {  	[sflag:s15] =	ssyncset.done $0x0  }
0x87: {  	[sflag:s15] =	ssyncadd.s32 $0xFFFFEBB0  }
0x88: {  	s26 =	smov.u32 s11;
	s11 =	simm.s32 $0x1CC00;
	[bflag:$0x0] =	sbarrier.arrive $0xFFFF  }
0x89: {  	[tilespmem:s19], [sflag:$0x1] =	stream.indirect.gather [hbm4b:s20+s17], $0x80, s11, s17, $0xb8;
	[tilespmem:$0x1F4A0] =	vst v63  }
0x8a: {  	_ =	swait.ge [sflag:s14], $0x3200  }
0x8b: {  	[sflag:s14] =	ssyncset.done $0x0  }
0x8c: {  	s25 =	smov.u32 s24;
	s24 =	simm.s32 $0x1CC68;
	[sflag:s14] =	ssyncadd.s32 $0xFFFFCE00  }
0x8d: {  	[tilespmem:s21], [sflag:$0x1] =	stream.indirect.gather [hbm4b:s20+s17], $0x80, s24, s17, $0xb8;
	[tilespmem:$0x1F4A0] =	vst v63  }
0x8e: {  	s9 =	simm.s32 $0x1E050  }
0x8f: {  	[spmem:s18] =	stream.indirect.scatter.add.f32 [tilespmem:s19], [sflag:$0x2], $0x80, s9, s17, $0xb8;
	[tilespmem:$0x1F4A0] =	vst v63  }
0x90: {  	_ =	swait.ge [sflag:s14], $0x3200  }
0x91: {  	[sflag:s14] =	ssyncset.done $0x0  }
0x92: {  	[sflag:s14] =	ssyncadd.s32 $0xFFFFCE00  }
0x93: {  	_ =	swait.ge [sflag:s22], $0x3200  }
0x94: {  	[sflag:s22] =	ssyncset.done $0x0  }
0x95: {  	s11 =	simm.s32 $0x1CCD0;
	[sflag:s22] =	ssyncadd.s32 $0xFFFFCE00  }
0x96: {  	[tilespmem:s19], [sflag:$0x1] =	stream.indirect.gather [hbm4b:s20+s17], $0x80, s11, s17, $0xb8;
	[tilespmem:$0x1F4A0] =	vst v63  }
0x97: {  	s24 =	simm.s32 $0x1E0B8  }
0x98: {  	[spmem:s18] =	stream.indirect.scatter.add.f32 [tilespmem:s21], [sflag:$0x2], $0x80, s24, s17, $0xb8;
	[tilespmem:$0x1F4A0] =	vst v63  }
0x99: {  	_ =	swait.ge [sflag:s14], $0x3200  }
0x9a: {  	[sflag:s14] =	ssyncset.done $0x0  }
0x9b: {  	[sflag:s14] =	ssyncadd.s32 $0xFFFFCE00  }
0x9c: {  	_ =	swait.ge [sflag:s22], $0x3200  }
0x9d: {  	[sflag:s22] =	ssyncset.done $0x0  }
0x9e: {  	s7 =	smov.u32 s8;
	s8 =	simm.s32 $0x1CD38;
	[sflag:s22] =	ssyncadd.s32 $0xFFFFCE00  }
0x9f: {  	[tilespmem:s21], [sflag:$0x1] =	stream.indirect.gather [hbm4b:s20+s17], $0x80, s8, s17, $0xb8;
	[tilespmem:$0x1F4A0] =	vst v63  }
0xa0: {  	s11 =	simm.s32 $0x1E120  }
0xa1: {  	[spmem:s18] =	stream.indirect.scatter.add.f32 [tilespmem:s19], [sflag:$0x2], $0x80, s11, s17, $0xb8;
	[tilespmem:$0x1F4A0] =	vst v63  }
0xa2: {  	_ =	swait.ge [sflag:s14], $0x3200  }
0xa3: {  	[sflag:s14] =	ssyncset.done $0x0  }
0xa4: {  	[sflag:s14] =	ssyncadd.s32 $0xFFFFCE00  }
0xa5: {  	_ =	swait.ge [sflag:s22], $0x3200  }
0xa6: {  	s9 =	simm.s32 $0x1E188;
	[sflag:s22] =	ssyncset.done $0x0  }
0xa7: {  	s24 =	simm.s32 $0x1CDA0;
	s11 =	simm.s32 $0xFFFFB880;
	[sflag:s22] =	ssyncadd.s32 $0xFFFFCE00  }
0xa8: {  	[tilespmem:s19], [sflag:$0x1] =	stream.indirect.gather [hbm4b:s20+s17], $0x80, s24, s17, $0xb8;
	[tilespmem:$0x1F4A0] =	vst v63  }
.LBB2_2:
0xa9: {  	[spmem:s18] =	stream.indirect.scatter.add.f32 [tilespmem:s21], [sflag:$0x2], $0x80, s9, s17, $0xb8;
	[tilespmem:$0x1F4A0] =	vst v63  }
0xaa: {  	s9 =	smov.u32 s11;
	s11 =	sadd.s32 $0x340, s11;
	_ =	swait.ge [sflag:s14], $0x3200  }
0xab: {  	p0 =	sne.s32 s11, $0x0;
	[sflag:s14] =	ssyncset.done $0x0  }
0xac: {  	[sflag:s14] =	ssyncadd.s32 $0xFFFFCE00  }
0xad: {  	_ =	swait.ge [sflag:s22], $0x3200  }
0xae: {  	s9 =	sshra.s32 s9, $0x2;
	[sflag:s22] =	ssyncset.done $0x0  }
0xaf: {  	s24 =	sadd.s32 $0x1DFE8, s9;
	[sflag:s22] =	ssyncadd.s32 $0xFFFFCE00  }
0xb0: {  	[tilespmem:s21], [sflag:$0x1] =	stream.indirect.gather [hbm4b:s20+s17], $0x80, s24, s17, $0xb8;
	[tilespmem:$0x1F4A0] =	vst v63  }
0xb1: {  	s24 =	sadd.s32 $0x1F3D0, s9  }
0xb2: {  	[spmem:s18] =	stream.indirect.scatter.add.f32 [tilespmem:s19], [sflag:$0x2], $0x80, s24, s17, $0xb8;
	[tilespmem:$0x1F4A0] =	vst v63  }
0xb3: {  	_ =	swait.ge [sflag:s14], $0x3200  }
0xb4: {  	[sflag:s14] =	ssyncset.done $0x0  }
0xb5: {  	[sflag:s14] =	ssyncadd.s32 $0xFFFFCE00  }
.Ltmp0:
0xb6: {  	_ =	swait.ge [sflag:s22], $0x3200;
	(pc) =	sbr.rel @p0 .LBB2_2-.Ltmp0, $4  }
0xb7: {  	[sflag:s22] =	ssyncset.done $0x0  }
0xb8: {  	s24 =	sadd.s32 $0x1E050, s9;
	[sflag:s22] =	ssyncadd.s32 $0xFFFFCE00  }
0xb9: {  	[tilespmem:s19], [sflag:$0x1] =	stream.indirect.gather [hbm4b:s20+s17], $0x80, s24, s17, $0xb8;
	[tilespmem:$0x1F4A0] =	vst v63  }
0xba: {  	s9 =	sadd.s32 $0x1F438, s9  }
0xbb: {  	[spmem:s18] =	stream.indirect.scatter.add.f32 [tilespmem:s21], [sflag:$0x2], $0x80, s9, s17, $0xb8;
	[tilespmem:$0x1F4A0] =	vst v63  }
0xbc: {  	_ =	swait.ge [sflag:s14], $0x3200  }
0xbd: {  	[sflag:s14] =	ssyncset.done $0x0  }
0xbe: {  	[sflag:s14] =	ssyncadd.s32 $0xFFFFCE00  }
0xbf: {  	_ =	swait.ge [sflag:s22], $0x3200  }
0xc0: {  	s24 =	sshra.s32 s11, $0x2;
	[sflag:s22] =	ssyncset.done $0x0  }
0xc1: {  	s11 =	sadd.s32 $0x1DFE8, s24;
	[sflag:s22] =	ssyncadd.s32 $0xFFFFCE00  }
0xc2: {  	[tilespmem:s21], [sflag:$0x1] =	stream.indirect.gather [hbm4b:s20+s17], $0x80, s11, s17, $0xb8;
	[tilespmem:$0x1F4A0] =	vst v63  }
0xc3: {  	s9 =	sadd.s32 $0x1F3D0, s24  }
0xc4: {  	[spmem:s18] =	stream.indirect.scatter.add.f32 [tilespmem:s19], [sflag:$0x2], $0x80, s9, s17, $0xb8;
	[tilespmem:$0x1F4A0] =	vst v63  }
0xc5: {  	_ =	swait.ge [sflag:s14], $0x3200  }
0xc6: {  	[sflag:s14] =	ssyncset.done $0x0  }
0xc7: {  	[sflag:s14] =	ssyncadd.s32 $0xFFFFCE00  }
0xc8: {  	_ =	swait.ge [sflag:s22], $0x3200  }
0xc9: {  	[sflag:s22] =	ssyncset.done $0x0  }
0xca: {  	s8 =	simm.s32 $0x1F438;
	[sflag:s22] =	ssyncadd.s32 $0xFFFFCE00  }
0xcb: {  	[spmem:s18] =	stream.indirect.scatter.add.f32 [tilespmem:s21], [sflag:$0x2], $0x80, s8, s17, $0xb8;
	[tilespmem:$0x1F4A0] =	vst v63  }
0xcc: {  	_ =	swait.ge [sflag:s22], $0x3200  }
0xcd: {  	[sflag:s22] =	ssyncset.done $0x0  }
0xce: {  	[sflag:s22] =	ssyncadd.s32 $0xFFFFCE00  }
0xcf: {  	[bflag:$0x0] =	sbarrier.arrive $0xFFFF  }
0xd0: {  	[tilespmem:s12], [sflag:$0x4] =	stream.linear.gather [spmem:s25], $0x1400, $0x38;
	[tilespmem:$0x1F4A0] =	vst v63  }
0xd1: {  	_ =	swait.ge [sflag:s13], $0x1400  }
0xd2: {  	[sflag:s13] =	ssyncset.done $0x0  }
0xd3: {  	s11 =	rddreg [dreg:$0x3];
	[sflag:s13] =	ssyncadd.s32 $0xFFFFEC00  }
0xd4: {  	[hbm4b:s11+s1] =	stream.linear.scatter [tilespmem:s12], [sflag:$0x3], $0x1400, $0x38;
	[tilespmem:$0x1F4A0] =	vst v63  }
0xd5: {  	_ = 	snop  }
0xd6: {  	[tilespmem:s23], [sflag:$0x4] =	stream.linear.gather [spmem:s26], $0x1400, $0x38;
	[tilespmem:$0x1F4A0] =	vst v63  }
0xd7: {  	_ =	swait.ge [sflag:s13], $0x1400  }
0xd8: {  	[sflag:s13] =	ssyncset.done $0x0  }
0xd9: {  	s24 =	smov.u32 s25;
	s25 =	rddreg [dreg:$0x4];
	[sflag:s13] =	ssyncadd.s32 $0xFFFFEC00  }
0xda: {  	[hbm4b:s25+s1] =	stream.linear.scatter [tilespmem:s23], [sflag:$0x3], $0x1400, $0x38;
	[tilespmem:$0x1F4A0] =	vst v63  }
0xdb: {  	_ =	swait.ge [sflag:s15], $0x1400  }
0xdc: {  	[sflag:s15] =	ssyncset.done $0x0  }
0xdd: {  	[sflag:s15] =	ssyncadd.s32 $0xFFFFEC00  }
0xde: {  	[tilespmem:s12], [sflag:$0x4] =	stream.linear.gather [spmem:s28], $0x1400, $0x38;
	[tilespmem:$0x1F4A0] =	vst v63  }
0xdf: {  	_ =	swait.ge [sflag:s13], $0x1400  }
0xe0: {  	[sflag:s13] =	ssyncset.done $0x0  }
0xe1: {  	s11 =	smov.u32 s26;
	s26 =	rddreg [dreg:$0x5];
	[sflag:s13] =	ssyncadd.s32 $0xFFFFEC00  }
0xe2: {  	[hbm4b:s26+s1] =	stream.linear.scatter [tilespmem:s12], [sflag:$0x3], $0x1400, $0x38;
	[tilespmem:$0x1F4A0] =	vst v63  }
0xe3: {  	_ =	swait.ge [sflag:s15], $0x1400  }
0xe4: {  	[sflag:s15] =	ssyncset.done $0x0  }
0xe5: {  	s25 =	rddreg [dreg:$0x16];
	[sflag:s15] =	ssyncadd.s32 $0xFFFFEC00  }
0xe6: {  	[tilespmem:s23], [sflag:$0x4] =	stream.linear.gather [spmem:s25], $0x1400, $0x38;
	[tilespmem:$0x1F4A0] =	vst v63  }
0xe7: {  	_ =	swait.ge [sflag:s13], $0x1400  }
0xe8: {  	[sflag:s13] =	ssyncset.done $0x0  }
0xe9: {  	s8 =	rddreg [dreg:$0x6];
	[sflag:s13] =	ssyncadd.s32 $0xFFFFEC00  }
0xea: {  	[hbm4b:s8+s1] =	stream.linear.scatter [tilespmem:s23], [sflag:$0x3], $0x1400, $0x38;
	[tilespmem:$0x1F4A0] =	vst v63  }
0xeb: {  	_ =	swait.ge [sflag:s15], $0x1400  }
0xec: {  	[sflag:s15] =	ssyncset.done $0x0  }
0xed: {  	[sflag:s15] =	ssyncadd.s32 $0xFFFFEC00  }
0xee: {  	[tilespmem:s12], [sflag:$0x4] =	stream.linear.gather [spmem:s29], $0x1400, $0x38;
	[tilespmem:$0x1F4A0] =	vst v63  }
0xef: {  	_ =	swait.ge [sflag:s13], $0x1400  }
0xf0: {  	[sflag:s13] =	ssyncset.done $0x0  }
0xf1: {  	s26 =	rddreg [dreg:$0x7];
	[sflag:s13] =	ssyncadd.s32 $0xFFFFEC00  }
0xf2: {  	[hbm4b:s26+s1] =	stream.linear.scatter [tilespmem:s12], [sflag:$0x3], $0x1400, $0x38;
	[tilespmem:$0x1F4A0] =	vst v63  }
0xf3: {  	_ =	swait.ge [sflag:s15], $0x1400  }
0xf4: {  	[sflag:s15] =	ssyncset.done $0x0  }
0xf5: {  	[sflag:s15] =	ssyncadd.s32 $0xFFFFEC00  }
0xf6: {  	[tilespmem:s23], [sflag:$0x4] =	stream.linear.gather [spmem:s31], $0x1400, $0x38;
	[tilespmem:$0x1F4A0] =	vst v63  }
0xf7: {  	_ =	swait.ge [sflag:s13], $0x1400  }
0xf8: {  	[sflag:s13] =	ssyncset.done $0x0  }
0xf9: {  	s8 =	rddreg [dreg:$0x8];
	[sflag:s13] =	ssyncadd.s32 $0xFFFFEC00  }
0xfa: {  	[hbm4b:s8+s1] =	stream.linear.scatter [tilespmem:s23], [sflag:$0x3], $0x1400, $0x38;
	[tilespmem:$0x1F4A0] =	vst v63  }
0xfb: {  	_ =	swait.ge [sflag:s15], $0x1400  }
0xfc: {  	[sflag:s15] =	ssyncset.done $0x0  }
0xfd: {  	[sflag:s15] =	ssyncadd.s32 $0xFFFFEC00  }
0xfe: {  	[tilespmem:s12], [sflag:$0x4] =	stream.linear.gather [spmem:s16], $0x1400, $0x38;
	[tilespmem:$0x1F4A0] =	vst v63  }
0xff: {  	_ =	swait.ge [sflag:s13], $0x1400  }
0x100: {  	[sflag:s13] =	ssyncset.done $0x0  }
0x101: {  	s26 =	rddreg [dreg:$0x9];
	[sflag:s13] =	ssyncadd.s32 $0xFFFFEC00  }
0x102: {  	[hbm4b:s26+s1] =	stream.linear.scatter [tilespmem:s12], [sflag:$0x3], $0x1400, $0x38;
	[tilespmem:$0x1F4A0] =	vst v63  }
0x103: {  	_ =	swait.ge [sflag:s15], $0x1400  }
0x104: {  	[sflag:s15] =	ssyncset.done $0x0  }
0x105: {  	[sflag:s15] =	ssyncadd.s32 $0xFFFFEC00  }
0x106: {  	[tilespmem:s23], [sflag:$0x4] =	stream.linear.gather [spmem:s0], $0x1400, $0x38;
	[tilespmem:$0x1F4A0] =	vst v63  }
0x107: {  	_ =	swait.ge [sflag:s13], $0x1400  }
0x108: {  	[sflag:s13] =	ssyncset.done $0x0  }
0x109: {  	s8 =	rddreg [dreg:$0xa];
	[sflag:s13] =	ssyncadd.s32 $0xFFFFEC00  }
0x10a: {  	[hbm4b:s8+s1] =	stream.linear.scatter [tilespmem:s23], [sflag:$0x3], $0x1400, $0x38;
	[tilespmem:$0x1F4A0] =	vst v63  }
0x10b: {  	_ =	swait.ge [sflag:s15], $0x1400  }
0x10c: {  	[sflag:s15] =	ssyncset.done $0x0  }
0x10d: {  	[sflag:s15] =	ssyncadd.s32 $0xFFFFEC00  }
0x10e: {  	[tilespmem:s12], [sflag:$0x4] =	stream.linear.gather [spmem:s2], $0x1400, $0x38;
	[tilespmem:$0x1F4A0] =	vst v63  }
0x10f: {  	_ =	swait.ge [sflag:s13], $0x1400  }
0x110: {  	[sflag:s13] =	ssyncset.done $0x0  }
0x111: {  	s26 =	rddreg [dreg:$0xb];
	[sflag:s13] =	ssyncadd.s32 $0xFFFFEC00  }
0x112: {  	[hbm4b:s26+s1] =	stream.linear.scatter [tilespmem:s12], [sflag:$0x3], $0x1400, $0x38;
	[tilespmem:$0x1F4A0] =	vst v63  }
0x113: {  	_ =	swait.ge [sflag:s15], $0x1400  }
0x114: {  	[sflag:s15] =	ssyncset.done $0x0  }
0x115: {  	[sflag:s15] =	ssyncadd.s32 $0xFFFFEC00  }
0x116: {  	[tilespmem:s23], [sflag:$0x4] =	stream.linear.gather [spmem:s3], $0x1400, $0x38;
	[tilespmem:$0x1F4A0] =	vst v63  }
0x117: {  	_ =	swait.ge [sflag:s13], $0x1400  }
0x118: {  	[sflag:s13] =	ssyncset.done $0x0  }
0x119: {  	s8 =	rddreg [dreg:$0xc];
	[sflag:s13] =	ssyncadd.s32 $0xFFFFEC00  }
0x11a: {  	[hbm4b:s8+s1] =	stream.linear.scatter [tilespmem:s23], [sflag:$0x3], $0x1400, $0x38;
	[tilespmem:$0x1F4A0] =	vst v63  }
0x11b: {  	_ =	swait.ge [sflag:s15], $0x1400  }
0x11c: {  	[sflag:s15] =	ssyncset.done $0x0  }
0x11d: {  	[sflag:s15] =	ssyncadd.s32 $0xFFFFEC00  }
0x11e: {  	[tilespmem:s12], [sflag:$0x4] =	stream.linear.gather [spmem:s4], $0x1400, $0x38;
	[tilespmem:$0x1F4A0] =	vst v63  }
0x11f: {  	_ =	swait.ge [sflag:s13], $0x1400  }
0x120: {  	[sflag:s13] =	ssyncset.done $0x0  }
0x121: {  	s26 =	rddreg [dreg:$0xd];
	[sflag:s13] =	ssyncadd.s32 $0xFFFFEC00  }
0x122: {  	[hbm4b:s26+s1] =	stream.linear.scatter [tilespmem:s12], [sflag:$0x3], $0x1400, $0x38;
	[tilespmem:$0x1F4A0] =	vst v63  }
0x123: {  	_ =	swait.ge [sflag:s15], $0x1400  }
0x124: {  	[sflag:s15] =	ssyncset.done $0x0  }
0x125: {  	[sflag:s15] =	ssyncadd.s32 $0xFFFFEC00  }
0x126: {  	[tilespmem:s23], [sflag:$0x4] =	stream.linear.gather [spmem:s5], $0x1400, $0x38;
	[tilespmem:$0x1F4A0] =	vst v63  }
0x127: {  	_ =	swait.ge [sflag:s13], $0x1400  }
0x128: {  	[sflag:s13] =	ssyncset.done $0x0  }
0x129: {  	s8 =	rddreg [dreg:$0xe];
	[sflag:s13] =	ssyncadd.s32 $0xFFFFEC00  }
0x12a: {  	[hbm4b:s8+s1] =	stream.linear.scatter [tilespmem:s23], [sflag:$0x3], $0x1400, $0x38;
	[tilespmem:$0x1F4A0] =	vst v63  }
0x12b: {  	_ =	swait.ge [sflag:s15], $0x1400  }
0x12c: {  	[sflag:s15] =	ssyncset.done $0x0  }
0x12d: {  	[sflag:s15] =	ssyncadd.s32 $0xFFFFEC00  }
0x12e: {  	[tilespmem:s12], [sflag:$0x4] =	stream.linear.gather [spmem:s6], $0x1400, $0x38;
	[tilespmem:$0x1F4A0] =	vst v63  }
0x12f: {  	_ =	swait.ge [sflag:s13], $0x1400  }
0x130: {  	[sflag:s13] =	ssyncset.done $0x0  }
0x131: {  	s26 =	rddreg [dreg:$0xf];
	[sflag:s13] =	ssyncadd.s32 $0xFFFFEC00  }
0x132: {  	[hbm4b:s26+s1] =	stream.linear.scatter [tilespmem:s12], [sflag:$0x3], $0x1400, $0x38;
	[tilespmem:$0x1F4A0] =	vst v63  }
0x133: {  	_ =	swait.ge [sflag:s15], $0x1400  }
0x134: {  	[sflag:s15] =	ssyncset.done $0x0  }
0x135: {  	[sflag:s15] =	ssyncadd.s32 $0xFFFFEC00  }
0x136: {  	[tilespmem:s23], [sflag:$0x4] =	stream.linear.gather [spmem:s7], $0x1400, $0x38;
	[tilespmem:$0x1F4A0] =	vst v63  }
0x137: {  	_ =	swait.ge [sflag:s13], $0x1400  }
0x138: {  	[sflag:s13] =	ssyncset.done $0x0  }
0x139: {  	s8 =	rddreg [dreg:$0x10];
	[sflag:s13] =	ssyncadd.s32 $0xFFFFEC00  }
0x13a: {  	[hbm4b:s8+s1] =	stream.linear.scatter [tilespmem:s23], [sflag:$0x3], $0x1400, $0x38;
	[tilespmem:$0x1F4A0] =	vst v63  }
0x13b: {  	_ =	swait.ge [sflag:s15], $0x1400  }
0x13c: {  	[sflag:s15] =	ssyncset.done $0x0  }
0x13d: {  	[sflag:s15] =	ssyncadd.s32 $0xFFFFEC00  }
0x13e: {  	[tilespmem:s12], [sflag:$0x4] =	stream.linear.gather [spmem:s30], $0x1400, $0x38;
	[tilespmem:$0x1F4A0] =	vst v63  }
0x13f: {  	_ =	swait.ge [sflag:s13], $0x1400  }
0x140: {  	[sflag:s13] =	ssyncset.done $0x0  }
0x141: {  	s26 =	rddreg [dreg:$0x11];
	[sflag:s13] =	ssyncadd.s32 $0xFFFFEC00  }
0x142: {  	[hbm4b:s26+s1] =	stream.linear.scatter [tilespmem:s12], [sflag:$0x3], $0x1400, $0x38;
	[tilespmem:$0x1F4A0] =	vst v63  }
0x143: {  	_ =	swait.ge [sflag:s15], $0x1400  }
0x144: {  	[sflag:s15] =	ssyncset.done $0x0  }
0x145: {  	s26 =	rddreg [dreg:$0x17];
	[sflag:s15] =	ssyncadd.s32 $0xFFFFEC00  }
0x146: {  	[tilespmem:s23], [sflag:$0x4] =	stream.linear.gather [spmem:s26], $0x1400, $0x38;
	[tilespmem:$0x1F4A0] =	vst v63  }
0x147: {  	_ =	swait.ge [sflag:s13], $0x1400  }
0x148: {  	[sflag:s13] =	ssyncset.done $0x0  }
0x149: {  	s8 =	rddreg [dreg:$0x12];
	[sflag:s13] =	ssyncadd.s32 $0xFFFFEC00  }
0x14a: {  	[hbm4b:s8+s1] =	stream.linear.scatter [tilespmem:s23], [sflag:$0x3], $0x1400, $0x38;
	[tilespmem:$0x1F4A0] =	vst v63  }
0x14b: {  	_ =	swait.ge [sflag:s15], $0x1400  }
0x14c: {  	[sflag:s15] =	ssyncset.done $0x0  }
0x14d: {  	[sflag:s15] =	ssyncadd.s32 $0xFFFFEC00  }
0x14e: {  	_ =	swait.ge [sflag:s15], $0x1400  }
0x14f: {  	s10 =	sadd.s32 $0x1, s10;
	s8 =	rddreg [dreg:$0x18]  }
0x150: {  	p0 =	sne.s32 s10, s8  }
.Ltmp1:
0x151: {  	_ = 	snop;
	(pc) =	sbr.rel @p0 .LBB2_1-.Ltmp1, $3  }
0x152: {  	_ =	sdelay $0x1  }
0x153: {  	[sflag:s15] =	ssyncset.done $0x0  }
0x154: {  	[sflag:s15] =	ssyncadd.s32 $0xFFFFEC00  }
0x155: {  	_ =	sfence.sel $0x180000  }
0x156: {  	[bflag:$0x0] =	sbarrier.arrive $0xFFFF  }
0x157: {  	_ =	strace $0x9000004D  }
0x158: {  	s0 =	stileid.u32;
	[bflag:$0x2] =	sbarrier.arrive $0xFFFF  }
0x159: {  	p0 =	sne.s32 s0, $0x0;
	s0 =	rddreg [dreg:$0x2]  }
0x15a: {  	s0 =	sadd.s32 @!p0 $0x100000, s0  }
0x15b: {  	[sflag:s0] =	ssyncadd.tile.s32 @!p0 $0x1;
	_ =	shalt  }
.Lfunc_end2:
_tile_overlayer_lowered:
.L_overlay_start_2:
0x15c: {  	(tag) =	ssettag $0x2  }
0x15d: {  	s0 =	rddreg [dreg:$0x0];
	s2 =	stileid.u32  }
0x15e: {  	s1 =	rddreg [dreg:$0x1];
	p0 =	sne.s32 s2, $0x0  }
0x15f: {  	s3 =	rddreg [dreg:$0x2];
	[bflag:$0x3] =	sbarrier.arrive $0xFFFF;
	s2 =	simm.s32 @!p0 $0x1C04  }
0x160: {  	[timem:s3], [sflag:s2] =	dma.local @!p0 [hbm:s0], s1  }
0x161: {  	s0 =	simm.s32 @!p0 $0x4  }
0x162: {  	_ =	swait.ge @!p0 [sflag:s0], s1  }
0x163: {  	s1 =	ssub.s32 @!p0 $0x0, s1;
	[sflag:s0] =	ssyncset.done @!p0 $0x0  }
0x164: {  	[sflag:s0] =	ssyncadd.s32 @!p0 s1  }
0x165: {  	[bflag:$0x3] =	sbarrier.arrive $0xFFFF  }
0x166: {  	_ =	shalt  }

</sc_bundles>
